<compile_context>
chip_gen: v7x
topology: tpu7x:2x2x1
jax: 0.10.2.dev20260603
libtpu: 0.0.44.dev20260713+nightly
codegen_flags: <defaults>
</compile_context>

<pallas_src>
import dataclasses
import functools

import jax
import jax.numpy as jnp
from jax import lax
from jax.experimental import pallas as pl
from jax.experimental.pallas import tpu as pltpu
from jax.experimental.pallas import tpu_sc as plsc

N = 10000
NP = 10240
E = 320000
E_TOT = E + N
NW = 32
CHUNK = 128
HALF = CHUNK // 2
CPW = -(-E_TOT // (NW * CHUNK))
EPW = CPW * CHUNK
E_PAD = NW * EPW
BN = 1000



def _tc1_body(x_ref, w1t_ref, as_ref, ad_ref, haug_ref, als_ref, ald_ref):
    h = jnp.dot(x_ref[...], w1t_ref[...], preferred_element_type=jnp.float32)
    zer = jnp.zeros((BN, 64), jnp.float32)
    for hh in range(4):
        haug_ref[hh] = jnp.concatenate([h[:, hh * 64:(hh + 1) * 64], zer],
                                       axis=1)
    als = jnp.dot(h, as_ref[...], preferred_element_type=jnp.float32)
    ald = jnp.dot(h, ad_ref[...], preferred_element_type=jnp.float32)
    for hh in range(4):
        als_ref[hh] = als[:, hh:hh + 1]
        ald_ref[hh] = ald[:, hh:hh + 1]


def _tc1(x, w1t, a_s, a_d):
    return pl.pallas_call(
        _tc1_body,
        grid=(N // BN,),
        in_specs=[
            pl.BlockSpec((BN, 128), lambda i: (i, 0)),
            pl.BlockSpec((128, 256), lambda i: (0, 0)),
            pl.BlockSpec((256, 4), lambda i: (0, 0)),
            pl.BlockSpec((256, 4), lambda i: (0, 0)),
        ],
        out_specs=[
            pl.BlockSpec((4, BN, 128), lambda i: (0, i, 0)),
            pl.BlockSpec((4, BN, 1), lambda i: (0, i, 0)),
            pl.BlockSpec((4, BN, 1), lambda i: (0, i, 0)),
        ],
        out_shape=[
            jax.ShapeDtypeStruct((4, N, 128), jnp.float32),
            jax.ShapeDtypeStruct((4, N, 1), jnp.float32),
            jax.ShapeDtypeStruct((4, N, 1), jnp.float32),
        ],
    )(x, w1t, a_s, a_d)


def _tcd_body(od_ref, out_ref):
    out_ref[...] = jnp.transpose(jnp.sum(od_ref[...], axis=(0, 2)), (1, 0))


def _tcd(od, H):
    return pl.pallas_call(
        _tcd_body,
        grid=(1,),
        in_specs=[pl.BlockSpec((2, H, 16, N), lambda i: (0, 0, 0, 0))],
        out_specs=pl.BlockSpec((N, H), lambda i: (0, 0)),
        out_shape=jax.ShapeDtypeStruct((N, H), jnp.float32),
    )(od)


def _tc2_body(o_ref, den_ref, b1_ref, w2t_ref, a2_ref, haug_ref, al2_ref):
    acc = jnp.zeros((BN, 64), jnp.float32)
    for h in range(4):
        num = o_ref[0, h, :, 0:64] + o_ref[1, h, :, 0:64]
        den = den_ref[:, h:h + 1]
        x2h = num / (den + 1e-16) + b1_ref[0, h * 64:(h + 1) * 64]
        x2h = jnp.maximum(x2h, 0.0)
        acc = acc + jnp.dot(x2h, w2t_ref[pl.ds(h * 64, 64), :],
                            preferred_element_type=jnp.float32)
    al2 = jnp.dot(acc, a2_ref[...], preferred_element_type=jnp.float32)
    al2_ref[0] = al2[:, 0:1]
    al2_ref[1] = al2[:, 1:2]
    zer = jnp.zeros((BN, 64), jnp.float32)
    haug_ref[...] = jnp.concatenate([acc, zer], axis=1)


def _tc2(o1, den1, b1, w2t, a2):
    return pl.pallas_call(
        _tc2_body,
        grid=(N // BN,),
        in_specs=[
            pl.BlockSpec((2, 4, BN, 128), lambda i: (0, 0, i, 0)),
            pl.BlockSpec((BN, 4), lambda i: (i, 0)),
            pl.BlockSpec((1, 256), lambda i: (0, 0)),
            pl.BlockSpec((256, 64), lambda i: (0, 0)),
            pl.BlockSpec((64, 2), lambda i: (0, 0)),
        ],
        out_specs=[
            pl.BlockSpec((BN, 128), lambda i: (i, 0)),
            pl.BlockSpec((2, BN, 1), lambda i: (0, i, 0)),
        ],
        out_shape=[
            jax.ShapeDtypeStruct((N, 128), jnp.float32),
            jax.ShapeDtypeStruct((2, N, 1), jnp.float32),
        ],
    )(o1, den1, b1, w2t, a2)


def _tc3_body(o_ref, den_ref, b2_ref, out_ref):
    num = o_ref[0, 0, :, 0:64] + o_ref[1, 0, :, 0:64]
    den = den_ref[:, 0:1]
    out_ref[...] = num / (den + 1e-16) + b2_ref[0, :]


def _tc3(o2, den2, b2):
    return pl.pallas_call(
        _tc3_body,
        grid=(N // BN,),
        in_specs=[
            pl.BlockSpec((2, 1, BN, 128), lambda i: (0, 0, i, 0)),
            pl.BlockSpec((BN, 1), lambda i: (i, 0)),
            pl.BlockSpec((1, 64), lambda i: (0, 0)),
        ],
        out_specs=pl.BlockSpec((BN, 64), lambda i: (i, 0)),
        out_shape=jax.ShapeDtypeStruct((N, 64), jnp.float32),
    )(o2, den2, b2)



def _make_sc_gat(H):
    mesh = plsc.VectorSubcoreMesh(core_axis_name="c", subcore_axis_name="s")
    rows_pt = NP // 16
    cp = pltpu.CompilerParams()
    if "needs_layout_passes" in pltpu.CompilerParams.__dataclass_fields__:
        cp = dataclasses.replace(cp, needs_layout_passes=False)

    @functools.partial(
        pl.kernel,
        mesh=mesh,
        compiler_params=cp,
        out_type=[
            jax.ShapeDtypeStruct((2, H, NP, 128), jnp.float32),
            jax.ShapeDtypeStruct((2, H, 16, N), jnp.float32),
        ],
        scratch_types=[
            pltpu.VMEM((N,), jnp.float32),
            pltpu.VMEM((N,), jnp.float32),
            pltpu.VMEM((N,), jnp.float32),
            pltpu.VMEM((2 * CHUNK,), jnp.int32),
            pltpu.VMEM((CHUNK,), jnp.int32),
            pltpu.VMEM((CHUNK,), jnp.int32),
            pltpu.VMEM((CHUNK,), jnp.float32),
            pltpu.VMEM((CHUNK, 128), jnp.float32),
            pltpu.VMEM_SHARED((NP, 128), jnp.float32),
            pltpu.SemaphoreType.DMA,
            pltpu.SemaphoreType.DMA,
        ],
    )
    def sc_gat(haug_h, als_h, ald_h, sd_h, z_h, o_h, od_h,
               als_v, ald_v, accd_v, sd_v, didx_v,
               gidx_v, w_v, rows_v,
               acc, semA, semS):
        c = lax.axis_index("c")
        s = lax.axis_index("s")
        wid = c * 16 + s
        rslice = pl.ds(s * rows_pt, rows_pt)

        @pl.loop(0, H)
        def _head(head):
            toff = pl.multiple_of(head * N, 8)
            pltpu.sync_copy(als_h.at[pl.ds(toff, N)], als_v)
            pltpu.sync_copy(ald_h.at[pl.ds(toff, N)], ald_v)
            pltpu.sync_copy(z_h.at[rslice], acc.at[rslice])

            @pl.loop(0, N // 16)
            def _zero(i):
                accd_v[pl.ds(pl.multiple_of(i * 16, 8), 16)] = (
                    jnp.zeros((16,), jnp.float32))

            plsc.subcore_barrier()

            @pl.loop(0, CPW)
            def _chunk(cc):
                base_eid = wid * EPW + cc * CHUNK
                soff = pl.multiple_of((wid * CPW + cc) * 2 * CHUNK, 8)
                pltpu.sync_copy(sd_h.at[pl.ds(soff, 2 * CHUNK)], sd_v)
                for g in range(8):
                    sl = pl.ds(g * 16, 16)
                    gidx_v[sl] = head * N + sd_v[sl]

                @pl.when(cc > 0)
                def _drain_prev():
                    pltpu.make_async_copy(rows_v, acc.at[didx_v], semS).wait()

                cp = pltpu.async_copy(haug_h.at[gidx_v], rows_v, semA)
                for g in range(8):
                    sl = pl.ds(g * 16, 16)
                    didx_v[sl] = sd_v[pl.ds(CHUNK + g * 16, 16)]
                for g in range(8):
                    sl = pl.ds(g * 16, 16)
                    s16 = sd_v[sl]
                    d16 = didx_v[sl]
                    a_s = plsc.load_gather(als_v, [s16])
                    a_d = plsc.load_gather(ald_v, [d16])
                    e = a_s + a_d
                    e = jnp.where(e >= 0.0, e, e * jnp.float32(0.2))
                    wv = jnp.exp(e)
                    eid = base_eid + g * 16 + lax.iota(jnp.int32, 16)
                    wv = jnp.where(eid < E_TOT, wv, jnp.float32(0.0))
                    w_v[sl] = wv
                    plsc.addupdate_scatter(accd_v, [d16], wv)
                cp.wait()

                @pl.loop(0, CHUNK // 16)
                def _mul(gg):
                    w16 = w_v[pl.ds(gg * 16, 16)]
                    for j in range(16):
                        ei = gg * 16 + j
                        w = w16[j]
                        for g in range(4):
                            sl2 = (ei, pl.ds(g * 16, 16))
                            rows_v[sl2] = rows_v[sl2] * w

                pltpu.async_copy(rows_v, acc.at[didx_v], semS, add=True)

            pltpu.make_async_copy(rows_v, acc.at[didx_v], semS).wait()
            plsc.subcore_barrier()
            pltpu.sync_copy(acc.at[rslice], o_h.at[c, head, rslice])
            pltpu.sync_copy(accd_v, od_h.at[c, head, s])

    return sc_gat


_sc_gat4 = _make_sc_gat(4)
_sc_gat1 = _make_sc_gat(1)


def _blockdiag(a):
    h = a.shape[1]
    eye = jnp.eye(h, dtype=jnp.float32)
    return (eye[:, None, :] * a[0][:, :, None]).reshape(h * a.shape[2], h)


def kernel(x, edge_index, W1, a1_src, a1_dst, b1, W2, a2_src, a2_dst, b2):
    loops = jnp.arange(N, dtype=edge_index.dtype)
    src = jnp.concatenate([edge_index[0], loops])
    dst = jnp.concatenate([edge_index[1], loops])
    pad = E_PAD - E_TOT
    padidx = (jnp.arange(pad, dtype=jnp.int32) * 997) % N
    src1d = jnp.concatenate([src, padidx])
    dst1d = jnp.concatenate([dst, padidx])
    sd = jnp.stack([src1d.reshape(-1, CHUNK), dst1d.reshape(-1, CHUNK)],
                   axis=1).reshape(-1)
    z = jnp.zeros((NP, 128), jnp.float32)

    haug1, als1, ald1 = _tc1(x, W1.T, _blockdiag(a1_src), _blockdiag(a1_dst))
    o1, od1 = _sc_gat4(haug1.reshape(N * 4, 128), als1.reshape(-1),
                       ald1.reshape(-1), sd, z)
    a2 = jnp.concatenate([a2_src[0].reshape(64, 1), a2_dst[0].reshape(64, 1)],
                         axis=1)
    haug2, al2 = _tc2(o1, _tcd(od1, 4), b1.reshape(1, 256), W2.T, a2)
    o2, od2 = _sc_gat1(haug2, al2[0].reshape(-1), al2[1].reshape(-1),
                       sd, z)
    return _tc3(o2, _tcd(od2, 1), b2.reshape(1, 64))

# --- scband reference (transcript-rebuilt; emitter-appended) ---
"""Pipeline reference for scband-gat-43611097924208 (READ-ONLY COPY).

The authoritative reference and input builder live on the scoring server;
editing this copy changes nothing except your own understanding.
"""

import jax, jax.numpy as jnp
import numpy as np

N_NODES = 10000
N_EDGES = 320000
D_IN = 128
HIDDEN = 64
HEADS = 4
EMBED = 64
OUT_HEADS = 1


def gat_conv(x, edge_index, W, a_src, a_dst, b, heads, out_ch, negative_slope=0.2):
    N = x.shape[0]
    loops = jnp.arange(N, dtype=edge_index.dtype)
    src = jnp.concatenate([edge_index[0], loops])
    dst = jnp.concatenate([edge_index[1], loops])
    h = (x @ W.T).reshape(N, heads, out_ch)
    alpha_s = (h * a_src).sum(-1)  # [N, H]
    alpha_d = (h * a_dst).sum(-1)  # [N, H]
    e = alpha_s[src] + alpha_d[dst]  # [E, H]
    e = jax.nn.leaky_relu(e, negative_slope)
    e_max = jax.ops.segment_max(e, dst, num_segments=N)
    e_max = jax.lax.stop_gradient(e_max)
    ex = jnp.exp(e - e_max[dst])
    denom = jax.ops.segment_sum(ex, dst, num_segments=N)
    alpha = ex / (denom[dst] + 1e-16)  # [E, H]
    msg = h[src] * alpha[..., None]  # [E, H, C]
    out = jax.ops.segment_sum(msg, dst, num_segments=N)  # [N, H, C]
    return out.reshape(N, heads * out_ch) + b


def setup_inputs(seed: int = 0):
    key = jax.random.key(seed)
    ks = jax.random.split(key, 12)
    x = jax.random.normal(ks[0], (N_NODES, D_IN), dtype=jnp.float32)
    edge_index = jax.random.randint(ks[1], (2, N_EDGES), 0, N_NODES, dtype=jnp.int32)
    W1 = jax.random.normal(ks[2], (HEADS * HIDDEN, D_IN), dtype=jnp.float32) * (1.0 / np.sqrt(D_IN))
    a1_src = jax.random.normal(ks[3], (1, HEADS, HIDDEN), dtype=jnp.float32) * 0.1
    a1_dst = jax.random.normal(ks[4], (1, HEADS, HIDDEN), dtype=jnp.float32) * 0.1
    b1 = jnp.zeros((HEADS * HIDDEN,), dtype=jnp.float32)
    W2 = jax.random.normal(ks[5], (OUT_HEADS * EMBED, HEADS * HIDDEN), dtype=jnp.float32) * (1.0 / np.sqrt(HEADS * HIDDEN))
    a2_src = jax.random.normal(ks[6], (1, OUT_HEADS, EMBED), dtype=jnp.float32) * 0.1
    a2_dst = jax.random.normal(ks[7], (1, OUT_HEADS, EMBED), dtype=jnp.float32) * 0.1
    b2 = jnp.zeros((OUT_HEADS * EMBED,), dtype=jnp.float32)
    return {"x": x, "edge_index": edge_index, "W1": W1, "a1_src": a1_src, "a1_dst": a1_dst, "b1": b1, "W2": W2, "a2_src": a2_src, "a2_dst": a2_dst, "b2": b2}


def reference(x, edge_index, W1, a1_src, a1_dst, b1, W2, a2_src, a2_dst, b2):
    h = gat_conv(x, edge_index, W1, a1_src, a1_dst, b1, HEADS, HIDDEN)
    h = jax.nn.relu(h)
    out = gat_conv(h, edge_index, W2, a2_src, a2_dst, b2, OUT_HEADS, EMBED)
    return out

if __name__ == "__main__":
    import jax
    _d = setup_inputs()
    print(jax.jit(kernel)(*tuple(_d.values())))

</pallas_src>

<mosaic_0001>
#map = affine_map<(d0, d1) -> (0, 0)>
#map1 = affine_map<(d0, d1) -> (0)>
#map2 = affine_map<(d0, d1) -> (0, 0, 0, 0)>
module attributes {stable_mosaic.version = 14 : i64} {
  func.func @sc_gat(%arg0: i32, %arg1: i32, %arg2: memref<40000x128xf32, #tpu.memory_space<hbm>>, %arg3: memref<40000xf32, #tpu.memory_space<hbm>>, %arg4: memref<40000xf32, #tpu.memory_space<hbm>>, %arg5: memref<663552xi32, #tpu.memory_space<hbm>>, %arg6: memref<10240x128xf32, #tpu.memory_space<hbm>>, %arg7: memref<2x4x10240x128xf32, #tpu.memory_space<hbm>>, %arg8: memref<2x4x16x10000xf32, #tpu.memory_space<hbm>>, %arg9: memref<10000xf32, #tpu.memory_space<vmem>>, %arg10: memref<10000xf32, #tpu.memory_space<vmem>>, %arg11: memref<10000xf32, #tpu.memory_space<vmem>>, %arg12: memref<256xi32, #tpu.memory_space<vmem>>, %arg13: memref<128xi32, #tpu.memory_space<vmem>>, %arg14: memref<128xi32, #tpu.memory_space<vmem>>, %arg15: memref<128xf32, #tpu.memory_space<vmem>>, %arg16: memref<128x128xf32, #tpu.memory_space<vmem>>, %arg17: memref<10240x128xf32, #tpu.memory_space<vmem_shared>>, %arg18: memref<!tpu.dma_semaphore, #tpu.memory_space<semaphore_mem>>, %arg19: memref<!tpu.dma_semaphore, #tpu.memory_space<semaphore_mem>>) attributes {dimension_semantics = [#tpu.dimension_semantics<core_parallel>, #tpu.dimension_semantics<subcore_parallel>], iteration_bounds = array<i64: 2, 16>, scalar_prefetch = 0 : i64, scratch_operands = 11 : i64, tpu.core_type = #tpu.core_type<sc_vector_subcore>, window_params = [{transform_indices = #map}, {transform_indices = #map1}, {transform_indices = #map1}, {transform_indices = #map1}, {transform_indices = #map}, {transform_indices = #map2}, {transform_indices = #map2}]} {
    %mul3A = arith.constant 16 : i32
    %mul3A_0 = arith.muli %arg0, %mul3A : i32
    %add3A = arith.addi %mul3A_0, %arg1 : i32
    %mul3A_1 = arith.constant 640 : i32
    %mul3A_2 = arith.muli %arg1, %mul3A_1 : i32
    %scan3A = arith.constant 0 : i32
    %scan3A_3 = arith.constant 4 : i32
    %scan3A_4 = arith.addi %scan3A, %scan3A_3 : i32
    %scan3A_5 = arith.constant 1 : i32
    scf.for %scan3A_7 = %scan3A to %scan3A_4 step %scan3A_5  : i32 {
      %mul3A_8 = arith.constant 1 : i32
      %mul3A_9 = arith.muli %scan3A_7, %mul3A_8 : i32
      %add3A_10 = arith.constant 0 : i32
      %add3A_11 = arith.addi %add3A_10, %mul3A_9 : i32
      %mul3A_12 = arith.constant 10000 : i32
      %mul3A_13 = arith.muli %add3A_11, %mul3A_12 : i32
      %multiple_of3A = tpu.assume_multiple %mul3A_13, 8 : i32
      "tpu.region"() ({
        %run_scoped3A = tpu.sem_alloc : memref<!tpu.dma_semaphore, #tpu.memory_space<semaphore_mem>>
        %dma_start3A = tpu.memref_slice %arg3[%multiple_of3A] : memref<40000xf32, #tpu.memory_space<hbm>> -> memref<10000xf32, #tpu.memory_space<hbm>>
        %dma_start3A_27 = tpu.memref_slice %arg3[%multiple_of3A] : memref<40000xf32, #tpu.memory_space<hbm>> -> memref<10000xf32, #tpu.memory_space<hbm>>
        tpu.enqueue_dma source(%dma_start3A_27 : memref<10000xf32, #tpu.memory_space<hbm>>) target(%arg9 : memref<10000xf32, #tpu.memory_space<vmem>>) target_semaphore(%run_scoped3A : memref<!tpu.dma_semaphore, #tpu.memory_space<semaphore_mem>>)
        %dma_wait3A_28 = tpu.memref_slice %arg3[%multiple_of3A] : memref<40000xf32, #tpu.memory_space<hbm>> -> memref<10000xf32, #tpu.memory_space<hbm>>
        %dma_wait3A_29 = tpu.memref_slice %arg3[%multiple_of3A] : memref<40000xf32, #tpu.memory_space<hbm>> -> memref<10000xf32, #tpu.memory_space<hbm>>
        tpu.wait_dma2 semaphore(%run_scoped3A : memref<!tpu.dma_semaphore, #tpu.memory_space<semaphore_mem>>) src(%dma_wait3A_29 : memref<10000xf32, #tpu.memory_space<hbm>>) dst(%arg9 : memref<10000xf32, #tpu.memory_space<vmem>>)
        tpu.yield
      }) : () -> ()
      "tpu.region"() ({
        %run_scoped3A = tpu.sem_alloc : memref<!tpu.dma_semaphore, #tpu.memory_space<semaphore_mem>>
        %dma_start3A = tpu.memref_slice %arg4[%multiple_of3A] : memref<40000xf32, #tpu.memory_space<hbm>> -> memref<10000xf32, #tpu.memory_space<hbm>>
        %dma_start3A_27 = tpu.memref_slice %arg4[%multiple_of3A] : memref<40000xf32, #tpu.memory_space<hbm>> -> memref<10000xf32, #tpu.memory_space<hbm>>
        tpu.enqueue_dma source(%dma_start3A_27 : memref<10000xf32, #tpu.memory_space<hbm>>) target(%arg10 : memref<10000xf32, #tpu.memory_space<vmem>>) target_semaphore(%run_scoped3A : memref<!tpu.dma_semaphore, #tpu.memory_space<semaphore_mem>>)
        %dma_wait3A_28 = tpu.memref_slice %arg4[%multiple_of3A] : memref<40000xf32, #tpu.memory_space<hbm>> -> memref<10000xf32, #tpu.memory_space<hbm>>
        %dma_wait3A_29 = tpu.memref_slice %arg4[%multiple_of3A] : memref<40000xf32, #tpu.memory_space<hbm>> -> memref<10000xf32, #tpu.memory_space<hbm>>
        tpu.wait_dma2 semaphore(%run_scoped3A : memref<!tpu.dma_semaphore, #tpu.memory_space<semaphore_mem>>) src(%dma_wait3A_29 : memref<10000xf32, #tpu.memory_space<hbm>>) dst(%arg10 : memref<10000xf32, #tpu.memory_space<vmem>>)
        tpu.yield
      }) : () -> ()
      "tpu.region"() ({
        %run_scoped3A = tpu.sem_alloc : memref<!tpu.dma_semaphore, #tpu.memory_space<semaphore_mem>>
        %dma_start3A = arith.constant 0 : i32
        %dma_start3A_27 = tpu.memref_slice %arg17[%mul3A_2, %dma_start3A] : memref<10240x128xf32, #tpu.memory_space<vmem_shared>> -> memref<640x128xf32, #tpu.memory_space<vmem_shared>>
        %dma_start3A_28 = arith.constant 0 : i32
        %dma_start3A_29 = tpu.memref_slice %arg6[%mul3A_2, %dma_start3A_28] : memref<10240x128xf32, #tpu.memory_space<hbm>> -> memref<640x128xf32, #tpu.memory_space<hbm>>
        tpu.enqueue_dma source(%dma_start3A_29 : memref<640x128xf32, #tpu.memory_space<hbm>>) target(%dma_start3A_27 : memref<640x128xf32, #tpu.memory_space<vmem_shared>>) target_semaphore(%run_scoped3A : memref<!tpu.dma_semaphore, #tpu.memory_space<semaphore_mem>>)
        %dma_wait3A_30 = arith.constant 0 : i32
        %dma_wait3A_31 = tpu.memref_slice %arg17[%mul3A_2, %dma_wait3A_30] : memref<10240x128xf32, #tpu.memory_space<vmem_shared>> -> memref<640x128xf32, #tpu.memory_space<vmem_shared>>
        %dma_wait3A_32 = arith.constant 0 : i32
        %dma_wait3A_33 = tpu.memref_slice %arg6[%mul3A_2, %dma_wait3A_32] : memref<10240x128xf32, #tpu.memory_space<hbm>> -> memref<640x128xf32, #tpu.memory_space<hbm>>
        tpu.wait_dma2 semaphore(%run_scoped3A : memref<!tpu.dma_semaphore, #tpu.memory_space<semaphore_mem>>) src(%dma_wait3A_33 : memref<640x128xf32, #tpu.memory_space<hbm>>) dst(%dma_wait3A_31 : memref<640x128xf32, #tpu.memory_space<vmem_shared>>)
        tpu.yield
      }) : () -> ()
      %scan3A_14 = arith.constant 0 : i32
      %scan3A_15 = arith.constant 625 : i32
      %scan3A_16 = arith.addi %scan3A_14, %scan3A_15 : i32
      %scan3A_17 = arith.constant 1 : i32
      scf.for %scan3A_27 = %scan3A_14 to %scan3A_16 step %scan3A_17  : i32 {
        %mul3A_28 = arith.constant 1 : i32
        %mul3A_29 = arith.muli %scan3A_27, %mul3A_28 : i32
        %add3A_30 = arith.constant 0 : i32
        %add3A_31 = arith.addi %add3A_30, %mul3A_29 : i32
        %broadcast_in_dim3A = arith.constant 0.000000e+00 : f32
        %broadcast_in_dim3A_32 = vector.broadcast %broadcast_in_dim3A : f32 to vector<16xf32>
        %mul3A_33 = arith.constant 16 : i32
        %mul3A_34 = arith.muli %add3A_31, %mul3A_33 : i32
        %multiple_of3A_35 = tpu.assume_multiple %mul3A_34, 8 : i32
        %swap3A = arith.index_cast %multiple_of3A_35 : i32 to index
        %swap3A_36 = tpu.vector_load %arg11[%swap3A] {strides = array<i32>} : memref<10000xf32, #tpu.memory_space<vmem>>, vector<16xf32>,
        tpu.vector_store %arg11[%swap3A], %broadcast_in_dim3A_32 {strides = array<i32>} : memref<10000xf32, #tpu.memory_space<vmem>>, vector<16xf32>,
      }
      %scan3A_18 = arith.constant 625 : i32
      %barrier3A = arith.constant 0 : index
      tpu.barrier barrier_id(%barrier3A)
      %scan3A_19 = arith.constant 0 : i32
      %scan3A_20 = arith.constant 81 : i32
      %scan3A_21 = arith.addi %scan3A_19, %scan3A_20 : i32
      %scan3A_22 = arith.constant 1 : i32
      scf.for %scan3A_27 = %scan3A_19 to %scan3A_21 step %scan3A_22  : i32 {
        %mul3A_28 = arith.constant 1 : i32
        %mul3A_29 = arith.muli %scan3A_27, %mul3A_28 : i32
        %add3A_30 = arith.constant 0 : i32
        %add3A_31 = arith.addi %add3A_30, %mul3A_29 : i32
        %mul3A_32 = arith.constant 10368 : i32
        %mul3A_33 = arith.muli %add3A, %mul3A_32 : i32
        %mul3A_34 = arith.constant 128 : i32
        %mul3A_35 = arith.muli %add3A_31, %mul3A_34 : i32
        %add3A_36 = arith.addi %mul3A_33, %mul3A_35 : i32
        %mul3A_37 = arith.constant 81 : i32
        %mul3A_38 = arith.muli %add3A, %mul3A_37 : i32
        %add3A_39 = arith.addi %mul3A_38, %add3A_31 : i32
        %mul3A_40 = arith.constant 2 : i32
        %mul3A_41 = arith.muli %add3A_39, %mul3A_40 : i32
        %mul3A_42 = arith.constant 128 : i32
        %mul3A_43 = arith.muli %mul3A_41, %mul3A_42 : i32
        %multiple_of3A_44 = tpu.assume_multiple %mul3A_43, 8 : i32
        "tpu.region"() ({
          %run_scoped3A = tpu.sem_alloc : memref<!tpu.dma_semaphore, #tpu.memory_space<semaphore_mem>>
          %dma_start3A_370 = tpu.memref_slice %arg5[%multiple_of3A_44] : memref<663552xi32, #tpu.memory_space<hbm>> -> memref<256xi32, #tpu.memory_space<hbm>>
          %dma_start3A_371 = tpu.memref_slice %arg5[%multiple_of3A_44] : memref<663552xi32, #tpu.memory_space<hbm>> -> memref<256xi32, #tpu.memory_space<hbm>>
          tpu.enqueue_dma source(%dma_start3A_371 : memref<256xi32, #tpu.memory_space<hbm>>) target(%arg12 : memref<256xi32, #tpu.memory_space<vmem>>) target_semaphore(%run_scoped3A : memref<!tpu.dma_semaphore, #tpu.memory_space<semaphore_mem>>)
          %dma_wait3A_372 = tpu.memref_slice %arg5[%multiple_of3A_44] : memref<663552xi32, #tpu.memory_space<hbm>> -> memref<256xi32, #tpu.memory_space<hbm>>
          %dma_wait3A_373 = tpu.memref_slice %arg5[%multiple_of3A_44] : memref<663552xi32, #tpu.memory_space<hbm>> -> memref<256xi32, #tpu.memory_space<hbm>>
          tpu.wait_dma2 semaphore(%run_scoped3A : memref<!tpu.dma_semaphore, #tpu.memory_space<semaphore_mem>>) src(%dma_wait3A_373 : memref<256xi32, #tpu.memory_space<hbm>>) dst(%arg12 : memref<256xi32, #tpu.memory_space<vmem>>)
          tpu.yield
        }) : () -> ()
        %mul3A_45 = arith.constant 10000 : i32
        %mul3A_46 = arith.muli %add3A_11, %mul3A_45 : i32
        %get3A = arith.constant 0 : index
        %get3A_47 = tpu.vector_load %arg12[%get3A] {strides = array<i32>} : memref<256xi32, #tpu.memory_space<vmem>>, vector<16xi32>,
        %add3A_48 = vector.broadcast %mul3A_46 : i32 to vector<16xi32>
        %add3A_49 = arith.addi %add3A_48, %get3A_47 : vector<16xi32>
        %swap3A = arith.constant 0 : index
        %swap3A_50 = tpu.vector_load %arg14[%swap3A] {strides = array<i32>} : memref<128xi32, #tpu.memory_space<vmem>>, vector<16xi32>,
        tpu.vector_store %arg14[%swap3A], %add3A_49 {strides = array<i32>} : memref<128xi32, #tpu.memory_space<vmem>>, vector<16xi32>,
        %mul3A_51 = arith.constant 10000 : i32
        %mul3A_52 = arith.muli %add3A_11, %mul3A_51 : i32
        %get3A_53 = arith.constant 16 : index
        %get3A_54 = tpu.vector_load %arg12[%get3A_53] {strides = array<i32>} : memref<256xi32, #tpu.memory_space<vmem>>, vector<16xi32>,
        %add3A_55 = vector.broadcast %mul3A_52 : i32 to vector<16xi32>
        %add3A_56 = arith.addi %add3A_55, %get3A_54 : vector<16xi32>
        %swap3A_57 = arith.constant 16 : index
        %swap3A_58 = tpu.vector_load %arg14[%swap3A_57] {strides = array<i32>} : memref<128xi32, #tpu.memory_space<vmem>>, vector<16xi32>,
        tpu.vector_store %arg14[%swap3A_57], %add3A_56 {strides = array<i32>} : memref<128xi32, #tpu.memory_space<vmem>>, vector<16xi32>,
        %mul3A_59 = arith.constant 10000 : i32
        %mul3A_60 = arith.muli %add3A_11, %mul3A_59 : i32
        %get3A_61 = arith.constant 32 : index
        %get3A_62 = tpu.vector_load %arg12[%get3A_61] {strides = array<i32>} : memref<256xi32, #tpu.memory_space<vmem>>, vector<16xi32>,
        %add3A_63 = vector.broadcast %mul3A_60 : i32 to vector<16xi32>
        %add3A_64 = arith.addi %add3A_63, %get3A_62 : vector<16xi32>
        %swap3A_65 = arith.constant 32 : index
        %swap3A_66 = tpu.vector_load %arg14[%swap3A_65] {strides = array<i32>} : memref<128xi32, #tpu.memory_space<vmem>>, vector<16xi32>,
        tpu.vector_store %arg14[%swap3A_65], %add3A_64 {strides = array<i32>} : memref<128xi32, #tpu.memory_space<vmem>>, vector<16xi32>,
        %mul3A_67 = arith.constant 10000 : i32
        %mul3A_68 = arith.muli %add3A_11, %mul3A_67 : i32
        %get3A_69 = arith.constant 48 : index
        %get3A_70 = tpu.vector_load %arg12[%get3A_69] {strides = array<i32>} : memref<256xi32, #tpu.memory_space<vmem>>, vector<16xi32>,
        %add3A_71 = vector.broadcast %mul3A_68 : i32 to vector<16xi32>
        %add3A_72 = arith.addi %add3A_71, %get3A_70 : vector<16xi32>
        %swap3A_73 = arith.constant 48 : index
        %swap3A_74 = tpu.vector_load %arg14[%swap3A_73] {strides = array<i32>} : memref<128xi32, #tpu.memory_space<vmem>>, vector<16xi32>,
        tpu.vector_store %arg14[%swap3A_73], %add3A_72 {strides = array<i32>} : memref<128xi32, #tpu.memory_space<vmem>>, vector<16xi32>,
        %mul3A_75 = arith.constant 10000 : i32
        %mul3A_76 = arith.muli %add3A_11, %mul3A_75 : i32
        %get3A_77 = arith.constant 64 : index
        %get3A_78 = tpu.vector_load %arg12[%get3A_77] {strides = array<i32>} : memref<256xi32, #tpu.memory_space<vmem>>, vector<16xi32>,
        %add3A_79 = vector.broadcast %mul3A_76 : i32 to vector<16xi32>
        %add3A_80 = arith.addi %add3A_79, %get3A_78 : vector<16xi32>
        %swap3A_81 = arith.constant 64 : index
        %swap3A_82 = tpu.vector_load %arg14[%swap3A_81] {strides = array<i32>} : memref<128xi32, #tpu.memory_space<vmem>>, vector<16xi32>,
        tpu.vector_store %arg14[%swap3A_81], %add3A_80 {strides = array<i32>} : memref<128xi32, #tpu.memory_space<vmem>>, vector<16xi32>,
        %mul3A_83 = arith.constant 10000 : i32
        %mul3A_84 = arith.muli %add3A_11, %mul3A_83 : i32
        %get3A_85 = arith.constant 80 : index
        %get3A_86 = tpu.vector_load %arg12[%get3A_85] {strides = array<i32>} : memref<256xi32, #tpu.memory_space<vmem>>, vector<16xi32>,
        %add3A_87 = vector.broadcast %mul3A_84 : i32 to vector<16xi32>
        %add3A_88 = arith.addi %add3A_87, %get3A_86 : vector<16xi32>
        %swap3A_89 = arith.constant 80 : index
        %swap3A_90 = tpu.vector_load %arg14[%swap3A_89] {strides = array<i32>} : memref<128xi32, #tpu.memory_space<vmem>>, vector<16xi32>,
        tpu.vector_store %arg14[%swap3A_89], %add3A_88 {strides = array<i32>} : memref<128xi32, #tpu.memory_space<vmem>>, vector<16xi32>,
        %mul3A_91 = arith.constant 10000 : i32
        %mul3A_92 = arith.muli %add3A_11, %mul3A_91 : i32
        %get3A_93 = arith.constant 96 : index
        %get3A_94 = tpu.vector_load %arg12[%get3A_93] {strides = array<i32>} : memref<256xi32, #tpu.memory_space<vmem>>, vector<16xi32>,
        %add3A_95 = vector.broadcast %mul3A_92 : i32 to vector<16xi32>
        %add3A_96 = arith.addi %add3A_95, %get3A_94 : vector<16xi32>
        %swap3A_97 = arith.constant 96 : index
        %swap3A_98 = tpu.vector_load %arg14[%swap3A_97] {strides = array<i32>} : memref<128xi32, #tpu.memory_space<vmem>>, vector<16xi32>,
        tpu.vector_store %arg14[%swap3A_97], %add3A_96 {strides = array<i32>} : memref<128xi32, #tpu.memory_space<vmem>>, vector<16xi32>,
        %mul3A_99 = arith.constant 10000 : i32
        %mul3A_100 = arith.muli %add3A_11, %mul3A_99 : i32
        %get3A_101 = arith.constant 112 : index
        %get3A_102 = tpu.vector_load %arg12[%get3A_101] {strides = array<i32>} : memref<256xi32, #tpu.memory_space<vmem>>, vector<16xi32>,
        %add3A_103 = vector.broadcast %mul3A_100 : i32 to vector<16xi32>
        %add3A_104 = arith.addi %add3A_103, %get3A_102 : vector<16xi32>
        %swap3A_105 = arith.constant 112 : index
        %swap3A_106 = tpu.vector_load %arg14[%swap3A_105] {strides = array<i32>} : memref<128xi32, #tpu.memory_space<vmem>>, vector<16xi32>,
        tpu.vector_store %arg14[%swap3A_105], %add3A_104 {strides = array<i32>} : memref<128xi32, #tpu.memory_space<vmem>>, vector<16xi32>,
        %gt3A = arith.constant 0 : i32
        %gt3A_107 = arith.cmpi sgt, %add3A_31, %gt3A : i32
        %convert_element_type3A = arith.extui %gt3A_107 : i1 to i32
        %cond3A = arith.constant 0 : i32
        %cond3A_108 = arith.cmpi ne, %convert_element_type3A, %cond3A : i32
        scf.if %cond3A_108 {
          %dma_wait3A_370 = arith.constant 0 : i32
          %dma_wait3A_371 = arith.constant 0 : i32
          %dma_wait3A_372 = tpu.memref_slice %arg17[%dma_wait3A_370, %dma_wait3A_371] : memref<10240x128xf32, #tpu.memory_space<vmem_shared>> -> memref<10240x128xf32, #tpu.memory_space<vmem_shared>>
          tpu.wait_indirect_dma semaphore(%arg19 : memref<!tpu.dma_semaphore, #tpu.memory_space<semaphore_mem>>) src(%arg16 : memref<128x128xf32, #tpu.memory_space<vmem>>) dst(%dma_wait3A_372 : memref<10240x128xf32, #tpu.memory_space<vmem_shared>>)
        } else {
        }
        %dma_start3A = arith.constant 0 : i32
        %dma_start3A_109 = arith.constant 0 : i32
        %dma_start3A_110 = tpu.memref_slice %arg2[%dma_start3A, %dma_start3A_109] : memref<40000x128xf32, #tpu.memory_space<hbm>> -> memref<40000x128xf32, #tpu.memory_space<hbm>>
        tpu.enqueue_indirect_dma source(%dma_start3A_110 : memref<40000x128xf32, #tpu.memory_space<hbm>>) target(%arg16 : memref<128x128xf32, #tpu.memory_space<vmem>>) offsets(%arg14 : memref<128xi32, #tpu.memory_space<vmem>>) semaphore(%arg18 : memref<!tpu.dma_semaphore, #tpu.memory_space<semaphore_mem>>)
        %get3A_111 = arith.constant 128 : index
        %get3A_112 = tpu.vector_load %arg12[%get3A_111] {strides = array<i32>} : memref<256xi32, #tpu.memory_space<vmem>>, vector<16xi32>,
        %swap3A_113 = arith.constant 0 : index
        %swap3A_114 = tpu.vector_load %arg13[%swap3A_113] {strides = array<i32>} : memref<128xi32, #tpu.memory_space<vmem>>, vector<16xi32>,
        tpu.vector_store %arg13[%swap3A_113], %get3A_112 {strides = array<i32>} : memref<128xi32, #tpu.memory_space<vmem>>, vector<16xi32>,
        %get3A_115 = arith.constant 144 : index
        %get3A_116 = tpu.vector_load %arg12[%get3A_115] {strides = array<i32>} : memref<256xi32, #tpu.memory_space<vmem>>, vector<16xi32>,
        %swap3A_117 = arith.constant 16 : index
        %swap3A_118 = tpu.vector_load %arg13[%swap3A_117] {strides = array<i32>} : memref<128xi32, #tpu.memory_space<vmem>>, vector<16xi32>,
        tpu.vector_store %arg13[%swap3A_117], %get3A_116 {strides = array<i32>} : memref<128xi32, #tpu.memory_space<vmem>>, vector<16xi32>,
        %get3A_119 = arith.constant 160 : index
        %get3A_120 = tpu.vector_load %arg12[%get3A_119] {strides = array<i32>} : memref<256xi32, #tpu.memory_space<vmem>>, vector<16xi32>,
        %swap3A_121 = arith.constant 32 : index
        %swap3A_122 = tpu.vector_load %arg13[%swap3A_121] {strides = array<i32>} : memref<128xi32, #tpu.memory_space<vmem>>, vector<16xi32>,
        tpu.vector_store %arg13[%swap3A_121], %get3A_120 {strides = array<i32>} : memref<128xi32, #tpu.memory_space<vmem>>, vector<16xi32>,
        %get3A_123 = arith.constant 176 : index
        %get3A_124 = tpu.vector_load %arg12[%get3A_123] {strides = array<i32>} : memref<256xi32, #tpu.memory_space<vmem>>, vector<16xi32>,
        %swap3A_125 = arith.constant 48 : index
        %swap3A_126 = tpu.vector_load %arg13[%swap3A_125] {strides = array<i32>} : memref<128xi32, #tpu.memory_space<vmem>>, vector<16xi32>,
        tpu.vector_store %arg13[%swap3A_125], %get3A_124 {strides = array<i32>} : memref<128xi32, #tpu.memory_space<vmem>>, vector<16xi32>,
        %get3A_127 = arith.constant 192 : index
        %get3A_128 = tpu.vector_load %arg12[%get3A_127] {strides = array<i32>} : memref<256xi32, #tpu.memory_space<vmem>>, vector<16xi32>,
        %swap3A_129 = arith.constant 64 : index
        %swap3A_130 = tpu.vector_load %arg13[%swap3A_129] {strides = array<i32>} : memref<128xi32, #tpu.memory_space<vmem>>, vector<16xi32>,
        tpu.vector_store %arg13[%swap3A_129], %get3A_128 {strides = array<i32>} : memref<128xi32, #tpu.memory_space<vmem>>, vector<16xi32>,
        %get3A_131 = arith.constant 208 : index
        %get3A_132 = tpu.vector_load %arg12[%get3A_131] {strides = array<i32>} : memref<256xi32, #tpu.memory_space<vmem>>, vector<16xi32>,
        %swap3A_133 = arith.constant 80 : index
        %swap3A_134 = tpu.vector_load %arg13[%swap3A_133] {strides = array<i32>} : memref<128xi32, #tpu.memory_space<vmem>>, vector<16xi32>,
        tpu.vector_store %arg13[%swap3A_133], %get3A_132 {strides = array<i32>} : memref<128xi32, #tpu.memory_space<vmem>>, vector<16xi32>,
        %get3A_135 = arith.constant 224 : index
        %get3A_136 = tpu.vector_load %arg12[%get3A_135] {strides = array<i32>} : memref<256xi32, #tpu.memory_space<vmem>>, vector<16xi32>,
        %swap3A_137 = arith.constant 96 : index
        %swap3A_138 = tpu.vector_load %arg13[%swap3A_137] {strides = array<i32>} : memref<128xi32, #tpu.memory_space<vmem>>, vector<16xi32>,
        tpu.vector_store %arg13[%swap3A_137], %get3A_136 {strides = array<i32>} : memref<128xi32, #tpu.memory_space<vmem>>, vector<16xi32>,
        %get3A_139 = arith.constant 240 : index
        %get3A_140 = tpu.vector_load %arg12[%get3A_139] {strides = array<i32>} : memref<256xi32, #tpu.memory_space<vmem>>, vector<16xi32>,
        %swap3A_141 = arith.constant 112 : index
        %swap3A_142 = tpu.vector_load %arg13[%swap3A_141] {strides = array<i32>} : memref<128xi32, #tpu.memory_space<vmem>>, vector<16xi32>,
        tpu.vector_store %arg13[%swap3A_141], %get3A_140 {strides = array<i32>} : memref<128xi32, #tpu.memory_space<vmem>>, vector<16xi32>,
        %get3A_143 = arith.constant 0 : index
        %get3A_144 = tpu.vector_load %arg12[%get3A_143] {strides = array<i32>} : memref<256xi32, #tpu.memory_space<vmem>>, vector<16xi32>,
        %get3A_145 = arith.constant 0 : index
        %get3A_146 = tpu.vector_load %arg13[%get3A_145] {strides = array<i32>} : memref<128xi32, #tpu.memory_space<vmem>>, vector<16xi32>,
        %gather3A = tpu.vector_load_idx %arg9[%get3A_144] : memref<10000xf32, #tpu.memory_space<vmem>>[vector<16xi32>], vector<16xf32>,
        %gather3A_147 = tpu.vector_load_idx %arg10[%get3A_146] : memref<10000xf32, #tpu.memory_space<vmem>>[vector<16xi32>], vector<16xf32>,
        %add3A_148 = arith.addf %gather3A, %gather3A_147 : vector<16xf32>
        %ge3A = arith.constant 0.000000e+00 : f32
        %ge3A_149 = vector.broadcast %ge3A : f32 to vector<16xf32>
        %ge3A_150 = arith.cmpf oge, %add3A_148, %ge3A_149 : vector<16xf32>
        %mul3A_151 = arith.constant 2.000000e-01 : f32
        %mul3A_152 = vector.broadcast %mul3A_151 : f32 to vector<16xf32>
        %mul3A_153 = arith.mulf %add3A_148, %mul3A_152 : vector<16xf32>
        %select_n3A = arith.select %ge3A_150, %add3A_148, %mul3A_153 : vector<16xi1>, vector<16xf32>
        %exp3A = math.exp %select_n3A : vector<16xf32>
        %add3A_154 = arith.constant 0 : i32
        %add3A_155 = arith.addi %add3A_36, %add3A_154 : i32
        %iota3A = tpu.iota {dimensions = array<i32: 0>} : vector<16xi32>
        %add3A_156 = vector.broadcast %add3A_155 : i32 to vector<16xi32>
        %add3A_157 = arith.addi %add3A_156, %iota3A : vector<16xi32>
        %lt3A = arith.constant 330000 : i32
        %lt3A_158 = vector.broadcast %lt3A : i32 to vector<16xi32>
        %lt3A_159 = arith.cmpi slt, %add3A_157, %lt3A_158 : vector<16xi32>
        %jit3A = arith.constant 0.000000e+00 : f32
        %broadcast_in_dim3A = vector.broadcast %jit3A : f32 to vector<16xf32>
        %select_n3A_160 = arith.select %lt3A_159, %exp3A, %broadcast_in_dim3A : vector<16xi1>, vector<16xf32>
        %swap3A_161 = arith.constant 0 : index
        %swap3A_162 = tpu.vector_load %arg15[%swap3A_161] {strides = array<i32>} : memref<128xf32, #tpu.memory_space<vmem>>, vector<16xf32>,
        tpu.vector_store %arg15[%swap3A_161], %select_n3A_160 {strides = array<i32>} : memref<128xf32, #tpu.memory_space<vmem>>, vector<16xf32>,
        tpu.vector_store_idx %arg11[%get3A_146], %select_n3A_160 {add = true} : memref<10000xf32, #tpu.memory_space<vmem>>[vector<16xi32>], vector<16xf32>,
        %get3A_163 = arith.constant 16 : index
        %get3A_164 = tpu.vector_load %arg12[%get3A_163] {strides = array<i32>} : memref<256xi32, #tpu.memory_space<vmem>>, vector<16xi32>,
        %get3A_165 = arith.constant 16 : index
        %get3A_166 = tpu.vector_load %arg13[%get3A_165] {strides = array<i32>} : memref<128xi32, #tpu.memory_space<vmem>>, vector<16xi32>,
        %gather3A_167 = tpu.vector_load_idx %arg9[%get3A_164] : memref<10000xf32, #tpu.memory_space<vmem>>[vector<16xi32>], vector<16xf32>,
        %gather3A_168 = tpu.vector_load_idx %arg10[%get3A_166] : memref<10000xf32, #tpu.memory_space<vmem>>[vector<16xi32>], vector<16xf32>,
        %add3A_169 = arith.addf %gather3A_167, %gather3A_168 : vector<16xf32>
        %ge3A_170 = arith.constant 0.000000e+00 : f32
        %ge3A_171 = vector.broadcast %ge3A_170 : f32 to vector<16xf32>
        %ge3A_172 = arith.cmpf oge, %add3A_169, %ge3A_171 : vector<16xf32>
        %mul3A_173 = arith.constant 2.000000e-01 : f32
        %mul3A_174 = vector.broadcast %mul3A_173 : f32 to vector<16xf32>
        %mul3A_175 = arith.mulf %add3A_169, %mul3A_174 : vector<16xf32>
        %select_n3A_176 = arith.select %ge3A_172, %add3A_169, %mul3A_175 : vector<16xi1>, vector<16xf32>
        %exp3A_177 = math.exp %select_n3A_176 : vector<16xf32>
        %add3A_178 = arith.constant 16 : i32
        %add3A_179 = arith.addi %add3A_36, %add3A_178 : i32
        %iota3A_180 = tpu.iota {dimensions = array<i32: 0>} : vector<16xi32>
        %add3A_181 = vector.broadcast %add3A_179 : i32 to vector<16xi32>
        %add3A_182 = arith.addi %add3A_181, %iota3A_180 : vector<16xi32>
        %lt3A_183 = arith.constant 330000 : i32
        %lt3A_184 = vector.broadcast %lt3A_183 : i32 to vector<16xi32>
        %lt3A_185 = arith.cmpi slt, %add3A_182, %lt3A_184 : vector<16xi32>
        %jit3A_186 = arith.constant 0.000000e+00 : f32
        %broadcast_in_dim3A_187 = vector.broadcast %jit3A_186 : f32 to vector<16xf32>
        %select_n3A_188 = arith.select %lt3A_185, %exp3A_177, %broadcast_in_dim3A_187 : vector<16xi1>, vector<16xf32>
        %swap3A_189 = arith.constant 16 : index
        %swap3A_190 = tpu.vector_load %arg15[%swap3A_189] {strides = array<i32>} : memref<128xf32, #tpu.memory_space<vmem>>, vector<16xf32>,
        tpu.vector_store %arg15[%swap3A_189], %select_n3A_188 {strides = array<i32>} : memref<128xf32, #tpu.memory_space<vmem>>, vector<16xf32>,
        tpu.vector_store_idx %arg11[%get3A_166], %select_n3A_188 {add = true} : memref<10000xf32, #tpu.memory_space<vmem>>[vector<16xi32>], vector<16xf32>,
        %get3A_191 = arith.constant 32 : index
        %get3A_192 = tpu.vector_load %arg12[%get3A_191] {strides = array<i32>} : memref<256xi32, #tpu.memory_space<vmem>>, vector<16xi32>,
        %get3A_193 = arith.constant 32 : index
        %get3A_194 = tpu.vector_load %arg13[%get3A_193] {strides = array<i32>} : memref<128xi32, #tpu.memory_space<vmem>>, vector<16xi32>,
        %gather3A_195 = tpu.vector_load_idx %arg9[%get3A_192] : memref<10000xf32, #tpu.memory_space<vmem>>[vector<16xi32>], vector<16xf32>,
        %gather3A_196 = tpu.vector_load_idx %arg10[%get3A_194] : memref<10000xf32, #tpu.memory_space<vmem>>[vector<16xi32>], vector<16xf32>,
        %add3A_197 = arith.addf %gather3A_195, %gather3A_196 : vector<16xf32>
        %ge3A_198 = arith.constant 0.000000e+00 : f32
        %ge3A_199 = vector.broadcast %ge3A_198 : f32 to vector<16xf32>
        %ge3A_200 = arith.cmpf oge, %add3A_197, %ge3A_199 : vector<16xf32>
        %mul3A_201 = arith.constant 2.000000e-01 : f32
        %mul3A_202 = vector.broadcast %mul3A_201 : f32 to vector<16xf32>
        %mul3A_203 = arith.mulf %add3A_197, %mul3A_202 : vector<16xf32>
        %select_n3A_204 = arith.select %ge3A_200, %add3A_197, %mul3A_203 : vector<16xi1>, vector<16xf32>
        %exp3A_205 = math.exp %select_n3A_204 : vector<16xf32>
        %add3A_206 = arith.constant 32 : i32
        %add3A_207 = arith.addi %add3A_36, %add3A_206 : i32
        %iota3A_208 = tpu.iota {dimensions = array<i32: 0>} : vector<16xi32>
        %add3A_209 = vector.broadcast %add3A_207 : i32 to vector<16xi32>
        %add3A_210 = arith.addi %add3A_209, %iota3A_208 : vector<16xi32>
        %lt3A_211 = arith.constant 330000 : i32
        %lt3A_212 = vector.broadcast %lt3A_211 : i32 to vector<16xi32>
        %lt3A_213 = arith.cmpi slt, %add3A_210, %lt3A_212 : vector<16xi32>
        %jit3A_214 = arith.constant 0.000000e+00 : f32
        %broadcast_in_dim3A_215 = vector.broadcast %jit3A_214 : f32 to vector<16xf32>
        %select_n3A_216 = arith.select %lt3A_213, %exp3A_205, %broadcast_in_dim3A_215 : vector<16xi1>, vector<16xf32>
        %swap3A_217 = arith.constant 32 : index
        %swap3A_218 = tpu.vector_load %arg15[%swap3A_217] {strides = array<i32>} : memref<128xf32, #tpu.memory_space<vmem>>, vector<16xf32>,
        tpu.vector_store %arg15[%swap3A_217], %select_n3A_216 {strides = array<i32>} : memref<128xf32, #tpu.memory_space<vmem>>, vector<16xf32>,
        tpu.vector_store_idx %arg11[%get3A_194], %select_n3A_216 {add = true} : memref<10000xf32, #tpu.memory_space<vmem>>[vector<16xi32>], vector<16xf32>,
        %get3A_219 = arith.constant 48 : index
        %get3A_220 = tpu.vector_load %arg12[%get3A_219] {strides = array<i32>} : memref<256xi32, #tpu.memory_space<vmem>>, vector<16xi32>,
        %get3A_221 = arith.constant 48 : index
        %get3A_222 = tpu.vector_load %arg13[%get3A_221] {strides = array<i32>} : memref<128xi32, #tpu.memory_space<vmem>>, vector<16xi32>,
        %gather3A_223 = tpu.vector_load_idx %arg9[%get3A_220] : memref<10000xf32, #tpu.memory_space<vmem>>[vector<16xi32>], vector<16xf32>,
        %gather3A_224 = tpu.vector_load_idx %arg10[%get3A_222] : memref<10000xf32, #tpu.memory_space<vmem>>[vector<16xi32>], vector<16xf32>,
        %add3A_225 = arith.addf %gather3A_223, %gather3A_224 : vector<16xf32>
        %ge3A_226 = arith.constant 0.000000e+00 : f32
        %ge3A_227 = vector.broadcast %ge3A_226 : f32 to vector<16xf32>
        %ge3A_228 = arith.cmpf oge, %add3A_225, %ge3A_227 : vector<16xf32>
        %mul3A_229 = arith.constant 2.000000e-01 : f32
        %mul3A_230 = vector.broadcast %mul3A_229 : f32 to vector<16xf32>
        %mul3A_231 = arith.mulf %add3A_225, %mul3A_230 : vector<16xf32>
        %select_n3A_232 = arith.select %ge3A_228, %add3A_225, %mul3A_231 : vector<16xi1>, vector<16xf32>
        %exp3A_233 = math.exp %select_n3A_232 : vector<16xf32>
        %add3A_234 = arith.constant 48 : i32
        %add3A_235 = arith.addi %add3A_36, %add3A_234 : i32
        %iota3A_236 = tpu.iota {dimensions = array<i32: 0>} : vector<16xi32>
        %add3A_237 = vector.broadcast %add3A_235 : i32 to vector<16xi32>
        %add3A_238 = arith.addi %add3A_237, %iota3A_236 : vector<16xi32>
        %lt3A_239 = arith.constant 330000 : i32
        %lt3A_240 = vector.broadcast %lt3A_239 : i32 to vector<16xi32>
        %lt3A_241 = arith.cmpi slt, %add3A_238, %lt3A_240 : vector<16xi32>
        %jit3A_242 = arith.constant 0.000000e+00 : f32
        %broadcast_in_dim3A_243 = vector.broadcast %jit3A_242 : f32 to vector<16xf32>
        %select_n3A_244 = arith.select %lt3A_241, %exp3A_233, %broadcast_in_dim3A_243 : vector<16xi1>, vector<16xf32>
        %swap3A_245 = arith.constant 48 : index
        %swap3A_246 = tpu.vector_load %arg15[%swap3A_245] {strides = array<i32>} : memref<128xf32, #tpu.memory_space<vmem>>, vector<16xf32>,
        tpu.vector_store %arg15[%swap3A_245], %select_n3A_244 {strides = array<i32>} : memref<128xf32, #tpu.memory_space<vmem>>, vector<16xf32>,
        tpu.vector_store_idx %arg11[%get3A_222], %select_n3A_244 {add = true} : memref<10000xf32, #tpu.memory_space<vmem>>[vector<16xi32>], vector<16xf32>,
        %get3A_247 = arith.constant 64 : index
        %get3A_248 = tpu.vector_load %arg12[%get3A_247] {strides = array<i32>} : memref<256xi32, #tpu.memory_space<vmem>>, vector<16xi32>,
        %get3A_249 = arith.constant 64 : index
        %get3A_250 = tpu.vector_load %arg13[%get3A_249] {strides = array<i32>} : memref<128xi32, #tpu.memory_space<vmem>>, vector<16xi32>,
        %gather3A_251 = tpu.vector_load_idx %arg9[%get3A_248] : memref<10000xf32, #tpu.memory_space<vmem>>[vector<16xi32>], vector<16xf32>,
        %gather3A_252 = tpu.vector_load_idx %arg10[%get3A_250] : memref<10000xf32, #tpu.memory_space<vmem>>[vector<16xi32>], vector<16xf32>,
        %add3A_253 = arith.addf %gather3A_251, %gather3A_252 : vector<16xf32>
        %ge3A_254 = arith.constant 0.000000e+00 : f32
        %ge3A_255 = vector.broadcast %ge3A_254 : f32 to vector<16xf32>
        %ge3A_256 = arith.cmpf oge, %add3A_253, %ge3A_255 : vector<16xf32>
        %mul3A_257 = arith.constant 2.000000e-01 : f32
        %mul3A_258 = vector.broadcast %mul3A_257 : f32 to vector<16xf32>
        %mul3A_259 = arith.mulf %add3A_253, %mul3A_258 : vector<16xf32>
        %select_n3A_260 = arith.select %ge3A_256, %add3A_253, %mul3A_259 : vector<16xi1>, vector<16xf32>
        %exp3A_261 = math.exp %select_n3A_260 : vector<16xf32>
        %add3A_262 = arith.constant 64 : i32
        %add3A_263 = arith.addi %add3A_36, %add3A_262 : i32
        %iota3A_264 = tpu.iota {dimensions = array<i32: 0>} : vector<16xi32>
        %add3A_265 = vector.broadcast %add3A_263 : i32 to vector<16xi32>
        %add3A_266 = arith.addi %add3A_265, %iota3A_264 : vector<16xi32>
        %lt3A_267 = arith.constant 330000 : i32
        %lt3A_268 = vector.broadcast %lt3A_267 : i32 to vector<16xi32>
        %lt3A_269 = arith.cmpi slt, %add3A_266, %lt3A_268 : vector<16xi32>
        %jit3A_270 = arith.constant 0.000000e+00 : f32
        %broadcast_in_dim3A_271 = vector.broadcast %jit3A_270 : f32 to vector<16xf32>
        %select_n3A_272 = arith.select %lt3A_269, %exp3A_261, %broadcast_in_dim3A_271 : vector<16xi1>, vector<16xf32>
        %swap3A_273 = arith.constant 64 : index
        %swap3A_274 = tpu.vector_load %arg15[%swap3A_273] {strides = array<i32>} : memref<128xf32, #tpu.memory_space<vmem>>, vector<16xf32>,
        tpu.vector_store %arg15[%swap3A_273], %select_n3A_272 {strides = array<i32>} : memref<128xf32, #tpu.memory_space<vmem>>, vector<16xf32>,
        tpu.vector_store_idx %arg11[%get3A_250], %select_n3A_272 {add = true} : memref<10000xf32, #tpu.memory_space<vmem>>[vector<16xi32>], vector<16xf32>,
        %get3A_275 = arith.constant 80 : index
        %get3A_276 = tpu.vector_load %arg12[%get3A_275] {strides = array<i32>} : memref<256xi32, #tpu.memory_space<vmem>>, vector<16xi32>,
        %get3A_277 = arith.constant 80 : index
        %get3A_278 = tpu.vector_load %arg13[%get3A_277] {strides = array<i32>} : memref<128xi32, #tpu.memory_space<vmem>>, vector<16xi32>,
        %gather3A_279 = tpu.vector_load_idx %arg9[%get3A_276] : memref<10000xf32, #tpu.memory_space<vmem>>[vector<16xi32>], vector<16xf32>,
        %gather3A_280 = tpu.vector_load_idx %arg10[%get3A_278] : memref<10000xf32, #tpu.memory_space<vmem>>[vector<16xi32>], vector<16xf32>,
        %add3A_281 = arith.addf %gather3A_279, %gather3A_280 : vector<16xf32>
        %ge3A_282 = arith.constant 0.000000e+00 : f32
        %ge3A_283 = vector.broadcast %ge3A_282 : f32 to vector<16xf32>
        %ge3A_284 = arith.cmpf oge, %add3A_281, %ge3A_283 : vector<16xf32>
        %mul3A_285 = arith.constant 2.000000e-01 : f32
        %mul3A_286 = vector.broadcast %mul3A_285 : f32 to vector<16xf32>
        %mul3A_287 = arith.mulf %add3A_281, %mul3A_286 : vector<16xf32>
        %select_n3A_288 = arith.select %ge3A_284, %add3A_281, %mul3A_287 : vector<16xi1>, vector<16xf32>
        %exp3A_289 = math.exp %select_n3A_288 : vector<16xf32>
        %add3A_290 = arith.constant 80 : i32
        %add3A_291 = arith.addi %add3A_36, %add3A_290 : i32
        %iota3A_292 = tpu.iota {dimensions = array<i32: 0>} : vector<16xi32>
        %add3A_293 = vector.broadcast %add3A_291 : i32 to vector<16xi32>
        %add3A_294 = arith.addi %add3A_293, %iota3A_292 : vector<16xi32>
        %lt3A_295 = arith.constant 330000 : i32
        %lt3A_296 = vector.broadcast %lt3A_295 : i32 to vector<16xi32>
        %lt3A_297 = arith.cmpi slt, %add3A_294, %lt3A_296 : vector<16xi32>
        %jit3A_298 = arith.constant 0.000000e+00 : f32
        %broadcast_in_dim3A_299 = vector.broadcast %jit3A_298 : f32 to vector<16xf32>
        %select_n3A_300 = arith.select %lt3A_297, %exp3A_289, %broadcast_in_dim3A_299 : vector<16xi1>, vector<16xf32>
        %swap3A_301 = arith.constant 80 : index
        %swap3A_302 = tpu.vector_load %arg15[%swap3A_301] {strides = array<i32>} : memref<128xf32, #tpu.memory_space<vmem>>, vector<16xf32>,
        tpu.vector_store %arg15[%swap3A_301], %select_n3A_300 {strides = array<i32>} : memref<128xf32, #tpu.memory_space<vmem>>, vector<16xf32>,
        tpu.vector_store_idx %arg11[%get3A_278], %select_n3A_300 {add = true} : memref<10000xf32, #tpu.memory_space<vmem>>[vector<16xi32>], vector<16xf32>,
        %get3A_303 = arith.constant 96 : index
        %get3A_304 = tpu.vector_load %arg12[%get3A_303] {strides = array<i32>} : memref<256xi32, #tpu.memory_space<vmem>>, vector<16xi32>,
        %get3A_305 = arith.constant 96 : index
        %get3A_306 = tpu.vector_load %arg13[%get3A_305] {strides = array<i32>} : memref<128xi32, #tpu.memory_space<vmem>>, vector<16xi32>,
        %gather3A_307 = tpu.vector_load_idx %arg9[%get3A_304] : memref<10000xf32, #tpu.memory_space<vmem>>[vector<16xi32>], vector<16xf32>,
        %gather3A_308 = tpu.vector_load_idx %arg10[%get3A_306] : memref<10000xf32, #tpu.memory_space<vmem>>[vector<16xi32>], vector<16xf32>,
        %add3A_309 = arith.addf %gather3A_307, %gather3A_308 : vector<16xf32>
        %ge3A_310 = arith.constant 0.000000e+00 : f32
        %ge3A_311 = vector.broadcast %ge3A_310 : f32 to vector<16xf32>
        %ge3A_312 = arith.cmpf oge, %add3A_309, %ge3A_311 : vector<16xf32>
        %mul3A_313 = arith.constant 2.000000e-01 : f32
        %mul3A_314 = vector.broadcast %mul3A_313 : f32 to vector<16xf32>
        %mul3A_315 = arith.mulf %add3A_309, %mul3A_314 : vector<16xf32>
        %select_n3A_316 = arith.select %ge3A_312, %add3A_309, %mul3A_315 : vector<16xi1>, vector<16xf32>
        %exp3A_317 = math.exp %select_n3A_316 : vector<16xf32>
        %add3A_318 = arith.constant 96 : i32
        %add3A_319 = arith.addi %add3A_36, %add3A_318 : i32
        %iota3A_320 = tpu.iota {dimensions = array<i32: 0>} : vector<16xi32>
        %add3A_321 = vector.broadcast %add3A_319 : i32 to vector<16xi32>
        %add3A_322 = arith.addi %add3A_321, %iota3A_320 : vector<16xi32>
        %lt3A_323 = arith.constant 330000 : i32
        %lt3A_324 = vector.broadcast %lt3A_323 : i32 to vector<16xi32>
        %lt3A_325 = arith.cmpi slt, %add3A_322, %lt3A_324 : vector<16xi32>
        %jit3A_326 = arith.constant 0.000000e+00 : f32
        %broadcast_in_dim3A_327 = vector.broadcast %jit3A_326 : f32 to vector<16xf32>
        %select_n3A_328 = arith.select %lt3A_325, %exp3A_317, %broadcast_in_dim3A_327 : vector<16xi1>, vector<16xf32>
        %swap3A_329 = arith.constant 96 : index
        %swap3A_330 = tpu.vector_load %arg15[%swap3A_329] {strides = array<i32>} : memref<128xf32, #tpu.memory_space<vmem>>, vector<16xf32>,
        tpu.vector_store %arg15[%swap3A_329], %select_n3A_328 {strides = array<i32>} : memref<128xf32, #tpu.memory_space<vmem>>, vector<16xf32>,
        tpu.vector_store_idx %arg11[%get3A_306], %select_n3A_328 {add = true} : memref<10000xf32, #tpu.memory_space<vmem>>[vector<16xi32>], vector<16xf32>,
        %get3A_331 = arith.constant 112 : index
        %get3A_332 = tpu.vector_load %arg12[%get3A_331] {strides = array<i32>} : memref<256xi32, #tpu.memory_space<vmem>>, vector<16xi32>,
        %get3A_333 = arith.constant 112 : index
        %get3A_334 = tpu.vector_load %arg13[%get3A_333] {strides = array<i32>} : memref<128xi32, #tpu.memory_space<vmem>>, vector<16xi32>,
        %gather3A_335 = tpu.vector_load_idx %arg9[%get3A_332] : memref<10000xf32, #tpu.memory_space<vmem>>[vector<16xi32>], vector<16xf32>,
        %gather3A_336 = tpu.vector_load_idx %arg10[%get3A_334] : memref<10000xf32, #tpu.memory_space<vmem>>[vector<16xi32>], vector<16xf32>,
        %add3A_337 = arith.addf %gather3A_335, %gather3A_336 : vector<16xf32>
        %ge3A_338 = arith.constant 0.000000e+00 : f32
        %ge3A_339 = vector.broadcast %ge3A_338 : f32 to vector<16xf32>
        %ge3A_340 = arith.cmpf oge, %add3A_337, %ge3A_339 : vector<16xf32>
        %mul3A_341 = arith.constant 2.000000e-01 : f32
        %mul3A_342 = vector.broadcast %mul3A_341 : f32 to vector<16xf32>
        %mul3A_343 = arith.mulf %add3A_337, %mul3A_342 : vector<16xf32>
        %select_n3A_344 = arith.select %ge3A_340, %add3A_337, %mul3A_343 : vector<16xi1>, vector<16xf32>
        %exp3A_345 = math.exp %select_n3A_344 : vector<16xf32>
        %add3A_346 = arith.constant 112 : i32
        %add3A_347 = arith.addi %add3A_36, %add3A_346 : i32
        %iota3A_348 = tpu.iota {dimensions = array<i32: 0>} : vector<16xi32>
        %add3A_349 = vector.broadcast %add3A_347 : i32 to vector<16xi32>
        %add3A_350 = arith.addi %add3A_349, %iota3A_348 : vector<16xi32>
        %lt3A_351 = arith.constant 330000 : i32
        %lt3A_352 = vector.broadcast %lt3A_351 : i32 to vector<16xi32>
        %lt3A_353 = arith.cmpi slt, %add3A_350, %lt3A_352 : vector<16xi32>
        %jit3A_354 = arith.constant 0.000000e+00 : f32
        %broadcast_in_dim3A_355 = vector.broadcast %jit3A_354 : f32 to vector<16xf32>
        %select_n3A_356 = arith.select %lt3A_353, %exp3A_345, %broadcast_in_dim3A_355 : vector<16xi1>, vector<16xf32>
        %swap3A_357 = arith.constant 112 : index
        %swap3A_358 = tpu.vector_load %arg15[%swap3A_357] {strides = array<i32>} : memref<128xf32, #tpu.memory_space<vmem>>, vector<16xf32>,
        tpu.vector_store %arg15[%swap3A_357], %select_n3A_356 {strides = array<i32>} : memref<128xf32, #tpu.memory_space<vmem>>, vector<16xf32>,
        tpu.vector_store_idx %arg11[%get3A_334], %select_n3A_356 {add = true} : memref<10000xf32, #tpu.memory_space<vmem>>[vector<16xi32>], vector<16xf32>,
        %dma_wait3A_359 = arith.constant 0 : i32
        %dma_wait3A_360 = arith.constant 0 : i32
        %dma_wait3A_361 = tpu.memref_slice %arg2[%dma_wait3A_359, %dma_wait3A_360] : memref<40000x128xf32, #tpu.memory_space<hbm>> -> memref<40000x128xf32, #tpu.memory_space<hbm>>
        tpu.wait_indirect_dma semaphore(%arg18 : memref<!tpu.dma_semaphore, #tpu.memory_space<semaphore_mem>>) src(%dma_wait3A_361 : memref<40000x128xf32, #tpu.memory_space<hbm>>) dst(%arg16 : memref<128x128xf32, #tpu.memory_space<vmem>>)
        %scan3A_362 = arith.constant 0 : i32
        %scan3A_363 = arith.constant 8 : i32
        %scan3A_364 = arith.addi %scan3A_362, %scan3A_363 : i32
        %scan3A_365 = arith.constant 1 : i32
        scf.for %scan3A_370 = %scan3A_362 to %scan3A_364 step %scan3A_365  : i32 {
          %mul3A_371 = arith.constant 1 : i32
          %mul3A_372 = arith.muli %scan3A_370, %mul3A_371 : i32
          %add3A_373 = arith.constant 0 : i32
          %add3A_374 = arith.addi %add3A_373, %mul3A_372 : i32
          %mul3A_375 = arith.constant 16 : i32
          %mul3A_376 = arith.muli %add3A_374, %mul3A_375 : i32
          %get3A_377 = arith.index_cast %mul3A_376 : i32 to index
          %get3A_378 = tpu.vector_load %arg15[%get3A_377] {strides = array<i32>} : memref<128xf32, #tpu.memory_space<vmem>>, vector<16xf32>,
          %mul3A_379 = arith.constant 16 : i32
          %mul3A_380 = arith.muli %add3A_374, %mul3A_379 : i32
          %add3A_381 = arith.constant 0 : i32
          %add3A_382 = arith.addi %mul3A_380, %add3A_381 : i32
          %slice3A = vector.extract_strided_slice %get3A_378 {offsets = [0], sizes = [1], strides = [1]} : vector<16xf32> to vector<1xf32>
          %squeeze3A = vector.extract %slice3A[0] : f32 from vector<1xf32>
          %get3A_383 = arith.index_cast %add3A_382 : i32 to index
          %get3A_384 = arith.constant 0 : index
          %get3A_385 = tpu.vector_load %arg16[%get3A_383, %get3A_384] {strides = array<i32>} : memref<128x128xf32, #tpu.memory_space<vmem>>, vector<16xf32>,
          %mul3A_386 = vector.broadcast %squeeze3A : f32 to vector<16xf32>
          %mul3A_387 = arith.mulf %get3A_385, %mul3A_386 : vector<16xf32>
          %swap3A_388 = arith.index_cast %add3A_382 : i32 to index
          %swap3A_389 = arith.constant 0 : index
          %swap3A_390 = tpu.vector_load %arg16[%swap3A_388, %swap3A_389] {strides = array<i32>} : memref<128x128xf32, #tpu.memory_space<vmem>>, vector<16xf32>,
          tpu.vector_store %arg16[%swap3A_388, %swap3A_389], %mul3A_387 {strides = array<i32>} : memref<128x128xf32, #tpu.memory_space<vmem>>, vector<16xf32>,
          %get3A_391 = arith.index_cast %add3A_382 : i32 to index
          %get3A_392 = arith.constant 16 : index
          %get3A_393 = tpu.vector_load %arg16[%get3A_391, %get3A_392] {strides = array<i32>} : memref<128x128xf32, #tpu.memory_space<vmem>>, vector<16xf32>,
          %mul3A_394 = vector.broadcast %squeeze3A : f32 to vector<16xf32>
          %mul3A_395 = arith.mulf %get3A_393, %mul3A_394 : vector<16xf32>
          %swap3A_396 = arith.index_cast %add3A_382 : i32 to index
          %swap3A_397 = arith.constant 16 : index
          %swap3A_398 = tpu.vector_load %arg16[%swap3A_396, %swap3A_397] {strides = array<i32>} : memref<128x128xf32, #tpu.memory_space<vmem>>, vector<16xf32>,
          tpu.vector_store %arg16[%swap3A_396, %swap3A_397], %mul3A_395 {strides = array<i32>} : memref<128x128xf32, #tpu.memory_space<vmem>>, vector<16xf32>,
          %get3A_399 = arith.index_cast %add3A_382 : i32 to index
          %get3A_400 = arith.constant 32 : index
          %get3A_401 = tpu.vector_load %arg16[%get3A_399, %get3A_400] {strides = array<i32>} : memref<128x128xf32, #tpu.memory_space<vmem>>, vector<16xf32>,
          %mul3A_402 = vector.broadcast %squeeze3A : f32 to vector<16xf32>
          %mul3A_403 = arith.mulf %get3A_401, %mul3A_402 : vector<16xf32>
          %swap3A_404 = arith.index_cast %add3A_382 : i32 to index
          %swap3A_405 = arith.constant 32 : index
          %swap3A_406 = tpu.vector_load %arg16[%swap3A_404, %swap3A_405] {strides = array<i32>} : memref<128x128xf32, #tpu.memory_space<vmem>>, vector<16xf32>,
          tpu.vector_store %arg16[%swap3A_404, %swap3A_405], %mul3A_403 {strides = array<i32>} : memref<128x128xf32, #tpu.memory_space<vmem>>, vector<16xf32>,
          %get3A_407 = arith.index_cast %add3A_382 : i32 to index
          %get3A_408 = arith.constant 48 : index
          %get3A_409 = tpu.vector_load %arg16[%get3A_407, %get3A_408] {strides = array<i32>} : memref<128x128xf32, #tpu.memory_space<vmem>>, vector<16xf32>,
          %mul3A_410 = vector.broadcast %squeeze3A : f32 to vector<16xf32>
          %mul3A_411 = arith.mulf %get3A_409, %mul3A_410 : vector<16xf32>
          %swap3A_412 = arith.index_cast %add3A_382 : i32 to index
          %swap3A_413 = arith.constant 48 : index
          %swap3A_414 = tpu.vector_load %arg16[%swap3A_412, %swap3A_413] {strides = array<i32>} : memref<128x128xf32, #tpu.memory_space<vmem>>, vector<16xf32>,
          tpu.vector_store %arg16[%swap3A_412, %swap3A_413], %mul3A_411 {strides = array<i32>} : memref<128x128xf32, #tpu.memory_space<vmem>>, vector<16xf32>,
          %mul3A_415 = arith.constant 16 : i32
          %mul3A_416 = arith.muli %add3A_374, %mul3A_415 : i32
          %add3A_417 = arith.constant 1 : i32
          %add3A_418 = arith.addi %mul3A_416, %add3A_417 : i32
          %slice3A_419 = vector.extract_strided_slice %get3A_378 {offsets = [1], sizes = [1], strides = [1]} : vector<16xf32> to vector<1xf32>
          %squeeze3A_420 = vector.extract %slice3A_419[0] : f32 from vector<1xf32>
          %get3A_421 = arith.index_cast %add3A_418 : i32 to index
          %get3A_422 = arith.constant 0 : index
          %get3A_423 = tpu.vector_load %arg16[%get3A_421, %get3A_422] {strides = array<i32>} : memref<128x128xf32, #tpu.memory_space<vmem>>, vector<16xf32>,
          %mul3A_424 = vector.broadcast %squeeze3A_420 : f32 to vector<16xf32>
          %mul3A_425 = arith.mulf %get3A_423, %mul3A_424 : vector<16xf32>
          %swap3A_426 = arith.index_cast %add3A_418 : i32 to index
          %swap3A_427 = arith.constant 0 : index
          %swap3A_428 = tpu.vector_load %arg16[%swap3A_426, %swap3A_427] {strides = array<i32>} : memref<128x128xf32, #tpu.memory_space<vmem>>, vector<16xf32>,
          tpu.vector_store %arg16[%swap3A_426, %swap3A_427], %mul3A_425 {strides = array<i32>} : memref<128x128xf32, #tpu.memory_space<vmem>>, vector<16xf32>,
          %get3A_429 = arith.index_cast %add3A_418 : i32 to index
          %get3A_430 = arith.constant 16 : index
          %get3A_431 = tpu.vector_load %arg16[%get3A_429, %get3A_430] {strides = array<i32>} : memref<128x128xf32, #tpu.memory_space<vmem>>, vector<16xf32>,
          %mul3A_432 = vector.broadcast %squeeze3A_420 : f32 to vector<16xf32>
          %mul3A_433 = arith.mulf %get3A_431, %mul3A_432 : vector<16xf32>
          %swap3A_434 = arith.index_cast %add3A_418 : i32 to index
          %swap3A_435 = arith.constant 16 : index
          %swap3A_436 = tpu.vector_load %arg16[%swap3A_434, %swap3A_435] {strides = array<i32>} : memref<128x128xf32, #tpu.memory_space<vmem>>, vector<16xf32>,
          tpu.vector_store %arg16[%swap3A_434, %swap3A_435], %mul3A_433 {strides = array<i32>} : memref<128x128xf32, #tpu.memory_space<vmem>>, vector<16xf32>,
          %get3A_437 = arith.index_cast %add3A_418 : i32 to index
          %get3A_438 = arith.constant 32 : index
          %get3A_439 = tpu.vector_load %arg16[%get3A_437, %get3A_438] {strides = array<i32>} : memref<128x128xf32, #tpu.memory_space<vmem>>, vector<16xf32>,
          %mul3A_440 = vector.broadcast %squeeze3A_420 : f32 to vector<16xf32>
          %mul3A_441 = arith.mulf %get3A_439, %mul3A_440 : vector<16xf32>
          %swap3A_442 = arith.index_cast %add3A_418 : i32 to index
          %swap3A_443 = arith.constant 32 : index
          %swap3A_444 = tpu.vector_load %arg16[%swap3A_442, %swap3A_443] {strides = array<i32>} : memref<128x128xf32, #tpu.memory_space<vmem>>, vector<16xf32>,
          tpu.vector_store %arg16[%swap3A_442, %swap3A_443], %mul3A_441 {strides = array<i32>} : memref<128x128xf32, #tpu.memory_space<vmem>>, vector<16xf32>,
          %get3A_445 = arith.index_cast %add3A_418 : i32 to index
          %get3A_446 = arith.constant 48 : index
          %get3A_447 = tpu.vector_load %arg16[%get3A_445, %get3A_446] {strides = array<i32>} : memref<128x128xf32, #tpu.memory_space<vmem>>, vector<16xf32>,
          %mul3A_448 = vector.broadcast %squeeze3A_420 : f32 to vector<16xf32>
          %mul3A_449 = arith.mulf %get3A_447, %mul3A_448 : vector<16xf32>
          %swap3A_450 = arith.index_cast %add3A_418 : i32 to index
          %swap3A_451 = arith.constant 48 : index
          %swap3A_452 = tpu.vector_load %arg16[%swap3A_450, %swap3A_451] {strides = array<i32>} : memref<128x128xf32, #tpu.memory_space<vmem>>, vector<16xf32>,
          tpu.vector_store %arg16[%swap3A_450, %swap3A_451], %mul3A_449 {strides = array<i32>} : memref<128x128xf32, #tpu.memory_space<vmem>>, vector<16xf32>,
          %mul3A_453 = arith.constant 16 : i32
          %mul3A_454 = arith.muli %add3A_374, %mul3A_453 : i32
          %add3A_455 = arith.constant 2 : i32
          %add3A_456 = arith.addi %mul3A_454, %add3A_455 : i32
          %slice3A_457 = vector.extract_strided_slice %get3A_378 {offsets = [2], sizes = [1], strides = [1]} : vector<16xf32> to vector<1xf32>
          %squeeze3A_458 = vector.extract %slice3A_457[0] : f32 from vector<1xf32>
          %get3A_459 = arith.index_cast %add3A_456 : i32 to index
          %get3A_460 = arith.constant 0 : index
          %get3A_461 = tpu.vector_load %arg16[%get3A_459, %get3A_460] {strides = array<i32>} : memref<128x128xf32, #tpu.memory_space<vmem>>, vector<16xf32>,
          %mul3A_462 = vector.broadcast %squeeze3A_458 : f32 to vector<16xf32>
          %mul3A_463 = arith.mulf %get3A_461, %mul3A_462 : vector<16xf32>
          %swap3A_464 = arith.index_cast %add3A_456 : i32 to index
          %swap3A_465 = arith.constant 0 : index
          %swap3A_466 = tpu.vector_load %arg16[%swap3A_464, %swap3A_465] {strides = array<i32>} : memref<128x128xf32, #tpu.memory_space<vmem>>, vector<16xf32>,
          tpu.vector_store %arg16[%swap3A_464, %swap3A_465], %mul3A_463 {strides = array<i32>} : memref<128x128xf32, #tpu.memory_space<vmem>>, vector<16xf32>,
          %get3A_467 = arith.index_cast %add3A_456 : i32 to index
          %get3A_468 = arith.constant 16 : index
          %get3A_469 = tpu.vector_load %arg16[%get3A_467, %get3A_468] {strides = array<i32>} : memref<128x128xf32, #tpu.memory_space<vmem>>, vector<16xf32>,
          %mul3A_470 = vector.broadcast %squeeze3A_458 : f32 to vector<16xf32>
          %mul3A_471 = arith.mulf %get3A_469, %mul3A_470 : vector<16xf32>
          %swap3A_472 = arith.index_cast %add3A_456 : i32 to index
          %swap3A_473 = arith.constant 16 : index
          %swap3A_474 = tpu.vector_load %arg16[%swap3A_472, %swap3A_473] {strides = array<i32>} : memref<128x128xf32, #tpu.memory_space<vmem>>, vector<16xf32>,
          tpu.vector_store %arg16[%swap3A_472, %swap3A_473], %mul3A_471 {strides = array<i32>} : memref<128x128xf32, #tpu.memory_space<vmem>>, vector<16xf32>,
          %get3A_475 = arith.index_cast %add3A_456 : i32 to index
          %get3A_476 = arith.constant 32 : index
          %get3A_477 = tpu.vector_load %arg16[%get3A_475, %get3A_476] {strides = array<i32>} : memref<128x128xf32, #tpu.memory_space<vmem>>, vector<16xf32>,
          %mul3A_478 = vector.broadcast %squeeze3A_458 : f32 to vector<16xf32>
          %mul3A_479 = arith.mulf %get3A_477, %mul3A_478 : vector<16xf32>
          %swap3A_480 = arith.index_cast %add3A_456 : i32 to index
          %swap3A_481 = arith.constant 32 : index
          %swap3A_482 = tpu.vector_load %arg16[%swap3A_480, %swap3A_481] {strides = array<i32>} : memref<128x128xf32, #tpu.memory_space<vmem>>, vector<16xf32>,
          tpu.vector_store %arg16[%swap3A_480, %swap3A_481], %mul3A_479 {strides = array<i32>} : memref<128x128xf32, #tpu.memory_space<vmem>>, vector<16xf32>,
          %get3A_483 = arith.index_cast %add3A_456 : i32 to index
          %get3A_484 = arith.constant 48 : index
          %get3A_485 = tpu.vector_load %arg16[%get3A_483, %get3A_484] {strides = array<i32>} : memref<128x128xf32, #tpu.memory_space<vmem>>, vector<16xf32>,
          %mul3A_486 = vector.broadcast %squeeze3A_458 : f32 to vector<16xf32>
          %mul3A_487 = arith.mulf %get3A_485, %mul3A_486 : vector<16xf32>
          %swap3A_488 = arith.index_cast %add3A_456 : i32 to index
          %swap3A_489 = arith.constant 48 : index
          %swap3A_490 = tpu.vector_load %arg16[%swap3A_488, %swap3A_489] {strides = array<i32>} : memref<128x128xf32, #tpu.memory_space<vmem>>, vector<16xf32>,
          tpu.vector_store %arg16[%swap3A_488, %swap3A_489], %mul3A_487 {strides = array<i32>} : memref<128x128xf32, #tpu.memory_space<vmem>>, vector<16xf32>,
          %mul3A_491 = arith.constant 16 : i32
          %mul3A_492 = arith.muli %add3A_374, %mul3A_491 : i32
          %add3A_493 = arith.constant 3 : i32
          %add3A_494 = arith.addi %mul3A_492, %add3A_493 : i32
          %slice3A_495 = vector.extract_strided_slice %get3A_378 {offsets = [3], sizes = [1], strides = [1]} : vector<16xf32> to vector<1xf32>
          %squeeze3A_496 = vector.extract %slice3A_495[0] : f32 from vector<1xf32>
          %get3A_497 = arith.index_cast %add3A_494 : i32 to index
          %get3A_498 = arith.constant 0 : index
          %get3A_499 = tpu.vector_load %arg16[%get3A_497, %get3A_498] {strides = array<i32>} : memref<128x128xf32, #tpu.memory_space<vmem>>, vector<16xf32>,
          %mul3A_500 = vector.broadcast %squeeze3A_496 : f32 to vector<16xf32>
          %mul3A_501 = arith.mulf %get3A_499, %mul3A_500 : vector<16xf32>
          %swap3A_502 = arith.index_cast %add3A_494 : i32 to index
          %swap3A_503 = arith.constant 0 : index
          %swap3A_504 = tpu.vector_load %arg16[%swap3A_502, %swap3A_503] {strides = array<i32>} : memref<128x128xf32, #tpu.memory_space<vmem>>, vector<16xf32>,
          tpu.vector_store %arg16[%swap3A_502, %swap3A_503], %mul3A_501 {strides = array<i32>} : memref<128x128xf32, #tpu.memory_space<vmem>>, vector<16xf32>,
          %get3A_505 = arith.index_cast %add3A_494 : i32 to index
          %get3A_506 = arith.constant 16 : index
          %get3A_507 = tpu.vector_load %arg16[%get3A_505, %get3A_506] {strides = array<i32>} : memref<128x128xf32, #tpu.memory_space<vmem>>, vector<16xf32>,
          %mul3A_508 = vector.broadcast %squeeze3A_496 : f32 to vector<16xf32>
          %mul3A_509 = arith.mulf %get3A_507, %mul3A_508 : vector<16xf32>
          %swap3A_510 = arith.index_cast %add3A_494 : i32 to index
          %swap3A_511 = arith.constant 16 : index
          %swap3A_512 = tpu.vector_load %arg16[%swap3A_510, %swap3A_511] {strides = array<i32>} : memref<128x128xf32, #tpu.memory_space<vmem>>, vector<16xf32>,
          tpu.vector_store %arg16[%swap3A_510, %swap3A_511], %mul3A_509 {strides = array<i32>} : memref<128x128xf32, #tpu.memory_space<vmem>>, vector<16xf32>,
          %get3A_513 = arith.index_cast %add3A_494 : i32 to index
          %get3A_514 = arith.constant 32 : index
          %get3A_515 = tpu.vector_load %arg16[%get3A_513, %get3A_514] {strides = array<i32>} : memref<128x128xf32, #tpu.memory_space<vmem>>, vector<16xf32>,
          %mul3A_516 = vector.broadcast %squeeze3A_496 : f32 to vector<16xf32>
          %mul3A_517 = arith.mulf %get3A_515, %mul3A_516 : vector<16xf32>
          %swap3A_518 = arith.index_cast %add3A_494 : i32 to index
          %swap3A_519 = arith.constant 32 : index
          %swap3A_520 = tpu.vector_load %arg16[%swap3A_518, %swap3A_519] {strides = array<i32>} : memref<128x128xf32, #tpu.memory_space<vmem>>, vector<16xf32>,
          tpu.vector_store %arg16[%swap3A_518, %swap3A_519], %mul3A_517 {strides = array<i32>} : memref<128x128xf32, #tpu.memory_space<vmem>>, vector<16xf32>,
          %get3A_521 = arith.index_cast %add3A_494 : i32 to index
          %get3A_522 = arith.constant 48 : index
          %get3A_523 = tpu.vector_load %arg16[%get3A_521, %get3A_522] {strides = array<i32>} : memref<128x128xf32, #tpu.memory_space<vmem>>, vector<16xf32>,
          %mul3A_524 = vector.broadcast %squeeze3A_496 : f32 to vector<16xf32>
          %mul3A_525 = arith.mulf %get3A_523, %mul3A_524 : vector<16xf32>
          %swap3A_526 = arith.index_cast %add3A_494 : i32 to index
          %swap3A_527 = arith.constant 48 : index
          %swap3A_528 = tpu.vector_load %arg16[%swap3A_526, %swap3A_527] {strides = array<i32>} : memref<128x128xf32, #tpu.memory_space<vmem>>, vector<16xf32>,
          tpu.vector_store %arg16[%swap3A_526, %swap3A_527], %mul3A_525 {strides = array<i32>} : memref<128x128xf32, #tpu.memory_space<vmem>>, vector<16xf32>,
          %mul3A_529 = arith.constant 16 : i32
          %mul3A_530 = arith.muli %add3A_374, %mul3A_529 : i32
          %add3A_531 = arith.constant 4 : i32
          %add3A_532 = arith.addi %mul3A_530, %add3A_531 : i32
          %slice3A_533 = vector.extract_strided_slice %get3A_378 {offsets = [4], sizes = [1], strides = [1]} : vector<16xf32> to vector<1xf32>
          %squeeze3A_534 = vector.extract %slice3A_533[0] : f32 from vector<1xf32>
          %get3A_535 = arith.index_cast %add3A_532 : i32 to index
          %get3A_536 = arith.constant 0 : index
          %get3A_537 = tpu.vector_load %arg16[%get3A_535, %get3A_536] {strides = array<i32>} : memref<128x128xf32, #tpu.memory_space<vmem>>, vector<16xf32>,
          %mul3A_538 = vector.broadcast %squeeze3A_534 : f32 to vector<16xf32>
          %mul3A_539 = arith.mulf %get3A_537, %mul3A_538 : vector<16xf32>
          %swap3A_540 = arith.index_cast %add3A_532 : i32 to index
          %swap3A_541 = arith.constant 0 : index
          %swap3A_542 = tpu.vector_load %arg16[%swap3A_540, %swap3A_541] {strides = array<i32>} : memref<128x128xf32, #tpu.memory_space<vmem>>, vector<16xf32>,
          tpu.vector_store %arg16[%swap3A_540, %swap3A_541], %mul3A_539 {strides = array<i32>} : memref<128x128xf32, #tpu.memory_space<vmem>>, vector<16xf32>,
          %get3A_543 = arith.index_cast %add3A_532 : i32 to index
          %get3A_544 = arith.constant 16 : index
          %get3A_545 = tpu.vector_load %arg16[%get3A_543, %get3A_544] {strides = array<i32>} : memref<128x128xf32, #tpu.memory_space<vmem>>, vector<16xf32>,
          %mul3A_546 = vector.broadcast %squeeze3A_534 : f32 to vector<16xf32>
          %mul3A_547 = arith.mulf %get3A_545, %mul3A_546 : vector<16xf32>
          %swap3A_548 = arith.index_cast %add3A_532 : i32 to index
          %swap3A_549 = arith.constant 16 : index
          %swap3A_550 = tpu.vector_load %arg16[%swap3A_548, %swap3A_549] {strides = array<i32>} : memref<128x128xf32, #tpu.memory_space<vmem>>, vector<16xf32>,
          tpu.vector_store %arg16[%swap3A_548, %swap3A_549], %mul3A_547 {strides = array<i32>} : memref<128x128xf32, #tpu.memory_space<vmem>>, vector<16xf32>,
          %get3A_551 = arith.index_cast %add3A_532 : i32 to index
          %get3A_552 = arith.constant 32 : index
          %get3A_553 = tpu.vector_load %arg16[%get3A_551, %get3A_552] {strides = array<i32>} : memref<128x128xf32, #tpu.memory_space<vmem>>, vector<16xf32>,
          %mul3A_554 = vector.broadcast %squeeze3A_534 : f32 to vector<16xf32>
          %mul3A_555 = arith.mulf %get3A_553, %mul3A_554 : vector<16xf32>
          %swap3A_556 = arith.index_cast %add3A_532 : i32 to index
          %swap3A_557 = arith.constant 32 : index
          %swap3A_558 = tpu.vector_load %arg16[%swap3A_556, %swap3A_557] {strides = array<i32>} : memref<128x128xf32, #tpu.memory_space<vmem>>, vector<16xf32>,
          tpu.vector_store %arg16[%swap3A_556, %swap3A_557], %mul3A_555 {strides = array<i32>} : memref<128x128xf32, #tpu.memory_space<vmem>>, vector<16xf32>,
          %get3A_559 = arith.index_cast %add3A_532 : i32 to index
          %get3A_560 = arith.constant 48 : index
          %get3A_561 = tpu.vector_load %arg16[%get3A_559, %get3A_560] {strides = array<i32>} : memref<128x128xf32, #tpu.memory_space<vmem>>, vector<16xf32>,
          %mul3A_562 = vector.broadcast %squeeze3A_534 : f32 to vector<16xf32>
          %mul3A_563 = arith.mulf %get3A_561, %mul3A_562 : vector<16xf32>
          %swap3A_564 = arith.index_cast %add3A_532 : i32 to index
          %swap3A_565 = arith.constant 48 : index
          %swap3A_566 = tpu.vector_load %arg16[%swap3A_564, %swap3A_565] {strides = array<i32>} : memref<128x128xf32, #tpu.memory_space<vmem>>, vector<16xf32>,
          tpu.vector_store %arg16[%swap3A_564, %swap3A_565], %mul3A_563 {strides = array<i32>} : memref<128x128xf32, #tpu.memory_space<vmem>>, vector<16xf32>,
          %mul3A_567 = arith.constant 16 : i32
          %mul3A_568 = arith.muli %add3A_374, %mul3A_567 : i32
          %add3A_569 = arith.constant 5 : i32
          %add3A_570 = arith.addi %mul3A_568, %add3A_569 : i32
          %slice3A_571 = vector.extract_strided_slice %get3A_378 {offsets = [5], sizes = [1], strides = [1]} : vector<16xf32> to vector<1xf32>
          %squeeze3A_572 = vector.extract %slice3A_571[0] : f32 from vector<1xf32>
          %get3A_573 = arith.index_cast %add3A_570 : i32 to index
          %get3A_574 = arith.constant 0 : index
          %get3A_575 = tpu.vector_load %arg16[%get3A_573, %get3A_574] {strides = array<i32>} : memref<128x128xf32, #tpu.memory_space<vmem>>, vector<16xf32>,
          %mul3A_576 = vector.broadcast %squeeze3A_572 : f32 to vector<16xf32>
          %mul3A_577 = arith.mulf %get3A_575, %mul3A_576 : vector<16xf32>
          %swap3A_578 = arith.index_cast %add3A_570 : i32 to index
          %swap3A_579 = arith.constant 0 : index
          %swap3A_580 = tpu.vector_load %arg16[%swap3A_578, %swap3A_579] {strides = array<i32>} : memref<128x128xf32, #tpu.memory_space<vmem>>, vector<16xf32>,
          tpu.vector_store %arg16[%swap3A_578, %swap3A_579], %mul3A_577 {strides = array<i32>} : memref<128x128xf32, #tpu.memory_space<vmem>>, vector<16xf32>,
          %get3A_581 = arith.index_cast %add3A_570 : i32 to index
          %get3A_582 = arith.constant 16 : index
          %get3A_583 = tpu.vector_load %arg16[%get3A_581, %get3A_582] {strides = array<i32>} : memref<128x128xf32, #tpu.memory_space<vmem>>, vector<16xf32>,
          %mul3A_584 = vector.broadcast %squeeze3A_572 : f32 to vector<16xf32>
          %mul3A_585 = arith.mulf %get3A_583, %mul3A_584 : vector<16xf32>
          %swap3A_586 = arith.index_cast %add3A_570 : i32 to index
          %swap3A_587 = arith.constant 16 : index
          %swap3A_588 = tpu.vector_load %arg16[%swap3A_586, %swap3A_587] {strides = array<i32>} : memref<128x128xf32, #tpu.memory_space<vmem>>, vector<16xf32>,
          tpu.vector_store %arg16[%swap3A_586, %swap3A_587], %mul3A_585 {strides = array<i32>} : memref<128x128xf32, #tpu.memory_space<vmem>>, vector<16xf32>,
          %get3A_589 = arith.index_cast %add3A_570 : i32 to index
          %get3A_590 = arith.constant 32 : index
          %get3A_591 = tpu.vector_load %arg16[%get3A_589, %get3A_590] {strides = array<i32>} : memref<128x128xf32, #tpu.memory_space<vmem>>, vector<16xf32>,
          %mul3A_592 = vector.broadcast %squeeze3A_572 : f32 to vector<16xf32>
          %mul3A_593 = arith.mulf %get3A_591, %mul3A_592 : vector<16xf32>
          %swap3A_594 = arith.index_cast %add3A_570 : i32 to index
          %swap3A_595 = arith.constant 32 : index
          %swap3A_596 = tpu.vector_load %arg16[%swap3A_594, %swap3A_595] {strides = array<i32>} : memref<128x128xf32, #tpu.memory_space<vmem>>, vector<16xf32>,
          tpu.vector_store %arg16[%swap3A_594, %swap3A_595], %mul3A_593 {strides = array<i32>} : memref<128x128xf32, #tpu.memory_space<vmem>>, vector<16xf32>,
          %get3A_597 = arith.index_cast %add3A_570 : i32 to index
          %get3A_598 = arith.constant 48 : index
          %get3A_599 = tpu.vector_load %arg16[%get3A_597, %get3A_598] {strides = array<i32>} : memref<128x128xf32, #tpu.memory_space<vmem>>, vector<16xf32>,
          %mul3A_600 = vector.broadcast %squeeze3A_572 : f32 to vector<16xf32>
          %mul3A_601 = arith.mulf %get3A_599, %mul3A_600 : vector<16xf32>
          %swap3A_602 = arith.index_cast %add3A_570 : i32 to index
          %swap3A_603 = arith.constant 48 : index
          %swap3A_604 = tpu.vector_load %arg16[%swap3A_602, %swap3A_603] {strides = array<i32>} : memref<128x128xf32, #tpu.memory_space<vmem>>, vector<16xf32>,
          tpu.vector_store %arg16[%swap3A_602, %swap3A_603], %mul3A_601 {strides = array<i32>} : memref<128x128xf32, #tpu.memory_space<vmem>>, vector<16xf32>,
          %mul3A_605 = arith.constant 16 : i32
          %mul3A_606 = arith.muli %add3A_374, %mul3A_605 : i32
          %add3A_607 = arith.constant 6 : i32
          %add3A_608 = arith.addi %mul3A_606, %add3A_607 : i32
          %slice3A_609 = vector.extract_strided_slice %get3A_378 {offsets = [6], sizes = [1], strides = [1]} : vector<16xf32> to vector<1xf32>
          %squeeze3A_610 = vector.extract %slice3A_609[0] : f32 from vector<1xf32>
          %get3A_611 = arith.index_cast %add3A_608 : i32 to index
          %get3A_612 = arith.constant 0 : index
          %get3A_613 = tpu.vector_load %arg16[%get3A_611, %get3A_612] {strides = array<i32>} : memref<128x128xf32, #tpu.memory_space<vmem>>, vector<16xf32>,
          %mul3A_614 = vector.broadcast %squeeze3A_610 : f32 to vector<16xf32>
          %mul3A_615 = arith.mulf %get3A_613, %mul3A_614 : vector<16xf32>
          %swap3A_616 = arith.index_cast %add3A_608 : i32 to index
          %swap3A_617 = arith.constant 0 : index
          %swap3A_618 = tpu.vector_load %arg16[%swap3A_616, %swap3A_617] {strides = array<i32>} : memref<128x128xf32, #tpu.memory_space<vmem>>, vector<16xf32>,
          tpu.vector_store %arg16[%swap3A_616, %swap3A_617], %mul3A_615 {strides = array<i32>} : memref<128x128xf32, #tpu.memory_space<vmem>>, vector<16xf32>,
          %get3A_619 = arith.index_cast %add3A_608 : i32 to index
          %get3A_620 = arith.constant 16 : index
          %get3A_621 = tpu.vector_load %arg16[%get3A_619, %get3A_620] {strides = array<i32>} : memref<128x128xf32, #tpu.memory_space<vmem>>, vector<16xf32>,
          %mul3A_622 = vector.broadcast %squeeze3A_610 : f32 to vector<16xf32>
          %mul3A_623 = arith.mulf %get3A_621, %mul3A_622 : vector<16xf32>
          %swap3A_624 = arith.index_cast %add3A_608 : i32 to index
          %swap3A_625 = arith.constant 16 : index
          %swap3A_626 = tpu.vector_load %arg16[%swap3A_624, %swap3A_625] {strides = array<i32>} : memref<128x128xf32, #tpu.memory_space<vmem>>, vector<16xf32>,
          tpu.vector_store %arg16[%swap3A_624, %swap3A_625], %mul3A_623 {strides = array<i32>} : memref<128x128xf32, #tpu.memory_space<vmem>>, vector<16xf32>,
          %get3A_627 = arith.index_cast %add3A_608 : i32 to index
          %get3A_628 = arith.constant 32 : index
          %get3A_629 = tpu.vector_load %arg16[%get3A_627, %get3A_628] {strides = array<i32>} : memref<128x128xf32, #tpu.memory_space<vmem>>, vector<16xf32>,
          %mul3A_630 = vector.broadcast %squeeze3A_610 : f32 to vector<16xf32>
          %mul3A_631 = arith.mulf %get3A_629, %mul3A_630 : vector<16xf32>
          %swap3A_632 = arith.index_cast %add3A_608 : i32 to index
          %swap3A_633 = arith.constant 32 : index
          %swap3A_634 = tpu.vector_load %arg16[%swap3A_632, %swap3A_633] {strides = array<i32>} : memref<128x128xf32, #tpu.memory_space<vmem>>, vector<16xf32>,
          tpu.vector_store %arg16[%swap3A_632, %swap3A_633], %mul3A_631 {strides = array<i32>} : memref<128x128xf32, #tpu.memory_space<vmem>>, vector<16xf32>,
          %get3A_635 = arith.index_cast %add3A_608 : i32 to index
          %get3A_636 = arith.constant 48 : index
          %get3A_637 = tpu.vector_load %arg16[%get3A_635, %get3A_636] {strides = array<i32>} : memref<128x128xf32, #tpu.memory_space<vmem>>, vector<16xf32>,
          %mul3A_638 = vector.broadcast %squeeze3A_610 : f32 to vector<16xf32>
          %mul3A_639 = arith.mulf %get3A_637, %mul3A_638 : vector<16xf32>
          %swap3A_640 = arith.index_cast %add3A_608 : i32 to index
          %swap3A_641 = arith.constant 48 : index
          %swap3A_642 = tpu.vector_load %arg16[%swap3A_640, %swap3A_641] {strides = array<i32>} : memref<128x128xf32, #tpu.memory_space<vmem>>, vector<16xf32>,
          tpu.vector_store %arg16[%swap3A_640, %swap3A_641], %mul3A_639 {strides = array<i32>} : memref<128x128xf32, #tpu.memory_space<vmem>>, vector<16xf32>,
          %mul3A_643 = arith.constant 16 : i32
          %mul3A_644 = arith.muli %add3A_374, %mul3A_643 : i32
          %add3A_645 = arith.constant 7 : i32
          %add3A_646 = arith.addi %mul3A_644, %add3A_645 : i32
          %slice3A_647 = vector.extract_strided_slice %get3A_378 {offsets = [7], sizes = [1], strides = [1]} : vector<16xf32> to vector<1xf32>
          %squeeze3A_648 = vector.extract %slice3A_647[0] : f32 from vector<1xf32>
          %get3A_649 = arith.index_cast %add3A_646 : i32 to index
          %get3A_650 = arith.constant 0 : index
          %get3A_651 = tpu.vector_load %arg16[%get3A_649, %get3A_650] {strides = array<i32>} : memref<128x128xf32, #tpu.memory_space<vmem>>, vector<16xf32>,
          %mul3A_652 = vector.broadcast %squeeze3A_648 : f32 to vector<16xf32>
          %mul3A_653 = arith.mulf %get3A_651, %mul3A_652 : vector<16xf32>
          %swap3A_654 = arith.index_cast %add3A_646 : i32 to index
          %swap3A_655 = arith.constant 0 : index
          %swap3A_656 = tpu.vector_load %arg16[%swap3A_654, %swap3A_655] {strides = array<i32>} : memref<128x128xf32, #tpu.memory_space<vmem>>, vector<16xf32>,
          tpu.vector_store %arg16[%swap3A_654, %swap3A_655], %mul3A_653 {strides = array<i32>} : memref<128x128xf32, #tpu.memory_space<vmem>>, vector<16xf32>,
          %get3A_657 = arith.index_cast %add3A_646 : i32 to index
          %get3A_658 = arith.constant 16 : index
          %get3A_659 = tpu.vector_load %arg16[%get3A_657, %get3A_658] {strides = array<i32>} : memref<128x128xf32, #tpu.memory_space<vmem>>, vector<16xf32>,
          %mul3A_660 = vector.broadcast %squeeze3A_648 : f32 to vector<16xf32>
          %mul3A_661 = arith.mulf %get3A_659, %mul3A_660 : vector<16xf32>
          %swap3A_662 = arith.index_cast %add3A_646 : i32 to index
          %swap3A_663 = arith.constant 16 : index
          %swap3A_664 = tpu.vector_load %arg16[%swap3A_662, %swap3A_663] {strides = array<i32>} : memref<128x128xf32, #tpu.memory_space<vmem>>, vector<16xf32>,
          tpu.vector_store %arg16[%swap3A_662, %swap3A_663], %mul3A_661 {strides = array<i32>} : memref<128x128xf32, #tpu.memory_space<vmem>>, vector<16xf32>,
          %get3A_665 = arith.index_cast %add3A_646 : i32 to index
          %get3A_666 = arith.constant 32 : index
          %get3A_667 = tpu.vector_load %arg16[%get3A_665, %get3A_666] {strides = array<i32>} : memref<128x128xf32, #tpu.memory_space<vmem>>, vector<16xf32>,
          %mul3A_668 = vector.broadcast %squeeze3A_648 : f32 to vector<16xf32>
          %mul3A_669 = arith.mulf %get3A_667, %mul3A_668 : vector<16xf32>
          %swap3A_670 = arith.index_cast %add3A_646 : i32 to index
          %swap3A_671 = arith.constant 32 : index
          %swap3A_672 = tpu.vector_load %arg16[%swap3A_670, %swap3A_671] {strides = array<i32>} : memref<128x128xf32, #tpu.memory_space<vmem>>, vector<16xf32>,
          tpu.vector_store %arg16[%swap3A_670, %swap3A_671], %mul3A_669 {strides = array<i32>} : memref<128x128xf32, #tpu.memory_space<vmem>>, vector<16xf32>,
          %get3A_673 = arith.index_cast %add3A_646 : i32 to index
          %get3A_674 = arith.constant 48 : index
          %get3A_675 = tpu.vector_load %arg16[%get3A_673, %get3A_674] {strides = array<i32>} : memref<128x128xf32, #tpu.memory_space<vmem>>, vector<16xf32>,
          %mul3A_676 = vector.broadcast %squeeze3A_648 : f32 to vector<16xf32>
          %mul3A_677 = arith.mulf %get3A_675, %mul3A_676 : vector<16xf32>
          %swap3A_678 = arith.index_cast %add3A_646 : i32 to index
          %swap3A_679 = arith.constant 48 : index
          %swap3A_680 = tpu.vector_load %arg16[%swap3A_678, %swap3A_679] {strides = array<i32>} : memref<128x128xf32, #tpu.memory_space<vmem>>, vector<16xf32>,
          tpu.vector_store %arg16[%swap3A_678, %swap3A_679], %mul3A_677 {strides = array<i32>} : memref<128x128xf32, #tpu.memory_space<vmem>>, vector<16xf32>,
          %mul3A_681 = arith.constant 16 : i32
          %mul3A_682 = arith.muli %add3A_374, %mul3A_681 : i32
          %add3A_683 = arith.constant 8 : i32
          %add3A_684 = arith.addi %mul3A_682, %add3A_683 : i32
          %slice3A_685 = vector.extract_strided_slice %get3A_378 {offsets = [8], sizes = [1], strides = [1]} : vector<16xf32> to vector<1xf32>
          %squeeze3A_686 = vector.extract %slice3A_685[0] : f32 from vector<1xf32>
          %get3A_687 = arith.index_cast %add3A_684 : i32 to index
          %get3A_688 = arith.constant 0 : index
          %get3A_689 = tpu.vector_load %arg16[%get3A_687, %get3A_688] {strides = array<i32>} : memref<128x128xf32, #tpu.memory_space<vmem>>, vector<16xf32>,
          %mul3A_690 = vector.broadcast %squeeze3A_686 : f32 to vector<16xf32>
          %mul3A_691 = arith.mulf %get3A_689, %mul3A_690 : vector<16xf32>
          %swap3A_692 = arith.index_cast %add3A_684 : i32 to index
          %swap3A_693 = arith.constant 0 : index
          %swap3A_694 = tpu.vector_load %arg16[%swap3A_692, %swap3A_693] {strides = array<i32>} : memref<128x128xf32, #tpu.memory_space<vmem>>, vector<16xf32>,
          tpu.vector_store %arg16[%swap3A_692, %swap3A_693], %mul3A_691 {strides = array<i32>} : memref<128x128xf32, #tpu.memory_space<vmem>>, vector<16xf32>,
          %get3A_695 = arith.index_cast %add3A_684 : i32 to index
          %get3A_696 = arith.constant 16 : index
          %get3A_697 = tpu.vector_load %arg16[%get3A_695, %get3A_696] {strides = array<i32>} : memref<128x128xf32, #tpu.memory_space<vmem>>, vector<16xf32>,
          %mul3A_698 = vector.broadcast %squeeze3A_686 : f32 to vector<16xf32>
          %mul3A_699 = arith.mulf %get3A_697, %mul3A_698 : vector<16xf32>
          %swap3A_700 = arith.index_cast %add3A_684 : i32 to index
          %swap3A_701 = arith.constant 16 : index
          %swap3A_702 = tpu.vector_load %arg16[%swap3A_700, %swap3A_701] {strides = array<i32>} : memref<128x128xf32, #tpu.memory_space<vmem>>, vector<16xf32>,
          tpu.vector_store %arg16[%swap3A_700, %swap3A_701], %mul3A_699 {strides = array<i32>} : memref<128x128xf32, #tpu.memory_space<vmem>>, vector<16xf32>,
          %get3A_703 = arith.index_cast %add3A_684 : i32 to index
          %get3A_704 = arith.constant 32 : index
          %get3A_705 = tpu.vector_load %arg16[%get3A_703, %get3A_704] {strides = array<i32>} : memref<128x128xf32, #tpu.memory_space<vmem>>, vector<16xf32>,
          %mul3A_706 = vector.broadcast %squeeze3A_686 : f32 to vector<16xf32>
          %mul3A_707 = arith.mulf %get3A_705, %mul3A_706 : vector<16xf32>
          %swap3A_708 = arith.index_cast %add3A_684 : i32 to index
          %swap3A_709 = arith.constant 32 : index
          %swap3A_710 = tpu.vector_load %arg16[%swap3A_708, %swap3A_709] {strides = array<i32>} : memref<128x128xf32, #tpu.memory_space<vmem>>, vector<16xf32>,
          tpu.vector_store %arg16[%swap3A_708, %swap3A_709], %mul3A_707 {strides = array<i32>} : memref<128x128xf32, #tpu.memory_space<vmem>>, vector<16xf32>,
          %get3A_711 = arith.index_cast %add3A_684 : i32 to index
          %get3A_712 = arith.constant 48 : index
          %get3A_713 = tpu.vector_load %arg16[%get3A_711, %get3A_712] {strides = array<i32>} : memref<128x128xf32, #tpu.memory_space<vmem>>, vector<16xf32>,
          %mul3A_714 = vector.broadcast %squeeze3A_686 : f32 to vector<16xf32>
          %mul3A_715 = arith.mulf %get3A_713, %mul3A_714 : vector<16xf32>
          %swap3A_716 = arith.index_cast %add3A_684 : i32 to index
          %swap3A_717 = arith.constant 48 : index
          %swap3A_718 = tpu.vector_load %arg16[%swap3A_716, %swap3A_717] {strides = array<i32>} : memref<128x128xf32, #tpu.memory_space<vmem>>, vector<16xf32>,
          tpu.vector_store %arg16[%swap3A_716, %swap3A_717], %mul3A_715 {strides = array<i32>} : memref<128x128xf32, #tpu.memory_space<vmem>>, vector<16xf32>,
          %mul3A_719 = arith.constant 16 : i32
          %mul3A_720 = arith.muli %add3A_374, %mul3A_719 : i32
          %add3A_721 = arith.constant 9 : i32
          %add3A_722 = arith.addi %mul3A_720, %add3A_721 : i32
          %slice3A_723 = vector.extract_strided_slice %get3A_378 {offsets = [9], sizes = [1], strides = [1]} : vector<16xf32> to vector<1xf32>
          %squeeze3A_724 = vector.extract %slice3A_723[0] : f32 from vector<1xf32>
          %get3A_725 = arith.index_cast %add3A_722 : i32 to index
          %get3A_726 = arith.constant 0 : index
          %get3A_727 = tpu.vector_load %arg16[%get3A_725, %get3A_726] {strides = array<i32>} : memref<128x128xf32, #tpu.memory_space<vmem>>, vector<16xf32>,
          %mul3A_728 = vector.broadcast %squeeze3A_724 : f32 to vector<16xf32>
          %mul3A_729 = arith.mulf %get3A_727, %mul3A_728 : vector<16xf32>
          %swap3A_730 = arith.index_cast %add3A_722 : i32 to index
          %swap3A_731 = arith.constant 0 : index
          %swap3A_732 = tpu.vector_load %arg16[%swap3A_730, %swap3A_731] {strides = array<i32>} : memref<128x128xf32, #tpu.memory_space<vmem>>, vector<16xf32>,
          tpu.vector_store %arg16[%swap3A_730, %swap3A_731], %mul3A_729 {strides = array<i32>} : memref<128x128xf32, #tpu.memory_space<vmem>>, vector<16xf32>,
          %get3A_733 = arith.index_cast %add3A_722 : i32 to index
          %get3A_734 = arith.constant 16 : index
          %get3A_735 = tpu.vector_load %arg16[%get3A_733, %get3A_734] {strides = array<i32>} : memref<128x128xf32, #tpu.memory_space<vmem>>, vector<16xf32>,
          %mul3A_736 = vector.broadcast %squeeze3A_724 : f32 to vector<16xf32>
          %mul3A_737 = arith.mulf %get3A_735, %mul3A_736 : vector<16xf32>
          %swap3A_738 = arith.index_cast %add3A_722 : i32 to index
          %swap3A_739 = arith.constant 16 : index
          %swap3A_740 = tpu.vector_load %arg16[%swap3A_738, %swap3A_739] {strides = array<i32>} : memref<128x128xf32, #tpu.memory_space<vmem>>, vector<16xf32>,
          tpu.vector_store %arg16[%swap3A_738, %swap3A_739], %mul3A_737 {strides = array<i32>} : memref<128x128xf32, #tpu.memory_space<vmem>>, vector<16xf32>,
          %get3A_741 = arith.index_cast %add3A_722 : i32 to index
          %get3A_742 = arith.constant 32 : index
          %get3A_743 = tpu.vector_load %arg16[%get3A_741, %get3A_742] {strides = array<i32>} : memref<128x128xf32, #tpu.memory_space<vmem>>, vector<16xf32>,
          %mul3A_744 = vector.broadcast %squeeze3A_724 : f32 to vector<16xf32>
          %mul3A_745 = arith.mulf %get3A_743, %mul3A_744 : vector<16xf32>
          %swap3A_746 = arith.index_cast %add3A_722 : i32 to index
          %swap3A_747 = arith.constant 32 : index
          %swap3A_748 = tpu.vector_load %arg16[%swap3A_746, %swap3A_747] {strides = array<i32>} : memref<128x128xf32, #tpu.memory_space<vmem>>, vector<16xf32>,
          tpu.vector_store %arg16[%swap3A_746, %swap3A_747], %mul3A_745 {strides = array<i32>} : memref<128x128xf32, #tpu.memory_space<vmem>>, vector<16xf32>,
          %get3A_749 = arith.index_cast %add3A_722 : i32 to index
          %get3A_750 = arith.constant 48 : index
          %get3A_751 = tpu.vector_load %arg16[%get3A_749, %get3A_750] {strides = array<i32>} : memref<128x128xf32, #tpu.memory_space<vmem>>, vector<16xf32>,
          %mul3A_752 = vector.broadcast %squeeze3A_724 : f32 to vector<16xf32>
          %mul3A_753 = arith.mulf %get3A_751, %mul3A_752 : vector<16xf32>
          %swap3A_754 = arith.index_cast %add3A_722 : i32 to index
          %swap3A_755 = arith.constant 48 : index
          %swap3A_756 = tpu.vector_load %arg16[%swap3A_754, %swap3A_755] {strides = array<i32>} : memref<128x128xf32, #tpu.memory_space<vmem>>, vector<16xf32>,
          tpu.vector_store %arg16[%swap3A_754, %swap3A_755], %mul3A_753 {strides = array<i32>} : memref<128x128xf32, #tpu.memory_space<vmem>>, vector<16xf32>,
          %mul3A_757 = arith.constant 16 : i32
          %mul3A_758 = arith.muli %add3A_374, %mul3A_757 : i32
          %add3A_759 = arith.constant 10 : i32
          %add3A_760 = arith.addi %mul3A_758, %add3A_759 : i32
          %slice3A_761 = vector.extract_strided_slice %get3A_378 {offsets = [10], sizes = [1], strides = [1]} : vector<16xf32> to vector<1xf32>
          %squeeze3A_762 = vector.extract %slice3A_761[0] : f32 from vector<1xf32>
          %get3A_763 = arith.index_cast %add3A_760 : i32 to index
          %get3A_764 = arith.constant 0 : index
          %get3A_765 = tpu.vector_load %arg16[%get3A_763, %get3A_764] {strides = array<i32>} : memref<128x128xf32, #tpu.memory_space<vmem>>, vector<16xf32>,
          %mul3A_766 = vector.broadcast %squeeze3A_762 : f32 to vector<16xf32>
          %mul3A_767 = arith.mulf %get3A_765, %mul3A_766 : vector<16xf32>
          %swap3A_768 = arith.index_cast %add3A_760 : i32 to index
          %swap3A_769 = arith.constant 0 : index
          %swap3A_770 = tpu.vector_load %arg16[%swap3A_768, %swap3A_769] {strides = array<i32>} : memref<128x128xf32, #tpu.memory_space<vmem>>, vector<16xf32>,
          tpu.vector_store %arg16[%swap3A_768, %swap3A_769], %mul3A_767 {strides = array<i32>} : memref<128x128xf32, #tpu.memory_space<vmem>>, vector<16xf32>,
          %get3A_771 = arith.index_cast %add3A_760 : i32 to index
          %get3A_772 = arith.constant 16 : index
          %get3A_773 = tpu.vector_load %arg16[%get3A_771, %get3A_772] {strides = array<i32>} : memref<128x128xf32, #tpu.memory_space<vmem>>, vector<16xf32>,
          %mul3A_774 = vector.broadcast %squeeze3A_762 : f32 to vector<16xf32>
          %mul3A_775 = arith.mulf %get3A_773, %mul3A_774 : vector<16xf32>
          %swap3A_776 = arith.index_cast %add3A_760 : i32 to index
          %swap3A_777 = arith.constant 16 : index
          %swap3A_778 = tpu.vector_load %arg16[%swap3A_776, %swap3A_777] {strides = array<i32>} : memref<128x128xf32, #tpu.memory_space<vmem>>, vector<16xf32>,
          tpu.vector_store %arg16[%swap3A_776, %swap3A_777], %mul3A_775 {strides = array<i32>} : memref<128x128xf32, #tpu.memory_space<vmem>>, vector<16xf32>,
          %get3A_779 = arith.index_cast %add3A_760 : i32 to index
          %get3A_780 = arith.constant 32 : index
          %get3A_781 = tpu.vector_load %arg16[%get3A_779, %get3A_780] {strides = array<i32>} : memref<128x128xf32, #tpu.memory_space<vmem>>, vector<16xf32>,
          %mul3A_782 = vector.broadcast %squeeze3A_762 : f32 to vector<16xf32>
          %mul3A_783 = arith.mulf %get3A_781, %mul3A_782 : vector<16xf32>
          %swap3A_784 = arith.index_cast %add3A_760 : i32 to index
          %swap3A_785 = arith.constant 32 : index
          %swap3A_786 = tpu.vector_load %arg16[%swap3A_784, %swap3A_785] {strides = array<i32>} : memref<128x128xf32, #tpu.memory_space<vmem>>, vector<16xf32>,
          tpu.vector_store %arg16[%swap3A_784, %swap3A_785], %mul3A_783 {strides = array<i32>} : memref<128x128xf32, #tpu.memory_space<vmem>>, vector<16xf32>,
          %get3A_787 = arith.index_cast %add3A_760 : i32 to index
          %get3A_788 = arith.constant 48 : index
          %get3A_789 = tpu.vector_load %arg16[%get3A_787, %get3A_788] {strides = array<i32>} : memref<128x128xf32, #tpu.memory_space<vmem>>, vector<16xf32>,
          %mul3A_790 = vector.broadcast %squeeze3A_762 : f32 to vector<16xf32>
          %mul3A_791 = arith.mulf %get3A_789, %mul3A_790 : vector<16xf32>
          %swap3A_792 = arith.index_cast %add3A_760 : i32 to index
          %swap3A_793 = arith.constant 48 : index
          %swap3A_794 = tpu.vector_load %arg16[%swap3A_792, %swap3A_793] {strides = array<i32>} : memref<128x128xf32, #tpu.memory_space<vmem>>, vector<16xf32>,
          tpu.vector_store %arg16[%swap3A_792, %swap3A_793], %mul3A_791 {strides = array<i32>} : memref<128x128xf32, #tpu.memory_space<vmem>>, vector<16xf32>,
          %mul3A_795 = arith.constant 16 : i32
          %mul3A_796 = arith.muli %add3A_374, %mul3A_795 : i32
          %add3A_797 = arith.constant 11 : i32
          %add3A_798 = arith.addi %mul3A_796, %add3A_797 : i32
          %slice3A_799 = vector.extract_strided_slice %get3A_378 {offsets = [11], sizes = [1], strides = [1]} : vector<16xf32> to vector<1xf32>
          %squeeze3A_800 = vector.extract %slice3A_799[0] : f32 from vector<1xf32>
          %get3A_801 = arith.index_cast %add3A_798 : i32 to index
          %get3A_802 = arith.constant 0 : index
          %get3A_803 = tpu.vector_load %arg16[%get3A_801, %get3A_802] {strides = array<i32>} : memref<128x128xf32, #tpu.memory_space<vmem>>, vector<16xf32>,
          %mul3A_804 = vector.broadcast %squeeze3A_800 : f32 to vector<16xf32>
          %mul3A_805 = arith.mulf %get3A_803, %mul3A_804 : vector<16xf32>
          %swap3A_806 = arith.index_cast %add3A_798 : i32 to index
          %swap3A_807 = arith.constant 0 : index
          %swap3A_808 = tpu.vector_load %arg16[%swap3A_806, %swap3A_807] {strides = array<i32>} : memref<128x128xf32, #tpu.memory_space<vmem>>, vector<16xf32>,
          tpu.vector_store %arg16[%swap3A_806, %swap3A_807], %mul3A_805 {strides = array<i32>} : memref<128x128xf32, #tpu.memory_space<vmem>>, vector<16xf32>,
          %get3A_809 = arith.index_cast %add3A_798 : i32 to index
          %get3A_810 = arith.constant 16 : index
          %get3A_811 = tpu.vector_load %arg16[%get3A_809, %get3A_810] {strides = array<i32>} : memref<128x128xf32, #tpu.memory_space<vmem>>, vector<16xf32>,
          %mul3A_812 = vector.broadcast %squeeze3A_800 : f32 to vector<16xf32>
          %mul3A_813 = arith.mulf %get3A_811, %mul3A_812 : vector<16xf32>
          %swap3A_814 = arith.index_cast %add3A_798 : i32 to index
          %swap3A_815 = arith.constant 16 : index
          %swap3A_816 = tpu.vector_load %arg16[%swap3A_814, %swap3A_815] {strides = array<i32>} : memref<128x128xf32, #tpu.memory_space<vmem>>, vector<16xf32>,
          tpu.vector_store %arg16[%swap3A_814, %swap3A_815], %mul3A_813 {strides = array<i32>} : memref<128x128xf32, #tpu.memory_space<vmem>>, vector<16xf32>,
          %get3A_817 = arith.index_cast %add3A_798 : i32 to index
          %get3A_818 = arith.constant 32 : index
          %get3A_819 = tpu.vector_load %arg16[%get3A_817, %get3A_818] {strides = array<i32>} : memref<128x128xf32, #tpu.memory_space<vmem>>, vector<16xf32>,
          %mul3A_820 = vector.broadcast %squeeze3A_800 : f32 to vector<16xf32>
          %mul3A_821 = arith.mulf %get3A_819, %mul3A_820 : vector<16xf32>
          %swap3A_822 = arith.index_cast %add3A_798 : i32 to index
          %swap3A_823 = arith.constant 32 : index
          %swap3A_824 = tpu.vector_load %arg16[%swap3A_822, %swap3A_823] {strides = array<i32>} : memref<128x128xf32, #tpu.memory_space<vmem>>, vector<16xf32>,
          tpu.vector_store %arg16[%swap3A_822, %swap3A_823], %mul3A_821 {strides = array<i32>} : memref<128x128xf32, #tpu.memory_space<vmem>>, vector<16xf32>,
          %get3A_825 = arith.index_cast %add3A_798 : i32 to index
          %get3A_826 = arith.constant 48 : index
          %get3A_827 = tpu.vector_load %arg16[%get3A_825, %get3A_826] {strides = array<i32>} : memref<128x128xf32, #tpu.memory_space<vmem>>, vector<16xf32>,
          %mul3A_828 = vector.broadcast %squeeze3A_800 : f32 to vector<16xf32>
          %mul3A_829 = arith.mulf %get3A_827, %mul3A_828 : vector<16xf32>
          %swap3A_830 = arith.index_cast %add3A_798 : i32 to index
          %swap3A_831 = arith.constant 48 : index
          %swap3A_832 = tpu.vector_load %arg16[%swap3A_830, %swap3A_831] {strides = array<i32>} : memref<128x128xf32, #tpu.memory_space<vmem>>, vector<16xf32>,
          tpu.vector_store %arg16[%swap3A_830, %swap3A_831], %mul3A_829 {strides = array<i32>} : memref<128x128xf32, #tpu.memory_space<vmem>>, vector<16xf32>,
          %mul3A_833 = arith.constant 16 : i32
          %mul3A_834 = arith.muli %add3A_374, %mul3A_833 : i32
          %add3A_835 = arith.constant 12 : i32
          %add3A_836 = arith.addi %mul3A_834, %add3A_835 : i32
          %slice3A_837 = vector.extract_strided_slice %get3A_378 {offsets = [12], sizes = [1], strides = [1]} : vector<16xf32> to vector<1xf32>
          %squeeze3A_838 = vector.extract %slice3A_837[0] : f32 from vector<1xf32>
          %get3A_839 = arith.index_cast %add3A_836 : i32 to index
          %get3A_840 = arith.constant 0 : index
          %get3A_841 = tpu.vector_load %arg16[%get3A_839, %get3A_840] {strides = array<i32>} : memref<128x128xf32, #tpu.memory_space<vmem>>, vector<16xf32>,
          %mul3A_842 = vector.broadcast %squeeze3A_838 : f32 to vector<16xf32>
          %mul3A_843 = arith.mulf %get3A_841, %mul3A_842 : vector<16xf32>
          %swap3A_844 = arith.index_cast %add3A_836 : i32 to index
          %swap3A_845 = arith.constant 0 : index
          %swap3A_846 = tpu.vector_load %arg16[%swap3A_844, %swap3A_845] {strides = array<i32>} : memref<128x128xf32, #tpu.memory_space<vmem>>, vector<16xf32>,
          tpu.vector_store %arg16[%swap3A_844, %swap3A_845], %mul3A_843 {strides = array<i32>} : memref<128x128xf32, #tpu.memory_space<vmem>>, vector<16xf32>,
          %get3A_847 = arith.index_cast %add3A_836 : i32 to index
          %get3A_848 = arith.constant 16 : index
          %get3A_849 = tpu.vector_load %arg16[%get3A_847, %get3A_848] {strides = array<i32>} : memref<128x128xf32, #tpu.memory_space<vmem>>, vector<16xf32>,
          %mul3A_850 = vector.broadcast %squeeze3A_838 : f32 to vector<16xf32>
          %mul3A_851 = arith.mulf %get3A_849, %mul3A_850 : vector<16xf32>
          %swap3A_852 = arith.index_cast %add3A_836 : i32 to index
          %swap3A_853 = arith.constant 16 : index
          %swap3A_854 = tpu.vector_load %arg16[%swap3A_852, %swap3A_853] {strides = array<i32>} : memref<128x128xf32, #tpu.memory_space<vmem>>, vector<16xf32>,
          tpu.vector_store %arg16[%swap3A_852, %swap3A_853], %mul3A_851 {strides = array<i32>} : memref<128x128xf32, #tpu.memory_space<vmem>>, vector<16xf32>,
          %get3A_855 = arith.index_cast %add3A_836 : i32 to index
          %get3A_856 = arith.constant 32 : index
          %get3A_857 = tpu.vector_load %arg16[%get3A_855, %get3A_856] {strides = array<i32>} : memref<128x128xf32, #tpu.memory_space<vmem>>, vector<16xf32>,
          %mul3A_858 = vector.broadcast %squeeze3A_838 : f32 to vector<16xf32>
          %mul3A_859 = arith.mulf %get3A_857, %mul3A_858 : vector<16xf32>
          %swap3A_860 = arith.index_cast %add3A_836 : i32 to index
          %swap3A_861 = arith.constant 32 : index
          %swap3A_862 = tpu.vector_load %arg16[%swap3A_860, %swap3A_861] {strides = array<i32>} : memref<128x128xf32, #tpu.memory_space<vmem>>, vector<16xf32>,
          tpu.vector_store %arg16[%swap3A_860, %swap3A_861], %mul3A_859 {strides = array<i32>} : memref<128x128xf32, #tpu.memory_space<vmem>>, vector<16xf32>,
          %get3A_863 = arith.index_cast %add3A_836 : i32 to index
          %get3A_864 = arith.constant 48 : index
          %get3A_865 = tpu.vector_load %arg16[%get3A_863, %get3A_864] {strides = array<i32>} : memref<128x128xf32, #tpu.memory_space<vmem>>, vector<16xf32>,
          %mul3A_866 = vector.broadcast %squeeze3A_838 : f32 to vector<16xf32>
          %mul3A_867 = arith.mulf %get3A_865, %mul3A_866 : vector<16xf32>
          %swap3A_868 = arith.index_cast %add3A_836 : i32 to index
          %swap3A_869 = arith.constant 48 : index
          %swap3A_870 = tpu.vector_load %arg16[%swap3A_868, %swap3A_869] {strides = array<i32>} : memref<128x128xf32, #tpu.memory_space<vmem>>, vector<16xf32>,
          tpu.vector_store %arg16[%swap3A_868, %swap3A_869], %mul3A_867 {strides = array<i32>} : memref<128x128xf32, #tpu.memory_space<vmem>>, vector<16xf32>,
          %mul3A_871 = arith.constant 16 : i32
          %mul3A_872 = arith.muli %add3A_374, %mul3A_871 : i32
          %add3A_873 = arith.constant 13 : i32
          %add3A_874 = arith.addi %mul3A_872, %add3A_873 : i32
          %slice3A_875 = vector.extract_strided_slice %get3A_378 {offsets = [13], sizes = [1], strides = [1]} : vector<16xf32> to vector<1xf32>
          %squeeze3A_876 = vector.extract %slice3A_875[0] : f32 from vector<1xf32>
          %get3A_877 = arith.index_cast %add3A_874 : i32 to index
          %get3A_878 = arith.constant 0 : index
          %get3A_879 = tpu.vector_load %arg16[%get3A_877, %get3A_878] {strides = array<i32>} : memref<128x128xf32, #tpu.memory_space<vmem>>, vector<16xf32>,
          %mul3A_880 = vector.broadcast %squeeze3A_876 : f32 to vector<16xf32>
          %mul3A_881 = arith.mulf %get3A_879, %mul3A_880 : vector<16xf32>
          %swap3A_882 = arith.index_cast %add3A_874 : i32 to index
          %swap3A_883 = arith.constant 0 : index
          %swap3A_884 = tpu.vector_load %arg16[%swap3A_882, %swap3A_883] {strides = array<i32>} : memref<128x128xf32, #tpu.memory_space<vmem>>, vector<16xf32>,
          tpu.vector_store %arg16[%swap3A_882, %swap3A_883], %mul3A_881 {strides = array<i32>} : memref<128x128xf32, #tpu.memory_space<vmem>>, vector<16xf32>,
          %get3A_885 = arith.index_cast %add3A_874 : i32 to index
          %get3A_886 = arith.constant 16 : index
          %get3A_887 = tpu.vector_load %arg16[%get3A_885, %get3A_886] {strides = array<i32>} : memref<128x128xf32, #tpu.memory_space<vmem>>, vector<16xf32>,
          %mul3A_888 = vector.broadcast %squeeze3A_876 : f32 to vector<16xf32>
          %mul3A_889 = arith.mulf %get3A_887, %mul3A_888 : vector<16xf32>
          %swap3A_890 = arith.index_cast %add3A_874 : i32 to index
          %swap3A_891 = arith.constant 16 : index
          %swap3A_892 = tpu.vector_load %arg16[%swap3A_890, %swap3A_891] {strides = array<i32>} : memref<128x128xf32, #tpu.memory_space<vmem>>, vector<16xf32>,
          tpu.vector_store %arg16[%swap3A_890, %swap3A_891], %mul3A_889 {strides = array<i32>} : memref<128x128xf32, #tpu.memory_space<vmem>>, vector<16xf32>,
          %get3A_893 = arith.index_cast %add3A_874 : i32 to index
          %get3A_894 = arith.constant 32 : index
          %get3A_895 = tpu.vector_load %arg16[%get3A_893, %get3A_894] {strides = array<i32>} : memref<128x128xf32, #tpu.memory_space<vmem>>, vector<16xf32>,
          %mul3A_896 = vector.broadcast %squeeze3A_876 : f32 to vector<16xf32>
          %mul3A_897 = arith.mulf %get3A_895, %mul3A_896 : vector<16xf32>
          %swap3A_898 = arith.index_cast %add3A_874 : i32 to index
          %swap3A_899 = arith.constant 32 : index
          %swap3A_900 = tpu.vector_load %arg16[%swap3A_898, %swap3A_899] {strides = array<i32>} : memref<128x128xf32, #tpu.memory_space<vmem>>, vector<16xf32>,
          tpu.vector_store %arg16[%swap3A_898, %swap3A_899], %mul3A_897 {strides = array<i32>} : memref<128x128xf32, #tpu.memory_space<vmem>>, vector<16xf32>,
          %get3A_901 = arith.index_cast %add3A_874 : i32 to index
          %get3A_902 = arith.constant 48 : index
          %get3A_903 = tpu.vector_load %arg16[%get3A_901, %get3A_902] {strides = array<i32>} : memref<128x128xf32, #tpu.memory_space<vmem>>, vector<16xf32>,
          %mul3A_904 = vector.broadcast %squeeze3A_876 : f32 to vector<16xf32>
          %mul3A_905 = arith.mulf %get3A_903, %mul3A_904 : vector<16xf32>
          %swap3A_906 = arith.index_cast %add3A_874 : i32 to index
          %swap3A_907 = arith.constant 48 : index
          %swap3A_908 = tpu.vector_load %arg16[%swap3A_906, %swap3A_907] {strides = array<i32>} : memref<128x128xf32, #tpu.memory_space<vmem>>, vector<16xf32>,
          tpu.vector_store %arg16[%swap3A_906, %swap3A_907], %mul3A_905 {strides = array<i32>} : memref<128x128xf32, #tpu.memory_space<vmem>>, vector<16xf32>,
          %mul3A_909 = arith.constant 16 : i32
          %mul3A_910 = arith.muli %add3A_374, %mul3A_909 : i32
          %add3A_911 = arith.constant 14 : i32
          %add3A_912 = arith.addi %mul3A_910, %add3A_911 : i32
          %slice3A_913 = vector.extract_strided_slice %get3A_378 {offsets = [14], sizes = [1], strides = [1]} : vector<16xf32> to vector<1xf32>
          %squeeze3A_914 = vector.extract %slice3A_913[0] : f32 from vector<1xf32>
          %get3A_915 = arith.index_cast %add3A_912 : i32 to index
          %get3A_916 = arith.constant 0 : index
          %get3A_917 = tpu.vector_load %arg16[%get3A_915, %get3A_916] {strides = array<i32>} : memref<128x128xf32, #tpu.memory_space<vmem>>, vector<16xf32>,
          %mul3A_918 = vector.broadcast %squeeze3A_914 : f32 to vector<16xf32>
          %mul3A_919 = arith.mulf %get3A_917, %mul3A_918 : vector<16xf32>
          %swap3A_920 = arith.index_cast %add3A_912 : i32 to index
          %swap3A_921 = arith.constant 0 : index
          %swap3A_922 = tpu.vector_load %arg16[%swap3A_920, %swap3A_921] {strides = array<i32>} : memref<128x128xf32, #tpu.memory_space<vmem>>, vector<16xf32>,
          tpu.vector_store %arg16[%swap3A_920, %swap3A_921], %mul3A_919 {strides = array<i32>} : memref<128x128xf32, #tpu.memory_space<vmem>>, vector<16xf32>,
          %get3A_923 = arith.index_cast %add3A_912 : i32 to index
          %get3A_924 = arith.constant 16 : index
          %get3A_925 = tpu.vector_load %arg16[%get3A_923, %get3A_924] {strides = array<i32>} : memref<128x128xf32, #tpu.memory_space<vmem>>, vector<16xf32>,
          %mul3A_926 = vector.broadcast %squeeze3A_914 : f32 to vector<16xf32>
          %mul3A_927 = arith.mulf %get3A_925, %mul3A_926 : vector<16xf32>
          %swap3A_928 = arith.index_cast %add3A_912 : i32 to index
          %swap3A_929 = arith.constant 16 : index
          %swap3A_930 = tpu.vector_load %arg16[%swap3A_928, %swap3A_929] {strides = array<i32>} : memref<128x128xf32, #tpu.memory_space<vmem>>, vector<16xf32>,
          tpu.vector_store %arg16[%swap3A_928, %swap3A_929], %mul3A_927 {strides = array<i32>} : memref<128x128xf32, #tpu.memory_space<vmem>>, vector<16xf32>,
          %get3A_931 = arith.index_cast %add3A_912 : i32 to index
          %get3A_932 = arith.constant 32 : index
          %get3A_933 = tpu.vector_load %arg16[%get3A_931, %get3A_932] {strides = array<i32>} : memref<128x128xf32, #tpu.memory_space<vmem>>, vector<16xf32>,
          %mul3A_934 = vector.broadcast %squeeze3A_914 : f32 to vector<16xf32>
          %mul3A_935 = arith.mulf %get3A_933, %mul3A_934 : vector<16xf32>
          %swap3A_936 = arith.index_cast %add3A_912 : i32 to index
          %swap3A_937 = arith.constant 32 : index
          %swap3A_938 = tpu.vector_load %arg16[%swap3A_936, %swap3A_937] {strides = array<i32>} : memref<128x128xf32, #tpu.memory_space<vmem>>, vector<16xf32>,
          tpu.vector_store %arg16[%swap3A_936, %swap3A_937], %mul3A_935 {strides = array<i32>} : memref<128x128xf32, #tpu.memory_space<vmem>>, vector<16xf32>,
          %get3A_939 = arith.index_cast %add3A_912 : i32 to index
          %get3A_940 = arith.constant 48 : index
          %get3A_941 = tpu.vector_load %arg16[%get3A_939, %get3A_940] {strides = array<i32>} : memref<128x128xf32, #tpu.memory_space<vmem>>, vector<16xf32>,
          %mul3A_942 = vector.broadcast %squeeze3A_914 : f32 to vector<16xf32>
          %mul3A_943 = arith.mulf %get3A_941, %mul3A_942 : vector<16xf32>
          %swap3A_944 = arith.index_cast %add3A_912 : i32 to index
          %swap3A_945 = arith.constant 48 : index
          %swap3A_946 = tpu.vector_load %arg16[%swap3A_944, %swap3A_945] {strides = array<i32>} : memref<128x128xf32, #tpu.memory_space<vmem>>, vector<16xf32>,
          tpu.vector_store %arg16[%swap3A_944, %swap3A_945], %mul3A_943 {strides = array<i32>} : memref<128x128xf32, #tpu.memory_space<vmem>>, vector<16xf32>,
          %mul3A_947 = arith.constant 16 : i32
          %mul3A_948 = arith.muli %add3A_374, %mul3A_947 : i32
          %add3A_949 = arith.constant 15 : i32
          %add3A_950 = arith.addi %mul3A_948, %add3A_949 : i32
          %slice3A_951 = vector.extract_strided_slice %get3A_378 {offsets = [15], sizes = [1], strides = [1]} : vector<16xf32> to vector<1xf32>
          %squeeze3A_952 = vector.extract %slice3A_951[0] : f32 from vector<1xf32>
          %get3A_953 = arith.index_cast %add3A_950 : i32 to index
          %get3A_954 = arith.constant 0 : index
          %get3A_955 = tpu.vector_load %arg16[%get3A_953, %get3A_954] {strides = array<i32>} : memref<128x128xf32, #tpu.memory_space<vmem>>, vector<16xf32>,
          %mul3A_956 = vector.broadcast %squeeze3A_952 : f32 to vector<16xf32>
          %mul3A_957 = arith.mulf %get3A_955, %mul3A_956 : vector<16xf32>
          %swap3A_958 = arith.index_cast %add3A_950 : i32 to index
          %swap3A_959 = arith.constant 0 : index
          %swap3A_960 = tpu.vector_load %arg16[%swap3A_958, %swap3A_959] {strides = array<i32>} : memref<128x128xf32, #tpu.memory_space<vmem>>, vector<16xf32>,
          tpu.vector_store %arg16[%swap3A_958, %swap3A_959], %mul3A_957 {strides = array<i32>} : memref<128x128xf32, #tpu.memory_space<vmem>>, vector<16xf32>,
          %get3A_961 = arith.index_cast %add3A_950 : i32 to index
          %get3A_962 = arith.constant 16 : index
          %get3A_963 = tpu.vector_load %arg16[%get3A_961, %get3A_962] {strides = array<i32>} : memref<128x128xf32, #tpu.memory_space<vmem>>, vector<16xf32>,
          %mul3A_964 = vector.broadcast %squeeze3A_952 : f32 to vector<16xf32>
          %mul3A_965 = arith.mulf %get3A_963, %mul3A_964 : vector<16xf32>
          %swap3A_966 = arith.index_cast %add3A_950 : i32 to index
          %swap3A_967 = arith.constant 16 : index
          %swap3A_968 = tpu.vector_load %arg16[%swap3A_966, %swap3A_967] {strides = array<i32>} : memref<128x128xf32, #tpu.memory_space<vmem>>, vector<16xf32>,
          tpu.vector_store %arg16[%swap3A_966, %swap3A_967], %mul3A_965 {strides = array<i32>} : memref<128x128xf32, #tpu.memory_space<vmem>>, vector<16xf32>,
          %get3A_969 = arith.index_cast %add3A_950 : i32 to index
          %get3A_970 = arith.constant 32 : index
          %get3A_971 = tpu.vector_load %arg16[%get3A_969, %get3A_970] {strides = array<i32>} : memref<128x128xf32, #tpu.memory_space<vmem>>, vector<16xf32>,
          %mul3A_972 = vector.broadcast %squeeze3A_952 : f32 to vector<16xf32>
          %mul3A_973 = arith.mulf %get3A_971, %mul3A_972 : vector<16xf32>
          %swap3A_974 = arith.index_cast %add3A_950 : i32 to index
          %swap3A_975 = arith.constant 32 : index
          %swap3A_976 = tpu.vector_load %arg16[%swap3A_974, %swap3A_975] {strides = array<i32>} : memref<128x128xf32, #tpu.memory_space<vmem>>, vector<16xf32>,
          tpu.vector_store %arg16[%swap3A_974, %swap3A_975], %mul3A_973 {strides = array<i32>} : memref<128x128xf32, #tpu.memory_space<vmem>>, vector<16xf32>,
          %get3A_977 = arith.index_cast %add3A_950 : i32 to index
          %get3A_978 = arith.constant 48 : index
          %get3A_979 = tpu.vector_load %arg16[%get3A_977, %get3A_978] {strides = array<i32>} : memref<128x128xf32, #tpu.memory_space<vmem>>, vector<16xf32>,
          %mul3A_980 = vector.broadcast %squeeze3A_952 : f32 to vector<16xf32>
          %mul3A_981 = arith.mulf %get3A_979, %mul3A_980 : vector<16xf32>
          %swap3A_982 = arith.index_cast %add3A_950 : i32 to index
          %swap3A_983 = arith.constant 48 : index
          %swap3A_984 = tpu.vector_load %arg16[%swap3A_982, %swap3A_983] {strides = array<i32>} : memref<128x128xf32, #tpu.memory_space<vmem>>, vector<16xf32>,
          tpu.vector_store %arg16[%swap3A_982, %swap3A_983], %mul3A_981 {strides = array<i32>} : memref<128x128xf32, #tpu.memory_space<vmem>>, vector<16xf32>,
        }
        %scan3A_366 = arith.constant 8 : i32
        %dma_start3A_367 = arith.constant 0 : i32
        %dma_start3A_368 = arith.constant 0 : i32
        %dma_start3A_369 = tpu.memref_slice %arg17[%dma_start3A_367, %dma_start3A_368] : memref<10240x128xf32, #tpu.memory_space<vmem_shared>> -> memref<10240x128xf32, #tpu.memory_space<vmem_shared>>
        tpu.enqueue_indirect_dma source(%arg16 : memref<128x128xf32, #tpu.memory_space<vmem>>) target(%dma_start3A_369 : memref<10240x128xf32, #tpu.memory_space<vmem_shared>>) offsets(%arg13 : memref<128xi32, #tpu.memory_space<vmem>>) semaphore(%arg19 : memref<!tpu.dma_semaphore, #tpu.memory_space<semaphore_mem>>) {add = true}
      }
      %scan3A_23 = arith.constant 81 : i32
      %dma_wait3A = arith.constant 0 : i32
      %dma_wait3A_24 = arith.constant 0 : i32
      %dma_wait3A_25 = tpu.memref_slice %arg17[%dma_wait3A, %dma_wait3A_24] : memref<10240x128xf32, #tpu.memory_space<vmem_shared>> -> memref<10240x128xf32, #tpu.memory_space<vmem_shared>>
      tpu.wait_indirect_dma semaphore(%arg19 : memref<!tpu.dma_semaphore, #tpu.memory_space<semaphore_mem>>) src(%arg16 : memref<128x128xf32, #tpu.memory_space<vmem>>) dst(%dma_wait3A_25 : memref<10240x128xf32, #tpu.memory_space<vmem_shared>>)
      %barrier3A_26 = arith.constant 0 : index
      tpu.barrier barrier_id(%barrier3A_26)
      "tpu.region"() ({
        %run_scoped3A = tpu.sem_alloc : memref<!tpu.dma_semaphore, #tpu.memory_space<semaphore_mem>>
        %dma_start3A = arith.constant 0 : i32
        %dma_start3A_27 = tpu.memref_slice %arg7[%arg0, %add3A_11, %mul3A_2, %dma_start3A] : memref<2x4x10240x128xf32, #tpu.memory_space<hbm>> -> memref<1x1x640x128xf32, #tpu.memory_space<hbm>>
        %dma_start3A_28 = tpu.memref_squeeze %dma_start3A_27 : memref<1x1x640x128xf32, #tpu.memory_space<hbm>> -> memref<640x128xf32, #tpu.memory_space<hbm>>
        %dma_start3A_29 = arith.constant 0 : i32
        %dma_start3A_30 = tpu.memref_slice %arg17[%mul3A_2, %dma_start3A_29] : memref<10240x128xf32, #tpu.memory_space<vmem_shared>> -> memref<640x128xf32, #tpu.memory_space<vmem_shared>>
        tpu.enqueue_dma source(%dma_start3A_30 : memref<640x128xf32, #tpu.memory_space<vmem_shared>>) target(%dma_start3A_28 : memref<640x128xf32, #tpu.memory_space<hbm>>) target_semaphore(%run_scoped3A : memref<!tpu.dma_semaphore, #tpu.memory_space<semaphore_mem>>)
        %dma_wait3A_31 = arith.constant 0 : i32
        %dma_wait3A_32 = tpu.memref_slice %arg7[%arg0, %add3A_11, %mul3A_2, %dma_wait3A_31] : memref<2x4x10240x128xf32, #tpu.memory_space<hbm>> -> memref<1x1x640x128xf32, #tpu.memory_space<hbm>>
        %dma_wait3A_33 = tpu.memref_squeeze %dma_wait3A_32 : memref<1x1x640x128xf32, #tpu.memory_space<hbm>> -> memref<640x128xf32, #tpu.memory_space<hbm>>
        %dma_wait3A_34 = arith.constant 0 : i32
        %dma_wait3A_35 = tpu.memref_slice %arg17[%mul3A_2, %dma_wait3A_34] : memref<10240x128xf32, #tpu.memory_space<vmem_shared>> -> memref<640x128xf32, #tpu.memory_space<vmem_shared>>
        tpu.wait_dma2 semaphore(%run_scoped3A : memref<!tpu.dma_semaphore, #tpu.memory_space<semaphore_mem>>) src(%dma_wait3A_35 : memref<640x128xf32, #tpu.memory_space<vmem_shared>>) dst(%dma_wait3A_33 : memref<640x128xf32, #tpu.memory_space<hbm>>)
        tpu.yield
      }) : () -> ()
      "tpu.region"() ({
        %run_scoped3A = tpu.sem_alloc : memref<!tpu.dma_semaphore, #tpu.memory_space<semaphore_mem>>
        %dma_start3A = arith.constant 0 : i32
        %dma_start3A_27 = tpu.memref_slice %arg8[%arg0, %add3A_11, %arg1, %dma_start3A] : memref<2x4x16x10000xf32, #tpu.memory_space<hbm>> -> memref<1x1x1x10000xf32, #tpu.memory_space<hbm>>
        %dma_start3A_28 = tpu.memref_squeeze %dma_start3A_27 : memref<1x1x1x10000xf32, #tpu.memory_space<hbm>> -> memref<10000xf32, #tpu.memory_space<hbm>>
        %dma_start3A_29 = arith.constant 0 : i32
        %dma_start3A_30 = tpu.memref_slice %arg8[%arg0, %add3A_11, %arg1, %dma_start3A_29] : memref<2x4x16x10000xf32, #tpu.memory_space<hbm>> -> memref<1x1x1x10000xf32, #tpu.memory_space<hbm>>
        %dma_start3A_31 = tpu.memref_squeeze %dma_start3A_30 : memref<1x1x1x10000xf32, #tpu.memory_space<hbm>> -> memref<10000xf32, #tpu.memory_space<hbm>>
        tpu.enqueue_dma source(%arg11 : memref<10000xf32, #tpu.memory_space<vmem>>) target(%dma_start3A_31 : memref<10000xf32, #tpu.memory_space<hbm>>) target_semaphore(%run_scoped3A : memref<!tpu.dma_semaphore, #tpu.memory_space<semaphore_mem>>)
        %dma_wait3A_32 = arith.constant 0 : i32
        %dma_wait3A_33 = tpu.memref_slice %arg8[%arg0, %add3A_11, %arg1, %dma_wait3A_32] : memref<2x4x16x10000xf32, #tpu.memory_space<hbm>> -> memref<1x1x1x10000xf32, #tpu.memory_space<hbm>>
        %dma_wait3A_34 = tpu.memref_squeeze %dma_wait3A_33 : memref<1x1x1x10000xf32, #tpu.memory_space<hbm>> -> memref<10000xf32, #tpu.memory_space<hbm>>
        %dma_wait3A_35 = arith.constant 0 : i32
        %dma_wait3A_36 = tpu.memref_slice %arg8[%arg0, %add3A_11, %arg1, %dma_wait3A_35] : memref<2x4x16x10000xf32, #tpu.memory_space<hbm>> -> memref<1x1x1x10000xf32, #tpu.memory_space<hbm>>
        %dma_wait3A_37 = tpu.memref_squeeze %dma_wait3A_36 : memref<1x1x1x10000xf32, #tpu.memory_space<hbm>> -> memref<10000xf32, #tpu.memory_space<hbm>>
        tpu.wait_dma2 semaphore(%run_scoped3A : memref<!tpu.dma_semaphore, #tpu.memory_space<semaphore_mem>>) src(%arg11 : memref<10000xf32, #tpu.memory_space<vmem>>) dst(%dma_wait3A_37 : memref<10000xf32, #tpu.memory_space<hbm>>)
        tpu.yield
      }) : () -> ()
    }
    %scan3A_6 = arith.constant 4 : i32
    return
  }
}

#map = affine_map<(d0, d1) -> (0, 0)>
#map1 = affine_map<(d0, d1) -> (0)>
#map2 = affine_map<(d0, d1) -> (0, 0, 0, 0)>
module attributes {stable_mosaic.version = 14 : i64} {
  func.func @sc_gat(%arg0: i32, %arg1: i32, %arg2: memref<10000x128xf32, #tpu.memory_space<hbm>>, %arg3: memref<10000xf32, #tpu.memory_space<hbm>>, %arg4: memref<10000xf32, #tpu.memory_space<hbm>>, %arg5: memref<663552xi32, #tpu.memory_space<hbm>>, %arg6: memref<10240x128xf32, #tpu.memory_space<hbm>>, %arg7: memref<2x1x10240x128xf32, #tpu.memory_space<hbm>>, %arg8: memref<2x1x16x10000xf32, #tpu.memory_space<hbm>>, %arg9: memref<10000xf32, #tpu.memory_space<vmem>>, %arg10: memref<10000xf32, #tpu.memory_space<vmem>>, %arg11: memref<10000xf32, #tpu.memory_space<vmem>>, %arg12: memref<256xi32, #tpu.memory_space<vmem>>, %arg13: memref<128xi32, #tpu.memory_space<vmem>>, %arg14: memref<128xi32, #tpu.memory_space<vmem>>, %arg15: memref<128xf32, #tpu.memory_space<vmem>>, %arg16: memref<128x128xf32, #tpu.memory_space<vmem>>, %arg17: memref<10240x128xf32, #tpu.memory_space<vmem_shared>>, %arg18: memref<!tpu.dma_semaphore, #tpu.memory_space<semaphore_mem>>, %arg19: memref<!tpu.dma_semaphore, #tpu.memory_space<semaphore_mem>>) attributes {dimension_semantics = [#tpu.dimension_semantics<core_parallel>, #tpu.dimension_semantics<subcore_parallel>], iteration_bounds = array<i64: 2, 16>, scalar_prefetch = 0 : i64, scratch_operands = 11 : i64, tpu.core_type = #tpu.core_type<sc_vector_subcore>, window_params = [{transform_indices = #map}, {transform_indices = #map1}, {transform_indices = #map1}, {transform_indices = #map1}, {transform_indices = #map}, {transform_indices = #map2}, {transform_indices = #map2}]} {
    %mul3A = arith.constant 16 : i32
    %mul3A_0 = arith.muli %arg0, %mul3A : i32
    %add3A = arith.addi %mul3A_0, %arg1 : i32
    %mul3A_1 = arith.constant 640 : i32
    %mul3A_2 = arith.muli %arg1, %mul3A_1 : i32
    %scan3A = arith.constant 0 : i32
    %mul3A_3 = arith.constant 1 : i32
    %mul3A_4 = arith.muli %scan3A, %mul3A_3 : i32
    %add3A_5 = arith.constant 0 : i32
    %add3A_6 = arith.addi %add3A_5, %mul3A_4 : i32
    %mul3A_7 = arith.constant 10000 : i32
    %mul3A_8 = arith.muli %add3A_6, %mul3A_7 : i32
    %multiple_of3A = tpu.assume_multiple %mul3A_8, 8 : i32
    "tpu.region"() ({
      %run_scoped3A = tpu.sem_alloc : memref<!tpu.dma_semaphore, #tpu.memory_space<semaphore_mem>>
      %dma_start3A = tpu.memref_slice %arg3[%multiple_of3A] : memref<10000xf32, #tpu.memory_space<hbm>> -> memref<10000xf32, #tpu.memory_space<hbm>>
      %dma_start3A_23 = tpu.memref_slice %arg3[%multiple_of3A] : memref<10000xf32, #tpu.memory_space<hbm>> -> memref<10000xf32, #tpu.memory_space<hbm>>
      tpu.enqueue_dma source(%dma_start3A_23 : memref<10000xf32, #tpu.memory_space<hbm>>) target(%arg9 : memref<10000xf32, #tpu.memory_space<vmem>>) target_semaphore(%run_scoped3A : memref<!tpu.dma_semaphore, #tpu.memory_space<semaphore_mem>>)
      %dma_wait3A_24 = tpu.memref_slice %arg3[%multiple_of3A] : memref<10000xf32, #tpu.memory_space<hbm>> -> memref<10000xf32, #tpu.memory_space<hbm>>
      %dma_wait3A_25 = tpu.memref_slice %arg3[%multiple_of3A] : memref<10000xf32, #tpu.memory_space<hbm>> -> memref<10000xf32, #tpu.memory_space<hbm>>
      tpu.wait_dma2 semaphore(%run_scoped3A : memref<!tpu.dma_semaphore, #tpu.memory_space<semaphore_mem>>) src(%dma_wait3A_25 : memref<10000xf32, #tpu.memory_space<hbm>>) dst(%arg9 : memref<10000xf32, #tpu.memory_space<vmem>>)
      tpu.yield
    }) : () -> ()
    "tpu.region"() ({
      %run_scoped3A = tpu.sem_alloc : memref<!tpu.dma_semaphore, #tpu.memory_space<semaphore_mem>>
      %dma_start3A = tpu.memref_slice %arg4[%multiple_of3A] : memref<10000xf32, #tpu.memory_space<hbm>> -> memref<10000xf32, #tpu.memory_space<hbm>>
      %dma_start3A_23 = tpu.memref_slice %arg4[%multiple_of3A] : memref<10000xf32, #tpu.memory_space<hbm>> -> memref<10000xf32, #tpu.memory_space<hbm>>
      tpu.enqueue_dma source(%dma_start3A_23 : memref<10000xf32, #tpu.memory_space<hbm>>) target(%arg10 : memref<10000xf32, #tpu.memory_space<vmem>>) target_semaphore(%run_scoped3A : memref<!tpu.dma_semaphore, #tpu.memory_space<semaphore_mem>>)
      %dma_wait3A_24 = tpu.memref_slice %arg4[%multiple_of3A] : memref<10000xf32, #tpu.memory_space<hbm>> -> memref<10000xf32, #tpu.memory_space<hbm>>
      %dma_wait3A_25 = tpu.memref_slice %arg4[%multiple_of3A] : memref<10000xf32, #tpu.memory_space<hbm>> -> memref<10000xf32, #tpu.memory_space<hbm>>
      tpu.wait_dma2 semaphore(%run_scoped3A : memref<!tpu.dma_semaphore, #tpu.memory_space<semaphore_mem>>) src(%dma_wait3A_25 : memref<10000xf32, #tpu.memory_space<hbm>>) dst(%arg10 : memref<10000xf32, #tpu.memory_space<vmem>>)
      tpu.yield
    }) : () -> ()
    "tpu.region"() ({
      %run_scoped3A = tpu.sem_alloc : memref<!tpu.dma_semaphore, #tpu.memory_space<semaphore_mem>>
      %dma_start3A = arith.constant 0 : i32
      %dma_start3A_23 = tpu.memref_slice %arg17[%mul3A_2, %dma_start3A] : memref<10240x128xf32, #tpu.memory_space<vmem_shared>> -> memref<640x128xf32, #tpu.memory_space<vmem_shared>>
      %dma_start3A_24 = arith.constant 0 : i32
      %dma_start3A_25 = tpu.memref_slice %arg6[%mul3A_2, %dma_start3A_24] : memref<10240x128xf32, #tpu.memory_space<hbm>> -> memref<640x128xf32, #tpu.memory_space<hbm>>
      tpu.enqueue_dma source(%dma_start3A_25 : memref<640x128xf32, #tpu.memory_space<hbm>>) target(%dma_start3A_23 : memref<640x128xf32, #tpu.memory_space<vmem_shared>>) target_semaphore(%run_scoped3A : memref<!tpu.dma_semaphore, #tpu.memory_space<semaphore_mem>>)
      %dma_wait3A_26 = arith.constant 0 : i32
      %dma_wait3A_27 = tpu.memref_slice %arg17[%mul3A_2, %dma_wait3A_26] : memref<10240x128xf32, #tpu.memory_space<vmem_shared>> -> memref<640x128xf32, #tpu.memory_space<vmem_shared>>
      %dma_wait3A_28 = arith.constant 0 : i32
      %dma_wait3A_29 = tpu.memref_slice %arg6[%mul3A_2, %dma_wait3A_28] : memref<10240x128xf32, #tpu.memory_space<hbm>> -> memref<640x128xf32, #tpu.memory_space<hbm>>
      tpu.wait_dma2 semaphore(%run_scoped3A : memref<!tpu.dma_semaphore, #tpu.memory_space<semaphore_mem>>) src(%dma_wait3A_29 : memref<640x128xf32, #tpu.memory_space<hbm>>) dst(%dma_wait3A_27 : memref<640x128xf32, #tpu.memory_space<vmem_shared>>)
      tpu.yield
    }) : () -> ()
    %scan3A_9 = arith.constant 0 : i32
    %scan3A_10 = arith.constant 625 : i32
    %scan3A_11 = arith.addi %scan3A_9, %scan3A_10 : i32
    %scan3A_12 = arith.constant 1 : i32
    scf.for %scan3A_23 = %scan3A_9 to %scan3A_11 step %scan3A_12  : i32 {
      %mul3A_24 = arith.constant 1 : i32
      %mul3A_25 = arith.muli %scan3A_23, %mul3A_24 : i32
      %add3A_26 = arith.constant 0 : i32
      %add3A_27 = arith.addi %add3A_26, %mul3A_25 : i32
      %broadcast_in_dim3A = arith.constant 0.000000e+00 : f32
      %broadcast_in_dim3A_28 = vector.broadcast %broadcast_in_dim3A : f32 to vector<16xf32>
      %mul3A_29 = arith.constant 16 : i32
      %mul3A_30 = arith.muli %add3A_27, %mul3A_29 : i32
      %multiple_of3A_31 = tpu.assume_multiple %mul3A_30, 8 : i32
      %swap3A = arith.index_cast %multiple_of3A_31 : i32 to index
      %swap3A_32 = tpu.vector_load %arg11[%swap3A] {strides = array<i32>} : memref<10000xf32, #tpu.memory_space<vmem>>, vector<16xf32>,
      tpu.vector_store %arg11[%swap3A], %broadcast_in_dim3A_28 {strides = array<i32>} : memref<10000xf32, #tpu.memory_space<vmem>>, vector<16xf32>,
    }
    %scan3A_13 = arith.constant 625 : i32
    %barrier3A = arith.constant 0 : index
    tpu.barrier barrier_id(%barrier3A)
    %scan3A_14 = arith.constant 0 : i32
    %scan3A_15 = arith.constant 81 : i32
    %scan3A_16 = arith.addi %scan3A_14, %scan3A_15 : i32
    %scan3A_17 = arith.constant 1 : i32
    scf.for %scan3A_23 = %scan3A_14 to %scan3A_16 step %scan3A_17  : i32 {
      %mul3A_24 = arith.constant 1 : i32
      %mul3A_25 = arith.muli %scan3A_23, %mul3A_24 : i32
      %add3A_26 = arith.constant 0 : i32
      %add3A_27 = arith.addi %add3A_26, %mul3A_25 : i32
      %mul3A_28 = arith.constant 10368 : i32
      %mul3A_29 = arith.muli %add3A, %mul3A_28 : i32
      %mul3A_30 = arith.constant 128 : i32
      %mul3A_31 = arith.muli %add3A_27, %mul3A_30 : i32
      %add3A_32 = arith.addi %mul3A_29, %mul3A_31 : i32
      %mul3A_33 = arith.constant 81 : i32
      %mul3A_34 = arith.muli %add3A, %mul3A_33 : i32
      %add3A_35 = arith.addi %mul3A_34, %add3A_27 : i32
      %mul3A_36 = arith.constant 2 : i32
      %mul3A_37 = arith.muli %add3A_35, %mul3A_36 : i32
      %mul3A_38 = arith.constant 128 : i32
      %mul3A_39 = arith.muli %mul3A_37, %mul3A_38 : i32
      %multiple_of3A_40 = tpu.assume_multiple %mul3A_39, 8 : i32
      "tpu.region"() ({
        %run_scoped3A = tpu.sem_alloc : memref<!tpu.dma_semaphore, #tpu.memory_space<semaphore_mem>>
        %dma_start3A_366 = tpu.memref_slice %arg5[%multiple_of3A_40] : memref<663552xi32, #tpu.memory_space<hbm>> -> memref<256xi32, #tpu.memory_space<hbm>>
        %dma_start3A_367 = tpu.memref_slice %arg5[%multiple_of3A_40] : memref<663552xi32, #tpu.memory_space<hbm>> -> memref<256xi32, #tpu.memory_space<hbm>>
        tpu.enqueue_dma source(%dma_start3A_367 : memref<256xi32, #tpu.memory_space<hbm>>) target(%arg12 : memref<256xi32, #tpu.memory_space<vmem>>) target_semaphore(%run_scoped3A : memref<!tpu.dma_semaphore, #tpu.memory_space<semaphore_mem>>)
        %dma_wait3A_368 = tpu.memref_slice %arg5[%multiple_of3A_40] : memref<663552xi32, #tpu.memory_space<hbm>> -> memref<256xi32, #tpu.memory_space<hbm>>
        %dma_wait3A_369 = tpu.memref_slice %arg5[%multiple_of3A_40] : memref<663552xi32, #tpu.memory_space<hbm>> -> memref<256xi32, #tpu.memory_space<hbm>>
        tpu.wait_dma2 semaphore(%run_scoped3A : memref<!tpu.dma_semaphore, #tpu.memory_space<semaphore_mem>>) src(%dma_wait3A_369 : memref<256xi32, #tpu.memory_space<hbm>>) dst(%arg12 : memref<256xi32, #tpu.memory_space<vmem>>)
        tpu.yield
      }) : () -> ()
      %mul3A_41 = arith.constant 10000 : i32
      %mul3A_42 = arith.muli %add3A_6, %mul3A_41 : i32
      %get3A = arith.constant 0 : index
      %get3A_43 = tpu.vector_load %arg12[%get3A] {strides = array<i32>} : memref<256xi32, #tpu.memory_space<vmem>>, vector<16xi32>,
      %add3A_44 = vector.broadcast %mul3A_42 : i32 to vector<16xi32>
      %add3A_45 = arith.addi %add3A_44, %get3A_43 : vector<16xi32>
      %swap3A = arith.constant 0 : index
      %swap3A_46 = tpu.vector_load %arg14[%swap3A] {strides = array<i32>} : memref<128xi32, #tpu.memory_space<vmem>>, vector<16xi32>,
      tpu.vector_store %arg14[%swap3A], %add3A_45 {strides = array<i32>} : memref<128xi32, #tpu.memory_space<vmem>>, vector<16xi32>,
      %mul3A_47 = arith.constant 10000 : i32
      %mul3A_48 = arith.muli %add3A_6, %mul3A_47 : i32
      %get3A_49 = arith.constant 16 : index
      %get3A_50 = tpu.vector_load %arg12[%get3A_49] {strides = array<i32>} : memref<256xi32, #tpu.memory_space<vmem>>, vector<16xi32>,
      %add3A_51 = vector.broadcast %mul3A_48 : i32 to vector<16xi32>
      %add3A_52 = arith.addi %add3A_51, %get3A_50 : vector<16xi32>
      %swap3A_53 = arith.constant 16 : index
      %swap3A_54 = tpu.vector_load %arg14[%swap3A_53] {strides = array<i32>} : memref<128xi32, #tpu.memory_space<vmem>>, vector<16xi32>,
      tpu.vector_store %arg14[%swap3A_53], %add3A_52 {strides = array<i32>} : memref<128xi32, #tpu.memory_space<vmem>>, vector<16xi32>,
      %mul3A_55 = arith.constant 10000 : i32
      %mul3A_56 = arith.muli %add3A_6, %mul3A_55 : i32
      %get3A_57 = arith.constant 32 : index
      %get3A_58 = tpu.vector_load %arg12[%get3A_57] {strides = array<i32>} : memref<256xi32, #tpu.memory_space<vmem>>, vector<16xi32>,
      %add3A_59 = vector.broadcast %mul3A_56 : i32 to vector<16xi32>
      %add3A_60 = arith.addi %add3A_59, %get3A_58 : vector<16xi32>
      %swap3A_61 = arith.constant 32 : index
      %swap3A_62 = tpu.vector_load %arg14[%swap3A_61] {strides = array<i32>} : memref<128xi32, #tpu.memory_space<vmem>>, vector<16xi32>,
      tpu.vector_store %arg14[%swap3A_61], %add3A_60 {strides = array<i32>} : memref<128xi32, #tpu.memory_space<vmem>>, vector<16xi32>,
      %mul3A_63 = arith.constant 10000 : i32
      %mul3A_64 = arith.muli %add3A_6, %mul3A_63 : i32
      %get3A_65 = arith.constant 48 : index
      %get3A_66 = tpu.vector_load %arg12[%get3A_65] {strides = array<i32>} : memref<256xi32, #tpu.memory_space<vmem>>, vector<16xi32>,
      %add3A_67 = vector.broadcast %mul3A_64 : i32 to vector<16xi32>
      %add3A_68 = arith.addi %add3A_67, %get3A_66 : vector<16xi32>
      %swap3A_69 = arith.constant 48 : index
      %swap3A_70 = tpu.vector_load %arg14[%swap3A_69] {strides = array<i32>} : memref<128xi32, #tpu.memory_space<vmem>>, vector<16xi32>,
      tpu.vector_store %arg14[%swap3A_69], %add3A_68 {strides = array<i32>} : memref<128xi32, #tpu.memory_space<vmem>>, vector<16xi32>,
      %mul3A_71 = arith.constant 10000 : i32
      %mul3A_72 = arith.muli %add3A_6, %mul3A_71 : i32
      %get3A_73 = arith.constant 64 : index
      %get3A_74 = tpu.vector_load %arg12[%get3A_73] {strides = array<i32>} : memref<256xi32, #tpu.memory_space<vmem>>, vector<16xi32>,
      %add3A_75 = vector.broadcast %mul3A_72 : i32 to vector<16xi32>
      %add3A_76 = arith.addi %add3A_75, %get3A_74 : vector<16xi32>
      %swap3A_77 = arith.constant 64 : index
      %swap3A_78 = tpu.vector_load %arg14[%swap3A_77] {strides = array<i32>} : memref<128xi32, #tpu.memory_space<vmem>>, vector<16xi32>,
      tpu.vector_store %arg14[%swap3A_77], %add3A_76 {strides = array<i32>} : memref<128xi32, #tpu.memory_space<vmem>>, vector<16xi32>,
      %mul3A_79 = arith.constant 10000 : i32
      %mul3A_80 = arith.muli %add3A_6, %mul3A_79 : i32
      %get3A_81 = arith.constant 80 : index
      %get3A_82 = tpu.vector_load %arg12[%get3A_81] {strides = array<i32>} : memref<256xi32, #tpu.memory_space<vmem>>, vector<16xi32>,
      %add3A_83 = vector.broadcast %mul3A_80 : i32 to vector<16xi32>
      %add3A_84 = arith.addi %add3A_83, %get3A_82 : vector<16xi32>
      %swap3A_85 = arith.constant 80 : index
      %swap3A_86 = tpu.vector_load %arg14[%swap3A_85] {strides = array<i32>} : memref<128xi32, #tpu.memory_space<vmem>>, vector<16xi32>,
      tpu.vector_store %arg14[%swap3A_85], %add3A_84 {strides = array<i32>} : memref<128xi32, #tpu.memory_space<vmem>>, vector<16xi32>,
      %mul3A_87 = arith.constant 10000 : i32
      %mul3A_88 = arith.muli %add3A_6, %mul3A_87 : i32
      %get3A_89 = arith.constant 96 : index
      %get3A_90 = tpu.vector_load %arg12[%get3A_89] {strides = array<i32>} : memref<256xi32, #tpu.memory_space<vmem>>, vector<16xi32>,
      %add3A_91 = vector.broadcast %mul3A_88 : i32 to vector<16xi32>
      %add3A_92 = arith.addi %add3A_91, %get3A_90 : vector<16xi32>
      %swap3A_93 = arith.constant 96 : index
      %swap3A_94 = tpu.vector_load %arg14[%swap3A_93] {strides = array<i32>} : memref<128xi32, #tpu.memory_space<vmem>>, vector<16xi32>,
      tpu.vector_store %arg14[%swap3A_93], %add3A_92 {strides = array<i32>} : memref<128xi32, #tpu.memory_space<vmem>>, vector<16xi32>,
      %mul3A_95 = arith.constant 10000 : i32
      %mul3A_96 = arith.muli %add3A_6, %mul3A_95 : i32
      %get3A_97 = arith.constant 112 : index
      %get3A_98 = tpu.vector_load %arg12[%get3A_97] {strides = array<i32>} : memref<256xi32, #tpu.memory_space<vmem>>, vector<16xi32>,
      %add3A_99 = vector.broadcast %mul3A_96 : i32 to vector<16xi32>
      %add3A_100 = arith.addi %add3A_99, %get3A_98 : vector<16xi32>
      %swap3A_101 = arith.constant 112 : index
      %swap3A_102 = tpu.vector_load %arg14[%swap3A_101] {strides = array<i32>} : memref<128xi32, #tpu.memory_space<vmem>>, vector<16xi32>,
      tpu.vector_store %arg14[%swap3A_101], %add3A_100 {strides = array<i32>} : memref<128xi32, #tpu.memory_space<vmem>>, vector<16xi32>,
      %gt3A = arith.constant 0 : i32
      %gt3A_103 = arith.cmpi sgt, %add3A_27, %gt3A : i32
      %convert_element_type3A = arith.extui %gt3A_103 : i1 to i32
      %cond3A = arith.constant 0 : i32
      %cond3A_104 = arith.cmpi ne, %convert_element_type3A, %cond3A : i32
      scf.if %cond3A_104 {
        %dma_wait3A_366 = arith.constant 0 : i32
        %dma_wait3A_367 = arith.constant 0 : i32
        %dma_wait3A_368 = tpu.memref_slice %arg17[%dma_wait3A_366, %dma_wait3A_367] : memref<10240x128xf32, #tpu.memory_space<vmem_shared>> -> memref<10240x128xf32, #tpu.memory_space<vmem_shared>>
        tpu.wait_indirect_dma semaphore(%arg19 : memref<!tpu.dma_semaphore, #tpu.memory_space<semaphore_mem>>) src(%arg16 : memref<128x128xf32, #tpu.memory_space<vmem>>) dst(%dma_wait3A_368 : memref<10240x128xf32, #tpu.memory_space<vmem_shared>>)
      } else {
      }
      %dma_start3A = arith.constant 0 : i32
      %dma_start3A_105 = arith.constant 0 : i32
      %dma_start3A_106 = tpu.memref_slice %arg2[%dma_start3A, %dma_start3A_105] : memref<10000x128xf32, #tpu.memory_space<hbm>> -> memref<10000x128xf32, #tpu.memory_space<hbm>>
      tpu.enqueue_indirect_dma source(%dma_start3A_106 : memref<10000x128xf32, #tpu.memory_space<hbm>>) target(%arg16 : memref<128x128xf32, #tpu.memory_space<vmem>>) offsets(%arg14 : memref<128xi32, #tpu.memory_space<vmem>>) semaphore(%arg18 : memref<!tpu.dma_semaphore, #tpu.memory_space<semaphore_mem>>)
      %get3A_107 = arith.constant 128 : index
      %get3A_108 = tpu.vector_load %arg12[%get3A_107] {strides = array<i32>} : memref<256xi32, #tpu.memory_space<vmem>>, vector<16xi32>,
      %swap3A_109 = arith.constant 0 : index
      %swap3A_110 = tpu.vector_load %arg13[%swap3A_109] {strides = array<i32>} : memref<128xi32, #tpu.memory_space<vmem>>, vector<16xi32>,
      tpu.vector_store %arg13[%swap3A_109], %get3A_108 {strides = array<i32>} : memref<128xi32, #tpu.memory_space<vmem>>, vector<16xi32>,
      %get3A_111 = arith.constant 144 : index
      %get3A_112 = tpu.vector_load %arg12[%get3A_111] {strides = array<i32>} : memref<256xi32, #tpu.memory_space<vmem>>, vector<16xi32>,
      %swap3A_113 = arith.constant 16 : index
      %swap3A_114 = tpu.vector_load %arg13[%swap3A_113] {strides = array<i32>} : memref<128xi32, #tpu.memory_space<vmem>>, vector<16xi32>,
      tpu.vector_store %arg13[%swap3A_113], %get3A_112 {strides = array<i32>} : memref<128xi32, #tpu.memory_space<vmem>>, vector<16xi32>,
      %get3A_115 = arith.constant 160 : index
      %get3A_116 = tpu.vector_load %arg12[%get3A_115] {strides = array<i32>} : memref<256xi32, #tpu.memory_space<vmem>>, vector<16xi32>,
      %swap3A_117 = arith.constant 32 : index
      %swap3A_118 = tpu.vector_load %arg13[%swap3A_117] {strides = array<i32>} : memref<128xi32, #tpu.memory_space<vmem>>, vector<16xi32>,
      tpu.vector_store %arg13[%swap3A_117], %get3A_116 {strides = array<i32>} : memref<128xi32, #tpu.memory_space<vmem>>, vector<16xi32>,
      %get3A_119 = arith.constant 176 : index
      %get3A_120 = tpu.vector_load %arg12[%get3A_119] {strides = array<i32>} : memref<256xi32, #tpu.memory_space<vmem>>, vector<16xi32>,
      %swap3A_121 = arith.constant 48 : index
      %swap3A_122 = tpu.vector_load %arg13[%swap3A_121] {strides = array<i32>} : memref<128xi32, #tpu.memory_space<vmem>>, vector<16xi32>,
      tpu.vector_store %arg13[%swap3A_121], %get3A_120 {strides = array<i32>} : memref<128xi32, #tpu.memory_space<vmem>>, vector<16xi32>,
      %get3A_123 = arith.constant 192 : index
      %get3A_124 = tpu.vector_load %arg12[%get3A_123] {strides = array<i32>} : memref<256xi32, #tpu.memory_space<vmem>>, vector<16xi32>,
      %swap3A_125 = arith.constant 64 : index
      %swap3A_126 = tpu.vector_load %arg13[%swap3A_125] {strides = array<i32>} : memref<128xi32, #tpu.memory_space<vmem>>, vector<16xi32>,
      tpu.vector_store %arg13[%swap3A_125], %get3A_124 {strides = array<i32>} : memref<128xi32, #tpu.memory_space<vmem>>, vector<16xi32>,
      %get3A_127 = arith.constant 208 : index
      %get3A_128 = tpu.vector_load %arg12[%get3A_127] {strides = array<i32>} : memref<256xi32, #tpu.memory_space<vmem>>, vector<16xi32>,
      %swap3A_129 = arith.constant 80 : index
      %swap3A_130 = tpu.vector_load %arg13[%swap3A_129] {strides = array<i32>} : memref<128xi32, #tpu.memory_space<vmem>>, vector<16xi32>,
      tpu.vector_store %arg13[%swap3A_129], %get3A_128 {strides = array<i32>} : memref<128xi32, #tpu.memory_space<vmem>>, vector<16xi32>,
      %get3A_131 = arith.constant 224 : index
      %get3A_132 = tpu.vector_load %arg12[%get3A_131] {strides = array<i32>} : memref<256xi32, #tpu.memory_space<vmem>>, vector<16xi32>,
      %swap3A_133 = arith.constant 96 : index
      %swap3A_134 = tpu.vector_load %arg13[%swap3A_133] {strides = array<i32>} : memref<128xi32, #tpu.memory_space<vmem>>, vector<16xi32>,
      tpu.vector_store %arg13[%swap3A_133], %get3A_132 {strides = array<i32>} : memref<128xi32, #tpu.memory_space<vmem>>, vector<16xi32>,
      %get3A_135 = arith.constant 240 : index
      %get3A_136 = tpu.vector_load %arg12[%get3A_135] {strides = array<i32>} : memref<256xi32, #tpu.memory_space<vmem>>, vector<16xi32>,
      %swap3A_137 = arith.constant 112 : index
      %swap3A_138 = tpu.vector_load %arg13[%swap3A_137] {strides = array<i32>} : memref<128xi32, #tpu.memory_space<vmem>>, vector<16xi32>,
      tpu.vector_store %arg13[%swap3A_137], %get3A_136 {strides = array<i32>} : memref<128xi32, #tpu.memory_space<vmem>>, vector<16xi32>,
      %get3A_139 = arith.constant 0 : index
      %get3A_140 = tpu.vector_load %arg12[%get3A_139] {strides = array<i32>} : memref<256xi32, #tpu.memory_space<vmem>>, vector<16xi32>,
      %get3A_141 = arith.constant 0 : index
      %get3A_142 = tpu.vector_load %arg13[%get3A_141] {strides = array<i32>} : memref<128xi32, #tpu.memory_space<vmem>>, vector<16xi32>,
      %gather3A = tpu.vector_load_idx %arg9[%get3A_140] : memref<10000xf32, #tpu.memory_space<vmem>>[vector<16xi32>], vector<16xf32>,
      %gather3A_143 = tpu.vector_load_idx %arg10[%get3A_142] : memref<10000xf32, #tpu.memory_space<vmem>>[vector<16xi32>], vector<16xf32>,
      %add3A_144 = arith.addf %gather3A, %gather3A_143 : vector<16xf32>
      %ge3A = arith.constant 0.000000e+00 : f32
      %ge3A_145 = vector.broadcast %ge3A : f32 to vector<16xf32>
      %ge3A_146 = arith.cmpf oge, %add3A_144, %ge3A_145 : vector<16xf32>
      %mul3A_147 = arith.constant 2.000000e-01 : f32
      %mul3A_148 = vector.broadcast %mul3A_147 : f32 to vector<16xf32>
      %mul3A_149 = arith.mulf %add3A_144, %mul3A_148 : vector<16xf32>
      %select_n3A = arith.select %ge3A_146, %add3A_144, %mul3A_149 : vector<16xi1>, vector<16xf32>
      %exp3A = math.exp %select_n3A : vector<16xf32>
      %add3A_150 = arith.constant 0 : i32
      %add3A_151 = arith.addi %add3A_32, %add3A_150 : i32
      %iota3A = tpu.iota {dimensions = array<i32: 0>} : vector<16xi32>
      %add3A_152 = vector.broadcast %add3A_151 : i32 to vector<16xi32>
      %add3A_153 = arith.addi %add3A_152, %iota3A : vector<16xi32>
      %lt3A = arith.constant 330000 : i32
      %lt3A_154 = vector.broadcast %lt3A : i32 to vector<16xi32>
      %lt3A_155 = arith.cmpi slt, %add3A_153, %lt3A_154 : vector<16xi32>
      %jit3A = arith.constant 0.000000e+00 : f32
      %broadcast_in_dim3A = vector.broadcast %jit3A : f32 to vector<16xf32>
      %select_n3A_156 = arith.select %lt3A_155, %exp3A, %broadcast_in_dim3A : vector<16xi1>, vector<16xf32>
      %swap3A_157 = arith.constant 0 : index
      %swap3A_158 = tpu.vector_load %arg15[%swap3A_157] {strides = array<i32>} : memref<128xf32, #tpu.memory_space<vmem>>, vector<16xf32>,
      tpu.vector_store %arg15[%swap3A_157], %select_n3A_156 {strides = array<i32>} : memref<128xf32, #tpu.memory_space<vmem>>, vector<16xf32>,
      tpu.vector_store_idx %arg11[%get3A_142], %select_n3A_156 {add = true} : memref<10000xf32, #tpu.memory_space<vmem>>[vector<16xi32>], vector<16xf32>,
      %get3A_159 = arith.constant 16 : index
      %get3A_160 = tpu.vector_load %arg12[%get3A_159] {strides = array<i32>} : memref<256xi32, #tpu.memory_space<vmem>>, vector<16xi32>,
      %get3A_161 = arith.constant 16 : index
      %get3A_162 = tpu.vector_load %arg13[%get3A_161] {strides = array<i32>} : memref<128xi32, #tpu.memory_space<vmem>>, vector<16xi32>,
      %gather3A_163 = tpu.vector_load_idx %arg9[%get3A_160] : memref<10000xf32, #tpu.memory_space<vmem>>[vector<16xi32>], vector<16xf32>,
      %gather3A_164 = tpu.vector_load_idx %arg10[%get3A_162] : memref<10000xf32, #tpu.memory_space<vmem>>[vector<16xi32>], vector<16xf32>,
      %add3A_165 = arith.addf %gather3A_163, %gather3A_164 : vector<16xf32>
      %ge3A_166 = arith.constant 0.000000e+00 : f32
      %ge3A_167 = vector.broadcast %ge3A_166 : f32 to vector<16xf32>
      %ge3A_168 = arith.cmpf oge, %add3A_165, %ge3A_167 : vector<16xf32>
      %mul3A_169 = arith.constant 2.000000e-01 : f32
      %mul3A_170 = vector.broadcast %mul3A_169 : f32 to vector<16xf32>
      %mul3A_171 = arith.mulf %add3A_165, %mul3A_170 : vector<16xf32>
      %select_n3A_172 = arith.select %ge3A_168, %add3A_165, %mul3A_171 : vector<16xi1>, vector<16xf32>
      %exp3A_173 = math.exp %select_n3A_172 : vector<16xf32>
      %add3A_174 = arith.constant 16 : i32
      %add3A_175 = arith.addi %add3A_32, %add3A_174 : i32
      %iota3A_176 = tpu.iota {dimensions = array<i32: 0>} : vector<16xi32>
      %add3A_177 = vector.broadcast %add3A_175 : i32 to vector<16xi32>
      %add3A_178 = arith.addi %add3A_177, %iota3A_176 : vector<16xi32>
      %lt3A_179 = arith.constant 330000 : i32
      %lt3A_180 = vector.broadcast %lt3A_179 : i32 to vector<16xi32>
      %lt3A_181 = arith.cmpi slt, %add3A_178, %lt3A_180 : vector<16xi32>
      %jit3A_182 = arith.constant 0.000000e+00 : f32
      %broadcast_in_dim3A_183 = vector.broadcast %jit3A_182 : f32 to vector<16xf32>
      %select_n3A_184 = arith.select %lt3A_181, %exp3A_173, %broadcast_in_dim3A_183 : vector<16xi1>, vector<16xf32>
      %swap3A_185 = arith.constant 16 : index
      %swap3A_186 = tpu.vector_load %arg15[%swap3A_185] {strides = array<i32>} : memref<128xf32, #tpu.memory_space<vmem>>, vector<16xf32>,
      tpu.vector_store %arg15[%swap3A_185], %select_n3A_184 {strides = array<i32>} : memref<128xf32, #tpu.memory_space<vmem>>, vector<16xf32>,
      tpu.vector_store_idx %arg11[%get3A_162], %select_n3A_184 {add = true} : memref<10000xf32, #tpu.memory_space<vmem>>[vector<16xi32>], vector<16xf32>,
      %get3A_187 = arith.constant 32 : index
      %get3A_188 = tpu.vector_load %arg12[%get3A_187] {strides = array<i32>} : memref<256xi32, #tpu.memory_space<vmem>>, vector<16xi32>,
      %get3A_189 = arith.constant 32 : index
      %get3A_190 = tpu.vector_load %arg13[%get3A_189] {strides = array<i32>} : memref<128xi32, #tpu.memory_space<vmem>>, vector<16xi32>,
      %gather3A_191 = tpu.vector_load_idx %arg9[%get3A_188] : memref<10000xf32, #tpu.memory_space<vmem>>[vector<16xi32>], vector<16xf32>,
      %gather3A_192 = tpu.vector_load_idx %arg10[%get3A_190] : memref<10000xf32, #tpu.memory_space<vmem>>[vector<16xi32>], vector<16xf32>,
      %add3A_193 = arith.addf %gather3A_191, %gather3A_192 : vector<16xf32>
      %ge3A_194 = arith.constant 0.000000e+00 : f32
      %ge3A_195 = vector.broadcast %ge3A_194 : f32 to vector<16xf32>
      %ge3A_196 = arith.cmpf oge, %add3A_193, %ge3A_195 : vector<16xf32>
      %mul3A_197 = arith.constant 2.000000e-01 : f32
      %mul3A_198 = vector.broadcast %mul3A_197 : f32 to vector<16xf32>
      %mul3A_199 = arith.mulf %add3A_193, %mul3A_198 : vector<16xf32>
      %select_n3A_200 = arith.select %ge3A_196, %add3A_193, %mul3A_199 : vector<16xi1>, vector<16xf32>
      %exp3A_201 = math.exp %select_n3A_200 : vector<16xf32>
      %add3A_202 = arith.constant 32 : i32
      %add3A_203 = arith.addi %add3A_32, %add3A_202 : i32
      %iota3A_204 = tpu.iota {dimensions = array<i32: 0>} : vector<16xi32>
      %add3A_205 = vector.broadcast %add3A_203 : i32 to vector<16xi32>
      %add3A_206 = arith.addi %add3A_205, %iota3A_204 : vector<16xi32>
      %lt3A_207 = arith.constant 330000 : i32
      %lt3A_208 = vector.broadcast %lt3A_207 : i32 to vector<16xi32>
      %lt3A_209 = arith.cmpi slt, %add3A_206, %lt3A_208 : vector<16xi32>
      %jit3A_210 = arith.constant 0.000000e+00 : f32
      %broadcast_in_dim3A_211 = vector.broadcast %jit3A_210 : f32 to vector<16xf32>
      %select_n3A_212 = arith.select %lt3A_209, %exp3A_201, %broadcast_in_dim3A_211 : vector<16xi1>, vector<16xf32>
      %swap3A_213 = arith.constant 32 : index
      %swap3A_214 = tpu.vector_load %arg15[%swap3A_213] {strides = array<i32>} : memref<128xf32, #tpu.memory_space<vmem>>, vector<16xf32>,
      tpu.vector_store %arg15[%swap3A_213], %select_n3A_212 {strides = array<i32>} : memref<128xf32, #tpu.memory_space<vmem>>, vector<16xf32>,
      tpu.vector_store_idx %arg11[%get3A_190], %select_n3A_212 {add = true} : memref<10000xf32, #tpu.memory_space<vmem>>[vector<16xi32>], vector<16xf32>,
      %get3A_215 = arith.constant 48 : index
      %get3A_216 = tpu.vector_load %arg12[%get3A_215] {strides = array<i32>} : memref<256xi32, #tpu.memory_space<vmem>>, vector<16xi32>,
      %get3A_217 = arith.constant 48 : index
      %get3A_218 = tpu.vector_load %arg13[%get3A_217] {strides = array<i32>} : memref<128xi32, #tpu.memory_space<vmem>>, vector<16xi32>,
      %gather3A_219 = tpu.vector_load_idx %arg9[%get3A_216] : memref<10000xf32, #tpu.memory_space<vmem>>[vector<16xi32>], vector<16xf32>,
      %gather3A_220 = tpu.vector_load_idx %arg10[%get3A_218] : memref<10000xf32, #tpu.memory_space<vmem>>[vector<16xi32>], vector<16xf32>,
      %add3A_221 = arith.addf %gather3A_219, %gather3A_220 : vector<16xf32>
      %ge3A_222 = arith.constant 0.000000e+00 : f32
      %ge3A_223 = vector.broadcast %ge3A_222 : f32 to vector<16xf32>
      %ge3A_224 = arith.cmpf oge, %add3A_221, %ge3A_223 : vector<16xf32>
      %mul3A_225 = arith.constant 2.000000e-01 : f32
      %mul3A_226 = vector.broadcast %mul3A_225 : f32 to vector<16xf32>
      %mul3A_227 = arith.mulf %add3A_221, %mul3A_226 : vector<16xf32>
      %select_n3A_228 = arith.select %ge3A_224, %add3A_221, %mul3A_227 : vector<16xi1>, vector<16xf32>
      %exp3A_229 = math.exp %select_n3A_228 : vector<16xf32>
      %add3A_230 = arith.constant 48 : i32
      %add3A_231 = arith.addi %add3A_32, %add3A_230 : i32
      %iota3A_232 = tpu.iota {dimensions = array<i32: 0>} : vector<16xi32>
      %add3A_233 = vector.broadcast %add3A_231 : i32 to vector<16xi32>
      %add3A_234 = arith.addi %add3A_233, %iota3A_232 : vector<16xi32>
      %lt3A_235 = arith.constant 330000 : i32
      %lt3A_236 = vector.broadcast %lt3A_235 : i32 to vector<16xi32>
      %lt3A_237 = arith.cmpi slt, %add3A_234, %lt3A_236 : vector<16xi32>
      %jit3A_238 = arith.constant 0.000000e+00 : f32
      %broadcast_in_dim3A_239 = vector.broadcast %jit3A_238 : f32 to vector<16xf32>
      %select_n3A_240 = arith.select %lt3A_237, %exp3A_229, %broadcast_in_dim3A_239 : vector<16xi1>, vector<16xf32>
      %swap3A_241 = arith.constant 48 : index
      %swap3A_242 = tpu.vector_load %arg15[%swap3A_241] {strides = array<i32>} : memref<128xf32, #tpu.memory_space<vmem>>, vector<16xf32>,
      tpu.vector_store %arg15[%swap3A_241], %select_n3A_240 {strides = array<i32>} : memref<128xf32, #tpu.memory_space<vmem>>, vector<16xf32>,
      tpu.vector_store_idx %arg11[%get3A_218], %select_n3A_240 {add = true} : memref<10000xf32, #tpu.memory_space<vmem>>[vector<16xi32>], vector<16xf32>,
      %get3A_243 = arith.constant 64 : index
      %get3A_244 = tpu.vector_load %arg12[%get3A_243] {strides = array<i32>} : memref<256xi32, #tpu.memory_space<vmem>>, vector<16xi32>,
      %get3A_245 = arith.constant 64 : index
      %get3A_246 = tpu.vector_load %arg13[%get3A_245] {strides = array<i32>} : memref<128xi32, #tpu.memory_space<vmem>>, vector<16xi32>,
      %gather3A_247 = tpu.vector_load_idx %arg9[%get3A_244] : memref<10000xf32, #tpu.memory_space<vmem>>[vector<16xi32>], vector<16xf32>,
      %gather3A_248 = tpu.vector_load_idx %arg10[%get3A_246] : memref<10000xf32, #tpu.memory_space<vmem>>[vector<16xi32>], vector<16xf32>,
      %add3A_249 = arith.addf %gather3A_247, %gather3A_248 : vector<16xf32>
      %ge3A_250 = arith.constant 0.000000e+00 : f32
      %ge3A_251 = vector.broadcast %ge3A_250 : f32 to vector<16xf32>
      %ge3A_252 = arith.cmpf oge, %add3A_249, %ge3A_251 : vector<16xf32>
      %mul3A_253 = arith.constant 2.000000e-01 : f32
      %mul3A_254 = vector.broadcast %mul3A_253 : f32 to vector<16xf32>
      %mul3A_255 = arith.mulf %add3A_249, %mul3A_254 : vector<16xf32>
      %select_n3A_256 = arith.select %ge3A_252, %add3A_249, %mul3A_255 : vector<16xi1>, vector<16xf32>
      %exp3A_257 = math.exp %select_n3A_256 : vector<16xf32>
      %add3A_258 = arith.constant 64 : i32
      %add3A_259 = arith.addi %add3A_32, %add3A_258 : i32
      %iota3A_260 = tpu.iota {dimensions = array<i32: 0>} : vector<16xi32>
      %add3A_261 = vector.broadcast %add3A_259 : i32 to vector<16xi32>
      %add3A_262 = arith.addi %add3A_261, %iota3A_260 : vector<16xi32>
      %lt3A_263 = arith.constant 330000 : i32
      %lt3A_264 = vector.broadcast %lt3A_263 : i32 to vector<16xi32>
      %lt3A_265 = arith.cmpi slt, %add3A_262, %lt3A_264 : vector<16xi32>
      %jit3A_266 = arith.constant 0.000000e+00 : f32
      %broadcast_in_dim3A_267 = vector.broadcast %jit3A_266 : f32 to vector<16xf32>
      %select_n3A_268 = arith.select %lt3A_265, %exp3A_257, %broadcast_in_dim3A_267 : vector<16xi1>, vector<16xf32>
      %swap3A_269 = arith.constant 64 : index
      %swap3A_270 = tpu.vector_load %arg15[%swap3A_269] {strides = array<i32>} : memref<128xf32, #tpu.memory_space<vmem>>, vector<16xf32>,
      tpu.vector_store %arg15[%swap3A_269], %select_n3A_268 {strides = array<i32>} : memref<128xf32, #tpu.memory_space<vmem>>, vector<16xf32>,
      tpu.vector_store_idx %arg11[%get3A_246], %select_n3A_268 {add = true} : memref<10000xf32, #tpu.memory_space<vmem>>[vector<16xi32>], vector<16xf32>,
      %get3A_271 = arith.constant 80 : index
      %get3A_272 = tpu.vector_load %arg12[%get3A_271] {strides = array<i32>} : memref<256xi32, #tpu.memory_space<vmem>>, vector<16xi32>,
      %get3A_273 = arith.constant 80 : index
      %get3A_274 = tpu.vector_load %arg13[%get3A_273] {strides = array<i32>} : memref<128xi32, #tpu.memory_space<vmem>>, vector<16xi32>,
      %gather3A_275 = tpu.vector_load_idx %arg9[%get3A_272] : memref<10000xf32, #tpu.memory_space<vmem>>[vector<16xi32>], vector<16xf32>,
      %gather3A_276 = tpu.vector_load_idx %arg10[%get3A_274] : memref<10000xf32, #tpu.memory_space<vmem>>[vector<16xi32>], vector<16xf32>,
      %add3A_277 = arith.addf %gather3A_275, %gather3A_276 : vector<16xf32>
      %ge3A_278 = arith.constant 0.000000e+00 : f32
      %ge3A_279 = vector.broadcast %ge3A_278 : f32 to vector<16xf32>
      %ge3A_280 = arith.cmpf oge, %add3A_277, %ge3A_279 : vector<16xf32>
      %mul3A_281 = arith.constant 2.000000e-01 : f32
      %mul3A_282 = vector.broadcast %mul3A_281 : f32 to vector<16xf32>
      %mul3A_283 = arith.mulf %add3A_277, %mul3A_282 : vector<16xf32>
      %select_n3A_284 = arith.select %ge3A_280, %add3A_277, %mul3A_283 : vector<16xi1>, vector<16xf32>
      %exp3A_285 = math.exp %select_n3A_284 : vector<16xf32>
      %add3A_286 = arith.constant 80 : i32
      %add3A_287 = arith.addi %add3A_32, %add3A_286 : i32
      %iota3A_288 = tpu.iota {dimensions = array<i32: 0>} : vector<16xi32>
      %add3A_289 = vector.broadcast %add3A_287 : i32 to vector<16xi32>
      %add3A_290 = arith.addi %add3A_289, %iota3A_288 : vector<16xi32>
      %lt3A_291 = arith.constant 330000 : i32
      %lt3A_292 = vector.broadcast %lt3A_291 : i32 to vector<16xi32>
      %lt3A_293 = arith.cmpi slt, %add3A_290, %lt3A_292 : vector<16xi32>
      %jit3A_294 = arith.constant 0.000000e+00 : f32
      %broadcast_in_dim3A_295 = vector.broadcast %jit3A_294 : f32 to vector<16xf32>
      %select_n3A_296 = arith.select %lt3A_293, %exp3A_285, %broadcast_in_dim3A_295 : vector<16xi1>, vector<16xf32>
      %swap3A_297 = arith.constant 80 : index
      %swap3A_298 = tpu.vector_load %arg15[%swap3A_297] {strides = array<i32>} : memref<128xf32, #tpu.memory_space<vmem>>, vector<16xf32>,
      tpu.vector_store %arg15[%swap3A_297], %select_n3A_296 {strides = array<i32>} : memref<128xf32, #tpu.memory_space<vmem>>, vector<16xf32>,
      tpu.vector_store_idx %arg11[%get3A_274], %select_n3A_296 {add = true} : memref<10000xf32, #tpu.memory_space<vmem>>[vector<16xi32>], vector<16xf32>,
      %get3A_299 = arith.constant 96 : index
      %get3A_300 = tpu.vector_load %arg12[%get3A_299] {strides = array<i32>} : memref<256xi32, #tpu.memory_space<vmem>>, vector<16xi32>,
      %get3A_301 = arith.constant 96 : index
      %get3A_302 = tpu.vector_load %arg13[%get3A_301] {strides = array<i32>} : memref<128xi32, #tpu.memory_space<vmem>>, vector<16xi32>,
      %gather3A_303 = tpu.vector_load_idx %arg9[%get3A_300] : memref<10000xf32, #tpu.memory_space<vmem>>[vector<16xi32>], vector<16xf32>,
      %gather3A_304 = tpu.vector_load_idx %arg10[%get3A_302] : memref<10000xf32, #tpu.memory_space<vmem>>[vector<16xi32>], vector<16xf32>,
      %add3A_305 = arith.addf %gather3A_303, %gather3A_304 : vector<16xf32>
      %ge3A_306 = arith.constant 0.000000e+00 : f32
      %ge3A_307 = vector.broadcast %ge3A_306 : f32 to vector<16xf32>
      %ge3A_308 = arith.cmpf oge, %add3A_305, %ge3A_307 : vector<16xf32>
      %mul3A_309 = arith.constant 2.000000e-01 : f32
      %mul3A_310 = vector.broadcast %mul3A_309 : f32 to vector<16xf32>
      %mul3A_311 = arith.mulf %add3A_305, %mul3A_310 : vector<16xf32>
      %select_n3A_312 = arith.select %ge3A_308, %add3A_305, %mul3A_311 : vector<16xi1>, vector<16xf32>
      %exp3A_313 = math.exp %select_n3A_312 : vector<16xf32>
      %add3A_314 = arith.constant 96 : i32
      %add3A_315 = arith.addi %add3A_32, %add3A_314 : i32
      %iota3A_316 = tpu.iota {dimensions = array<i32: 0>} : vector<16xi32>
      %add3A_317 = vector.broadcast %add3A_315 : i32 to vector<16xi32>
      %add3A_318 = arith.addi %add3A_317, %iota3A_316 : vector<16xi32>
      %lt3A_319 = arith.constant 330000 : i32
      %lt3A_320 = vector.broadcast %lt3A_319 : i32 to vector<16xi32>
      %lt3A_321 = arith.cmpi slt, %add3A_318, %lt3A_320 : vector<16xi32>
      %jit3A_322 = arith.constant 0.000000e+00 : f32
      %broadcast_in_dim3A_323 = vector.broadcast %jit3A_322 : f32 to vector<16xf32>
      %select_n3A_324 = arith.select %lt3A_321, %exp3A_313, %broadcast_in_dim3A_323 : vector<16xi1>, vector<16xf32>
      %swap3A_325 = arith.constant 96 : index
      %swap3A_326 = tpu.vector_load %arg15[%swap3A_325] {strides = array<i32>} : memref<128xf32, #tpu.memory_space<vmem>>, vector<16xf32>,
      tpu.vector_store %arg15[%swap3A_325], %select_n3A_324 {strides = array<i32>} : memref<128xf32, #tpu.memory_space<vmem>>, vector<16xf32>,
      tpu.vector_store_idx %arg11[%get3A_302], %select_n3A_324 {add = true} : memref<10000xf32, #tpu.memory_space<vmem>>[vector<16xi32>], vector<16xf32>,
      %get3A_327 = arith.constant 112 : index
      %get3A_328 = tpu.vector_load %arg12[%get3A_327] {strides = array<i32>} : memref<256xi32, #tpu.memory_space<vmem>>, vector<16xi32>,
      %get3A_329 = arith.constant 112 : index
      %get3A_330 = tpu.vector_load %arg13[%get3A_329] {strides = array<i32>} : memref<128xi32, #tpu.memory_space<vmem>>, vector<16xi32>,
      %gather3A_331 = tpu.vector_load_idx %arg9[%get3A_328] : memref<10000xf32, #tpu.memory_space<vmem>>[vector<16xi32>], vector<16xf32>,
      %gather3A_332 = tpu.vector_load_idx %arg10[%get3A_330] : memref<10000xf32, #tpu.memory_space<vmem>>[vector<16xi32>], vector<16xf32>,
      %add3A_333 = arith.addf %gather3A_331, %gather3A_332 : vector<16xf32>
      %ge3A_334 = arith.constant 0.000000e+00 : f32
      %ge3A_335 = vector.broadcast %ge3A_334 : f32 to vector<16xf32>
      %ge3A_336 = arith.cmpf oge, %add3A_333, %ge3A_335 : vector<16xf32>
      %mul3A_337 = arith.constant 2.000000e-01 : f32
      %mul3A_338 = vector.broadcast %mul3A_337 : f32 to vector<16xf32>
      %mul3A_339 = arith.mulf %add3A_333, %mul3A_338 : vector<16xf32>
      %select_n3A_340 = arith.select %ge3A_336, %add3A_333, %mul3A_339 : vector<16xi1>, vector<16xf32>
      %exp3A_341 = math.exp %select_n3A_340 : vector<16xf32>
      %add3A_342 = arith.constant 112 : i32
      %add3A_343 = arith.addi %add3A_32, %add3A_342 : i32
      %iota3A_344 = tpu.iota {dimensions = array<i32: 0>} : vector<16xi32>
      %add3A_345 = vector.broadcast %add3A_343 : i32 to vector<16xi32>
      %add3A_346 = arith.addi %add3A_345, %iota3A_344 : vector<16xi32>
      %lt3A_347 = arith.constant 330000 : i32
      %lt3A_348 = vector.broadcast %lt3A_347 : i32 to vector<16xi32>
      %lt3A_349 = arith.cmpi slt, %add3A_346, %lt3A_348 : vector<16xi32>
      %jit3A_350 = arith.constant 0.000000e+00 : f32
      %broadcast_in_dim3A_351 = vector.broadcast %jit3A_350 : f32 to vector<16xf32>
      %select_n3A_352 = arith.select %lt3A_349, %exp3A_341, %broadcast_in_dim3A_351 : vector<16xi1>, vector<16xf32>
      %swap3A_353 = arith.constant 112 : index
      %swap3A_354 = tpu.vector_load %arg15[%swap3A_353] {strides = array<i32>} : memref<128xf32, #tpu.memory_space<vmem>>, vector<16xf32>,
      tpu.vector_store %arg15[%swap3A_353], %select_n3A_352 {strides = array<i32>} : memref<128xf32, #tpu.memory_space<vmem>>, vector<16xf32>,
      tpu.vector_store_idx %arg11[%get3A_330], %select_n3A_352 {add = true} : memref<10000xf32, #tpu.memory_space<vmem>>[vector<16xi32>], vector<16xf32>,
      %dma_wait3A_355 = arith.constant 0 : i32
      %dma_wait3A_356 = arith.constant 0 : i32
      %dma_wait3A_357 = tpu.memref_slice %arg2[%dma_wait3A_355, %dma_wait3A_356] : memref<10000x128xf32, #tpu.memory_space<hbm>> -> memref<10000x128xf32, #tpu.memory_space<hbm>>
      tpu.wait_indirect_dma semaphore(%arg18 : memref<!tpu.dma_semaphore, #tpu.memory_space<semaphore_mem>>) src(%dma_wait3A_357 : memref<10000x128xf32, #tpu.memory_space<hbm>>) dst(%arg16 : memref<128x128xf32, #tpu.memory_space<vmem>>)
      %scan3A_358 = arith.constant 0 : i32
      %scan3A_359 = arith.constant 8 : i32
      %scan3A_360 = arith.addi %scan3A_358, %scan3A_359 : i32
      %scan3A_361 = arith.constant 1 : i32
      scf.for %scan3A_366 = %scan3A_358 to %scan3A_360 step %scan3A_361  : i32 {
        %mul3A_367 = arith.constant 1 : i32
        %mul3A_368 = arith.muli %scan3A_366, %mul3A_367 : i32
        %add3A_369 = arith.constant 0 : i32
        %add3A_370 = arith.addi %add3A_369, %mul3A_368 : i32
        %mul3A_371 = arith.constant 16 : i32
        %mul3A_372 = arith.muli %add3A_370, %mul3A_371 : i32
        %get3A_373 = arith.index_cast %mul3A_372 : i32 to index
        %get3A_374 = tpu.vector_load %arg15[%get3A_373] {strides = array<i32>} : memref<128xf32, #tpu.memory_space<vmem>>, vector<16xf32>,
        %mul3A_375 = arith.constant 16 : i32
        %mul3A_376 = arith.muli %add3A_370, %mul3A_375 : i32
        %add3A_377 = arith.constant 0 : i32
        %add3A_378 = arith.addi %mul3A_376, %add3A_377 : i32
        %slice3A = vector.extract_strided_slice %get3A_374 {offsets = [0], sizes = [1], strides = [1]} : vector<16xf32> to vector<1xf32>
        %squeeze3A = vector.extract %slice3A[0] : f32 from vector<1xf32>
        %get3A_379 = arith.index_cast %add3A_378 : i32 to index
        %get3A_380 = arith.constant 0 : index
        %get3A_381 = tpu.vector_load %arg16[%get3A_379, %get3A_380] {strides = array<i32>} : memref<128x128xf32, #tpu.memory_space<vmem>>, vector<16xf32>,
        %mul3A_382 = vector.broadcast %squeeze3A : f32 to vector<16xf32>
        %mul3A_383 = arith.mulf %get3A_381, %mul3A_382 : vector<16xf32>
        %swap3A_384 = arith.index_cast %add3A_378 : i32 to index
        %swap3A_385 = arith.constant 0 : index
        %swap3A_386 = tpu.vector_load %arg16[%swap3A_384, %swap3A_385] {strides = array<i32>} : memref<128x128xf32, #tpu.memory_space<vmem>>, vector<16xf32>,
        tpu.vector_store %arg16[%swap3A_384, %swap3A_385], %mul3A_383 {strides = array<i32>} : memref<128x128xf32, #tpu.memory_space<vmem>>, vector<16xf32>,
        %get3A_387 = arith.index_cast %add3A_378 : i32 to index
        %get3A_388 = arith.constant 16 : index
        %get3A_389 = tpu.vector_load %arg16[%get3A_387, %get3A_388] {strides = array<i32>} : memref<128x128xf32, #tpu.memory_space<vmem>>, vector<16xf32>,
        %mul3A_390 = vector.broadcast %squeeze3A : f32 to vector<16xf32>
        %mul3A_391 = arith.mulf %get3A_389, %mul3A_390 : vector<16xf32>
        %swap3A_392 = arith.index_cast %add3A_378 : i32 to index
        %swap3A_393 = arith.constant 16 : index
        %swap3A_394 = tpu.vector_load %arg16[%swap3A_392, %swap3A_393] {strides = array<i32>} : memref<128x128xf32, #tpu.memory_space<vmem>>, vector<16xf32>,
        tpu.vector_store %arg16[%swap3A_392, %swap3A_393], %mul3A_391 {strides = array<i32>} : memref<128x128xf32, #tpu.memory_space<vmem>>, vector<16xf32>,
        %get3A_395 = arith.index_cast %add3A_378 : i32 to index
        %get3A_396 = arith.constant 32 : index
        %get3A_397 = tpu.vector_load %arg16[%get3A_395, %get3A_396] {strides = array<i32>} : memref<128x128xf32, #tpu.memory_space<vmem>>, vector<16xf32>,
        %mul3A_398 = vector.broadcast %squeeze3A : f32 to vector<16xf32>
        %mul3A_399 = arith.mulf %get3A_397, %mul3A_398 : vector<16xf32>
        %swap3A_400 = arith.index_cast %add3A_378 : i32 to index
        %swap3A_401 = arith.constant 32 : index
        %swap3A_402 = tpu.vector_load %arg16[%swap3A_400, %swap3A_401] {strides = array<i32>} : memref<128x128xf32, #tpu.memory_space<vmem>>, vector<16xf32>,
        tpu.vector_store %arg16[%swap3A_400, %swap3A_401], %mul3A_399 {strides = array<i32>} : memref<128x128xf32, #tpu.memory_space<vmem>>, vector<16xf32>,
        %get3A_403 = arith.index_cast %add3A_378 : i32 to index
        %get3A_404 = arith.constant 48 : index
        %get3A_405 = tpu.vector_load %arg16[%get3A_403, %get3A_404] {strides = array<i32>} : memref<128x128xf32, #tpu.memory_space<vmem>>, vector<16xf32>,
        %mul3A_406 = vector.broadcast %squeeze3A : f32 to vector<16xf32>
        %mul3A_407 = arith.mulf %get3A_405, %mul3A_406 : vector<16xf32>
        %swap3A_408 = arith.index_cast %add3A_378 : i32 to index
        %swap3A_409 = arith.constant 48 : index
        %swap3A_410 = tpu.vector_load %arg16[%swap3A_408, %swap3A_409] {strides = array<i32>} : memref<128x128xf32, #tpu.memory_space<vmem>>, vector<16xf32>,
        tpu.vector_store %arg16[%swap3A_408, %swap3A_409], %mul3A_407 {strides = array<i32>} : memref<128x128xf32, #tpu.memory_space<vmem>>, vector<16xf32>,
        %mul3A_411 = arith.constant 16 : i32
        %mul3A_412 = arith.muli %add3A_370, %mul3A_411 : i32
        %add3A_413 = arith.constant 1 : i32
        %add3A_414 = arith.addi %mul3A_412, %add3A_413 : i32
        %slice3A_415 = vector.extract_strided_slice %get3A_374 {offsets = [1], sizes = [1], strides = [1]} : vector<16xf32> to vector<1xf32>
        %squeeze3A_416 = vector.extract %slice3A_415[0] : f32 from vector<1xf32>
        %get3A_417 = arith.index_cast %add3A_414 : i32 to index
        %get3A_418 = arith.constant 0 : index
        %get3A_419 = tpu.vector_load %arg16[%get3A_417, %get3A_418] {strides = array<i32>} : memref<128x128xf32, #tpu.memory_space<vmem>>, vector<16xf32>,
        %mul3A_420 = vector.broadcast %squeeze3A_416 : f32 to vector<16xf32>
        %mul3A_421 = arith.mulf %get3A_419, %mul3A_420 : vector<16xf32>
        %swap3A_422 = arith.index_cast %add3A_414 : i32 to index
        %swap3A_423 = arith.constant 0 : index
        %swap3A_424 = tpu.vector_load %arg16[%swap3A_422, %swap3A_423] {strides = array<i32>} : memref<128x128xf32, #tpu.memory_space<vmem>>, vector<16xf32>,
        tpu.vector_store %arg16[%swap3A_422, %swap3A_423], %mul3A_421 {strides = array<i32>} : memref<128x128xf32, #tpu.memory_space<vmem>>, vector<16xf32>,
        %get3A_425 = arith.index_cast %add3A_414 : i32 to index
        %get3A_426 = arith.constant 16 : index
        %get3A_427 = tpu.vector_load %arg16[%get3A_425, %get3A_426] {strides = array<i32>} : memref<128x128xf32, #tpu.memory_space<vmem>>, vector<16xf32>,
        %mul3A_428 = vector.broadcast %squeeze3A_416 : f32 to vector<16xf32>
        %mul3A_429 = arith.mulf %get3A_427, %mul3A_428 : vector<16xf32>
        %swap3A_430 = arith.index_cast %add3A_414 : i32 to index
        %swap3A_431 = arith.constant 16 : index
        %swap3A_432 = tpu.vector_load %arg16[%swap3A_430, %swap3A_431] {strides = array<i32>} : memref<128x128xf32, #tpu.memory_space<vmem>>, vector<16xf32>,
        tpu.vector_store %arg16[%swap3A_430, %swap3A_431], %mul3A_429 {strides = array<i32>} : memref<128x128xf32, #tpu.memory_space<vmem>>, vector<16xf32>,
        %get3A_433 = arith.index_cast %add3A_414 : i32 to index
        %get3A_434 = arith.constant 32 : index
        %get3A_435 = tpu.vector_load %arg16[%get3A_433, %get3A_434] {strides = array<i32>} : memref<128x128xf32, #tpu.memory_space<vmem>>, vector<16xf32>,
        %mul3A_436 = vector.broadcast %squeeze3A_416 : f32 to vector<16xf32>
        %mul3A_437 = arith.mulf %get3A_435, %mul3A_436 : vector<16xf32>
        %swap3A_438 = arith.index_cast %add3A_414 : i32 to index
        %swap3A_439 = arith.constant 32 : index
        %swap3A_440 = tpu.vector_load %arg16[%swap3A_438, %swap3A_439] {strides = array<i32>} : memref<128x128xf32, #tpu.memory_space<vmem>>, vector<16xf32>,
        tpu.vector_store %arg16[%swap3A_438, %swap3A_439], %mul3A_437 {strides = array<i32>} : memref<128x128xf32, #tpu.memory_space<vmem>>, vector<16xf32>,
        %get3A_441 = arith.index_cast %add3A_414 : i32 to index
        %get3A_442 = arith.constant 48 : index
        %get3A_443 = tpu.vector_load %arg16[%get3A_441, %get3A_442] {strides = array<i32>} : memref<128x128xf32, #tpu.memory_space<vmem>>, vector<16xf32>,
        %mul3A_444 = vector.broadcast %squeeze3A_416 : f32 to vector<16xf32>
        %mul3A_445 = arith.mulf %get3A_443, %mul3A_444 : vector<16xf32>
        %swap3A_446 = arith.index_cast %add3A_414 : i32 to index
        %swap3A_447 = arith.constant 48 : index
        %swap3A_448 = tpu.vector_load %arg16[%swap3A_446, %swap3A_447] {strides = array<i32>} : memref<128x128xf32, #tpu.memory_space<vmem>>, vector<16xf32>,
        tpu.vector_store %arg16[%swap3A_446, %swap3A_447], %mul3A_445 {strides = array<i32>} : memref<128x128xf32, #tpu.memory_space<vmem>>, vector<16xf32>,
        %mul3A_449 = arith.constant 16 : i32
        %mul3A_450 = arith.muli %add3A_370, %mul3A_449 : i32
        %add3A_451 = arith.constant 2 : i32
        %add3A_452 = arith.addi %mul3A_450, %add3A_451 : i32
        %slice3A_453 = vector.extract_strided_slice %get3A_374 {offsets = [2], sizes = [1], strides = [1]} : vector<16xf32> to vector<1xf32>
        %squeeze3A_454 = vector.extract %slice3A_453[0] : f32 from vector<1xf32>
        %get3A_455 = arith.index_cast %add3A_452 : i32 to index
        %get3A_456 = arith.constant 0 : index
        %get3A_457 = tpu.vector_load %arg16[%get3A_455, %get3A_456] {strides = array<i32>} : memref<128x128xf32, #tpu.memory_space<vmem>>, vector<16xf32>,
        %mul3A_458 = vector.broadcast %squeeze3A_454 : f32 to vector<16xf32>
        %mul3A_459 = arith.mulf %get3A_457, %mul3A_458 : vector<16xf32>
        %swap3A_460 = arith.index_cast %add3A_452 : i32 to index
        %swap3A_461 = arith.constant 0 : index
        %swap3A_462 = tpu.vector_load %arg16[%swap3A_460, %swap3A_461] {strides = array<i32>} : memref<128x128xf32, #tpu.memory_space<vmem>>, vector<16xf32>,
        tpu.vector_store %arg16[%swap3A_460, %swap3A_461], %mul3A_459 {strides = array<i32>} : memref<128x128xf32, #tpu.memory_space<vmem>>, vector<16xf32>,
        %get3A_463 = arith.index_cast %add3A_452 : i32 to index
        %get3A_464 = arith.constant 16 : index
        %get3A_465 = tpu.vector_load %arg16[%get3A_463, %get3A_464] {strides = array<i32>} : memref<128x128xf32, #tpu.memory_space<vmem>>, vector<16xf32>,
        %mul3A_466 = vector.broadcast %squeeze3A_454 : f32 to vector<16xf32>
        %mul3A_467 = arith.mulf %get3A_465, %mul3A_466 : vector<16xf32>
        %swap3A_468 = arith.index_cast %add3A_452 : i32 to index
        %swap3A_469 = arith.constant 16 : index
        %swap3A_470 = tpu.vector_load %arg16[%swap3A_468, %swap3A_469] {strides = array<i32>} : memref<128x128xf32, #tpu.memory_space<vmem>>, vector<16xf32>,
        tpu.vector_store %arg16[%swap3A_468, %swap3A_469], %mul3A_467 {strides = array<i32>} : memref<128x128xf32, #tpu.memory_space<vmem>>, vector<16xf32>,
        %get3A_471 = arith.index_cast %add3A_452 : i32 to index
        %get3A_472 = arith.constant 32 : index
        %get3A_473 = tpu.vector_load %arg16[%get3A_471, %get3A_472] {strides = array<i32>} : memref<128x128xf32, #tpu.memory_space<vmem>>, vector<16xf32>,
        %mul3A_474 = vector.broadcast %squeeze3A_454 : f32 to vector<16xf32>
        %mul3A_475 = arith.mulf %get3A_473, %mul3A_474 : vector<16xf32>
        %swap3A_476 = arith.index_cast %add3A_452 : i32 to index
        %swap3A_477 = arith.constant 32 : index
        %swap3A_478 = tpu.vector_load %arg16[%swap3A_476, %swap3A_477] {strides = array<i32>} : memref<128x128xf32, #tpu.memory_space<vmem>>, vector<16xf32>,
        tpu.vector_store %arg16[%swap3A_476, %swap3A_477], %mul3A_475 {strides = array<i32>} : memref<128x128xf32, #tpu.memory_space<vmem>>, vector<16xf32>,
        %get3A_479 = arith.index_cast %add3A_452 : i32 to index
        %get3A_480 = arith.constant 48 : index
        %get3A_481 = tpu.vector_load %arg16[%get3A_479, %get3A_480] {strides = array<i32>} : memref<128x128xf32, #tpu.memory_space<vmem>>, vector<16xf32>,
        %mul3A_482 = vector.broadcast %squeeze3A_454 : f32 to vector<16xf32>
        %mul3A_483 = arith.mulf %get3A_481, %mul3A_482 : vector<16xf32>
        %swap3A_484 = arith.index_cast %add3A_452 : i32 to index
        %swap3A_485 = arith.constant 48 : index
        %swap3A_486 = tpu.vector_load %arg16[%swap3A_484, %swap3A_485] {strides = array<i32>} : memref<128x128xf32, #tpu.memory_space<vmem>>, vector<16xf32>,
        tpu.vector_store %arg16[%swap3A_484, %swap3A_485], %mul3A_483 {strides = array<i32>} : memref<128x128xf32, #tpu.memory_space<vmem>>, vector<16xf32>,
        %mul3A_487 = arith.constant 16 : i32
        %mul3A_488 = arith.muli %add3A_370, %mul3A_487 : i32
        %add3A_489 = arith.constant 3 : i32
        %add3A_490 = arith.addi %mul3A_488, %add3A_489 : i32
        %slice3A_491 = vector.extract_strided_slice %get3A_374 {offsets = [3], sizes = [1], strides = [1]} : vector<16xf32> to vector<1xf32>
        %squeeze3A_492 = vector.extract %slice3A_491[0] : f32 from vector<1xf32>
        %get3A_493 = arith.index_cast %add3A_490 : i32 to index
        %get3A_494 = arith.constant 0 : index
        %get3A_495 = tpu.vector_load %arg16[%get3A_493, %get3A_494] {strides = array<i32>} : memref<128x128xf32, #tpu.memory_space<vmem>>, vector<16xf32>,
        %mul3A_496 = vector.broadcast %squeeze3A_492 : f32 to vector<16xf32>
        %mul3A_497 = arith.mulf %get3A_495, %mul3A_496 : vector<16xf32>
        %swap3A_498 = arith.index_cast %add3A_490 : i32 to index
        %swap3A_499 = arith.constant 0 : index
        %swap3A_500 = tpu.vector_load %arg16[%swap3A_498, %swap3A_499] {strides = array<i32>} : memref<128x128xf32, #tpu.memory_space<vmem>>, vector<16xf32>,
        tpu.vector_store %arg16[%swap3A_498, %swap3A_499], %mul3A_497 {strides = array<i32>} : memref<128x128xf32, #tpu.memory_space<vmem>>, vector<16xf32>,
        %get3A_501 = arith.index_cast %add3A_490 : i32 to index
        %get3A_502 = arith.constant 16 : index
        %get3A_503 = tpu.vector_load %arg16[%get3A_501, %get3A_502] {strides = array<i32>} : memref<128x128xf32, #tpu.memory_space<vmem>>, vector<16xf32>,
        %mul3A_504 = vector.broadcast %squeeze3A_492 : f32 to vector<16xf32>
        %mul3A_505 = arith.mulf %get3A_503, %mul3A_504 : vector<16xf32>
        %swap3A_506 = arith.index_cast %add3A_490 : i32 to index
        %swap3A_507 = arith.constant 16 : index
        %swap3A_508 = tpu.vector_load %arg16[%swap3A_506, %swap3A_507] {strides = array<i32>} : memref<128x128xf32, #tpu.memory_space<vmem>>, vector<16xf32>,
        tpu.vector_store %arg16[%swap3A_506, %swap3A_507], %mul3A_505 {strides = array<i32>} : memref<128x128xf32, #tpu.memory_space<vmem>>, vector<16xf32>,
        %get3A_509 = arith.index_cast %add3A_490 : i32 to index
        %get3A_510 = arith.constant 32 : index
        %get3A_511 = tpu.vector_load %arg16[%get3A_509, %get3A_510] {strides = array<i32>} : memref<128x128xf32, #tpu.memory_space<vmem>>, vector<16xf32>,
        %mul3A_512 = vector.broadcast %squeeze3A_492 : f32 to vector<16xf32>
        %mul3A_513 = arith.mulf %get3A_511, %mul3A_512 : vector<16xf32>
        %swap3A_514 = arith.index_cast %add3A_490 : i32 to index
        %swap3A_515 = arith.constant 32 : index
        %swap3A_516 = tpu.vector_load %arg16[%swap3A_514, %swap3A_515] {strides = array<i32>} : memref<128x128xf32, #tpu.memory_space<vmem>>, vector<16xf32>,
        tpu.vector_store %arg16[%swap3A_514, %swap3A_515], %mul3A_513 {strides = array<i32>} : memref<128x128xf32, #tpu.memory_space<vmem>>, vector<16xf32>,
        %get3A_517 = arith.index_cast %add3A_490 : i32 to index
        %get3A_518 = arith.constant 48 : index
        %get3A_519 = tpu.vector_load %arg16[%get3A_517, %get3A_518] {strides = array<i32>} : memref<128x128xf32, #tpu.memory_space<vmem>>, vector<16xf32>,
        %mul3A_520 = vector.broadcast %squeeze3A_492 : f32 to vector<16xf32>
        %mul3A_521 = arith.mulf %get3A_519, %mul3A_520 : vector<16xf32>
        %swap3A_522 = arith.index_cast %add3A_490 : i32 to index
        %swap3A_523 = arith.constant 48 : index
        %swap3A_524 = tpu.vector_load %arg16[%swap3A_522, %swap3A_523] {strides = array<i32>} : memref<128x128xf32, #tpu.memory_space<vmem>>, vector<16xf32>,
        tpu.vector_store %arg16[%swap3A_522, %swap3A_523], %mul3A_521 {strides = array<i32>} : memref<128x128xf32, #tpu.memory_space<vmem>>, vector<16xf32>,
        %mul3A_525 = arith.constant 16 : i32
        %mul3A_526 = arith.muli %add3A_370, %mul3A_525 : i32
        %add3A_527 = arith.constant 4 : i32
        %add3A_528 = arith.addi %mul3A_526, %add3A_527 : i32
        %slice3A_529 = vector.extract_strided_slice %get3A_374 {offsets = [4], sizes = [1], strides = [1]} : vector<16xf32> to vector<1xf32>
        %squeeze3A_530 = vector.extract %slice3A_529[0] : f32 from vector<1xf32>
        %get3A_531 = arith.index_cast %add3A_528 : i32 to index
        %get3A_532 = arith.constant 0 : index
        %get3A_533 = tpu.vector_load %arg16[%get3A_531, %get3A_532] {strides = array<i32>} : memref<128x128xf32, #tpu.memory_space<vmem>>, vector<16xf32>,
        %mul3A_534 = vector.broadcast %squeeze3A_530 : f32 to vector<16xf32>
        %mul3A_535 = arith.mulf %get3A_533, %mul3A_534 : vector<16xf32>
        %swap3A_536 = arith.index_cast %add3A_528 : i32 to index
        %swap3A_537 = arith.constant 0 : index
        %swap3A_538 = tpu.vector_load %arg16[%swap3A_536, %swap3A_537] {strides = array<i32>} : memref<128x128xf32, #tpu.memory_space<vmem>>, vector<16xf32>,
        tpu.vector_store %arg16[%swap3A_536, %swap3A_537], %mul3A_535 {strides = array<i32>} : memref<128x128xf32, #tpu.memory_space<vmem>>, vector<16xf32>,
        %get3A_539 = arith.index_cast %add3A_528 : i32 to index
        %get3A_540 = arith.constant 16 : index
        %get3A_541 = tpu.vector_load %arg16[%get3A_539, %get3A_540] {strides = array<i32>} : memref<128x128xf32, #tpu.memory_space<vmem>>, vector<16xf32>,
        %mul3A_542 = vector.broadcast %squeeze3A_530 : f32 to vector<16xf32>
        %mul3A_543 = arith.mulf %get3A_541, %mul3A_542 : vector<16xf32>
        %swap3A_544 = arith.index_cast %add3A_528 : i32 to index
        %swap3A_545 = arith.constant 16 : index
        %swap3A_546 = tpu.vector_load %arg16[%swap3A_544, %swap3A_545] {strides = array<i32>} : memref<128x128xf32, #tpu.memory_space<vmem>>, vector<16xf32>,
        tpu.vector_store %arg16[%swap3A_544, %swap3A_545], %mul3A_543 {strides = array<i32>} : memref<128x128xf32, #tpu.memory_space<vmem>>, vector<16xf32>,
        %get3A_547 = arith.index_cast %add3A_528 : i32 to index
        %get3A_548 = arith.constant 32 : index
        %get3A_549 = tpu.vector_load %arg16[%get3A_547, %get3A_548] {strides = array<i32>} : memref<128x128xf32, #tpu.memory_space<vmem>>, vector<16xf32>,
        %mul3A_550 = vector.broadcast %squeeze3A_530 : f32 to vector<16xf32>
        %mul3A_551 = arith.mulf %get3A_549, %mul3A_550 : vector<16xf32>
        %swap3A_552 = arith.index_cast %add3A_528 : i32 to index
        %swap3A_553 = arith.constant 32 : index
        %swap3A_554 = tpu.vector_load %arg16[%swap3A_552, %swap3A_553] {strides = array<i32>} : memref<128x128xf32, #tpu.memory_space<vmem>>, vector<16xf32>,
        tpu.vector_store %arg16[%swap3A_552, %swap3A_553], %mul3A_551 {strides = array<i32>} : memref<128x128xf32, #tpu.memory_space<vmem>>, vector<16xf32>,
        %get3A_555 = arith.index_cast %add3A_528 : i32 to index
        %get3A_556 = arith.constant 48 : index
        %get3A_557 = tpu.vector_load %arg16[%get3A_555, %get3A_556] {strides = array<i32>} : memref<128x128xf32, #tpu.memory_space<vmem>>, vector<16xf32>,
        %mul3A_558 = vector.broadcast %squeeze3A_530 : f32 to vector<16xf32>
        %mul3A_559 = arith.mulf %get3A_557, %mul3A_558 : vector<16xf32>
        %swap3A_560 = arith.index_cast %add3A_528 : i32 to index
        %swap3A_561 = arith.constant 48 : index
        %swap3A_562 = tpu.vector_load %arg16[%swap3A_560, %swap3A_561] {strides = array<i32>} : memref<128x128xf32, #tpu.memory_space<vmem>>, vector<16xf32>,
        tpu.vector_store %arg16[%swap3A_560, %swap3A_561], %mul3A_559 {strides = array<i32>} : memref<128x128xf32, #tpu.memory_space<vmem>>, vector<16xf32>,
        %mul3A_563 = arith.constant 16 : i32
        %mul3A_564 = arith.muli %add3A_370, %mul3A_563 : i32
        %add3A_565 = arith.constant 5 : i32
        %add3A_566 = arith.addi %mul3A_564, %add3A_565 : i32
        %slice3A_567 = vector.extract_strided_slice %get3A_374 {offsets = [5], sizes = [1], strides = [1]} : vector<16xf32> to vector<1xf32>
        %squeeze3A_568 = vector.extract %slice3A_567[0] : f32 from vector<1xf32>
        %get3A_569 = arith.index_cast %add3A_566 : i32 to index
        %get3A_570 = arith.constant 0 : index
        %get3A_571 = tpu.vector_load %arg16[%get3A_569, %get3A_570] {strides = array<i32>} : memref<128x128xf32, #tpu.memory_space<vmem>>, vector<16xf32>,
        %mul3A_572 = vector.broadcast %squeeze3A_568 : f32 to vector<16xf32>
        %mul3A_573 = arith.mulf %get3A_571, %mul3A_572 : vector<16xf32>
        %swap3A_574 = arith.index_cast %add3A_566 : i32 to index
        %swap3A_575 = arith.constant 0 : index
        %swap3A_576 = tpu.vector_load %arg16[%swap3A_574, %swap3A_575] {strides = array<i32>} : memref<128x128xf32, #tpu.memory_space<vmem>>, vector<16xf32>,
        tpu.vector_store %arg16[%swap3A_574, %swap3A_575], %mul3A_573 {strides = array<i32>} : memref<128x128xf32, #tpu.memory_space<vmem>>, vector<16xf32>,
        %get3A_577 = arith.index_cast %add3A_566 : i32 to index
        %get3A_578 = arith.constant 16 : index
        %get3A_579 = tpu.vector_load %arg16[%get3A_577, %get3A_578] {strides = array<i32>} : memref<128x128xf32, #tpu.memory_space<vmem>>, vector<16xf32>,
        %mul3A_580 = vector.broadcast %squeeze3A_568 : f32 to vector<16xf32>
        %mul3A_581 = arith.mulf %get3A_579, %mul3A_580 : vector<16xf32>
        %swap3A_582 = arith.index_cast %add3A_566 : i32 to index
        %swap3A_583 = arith.constant 16 : index
        %swap3A_584 = tpu.vector_load %arg16[%swap3A_582, %swap3A_583] {strides = array<i32>} : memref<128x128xf32, #tpu.memory_space<vmem>>, vector<16xf32>,
        tpu.vector_store %arg16[%swap3A_582, %swap3A_583], %mul3A_581 {strides = array<i32>} : memref<128x128xf32, #tpu.memory_space<vmem>>, vector<16xf32>,
        %get3A_585 = arith.index_cast %add3A_566 : i32 to index
        %get3A_586 = arith.constant 32 : index
        %get3A_587 = tpu.vector_load %arg16[%get3A_585, %get3A_586] {strides = array<i32>} : memref<128x128xf32, #tpu.memory_space<vmem>>, vector<16xf32>,
        %mul3A_588 = vector.broadcast %squeeze3A_568 : f32 to vector<16xf32>
        %mul3A_589 = arith.mulf %get3A_587, %mul3A_588 : vector<16xf32>
        %swap3A_590 = arith.index_cast %add3A_566 : i32 to index
        %swap3A_591 = arith.constant 32 : index
        %swap3A_592 = tpu.vector_load %arg16[%swap3A_590, %swap3A_591] {strides = array<i32>} : memref<128x128xf32, #tpu.memory_space<vmem>>, vector<16xf32>,
        tpu.vector_store %arg16[%swap3A_590, %swap3A_591], %mul3A_589 {strides = array<i32>} : memref<128x128xf32, #tpu.memory_space<vmem>>, vector<16xf32>,
        %get3A_593 = arith.index_cast %add3A_566 : i32 to index
        %get3A_594 = arith.constant 48 : index
        %get3A_595 = tpu.vector_load %arg16[%get3A_593, %get3A_594] {strides = array<i32>} : memref<128x128xf32, #tpu.memory_space<vmem>>, vector<16xf32>,
        %mul3A_596 = vector.broadcast %squeeze3A_568 : f32 to vector<16xf32>
        %mul3A_597 = arith.mulf %get3A_595, %mul3A_596 : vector<16xf32>
        %swap3A_598 = arith.index_cast %add3A_566 : i32 to index
        %swap3A_599 = arith.constant 48 : index
        %swap3A_600 = tpu.vector_load %arg16[%swap3A_598, %swap3A_599] {strides = array<i32>} : memref<128x128xf32, #tpu.memory_space<vmem>>, vector<16xf32>,
        tpu.vector_store %arg16[%swap3A_598, %swap3A_599], %mul3A_597 {strides = array<i32>} : memref<128x128xf32, #tpu.memory_space<vmem>>, vector<16xf32>,
        %mul3A_601 = arith.constant 16 : i32
        %mul3A_602 = arith.muli %add3A_370, %mul3A_601 : i32
        %add3A_603 = arith.constant 6 : i32
        %add3A_604 = arith.addi %mul3A_602, %add3A_603 : i32
        %slice3A_605 = vector.extract_strided_slice %get3A_374 {offsets = [6], sizes = [1], strides = [1]} : vector<16xf32> to vector<1xf32>
        %squeeze3A_606 = vector.extract %slice3A_605[0] : f32 from vector<1xf32>
        %get3A_607 = arith.index_cast %add3A_604 : i32 to index
        %get3A_608 = arith.constant 0 : index
        %get3A_609 = tpu.vector_load %arg16[%get3A_607, %get3A_608] {strides = array<i32>} : memref<128x128xf32, #tpu.memory_space<vmem>>, vector<16xf32>,
        %mul3A_610 = vector.broadcast %squeeze3A_606 : f32 to vector<16xf32>
        %mul3A_611 = arith.mulf %get3A_609, %mul3A_610 : vector<16xf32>
        %swap3A_612 = arith.index_cast %add3A_604 : i32 to index
        %swap3A_613 = arith.constant 0 : index
        %swap3A_614 = tpu.vector_load %arg16[%swap3A_612, %swap3A_613] {strides = array<i32>} : memref<128x128xf32, #tpu.memory_space<vmem>>, vector<16xf32>,
        tpu.vector_store %arg16[%swap3A_612, %swap3A_613], %mul3A_611 {strides = array<i32>} : memref<128x128xf32, #tpu.memory_space<vmem>>, vector<16xf32>,
        %get3A_615 = arith.index_cast %add3A_604 : i32 to index
        %get3A_616 = arith.constant 16 : index
        %get3A_617 = tpu.vector_load %arg16[%get3A_615, %get3A_616] {strides = array<i32>} : memref<128x128xf32, #tpu.memory_space<vmem>>, vector<16xf32>,
        %mul3A_618 = vector.broadcast %squeeze3A_606 : f32 to vector<16xf32>
        %mul3A_619 = arith.mulf %get3A_617, %mul3A_618 : vector<16xf32>
        %swap3A_620 = arith.index_cast %add3A_604 : i32 to index
        %swap3A_621 = arith.constant 16 : index
        %swap3A_622 = tpu.vector_load %arg16[%swap3A_620, %swap3A_621] {strides = array<i32>} : memref<128x128xf32, #tpu.memory_space<vmem>>, vector<16xf32>,
        tpu.vector_store %arg16[%swap3A_620, %swap3A_621], %mul3A_619 {strides = array<i32>} : memref<128x128xf32, #tpu.memory_space<vmem>>, vector<16xf32>,
        %get3A_623 = arith.index_cast %add3A_604 : i32 to index
        %get3A_624 = arith.constant 32 : index
        %get3A_625 = tpu.vector_load %arg16[%get3A_623, %get3A_624] {strides = array<i32>} : memref<128x128xf32, #tpu.memory_space<vmem>>, vector<16xf32>,
        %mul3A_626 = vector.broadcast %squeeze3A_606 : f32 to vector<16xf32>
        %mul3A_627 = arith.mulf %get3A_625, %mul3A_626 : vector<16xf32>
        %swap3A_628 = arith.index_cast %add3A_604 : i32 to index
        %swap3A_629 = arith.constant 32 : index
        %swap3A_630 = tpu.vector_load %arg16[%swap3A_628, %swap3A_629] {strides = array<i32>} : memref<128x128xf32, #tpu.memory_space<vmem>>, vector<16xf32>,
        tpu.vector_store %arg16[%swap3A_628, %swap3A_629], %mul3A_627 {strides = array<i32>} : memref<128x128xf32, #tpu.memory_space<vmem>>, vector<16xf32>,
        %get3A_631 = arith.index_cast %add3A_604 : i32 to index
        %get3A_632 = arith.constant 48 : index
        %get3A_633 = tpu.vector_load %arg16[%get3A_631, %get3A_632] {strides = array<i32>} : memref<128x128xf32, #tpu.memory_space<vmem>>, vector<16xf32>,
        %mul3A_634 = vector.broadcast %squeeze3A_606 : f32 to vector<16xf32>
        %mul3A_635 = arith.mulf %get3A_633, %mul3A_634 : vector<16xf32>
        %swap3A_636 = arith.index_cast %add3A_604 : i32 to index
        %swap3A_637 = arith.constant 48 : index
        %swap3A_638 = tpu.vector_load %arg16[%swap3A_636, %swap3A_637] {strides = array<i32>} : memref<128x128xf32, #tpu.memory_space<vmem>>, vector<16xf32>,
        tpu.vector_store %arg16[%swap3A_636, %swap3A_637], %mul3A_635 {strides = array<i32>} : memref<128x128xf32, #tpu.memory_space<vmem>>, vector<16xf32>,
        %mul3A_639 = arith.constant 16 : i32
        %mul3A_640 = arith.muli %add3A_370, %mul3A_639 : i32
        %add3A_641 = arith.constant 7 : i32
        %add3A_642 = arith.addi %mul3A_640, %add3A_641 : i32
        %slice3A_643 = vector.extract_strided_slice %get3A_374 {offsets = [7], sizes = [1], strides = [1]} : vector<16xf32> to vector<1xf32>
        %squeeze3A_644 = vector.extract %slice3A_643[0] : f32 from vector<1xf32>
        %get3A_645 = arith.index_cast %add3A_642 : i32 to index
        %get3A_646 = arith.constant 0 : index
        %get3A_647 = tpu.vector_load %arg16[%get3A_645, %get3A_646] {strides = array<i32>} : memref<128x128xf32, #tpu.memory_space<vmem>>, vector<16xf32>,
        %mul3A_648 = vector.broadcast %squeeze3A_644 : f32 to vector<16xf32>
        %mul3A_649 = arith.mulf %get3A_647, %mul3A_648 : vector<16xf32>
        %swap3A_650 = arith.index_cast %add3A_642 : i32 to index
        %swap3A_651 = arith.constant 0 : index
        %swap3A_652 = tpu.vector_load %arg16[%swap3A_650, %swap3A_651] {strides = array<i32>} : memref<128x128xf32, #tpu.memory_space<vmem>>, vector<16xf32>,
        tpu.vector_store %arg16[%swap3A_650, %swap3A_651], %mul3A_649 {strides = array<i32>} : memref<128x128xf32, #tpu.memory_space<vmem>>, vector<16xf32>,
        %get3A_653 = arith.index_cast %add3A_642 : i32 to index
        %get3A_654 = arith.constant 16 : index
        %get3A_655 = tpu.vector_load %arg16[%get3A_653, %get3A_654] {strides = array<i32>} : memref<128x128xf32, #tpu.memory_space<vmem>>, vector<16xf32>,
        %mul3A_656 = vector.broadcast %squeeze3A_644 : f32 to vector<16xf32>
        %mul3A_657 = arith.mulf %get3A_655, %mul3A_656 : vector<16xf32>
        %swap3A_658 = arith.index_cast %add3A_642 : i32 to index
        %swap3A_659 = arith.constant 16 : index
        %swap3A_660 = tpu.vector_load %arg16[%swap3A_658, %swap3A_659] {strides = array<i32>} : memref<128x128xf32, #tpu.memory_space<vmem>>, vector<16xf32>,
        tpu.vector_store %arg16[%swap3A_658, %swap3A_659], %mul3A_657 {strides = array<i32>} : memref<128x128xf32, #tpu.memory_space<vmem>>, vector<16xf32>,
        %get3A_661 = arith.index_cast %add3A_642 : i32 to index
        %get3A_662 = arith.constant 32 : index
        %get3A_663 = tpu.vector_load %arg16[%get3A_661, %get3A_662] {strides = array<i32>} : memref<128x128xf32, #tpu.memory_space<vmem>>, vector<16xf32>,
        %mul3A_664 = vector.broadcast %squeeze3A_644 : f32 to vector<16xf32>
        %mul3A_665 = arith.mulf %get3A_663, %mul3A_664 : vector<16xf32>
        %swap3A_666 = arith.index_cast %add3A_642 : i32 to index
        %swap3A_667 = arith.constant 32 : index
        %swap3A_668 = tpu.vector_load %arg16[%swap3A_666, %swap3A_667] {strides = array<i32>} : memref<128x128xf32, #tpu.memory_space<vmem>>, vector<16xf32>,
        tpu.vector_store %arg16[%swap3A_666, %swap3A_667], %mul3A_665 {strides = array<i32>} : memref<128x128xf32, #tpu.memory_space<vmem>>, vector<16xf32>,
        %get3A_669 = arith.index_cast %add3A_642 : i32 to index
        %get3A_670 = arith.constant 48 : index
        %get3A_671 = tpu.vector_load %arg16[%get3A_669, %get3A_670] {strides = array<i32>} : memref<128x128xf32, #tpu.memory_space<vmem>>, vector<16xf32>,
        %mul3A_672 = vector.broadcast %squeeze3A_644 : f32 to vector<16xf32>
        %mul3A_673 = arith.mulf %get3A_671, %mul3A_672 : vector<16xf32>
        %swap3A_674 = arith.index_cast %add3A_642 : i32 to index
        %swap3A_675 = arith.constant 48 : index
        %swap3A_676 = tpu.vector_load %arg16[%swap3A_674, %swap3A_675] {strides = array<i32>} : memref<128x128xf32, #tpu.memory_space<vmem>>, vector<16xf32>,
        tpu.vector_store %arg16[%swap3A_674, %swap3A_675], %mul3A_673 {strides = array<i32>} : memref<128x128xf32, #tpu.memory_space<vmem>>, vector<16xf32>,
        %mul3A_677 = arith.constant 16 : i32
        %mul3A_678 = arith.muli %add3A_370, %mul3A_677 : i32
        %add3A_679 = arith.constant 8 : i32
        %add3A_680 = arith.addi %mul3A_678, %add3A_679 : i32
        %slice3A_681 = vector.extract_strided_slice %get3A_374 {offsets = [8], sizes = [1], strides = [1]} : vector<16xf32> to vector<1xf32>
        %squeeze3A_682 = vector.extract %slice3A_681[0] : f32 from vector<1xf32>
        %get3A_683 = arith.index_cast %add3A_680 : i32 to index
        %get3A_684 = arith.constant 0 : index
        %get3A_685 = tpu.vector_load %arg16[%get3A_683, %get3A_684] {strides = array<i32>} : memref<128x128xf32, #tpu.memory_space<vmem>>, vector<16xf32>,
        %mul3A_686 = vector.broadcast %squeeze3A_682 : f32 to vector<16xf32>
        %mul3A_687 = arith.mulf %get3A_685, %mul3A_686 : vector<16xf32>
        %swap3A_688 = arith.index_cast %add3A_680 : i32 to index
        %swap3A_689 = arith.constant 0 : index
        %swap3A_690 = tpu.vector_load %arg16[%swap3A_688, %swap3A_689] {strides = array<i32>} : memref<128x128xf32, #tpu.memory_space<vmem>>, vector<16xf32>,
        tpu.vector_store %arg16[%swap3A_688, %swap3A_689], %mul3A_687 {strides = array<i32>} : memref<128x128xf32, #tpu.memory_space<vmem>>, vector<16xf32>,
        %get3A_691 = arith.index_cast %add3A_680 : i32 to index
        %get3A_692 = arith.constant 16 : index
        %get3A_693 = tpu.vector_load %arg16[%get3A_691, %get3A_692] {strides = array<i32>} : memref<128x128xf32, #tpu.memory_space<vmem>>, vector<16xf32>,
        %mul3A_694 = vector.broadcast %squeeze3A_682 : f32 to vector<16xf32>
        %mul3A_695 = arith.mulf %get3A_693, %mul3A_694 : vector<16xf32>
        %swap3A_696 = arith.index_cast %add3A_680 : i32 to index
        %swap3A_697 = arith.constant 16 : index
        %swap3A_698 = tpu.vector_load %arg16[%swap3A_696, %swap3A_697] {strides = array<i32>} : memref<128x128xf32, #tpu.memory_space<vmem>>, vector<16xf32>,
        tpu.vector_store %arg16[%swap3A_696, %swap3A_697], %mul3A_695 {strides = array<i32>} : memref<128x128xf32, #tpu.memory_space<vmem>>, vector<16xf32>,
        %get3A_699 = arith.index_cast %add3A_680 : i32 to index
        %get3A_700 = arith.constant 32 : index
        %get3A_701 = tpu.vector_load %arg16[%get3A_699, %get3A_700] {strides = array<i32>} : memref<128x128xf32, #tpu.memory_space<vmem>>, vector<16xf32>,
        %mul3A_702 = vector.broadcast %squeeze3A_682 : f32 to vector<16xf32>
        %mul3A_703 = arith.mulf %get3A_701, %mul3A_702 : vector<16xf32>
        %swap3A_704 = arith.index_cast %add3A_680 : i32 to index
        %swap3A_705 = arith.constant 32 : index
        %swap3A_706 = tpu.vector_load %arg16[%swap3A_704, %swap3A_705] {strides = array<i32>} : memref<128x128xf32, #tpu.memory_space<vmem>>, vector<16xf32>,
        tpu.vector_store %arg16[%swap3A_704, %swap3A_705], %mul3A_703 {strides = array<i32>} : memref<128x128xf32, #tpu.memory_space<vmem>>, vector<16xf32>,
        %get3A_707 = arith.index_cast %add3A_680 : i32 to index
        %get3A_708 = arith.constant 48 : index
        %get3A_709 = tpu.vector_load %arg16[%get3A_707, %get3A_708] {strides = array<i32>} : memref<128x128xf32, #tpu.memory_space<vmem>>, vector<16xf32>,
        %mul3A_710 = vector.broadcast %squeeze3A_682 : f32 to vector<16xf32>
        %mul3A_711 = arith.mulf %get3A_709, %mul3A_710 : vector<16xf32>
        %swap3A_712 = arith.index_cast %add3A_680 : i32 to index
        %swap3A_713 = arith.constant 48 : index
        %swap3A_714 = tpu.vector_load %arg16[%swap3A_712, %swap3A_713] {strides = array<i32>} : memref<128x128xf32, #tpu.memory_space<vmem>>, vector<16xf32>,
        tpu.vector_store %arg16[%swap3A_712, %swap3A_713], %mul3A_711 {strides = array<i32>} : memref<128x128xf32, #tpu.memory_space<vmem>>, vector<16xf32>,
        %mul3A_715 = arith.constant 16 : i32
        %mul3A_716 = arith.muli %add3A_370, %mul3A_715 : i32
        %add3A_717 = arith.constant 9 : i32
        %add3A_718 = arith.addi %mul3A_716, %add3A_717 : i32
        %slice3A_719 = vector.extract_strided_slice %get3A_374 {offsets = [9], sizes = [1], strides = [1]} : vector<16xf32> to vector<1xf32>
        %squeeze3A_720 = vector.extract %slice3A_719[0] : f32 from vector<1xf32>
        %get3A_721 = arith.index_cast %add3A_718 : i32 to index
        %get3A_722 = arith.constant 0 : index
        %get3A_723 = tpu.vector_load %arg16[%get3A_721, %get3A_722] {strides = array<i32>} : memref<128x128xf32, #tpu.memory_space<vmem>>, vector<16xf32>,
        %mul3A_724 = vector.broadcast %squeeze3A_720 : f32 to vector<16xf32>
        %mul3A_725 = arith.mulf %get3A_723, %mul3A_724 : vector<16xf32>
        %swap3A_726 = arith.index_cast %add3A_718 : i32 to index
        %swap3A_727 = arith.constant 0 : index
        %swap3A_728 = tpu.vector_load %arg16[%swap3A_726, %swap3A_727] {strides = array<i32>} : memref<128x128xf32, #tpu.memory_space<vmem>>, vector<16xf32>,
        tpu.vector_store %arg16[%swap3A_726, %swap3A_727], %mul3A_725 {strides = array<i32>} : memref<128x128xf32, #tpu.memory_space<vmem>>, vector<16xf32>,
        %get3A_729 = arith.index_cast %add3A_718 : i32 to index
        %get3A_730 = arith.constant 16 : index
        %get3A_731 = tpu.vector_load %arg16[%get3A_729, %get3A_730] {strides = array<i32>} : memref<128x128xf32, #tpu.memory_space<vmem>>, vector<16xf32>,
        %mul3A_732 = vector.broadcast %squeeze3A_720 : f32 to vector<16xf32>
        %mul3A_733 = arith.mulf %get3A_731, %mul3A_732 : vector<16xf32>
        %swap3A_734 = arith.index_cast %add3A_718 : i32 to index
        %swap3A_735 = arith.constant 16 : index
        %swap3A_736 = tpu.vector_load %arg16[%swap3A_734, %swap3A_735] {strides = array<i32>} : memref<128x128xf32, #tpu.memory_space<vmem>>, vector<16xf32>,
        tpu.vector_store %arg16[%swap3A_734, %swap3A_735], %mul3A_733 {strides = array<i32>} : memref<128x128xf32, #tpu.memory_space<vmem>>, vector<16xf32>,
        %get3A_737 = arith.index_cast %add3A_718 : i32 to index
        %get3A_738 = arith.constant 32 : index
        %get3A_739 = tpu.vector_load %arg16[%get3A_737, %get3A_738] {strides = array<i32>} : memref<128x128xf32, #tpu.memory_space<vmem>>, vector<16xf32>,
        %mul3A_740 = vector.broadcast %squeeze3A_720 : f32 to vector<16xf32>
        %mul3A_741 = arith.mulf %get3A_739, %mul3A_740 : vector<16xf32>
        %swap3A_742 = arith.index_cast %add3A_718 : i32 to index
        %swap3A_743 = arith.constant 32 : index
        %swap3A_744 = tpu.vector_load %arg16[%swap3A_742, %swap3A_743] {strides = array<i32>} : memref<128x128xf32, #tpu.memory_space<vmem>>, vector<16xf32>,
        tpu.vector_store %arg16[%swap3A_742, %swap3A_743], %mul3A_741 {strides = array<i32>} : memref<128x128xf32, #tpu.memory_space<vmem>>, vector<16xf32>,
        %get3A_745 = arith.index_cast %add3A_718 : i32 to index
        %get3A_746 = arith.constant 48 : index
        %get3A_747 = tpu.vector_load %arg16[%get3A_745, %get3A_746] {strides = array<i32>} : memref<128x128xf32, #tpu.memory_space<vmem>>, vector<16xf32>,
        %mul3A_748 = vector.broadcast %squeeze3A_720 : f32 to vector<16xf32>
        %mul3A_749 = arith.mulf %get3A_747, %mul3A_748 : vector<16xf32>
        %swap3A_750 = arith.index_cast %add3A_718 : i32 to index
        %swap3A_751 = arith.constant 48 : index
        %swap3A_752 = tpu.vector_load %arg16[%swap3A_750, %swap3A_751] {strides = array<i32>} : memref<128x128xf32, #tpu.memory_space<vmem>>, vector<16xf32>,
        tpu.vector_store %arg16[%swap3A_750, %swap3A_751], %mul3A_749 {strides = array<i32>} : memref<128x128xf32, #tpu.memory_space<vmem>>, vector<16xf32>,
        %mul3A_753 = arith.constant 16 : i32
        %mul3A_754 = arith.muli %add3A_370, %mul3A_753 : i32
        %add3A_755 = arith.constant 10 : i32
        %add3A_756 = arith.addi %mul3A_754, %add3A_755 : i32
        %slice3A_757 = vector.extract_strided_slice %get3A_374 {offsets = [10], sizes = [1], strides = [1]} : vector<16xf32> to vector<1xf32>
        %squeeze3A_758 = vector.extract %slice3A_757[0] : f32 from vector<1xf32>
        %get3A_759 = arith.index_cast %add3A_756 : i32 to index
        %get3A_760 = arith.constant 0 : index
        %get3A_761 = tpu.vector_load %arg16[%get3A_759, %get3A_760] {strides = array<i32>} : memref<128x128xf32, #tpu.memory_space<vmem>>, vector<16xf32>,
        %mul3A_762 = vector.broadcast %squeeze3A_758 : f32 to vector<16xf32>
        %mul3A_763 = arith.mulf %get3A_761, %mul3A_762 : vector<16xf32>
        %swap3A_764 = arith.index_cast %add3A_756 : i32 to index
        %swap3A_765 = arith.constant 0 : index
        %swap3A_766 = tpu.vector_load %arg16[%swap3A_764, %swap3A_765] {strides = array<i32>} : memref<128x128xf32, #tpu.memory_space<vmem>>, vector<16xf32>,
        tpu.vector_store %arg16[%swap3A_764, %swap3A_765], %mul3A_763 {strides = array<i32>} : memref<128x128xf32, #tpu.memory_space<vmem>>, vector<16xf32>,
        %get3A_767 = arith.index_cast %add3A_756 : i32 to index
        %get3A_768 = arith.constant 16 : index
        %get3A_769 = tpu.vector_load %arg16[%get3A_767, %get3A_768] {strides = array<i32>} : memref<128x128xf32, #tpu.memory_space<vmem>>, vector<16xf32>,
        %mul3A_770 = vector.broadcast %squeeze3A_758 : f32 to vector<16xf32>
        %mul3A_771 = arith.mulf %get3A_769, %mul3A_770 : vector<16xf32>
        %swap3A_772 = arith.index_cast %add3A_756 : i32 to index
        %swap3A_773 = arith.constant 16 : index
        %swap3A_774 = tpu.vector_load %arg16[%swap3A_772, %swap3A_773] {strides = array<i32>} : memref<128x128xf32, #tpu.memory_space<vmem>>, vector<16xf32>,
        tpu.vector_store %arg16[%swap3A_772, %swap3A_773], %mul3A_771 {strides = array<i32>} : memref<128x128xf32, #tpu.memory_space<vmem>>, vector<16xf32>,
        %get3A_775 = arith.index_cast %add3A_756 : i32 to index
        %get3A_776 = arith.constant 32 : index
        %get3A_777 = tpu.vector_load %arg16[%get3A_775, %get3A_776] {strides = array<i32>} : memref<128x128xf32, #tpu.memory_space<vmem>>, vector<16xf32>,
        %mul3A_778 = vector.broadcast %squeeze3A_758 : f32 to vector<16xf32>
        %mul3A_779 = arith.mulf %get3A_777, %mul3A_778 : vector<16xf32>
        %swap3A_780 = arith.index_cast %add3A_756 : i32 to index
        %swap3A_781 = arith.constant 32 : index
        %swap3A_782 = tpu.vector_load %arg16[%swap3A_780, %swap3A_781] {strides = array<i32>} : memref<128x128xf32, #tpu.memory_space<vmem>>, vector<16xf32>,
        tpu.vector_store %arg16[%swap3A_780, %swap3A_781], %mul3A_779 {strides = array<i32>} : memref<128x128xf32, #tpu.memory_space<vmem>>, vector<16xf32>,
        %get3A_783 = arith.index_cast %add3A_756 : i32 to index
        %get3A_784 = arith.constant 48 : index
        %get3A_785 = tpu.vector_load %arg16[%get3A_783, %get3A_784] {strides = array<i32>} : memref<128x128xf32, #tpu.memory_space<vmem>>, vector<16xf32>,
        %mul3A_786 = vector.broadcast %squeeze3A_758 : f32 to vector<16xf32>
        %mul3A_787 = arith.mulf %get3A_785, %mul3A_786 : vector<16xf32>
        %swap3A_788 = arith.index_cast %add3A_756 : i32 to index
        %swap3A_789 = arith.constant 48 : index
        %swap3A_790 = tpu.vector_load %arg16[%swap3A_788, %swap3A_789] {strides = array<i32>} : memref<128x128xf32, #tpu.memory_space<vmem>>, vector<16xf32>,
        tpu.vector_store %arg16[%swap3A_788, %swap3A_789], %mul3A_787 {strides = array<i32>} : memref<128x128xf32, #tpu.memory_space<vmem>>, vector<16xf32>,
        %mul3A_791 = arith.constant 16 : i32
        %mul3A_792 = arith.muli %add3A_370, %mul3A_791 : i32
        %add3A_793 = arith.constant 11 : i32
        %add3A_794 = arith.addi %mul3A_792, %add3A_793 : i32
        %slice3A_795 = vector.extract_strided_slice %get3A_374 {offsets = [11], sizes = [1], strides = [1]} : vector<16xf32> to vector<1xf32>
        %squeeze3A_796 = vector.extract %slice3A_795[0] : f32 from vector<1xf32>
        %get3A_797 = arith.index_cast %add3A_794 : i32 to index
        %get3A_798 = arith.constant 0 : index
        %get3A_799 = tpu.vector_load %arg16[%get3A_797, %get3A_798] {strides = array<i32>} : memref<128x128xf32, #tpu.memory_space<vmem>>, vector<16xf32>,
        %mul3A_800 = vector.broadcast %squeeze3A_796 : f32 to vector<16xf32>
        %mul3A_801 = arith.mulf %get3A_799, %mul3A_800 : vector<16xf32>
        %swap3A_802 = arith.index_cast %add3A_794 : i32 to index
        %swap3A_803 = arith.constant 0 : index
        %swap3A_804 = tpu.vector_load %arg16[%swap3A_802, %swap3A_803] {strides = array<i32>} : memref<128x128xf32, #tpu.memory_space<vmem>>, vector<16xf32>,
        tpu.vector_store %arg16[%swap3A_802, %swap3A_803], %mul3A_801 {strides = array<i32>} : memref<128x128xf32, #tpu.memory_space<vmem>>, vector<16xf32>,
        %get3A_805 = arith.index_cast %add3A_794 : i32 to index
        %get3A_806 = arith.constant 16 : index
        %get3A_807 = tpu.vector_load %arg16[%get3A_805, %get3A_806] {strides = array<i32>} : memref<128x128xf32, #tpu.memory_space<vmem>>, vector<16xf32>,
        %mul3A_808 = vector.broadcast %squeeze3A_796 : f32 to vector<16xf32>
        %mul3A_809 = arith.mulf %get3A_807, %mul3A_808 : vector<16xf32>
        %swap3A_810 = arith.index_cast %add3A_794 : i32 to index
        %swap3A_811 = arith.constant 16 : index
        %swap3A_812 = tpu.vector_load %arg16[%swap3A_810, %swap3A_811] {strides = array<i32>} : memref<128x128xf32, #tpu.memory_space<vmem>>, vector<16xf32>,
        tpu.vector_store %arg16[%swap3A_810, %swap3A_811], %mul3A_809 {strides = array<i32>} : memref<128x128xf32, #tpu.memory_space<vmem>>, vector<16xf32>,
        %get3A_813 = arith.index_cast %add3A_794 : i32 to index
        %get3A_814 = arith.constant 32 : index
        %get3A_815 = tpu.vector_load %arg16[%get3A_813, %get3A_814] {strides = array<i32>} : memref<128x128xf32, #tpu.memory_space<vmem>>, vector<16xf32>,
        %mul3A_816 = vector.broadcast %squeeze3A_796 : f32 to vector<16xf32>
        %mul3A_817 = arith.mulf %get3A_815, %mul3A_816 : vector<16xf32>
        %swap3A_818 = arith.index_cast %add3A_794 : i32 to index
        %swap3A_819 = arith.constant 32 : index
        %swap3A_820 = tpu.vector_load %arg16[%swap3A_818, %swap3A_819] {strides = array<i32>} : memref<128x128xf32, #tpu.memory_space<vmem>>, vector<16xf32>,
        tpu.vector_store %arg16[%swap3A_818, %swap3A_819], %mul3A_817 {strides = array<i32>} : memref<128x128xf32, #tpu.memory_space<vmem>>, vector<16xf32>,
        %get3A_821 = arith.index_cast %add3A_794 : i32 to index
        %get3A_822 = arith.constant 48 : index
        %get3A_823 = tpu.vector_load %arg16[%get3A_821, %get3A_822] {strides = array<i32>} : memref<128x128xf32, #tpu.memory_space<vmem>>, vector<16xf32>,
        %mul3A_824 = vector.broadcast %squeeze3A_796 : f32 to vector<16xf32>
        %mul3A_825 = arith.mulf %get3A_823, %mul3A_824 : vector<16xf32>
        %swap3A_826 = arith.index_cast %add3A_794 : i32 to index
        %swap3A_827 = arith.constant 48 : index
        %swap3A_828 = tpu.vector_load %arg16[%swap3A_826, %swap3A_827] {strides = array<i32>} : memref<128x128xf32, #tpu.memory_space<vmem>>, vector<16xf32>,
        tpu.vector_store %arg16[%swap3A_826, %swap3A_827], %mul3A_825 {strides = array<i32>} : memref<128x128xf32, #tpu.memory_space<vmem>>, vector<16xf32>,
        %mul3A_829 = arith.constant 16 : i32
        %mul3A_830 = arith.muli %add3A_370, %mul3A_829 : i32
        %add3A_831 = arith.constant 12 : i32
        %add3A_832 = arith.addi %mul3A_830, %add3A_831 : i32
        %slice3A_833 = vector.extract_strided_slice %get3A_374 {offsets = [12], sizes = [1], strides = [1]} : vector<16xf32> to vector<1xf32>
        %squeeze3A_834 = vector.extract %slice3A_833[0] : f32 from vector<1xf32>
        %get3A_835 = arith.index_cast %add3A_832 : i32 to index
        %get3A_836 = arith.constant 0 : index
        %get3A_837 = tpu.vector_load %arg16[%get3A_835, %get3A_836] {strides = array<i32>} : memref<128x128xf32, #tpu.memory_space<vmem>>, vector<16xf32>,
        %mul3A_838 = vector.broadcast %squeeze3A_834 : f32 to vector<16xf32>
        %mul3A_839 = arith.mulf %get3A_837, %mul3A_838 : vector<16xf32>
        %swap3A_840 = arith.index_cast %add3A_832 : i32 to index
        %swap3A_841 = arith.constant 0 : index
        %swap3A_842 = tpu.vector_load %arg16[%swap3A_840, %swap3A_841] {strides = array<i32>} : memref<128x128xf32, #tpu.memory_space<vmem>>, vector<16xf32>,
        tpu.vector_store %arg16[%swap3A_840, %swap3A_841], %mul3A_839 {strides = array<i32>} : memref<128x128xf32, #tpu.memory_space<vmem>>, vector<16xf32>,
        %get3A_843 = arith.index_cast %add3A_832 : i32 to index
        %get3A_844 = arith.constant 16 : index
        %get3A_845 = tpu.vector_load %arg16[%get3A_843, %get3A_844] {strides = array<i32>} : memref<128x128xf32, #tpu.memory_space<vmem>>, vector<16xf32>,
        %mul3A_846 = vector.broadcast %squeeze3A_834 : f32 to vector<16xf32>
        %mul3A_847 = arith.mulf %get3A_845, %mul3A_846 : vector<16xf32>
        %swap3A_848 = arith.index_cast %add3A_832 : i32 to index
        %swap3A_849 = arith.constant 16 : index
        %swap3A_850 = tpu.vector_load %arg16[%swap3A_848, %swap3A_849] {strides = array<i32>} : memref<128x128xf32, #tpu.memory_space<vmem>>, vector<16xf32>,
        tpu.vector_store %arg16[%swap3A_848, %swap3A_849], %mul3A_847 {strides = array<i32>} : memref<128x128xf32, #tpu.memory_space<vmem>>, vector<16xf32>,
        %get3A_851 = arith.index_cast %add3A_832 : i32 to index
        %get3A_852 = arith.constant 32 : index
        %get3A_853 = tpu.vector_load %arg16[%get3A_851, %get3A_852] {strides = array<i32>} : memref<128x128xf32, #tpu.memory_space<vmem>>, vector<16xf32>,
        %mul3A_854 = vector.broadcast %squeeze3A_834 : f32 to vector<16xf32>
        %mul3A_855 = arith.mulf %get3A_853, %mul3A_854 : vector<16xf32>
        %swap3A_856 = arith.index_cast %add3A_832 : i32 to index
        %swap3A_857 = arith.constant 32 : index
        %swap3A_858 = tpu.vector_load %arg16[%swap3A_856, %swap3A_857] {strides = array<i32>} : memref<128x128xf32, #tpu.memory_space<vmem>>, vector<16xf32>,
        tpu.vector_store %arg16[%swap3A_856, %swap3A_857], %mul3A_855 {strides = array<i32>} : memref<128x128xf32, #tpu.memory_space<vmem>>, vector<16xf32>,
        %get3A_859 = arith.index_cast %add3A_832 : i32 to index
        %get3A_860 = arith.constant 48 : index
        %get3A_861 = tpu.vector_load %arg16[%get3A_859, %get3A_860] {strides = array<i32>} : memref<128x128xf32, #tpu.memory_space<vmem>>, vector<16xf32>,
        %mul3A_862 = vector.broadcast %squeeze3A_834 : f32 to vector<16xf32>
        %mul3A_863 = arith.mulf %get3A_861, %mul3A_862 : vector<16xf32>
        %swap3A_864 = arith.index_cast %add3A_832 : i32 to index
        %swap3A_865 = arith.constant 48 : index
        %swap3A_866 = tpu.vector_load %arg16[%swap3A_864, %swap3A_865] {strides = array<i32>} : memref<128x128xf32, #tpu.memory_space<vmem>>, vector<16xf32>,
        tpu.vector_store %arg16[%swap3A_864, %swap3A_865], %mul3A_863 {strides = array<i32>} : memref<128x128xf32, #tpu.memory_space<vmem>>, vector<16xf32>,
        %mul3A_867 = arith.constant 16 : i32
        %mul3A_868 = arith.muli %add3A_370, %mul3A_867 : i32
        %add3A_869 = arith.constant 13 : i32
        %add3A_870 = arith.addi %mul3A_868, %add3A_869 : i32
        %slice3A_871 = vector.extract_strided_slice %get3A_374 {offsets = [13], sizes = [1], strides = [1]} : vector<16xf32> to vector<1xf32>
        %squeeze3A_872 = vector.extract %slice3A_871[0] : f32 from vector<1xf32>
        %get3A_873 = arith.index_cast %add3A_870 : i32 to index
        %get3A_874 = arith.constant 0 : index
        %get3A_875 = tpu.vector_load %arg16[%get3A_873, %get3A_874] {strides = array<i32>} : memref<128x128xf32, #tpu.memory_space<vmem>>, vector<16xf32>,
        %mul3A_876 = vector.broadcast %squeeze3A_872 : f32 to vector<16xf32>
        %mul3A_877 = arith.mulf %get3A_875, %mul3A_876 : vector<16xf32>
        %swap3A_878 = arith.index_cast %add3A_870 : i32 to index
        %swap3A_879 = arith.constant 0 : index
        %swap3A_880 = tpu.vector_load %arg16[%swap3A_878, %swap3A_879] {strides = array<i32>} : memref<128x128xf32, #tpu.memory_space<vmem>>, vector<16xf32>,
        tpu.vector_store %arg16[%swap3A_878, %swap3A_879], %mul3A_877 {strides = array<i32>} : memref<128x128xf32, #tpu.memory_space<vmem>>, vector<16xf32>,
        %get3A_881 = arith.index_cast %add3A_870 : i32 to index
        %get3A_882 = arith.constant 16 : index
        %get3A_883 = tpu.vector_load %arg16[%get3A_881, %get3A_882] {strides = array<i32>} : memref<128x128xf32, #tpu.memory_space<vmem>>, vector<16xf32>,
        %mul3A_884 = vector.broadcast %squeeze3A_872 : f32 to vector<16xf32>
        %mul3A_885 = arith.mulf %get3A_883, %mul3A_884 : vector<16xf32>
        %swap3A_886 = arith.index_cast %add3A_870 : i32 to index
        %swap3A_887 = arith.constant 16 : index
        %swap3A_888 = tpu.vector_load %arg16[%swap3A_886, %swap3A_887] {strides = array<i32>} : memref<128x128xf32, #tpu.memory_space<vmem>>, vector<16xf32>,
        tpu.vector_store %arg16[%swap3A_886, %swap3A_887], %mul3A_885 {strides = array<i32>} : memref<128x128xf32, #tpu.memory_space<vmem>>, vector<16xf32>,
        %get3A_889 = arith.index_cast %add3A_870 : i32 to index
        %get3A_890 = arith.constant 32 : index
        %get3A_891 = tpu.vector_load %arg16[%get3A_889, %get3A_890] {strides = array<i32>} : memref<128x128xf32, #tpu.memory_space<vmem>>, vector<16xf32>,
        %mul3A_892 = vector.broadcast %squeeze3A_872 : f32 to vector<16xf32>
        %mul3A_893 = arith.mulf %get3A_891, %mul3A_892 : vector<16xf32>
        %swap3A_894 = arith.index_cast %add3A_870 : i32 to index
        %swap3A_895 = arith.constant 32 : index
        %swap3A_896 = tpu.vector_load %arg16[%swap3A_894, %swap3A_895] {strides = array<i32>} : memref<128x128xf32, #tpu.memory_space<vmem>>, vector<16xf32>,
        tpu.vector_store %arg16[%swap3A_894, %swap3A_895], %mul3A_893 {strides = array<i32>} : memref<128x128xf32, #tpu.memory_space<vmem>>, vector<16xf32>,
        %get3A_897 = arith.index_cast %add3A_870 : i32 to index
        %get3A_898 = arith.constant 48 : index
        %get3A_899 = tpu.vector_load %arg16[%get3A_897, %get3A_898] {strides = array<i32>} : memref<128x128xf32, #tpu.memory_space<vmem>>, vector<16xf32>,
        %mul3A_900 = vector.broadcast %squeeze3A_872 : f32 to vector<16xf32>
        %mul3A_901 = arith.mulf %get3A_899, %mul3A_900 : vector<16xf32>
        %swap3A_902 = arith.index_cast %add3A_870 : i32 to index
        %swap3A_903 = arith.constant 48 : index
        %swap3A_904 = tpu.vector_load %arg16[%swap3A_902, %swap3A_903] {strides = array<i32>} : memref<128x128xf32, #tpu.memory_space<vmem>>, vector<16xf32>,
        tpu.vector_store %arg16[%swap3A_902, %swap3A_903], %mul3A_901 {strides = array<i32>} : memref<128x128xf32, #tpu.memory_space<vmem>>, vector<16xf32>,
        %mul3A_905 = arith.constant 16 : i32
        %mul3A_906 = arith.muli %add3A_370, %mul3A_905 : i32
        %add3A_907 = arith.constant 14 : i32
        %add3A_908 = arith.addi %mul3A_906, %add3A_907 : i32
        %slice3A_909 = vector.extract_strided_slice %get3A_374 {offsets = [14], sizes = [1], strides = [1]} : vector<16xf32> to vector<1xf32>
        %squeeze3A_910 = vector.extract %slice3A_909[0] : f32 from vector<1xf32>
        %get3A_911 = arith.index_cast %add3A_908 : i32 to index
        %get3A_912 = arith.constant 0 : index
        %get3A_913 = tpu.vector_load %arg16[%get3A_911, %get3A_912] {strides = array<i32>} : memref<128x128xf32, #tpu.memory_space<vmem>>, vector<16xf32>,
        %mul3A_914 = vector.broadcast %squeeze3A_910 : f32 to vector<16xf32>
        %mul3A_915 = arith.mulf %get3A_913, %mul3A_914 : vector<16xf32>
        %swap3A_916 = arith.index_cast %add3A_908 : i32 to index
        %swap3A_917 = arith.constant 0 : index
        %swap3A_918 = tpu.vector_load %arg16[%swap3A_916, %swap3A_917] {strides = array<i32>} : memref<128x128xf32, #tpu.memory_space<vmem>>, vector<16xf32>,
        tpu.vector_store %arg16[%swap3A_916, %swap3A_917], %mul3A_915 {strides = array<i32>} : memref<128x128xf32, #tpu.memory_space<vmem>>, vector<16xf32>,
        %get3A_919 = arith.index_cast %add3A_908 : i32 to index
        %get3A_920 = arith.constant 16 : index
        %get3A_921 = tpu.vector_load %arg16[%get3A_919, %get3A_920] {strides = array<i32>} : memref<128x128xf32, #tpu.memory_space<vmem>>, vector<16xf32>,
        %mul3A_922 = vector.broadcast %squeeze3A_910 : f32 to vector<16xf32>
        %mul3A_923 = arith.mulf %get3A_921, %mul3A_922 : vector<16xf32>
        %swap3A_924 = arith.index_cast %add3A_908 : i32 to index
        %swap3A_925 = arith.constant 16 : index
        %swap3A_926 = tpu.vector_load %arg16[%swap3A_924, %swap3A_925] {strides = array<i32>} : memref<128x128xf32, #tpu.memory_space<vmem>>, vector<16xf32>,
        tpu.vector_store %arg16[%swap3A_924, %swap3A_925], %mul3A_923 {strides = array<i32>} : memref<128x128xf32, #tpu.memory_space<vmem>>, vector<16xf32>,
        %get3A_927 = arith.index_cast %add3A_908 : i32 to index
        %get3A_928 = arith.constant 32 : index
        %get3A_929 = tpu.vector_load %arg16[%get3A_927, %get3A_928] {strides = array<i32>} : memref<128x128xf32, #tpu.memory_space<vmem>>, vector<16xf32>,
        %mul3A_930 = vector.broadcast %squeeze3A_910 : f32 to vector<16xf32>
        %mul3A_931 = arith.mulf %get3A_929, %mul3A_930 : vector<16xf32>
        %swap3A_932 = arith.index_cast %add3A_908 : i32 to index
        %swap3A_933 = arith.constant 32 : index
        %swap3A_934 = tpu.vector_load %arg16[%swap3A_932, %swap3A_933] {strides = array<i32>} : memref<128x128xf32, #tpu.memory_space<vmem>>, vector<16xf32>,
        tpu.vector_store %arg16[%swap3A_932, %swap3A_933], %mul3A_931 {strides = array<i32>} : memref<128x128xf32, #tpu.memory_space<vmem>>, vector<16xf32>,
        %get3A_935 = arith.index_cast %add3A_908 : i32 to index
        %get3A_936 = arith.constant 48 : index
        %get3A_937 = tpu.vector_load %arg16[%get3A_935, %get3A_936] {strides = array<i32>} : memref<128x128xf32, #tpu.memory_space<vmem>>, vector<16xf32>,
        %mul3A_938 = vector.broadcast %squeeze3A_910 : f32 to vector<16xf32>
        %mul3A_939 = arith.mulf %get3A_937, %mul3A_938 : vector<16xf32>
        %swap3A_940 = arith.index_cast %add3A_908 : i32 to index
        %swap3A_941 = arith.constant 48 : index
        %swap3A_942 = tpu.vector_load %arg16[%swap3A_940, %swap3A_941] {strides = array<i32>} : memref<128x128xf32, #tpu.memory_space<vmem>>, vector<16xf32>,
        tpu.vector_store %arg16[%swap3A_940, %swap3A_941], %mul3A_939 {strides = array<i32>} : memref<128x128xf32, #tpu.memory_space<vmem>>, vector<16xf32>,
        %mul3A_943 = arith.constant 16 : i32
        %mul3A_944 = arith.muli %add3A_370, %mul3A_943 : i32
        %add3A_945 = arith.constant 15 : i32
        %add3A_946 = arith.addi %mul3A_944, %add3A_945 : i32
        %slice3A_947 = vector.extract_strided_slice %get3A_374 {offsets = [15], sizes = [1], strides = [1]} : vector<16xf32> to vector<1xf32>
        %squeeze3A_948 = vector.extract %slice3A_947[0] : f32 from vector<1xf32>
        %get3A_949 = arith.index_cast %add3A_946 : i32 to index
        %get3A_950 = arith.constant 0 : index
        %get3A_951 = tpu.vector_load %arg16[%get3A_949, %get3A_950] {strides = array<i32>} : memref<128x128xf32, #tpu.memory_space<vmem>>, vector<16xf32>,
        %mul3A_952 = vector.broadcast %squeeze3A_948 : f32 to vector<16xf32>
        %mul3A_953 = arith.mulf %get3A_951, %mul3A_952 : vector<16xf32>
        %swap3A_954 = arith.index_cast %add3A_946 : i32 to index
        %swap3A_955 = arith.constant 0 : index
        %swap3A_956 = tpu.vector_load %arg16[%swap3A_954, %swap3A_955] {strides = array<i32>} : memref<128x128xf32, #tpu.memory_space<vmem>>, vector<16xf32>,
        tpu.vector_store %arg16[%swap3A_954, %swap3A_955], %mul3A_953 {strides = array<i32>} : memref<128x128xf32, #tpu.memory_space<vmem>>, vector<16xf32>,
        %get3A_957 = arith.index_cast %add3A_946 : i32 to index
        %get3A_958 = arith.constant 16 : index
        %get3A_959 = tpu.vector_load %arg16[%get3A_957, %get3A_958] {strides = array<i32>} : memref<128x128xf32, #tpu.memory_space<vmem>>, vector<16xf32>,
        %mul3A_960 = vector.broadcast %squeeze3A_948 : f32 to vector<16xf32>
        %mul3A_961 = arith.mulf %get3A_959, %mul3A_960 : vector<16xf32>
        %swap3A_962 = arith.index_cast %add3A_946 : i32 to index
        %swap3A_963 = arith.constant 16 : index
        %swap3A_964 = tpu.vector_load %arg16[%swap3A_962, %swap3A_963] {strides = array<i32>} : memref<128x128xf32, #tpu.memory_space<vmem>>, vector<16xf32>,
        tpu.vector_store %arg16[%swap3A_962, %swap3A_963], %mul3A_961 {strides = array<i32>} : memref<128x128xf32, #tpu.memory_space<vmem>>, vector<16xf32>,
        %get3A_965 = arith.index_cast %add3A_946 : i32 to index
        %get3A_966 = arith.constant 32 : index
        %get3A_967 = tpu.vector_load %arg16[%get3A_965, %get3A_966] {strides = array<i32>} : memref<128x128xf32, #tpu.memory_space<vmem>>, vector<16xf32>,
        %mul3A_968 = vector.broadcast %squeeze3A_948 : f32 to vector<16xf32>
        %mul3A_969 = arith.mulf %get3A_967, %mul3A_968 : vector<16xf32>
        %swap3A_970 = arith.index_cast %add3A_946 : i32 to index
        %swap3A_971 = arith.constant 32 : index
        %swap3A_972 = tpu.vector_load %arg16[%swap3A_970, %swap3A_971] {strides = array<i32>} : memref<128x128xf32, #tpu.memory_space<vmem>>, vector<16xf32>,
        tpu.vector_store %arg16[%swap3A_970, %swap3A_971], %mul3A_969 {strides = array<i32>} : memref<128x128xf32, #tpu.memory_space<vmem>>, vector<16xf32>,
        %get3A_973 = arith.index_cast %add3A_946 : i32 to index
        %get3A_974 = arith.constant 48 : index
        %get3A_975 = tpu.vector_load %arg16[%get3A_973, %get3A_974] {strides = array<i32>} : memref<128x128xf32, #tpu.memory_space<vmem>>, vector<16xf32>,
        %mul3A_976 = vector.broadcast %squeeze3A_948 : f32 to vector<16xf32>
        %mul3A_977 = arith.mulf %get3A_975, %mul3A_976 : vector<16xf32>
        %swap3A_978 = arith.index_cast %add3A_946 : i32 to index
        %swap3A_979 = arith.constant 48 : index
        %swap3A_980 = tpu.vector_load %arg16[%swap3A_978, %swap3A_979] {strides = array<i32>} : memref<128x128xf32, #tpu.memory_space<vmem>>, vector<16xf32>,
        tpu.vector_store %arg16[%swap3A_978, %swap3A_979], %mul3A_977 {strides = array<i32>} : memref<128x128xf32, #tpu.memory_space<vmem>>, vector<16xf32>,
      }
      %scan3A_362 = arith.constant 8 : i32
      %dma_start3A_363 = arith.constant 0 : i32
      %dma_start3A_364 = arith.constant 0 : i32
      %dma_start3A_365 = tpu.memref_slice %arg17[%dma_start3A_363, %dma_start3A_364] : memref<10240x128xf32, #tpu.memory_space<vmem_shared>> -> memref<10240x128xf32, #tpu.memory_space<vmem_shared>>
      tpu.enqueue_indirect_dma source(%arg16 : memref<128x128xf32, #tpu.memory_space<vmem>>) target(%dma_start3A_365 : memref<10240x128xf32, #tpu.memory_space<vmem_shared>>) offsets(%arg13 : memref<128xi32, #tpu.memory_space<vmem>>) semaphore(%arg19 : memref<!tpu.dma_semaphore, #tpu.memory_space<semaphore_mem>>) {add = true}
    }
    %scan3A_18 = arith.constant 81 : i32
    %dma_wait3A = arith.constant 0 : i32
    %dma_wait3A_19 = arith.constant 0 : i32
    %dma_wait3A_20 = tpu.memref_slice %arg17[%dma_wait3A, %dma_wait3A_19] : memref<10240x128xf32, #tpu.memory_space<vmem_shared>> -> memref<10240x128xf32, #tpu.memory_space<vmem_shared>>
    tpu.wait_indirect_dma semaphore(%arg19 : memref<!tpu.dma_semaphore, #tpu.memory_space<semaphore_mem>>) src(%arg16 : memref<128x128xf32, #tpu.memory_space<vmem>>) dst(%dma_wait3A_20 : memref<10240x128xf32, #tpu.memory_space<vmem_shared>>)
    %barrier3A_21 = arith.constant 0 : index
    tpu.barrier barrier_id(%barrier3A_21)
    "tpu.region"() ({
      %run_scoped3A = tpu.sem_alloc : memref<!tpu.dma_semaphore, #tpu.memory_space<semaphore_mem>>
      %dma_start3A = arith.constant 0 : i32
      %dma_start3A_23 = tpu.memref_slice %arg7[%arg0, %add3A_6, %mul3A_2, %dma_start3A] : memref<2x1x10240x128xf32, #tpu.memory_space<hbm>> -> memref<1x1x640x128xf32, #tpu.memory_space<hbm>>
      %dma_start3A_24 = tpu.memref_squeeze %dma_start3A_23 : memref<1x1x640x128xf32, #tpu.memory_space<hbm>> -> memref<640x128xf32, #tpu.memory_space<hbm>>
      %dma_start3A_25 = arith.constant 0 : i32
      %dma_start3A_26 = tpu.memref_slice %arg17[%mul3A_2, %dma_start3A_25] : memref<10240x128xf32, #tpu.memory_space<vmem_shared>> -> memref<640x128xf32, #tpu.memory_space<vmem_shared>>
      tpu.enqueue_dma source(%dma_start3A_26 : memref<640x128xf32, #tpu.memory_space<vmem_shared>>) target(%dma_start3A_24 : memref<640x128xf32, #tpu.memory_space<hbm>>) target_semaphore(%run_scoped3A : memref<!tpu.dma_semaphore, #tpu.memory_space<semaphore_mem>>)
      %dma_wait3A_27 = arith.constant 0 : i32
      %dma_wait3A_28 = tpu.memref_slice %arg7[%arg0, %add3A_6, %mul3A_2, %dma_wait3A_27] : memref<2x1x10240x128xf32, #tpu.memory_space<hbm>> -> memref<1x1x640x128xf32, #tpu.memory_space<hbm>>
      %dma_wait3A_29 = tpu.memref_squeeze %dma_wait3A_28 : memref<1x1x640x128xf32, #tpu.memory_space<hbm>> -> memref<640x128xf32, #tpu.memory_space<hbm>>
      %dma_wait3A_30 = arith.constant 0 : i32
      %dma_wait3A_31 = tpu.memref_slice %arg17[%mul3A_2, %dma_wait3A_30] : memref<10240x128xf32, #tpu.memory_space<vmem_shared>> -> memref<640x128xf32, #tpu.memory_space<vmem_shared>>
      tpu.wait_dma2 semaphore(%run_scoped3A : memref<!tpu.dma_semaphore, #tpu.memory_space<semaphore_mem>>) src(%dma_wait3A_31 : memref<640x128xf32, #tpu.memory_space<vmem_shared>>) dst(%dma_wait3A_29 : memref<640x128xf32, #tpu.memory_space<hbm>>)
      tpu.yield
    }) : () -> ()
    "tpu.region"() ({
      %run_scoped3A = tpu.sem_alloc : memref<!tpu.dma_semaphore, #tpu.memory_space<semaphore_mem>>
      %dma_start3A = arith.constant 0 : i32
      %dma_start3A_23 = tpu.memref_slice %arg8[%arg0, %add3A_6, %arg1, %dma_start3A] : memref<2x1x16x10000xf32, #tpu.memory_space<hbm>> -> memref<1x1x1x10000xf32, #tpu.memory_space<hbm>>
      %dma_start3A_24 = tpu.memref_squeeze %dma_start3A_23 : memref<1x1x1x10000xf32, #tpu.memory_space<hbm>> -> memref<10000xf32, #tpu.memory_space<hbm>>
      %dma_start3A_25 = arith.constant 0 : i32
      %dma_start3A_26 = tpu.memref_slice %arg8[%arg0, %add3A_6, %arg1, %dma_start3A_25] : memref<2x1x16x10000xf32, #tpu.memory_space<hbm>> -> memref<1x1x1x10000xf32, #tpu.memory_space<hbm>>
      %dma_start3A_27 = tpu.memref_squeeze %dma_start3A_26 : memref<1x1x1x10000xf32, #tpu.memory_space<hbm>> -> memref<10000xf32, #tpu.memory_space<hbm>>
      tpu.enqueue_dma source(%arg11 : memref<10000xf32, #tpu.memory_space<vmem>>) target(%dma_start3A_27 : memref<10000xf32, #tpu.memory_space<hbm>>) target_semaphore(%run_scoped3A : memref<!tpu.dma_semaphore, #tpu.memory_space<semaphore_mem>>)
      %dma_wait3A_28 = arith.constant 0 : i32
      %dma_wait3A_29 = tpu.memref_slice %arg8[%arg0, %add3A_6, %arg1, %dma_wait3A_28] : memref<2x1x16x10000xf32, #tpu.memory_space<hbm>> -> memref<1x1x1x10000xf32, #tpu.memory_space<hbm>>
      %dma_wait3A_30 = tpu.memref_squeeze %dma_wait3A_29 : memref<1x1x1x10000xf32, #tpu.memory_space<hbm>> -> memref<10000xf32, #tpu.memory_space<hbm>>
      %dma_wait3A_31 = arith.constant 0 : i32
      %dma_wait3A_32 = tpu.memref_slice %arg8[%arg0, %add3A_6, %arg1, %dma_wait3A_31] : memref<2x1x16x10000xf32, #tpu.memory_space<hbm>> -> memref<1x1x1x10000xf32, #tpu.memory_space<hbm>>
      %dma_wait3A_33 = tpu.memref_squeeze %dma_wait3A_32 : memref<1x1x1x10000xf32, #tpu.memory_space<hbm>> -> memref<10000xf32, #tpu.memory_space<hbm>>
      tpu.wait_dma2 semaphore(%run_scoped3A : memref<!tpu.dma_semaphore, #tpu.memory_space<semaphore_mem>>) src(%arg11 : memref<10000xf32, #tpu.memory_space<vmem>>) dst(%dma_wait3A_33 : memref<10000xf32, #tpu.memory_space<hbm>>)
      tpu.yield
    }) : () -> ()
    %scan3A_22 = arith.constant 1 : i32
    return
  }
}

module attributes {stable_mosaic.version = 14 : i64} {
  func.func @_tc1_body(%arg0: i32, %arg1: memref<1000x128xf32, #tpu.memory_space<vmem>>, %arg2: memref<128x256xf32, #tpu.memory_space<vmem>>, %arg3: memref<256x4xf32, #tpu.memory_space<vmem>>, %arg4: memref<256x4xf32, #tpu.memory_space<vmem>>, %arg5: memref<4x1000x128xf32, #tpu.memory_space<vmem>>, %arg6: memref<4x1000x1xf32, #tpu.memory_space<vmem>>, %arg7: memref<4x1000x1xf32, #tpu.memory_space<vmem>>) attributes {dimension_semantics = [#tpu.dimension_semantics<arbitrary>], iteration_bounds = array<i64: 10>, scalar_prefetch = 0 : i64, scratch_operands = 0 : i64, tpu.core_type = #tpu.core_type<tc>, window_params = [{transform_indices = @transform_0, window_bounds = array<i64: 1000, 128>}, {pipeline_mode = #tpu.pipeline_mode<synchronous>, transform_indices = @transform_1, window_bounds = array<i64: 128, 256>}, {pipeline_mode = #tpu.pipeline_mode<synchronous>, transform_indices = @transform_2, window_bounds = array<i64: 256, 4>}, {pipeline_mode = #tpu.pipeline_mode<synchronous>, transform_indices = @transform_3, window_bounds = array<i64: 256, 4>}, {transform_indices = @transform_4, window_bounds = array<i64: 4, 1000, 128>}, {transform_indices = @transform_5, window_bounds = array<i64: 4, 1000, 1>}, {transform_indices = @transform_6, window_bounds = array<i64: 4, 1000, 1>}]} {
    %get3A = arith.constant 0 : index
    %get3A_0 = arith.constant 0 : index
    %get3A_1 = vector.load %arg1[%get3A, %get3A_0] : memref<1000x128xf32, #tpu.memory_space<vmem>>, vector<1000x128xf32>
    %get3A_2 = arith.constant 0 : index
    %get3A_3 = arith.constant 0 : index
    %get3A_4 = vector.load %arg2[%get3A_2, %get3A_3] : memref<128x256xf32, #tpu.memory_space<vmem>>, vector<128x256xf32>
    %dot_general3A = arith.constant dense<0.000000e+00> : vector<1000x256xf32>
    %dot_general3A_5 = tpu.matmul %get3A_1, %get3A_4, %dot_general3A {dimension_numbers = #tpu.dot_dimension_numbers<[1], [0], [0], [1], [0, 0, 1, 1], [], []>, transpose_lhs_hint = false} : vector<1000x128xf32>, vector<128x256xf32>, vector<1000x256xf32> -> vector<1000x256xf32>
    %broadcast_in_dim3A = arith.constant 0.000000e+00 : f32
    %broadcast_in_dim3A_6 = vector.broadcast %broadcast_in_dim3A : f32 to vector<1000x64xf32>
    %slice3A = vector.extract_strided_slice %dot_general3A_5 {offsets = [0, 0], sizes = [1000, 64], strides = [1, 1]} : vector<1000x256xf32> to vector<1000x64xf32>
    %concatenate3A = tpu.concatenate %slice3A, %broadcast_in_dim3A_6 in 1 : vector<1000x64xf32>, vector<1000x64xf32> -> vector<1000x128xf32>
    %swap3A = arith.constant 0 : index
    %swap3A_7 = arith.constant 0 : index
    %swap3A_8 = arith.constant 0 : index
    %swap3A_9 = vector.load %arg5[%swap3A, %swap3A_7, %swap3A_8] : memref<4x1000x128xf32, #tpu.memory_space<vmem>>, vector<1x1000x128xf32>
    %swap3A_10 = vector.shape_cast %swap3A_9 : vector<1x1000x128xf32> to vector<1000x128xf32>
    %swap3A_11 = vector.shape_cast %concatenate3A : vector<1000x128xf32> to vector<1x1000x128xf32>
    tpu.vector_store %arg5[%swap3A, %swap3A_7, %swap3A_8], %swap3A_11 {strides = array<i32>} : memref<4x1000x128xf32, #tpu.memory_space<vmem>>, vector<1x1000x128xf32>,
    %slice3A_12 = vector.extract_strided_slice %dot_general3A_5 {offsets = [0, 64], sizes = [1000, 64], strides = [1, 1]} : vector<1000x256xf32> to vector<1000x64xf32>
    %concatenate3A_13 = tpu.concatenate %slice3A_12, %broadcast_in_dim3A_6 in 1 : vector<1000x64xf32>, vector<1000x64xf32> -> vector<1000x128xf32>
    %swap3A_14 = arith.constant 1 : index
    %swap3A_15 = arith.constant 0 : index
    %swap3A_16 = arith.constant 0 : index
    %swap3A_17 = vector.load %arg5[%swap3A_14, %swap3A_15, %swap3A_16] : memref<4x1000x128xf32, #tpu.memory_space<vmem>>, vector<1x1000x128xf32>
    %swap3A_18 = vector.shape_cast %swap3A_17 : vector<1x1000x128xf32> to vector<1000x128xf32>
    %swap3A_19 = vector.shape_cast %concatenate3A_13 : vector<1000x128xf32> to vector<1x1000x128xf32>
    tpu.vector_store %arg5[%swap3A_14, %swap3A_15, %swap3A_16], %swap3A_19 {strides = array<i32>} : memref<4x1000x128xf32, #tpu.memory_space<vmem>>, vector<1x1000x128xf32>,
    %slice3A_20 = vector.extract_strided_slice %dot_general3A_5 {offsets = [0, 128], sizes = [1000, 64], strides = [1, 1]} : vector<1000x256xf32> to vector<1000x64xf32>
    %concatenate3A_21 = tpu.concatenate %slice3A_20, %broadcast_in_dim3A_6 in 1 : vector<1000x64xf32>, vector<1000x64xf32> -> vector<1000x128xf32>
    %swap3A_22 = arith.constant 2 : index
    %swap3A_23 = arith.constant 0 : index
    %swap3A_24 = arith.constant 0 : index
    %swap3A_25 = vector.load %arg5[%swap3A_22, %swap3A_23, %swap3A_24] : memref<4x1000x128xf32, #tpu.memory_space<vmem>>, vector<1x1000x128xf32>
    %swap3A_26 = vector.shape_cast %swap3A_25 : vector<1x1000x128xf32> to vector<1000x128xf32>
    %swap3A_27 = vector.shape_cast %concatenate3A_21 : vector<1000x128xf32> to vector<1x1000x128xf32>
    tpu.vector_store %arg5[%swap3A_22, %swap3A_23, %swap3A_24], %swap3A_27 {strides = array<i32>} : memref<4x1000x128xf32, #tpu.memory_space<vmem>>, vector<1x1000x128xf32>,
    %slice3A_28 = vector.extract_strided_slice %dot_general3A_5 {offsets = [0, 192], sizes = [1000, 64], strides = [1, 1]} : vector<1000x256xf32> to vector<1000x64xf32>
    %concatenate3A_29 = tpu.concatenate %slice3A_28, %broadcast_in_dim3A_6 in 1 : vector<1000x64xf32>, vector<1000x64xf32> -> vector<1000x128xf32>
    %swap3A_30 = arith.constant 3 : index
    %swap3A_31 = arith.constant 0 : index
    %swap3A_32 = arith.constant 0 : index
    %swap3A_33 = vector.load %arg5[%swap3A_30, %swap3A_31, %swap3A_32] : memref<4x1000x128xf32, #tpu.memory_space<vmem>>, vector<1x1000x128xf32>
    %swap3A_34 = vector.shape_cast %swap3A_33 : vector<1x1000x128xf32> to vector<1000x128xf32>
    %swap3A_35 = vector.shape_cast %concatenate3A_29 : vector<1000x128xf32> to vector<1x1000x128xf32>
    tpu.vector_store %arg5[%swap3A_30, %swap3A_31, %swap3A_32], %swap3A_35 {strides = array<i32>} : memref<4x1000x128xf32, #tpu.memory_space<vmem>>, vector<1x1000x128xf32>,
    %get3A_36 = arith.constant 0 : index
    %get3A_37 = arith.constant 0 : index
    %get3A_38 = vector.load %arg3[%get3A_36, %get3A_37] : memref<256x4xf32, #tpu.memory_space<vmem>>, vector<256x4xf32>
    %dot_general3A_39 = arith.constant dense<0.000000e+00> : vector<1000x4xf32>
    %dot_general3A_40 = tpu.matmul %dot_general3A_5, %get3A_38, %dot_general3A_39 {dimension_numbers = #tpu.dot_dimension_numbers<[1], [0], [0], [1], [0, 0, 1, 1], [], []>, transpose_lhs_hint = false} : vector<1000x256xf32>, vector<256x4xf32>, vector<1000x4xf32> -> vector<1000x4xf32>
    %get3A_41 = arith.constant 0 : index
    %get3A_42 = arith.constant 0 : index
    %get3A_43 = vector.load %arg4[%get3A_41, %get3A_42] : memref<256x4xf32, #tpu.memory_space<vmem>>, vector<256x4xf32>
    %dot_general3A_44 = arith.constant dense<0.000000e+00> : vector<1000x4xf32>
    %dot_general3A_45 = tpu.matmul %dot_general3A_5, %get3A_43, %dot_general3A_44 {dimension_numbers = #tpu.dot_dimension_numbers<[1], [0], [0], [1], [0, 0, 1, 1], [], []>, transpose_lhs_hint = false} : vector<1000x256xf32>, vector<256x4xf32>, vector<1000x4xf32> -> vector<1000x4xf32>
    %slice3A_46 = vector.extract_strided_slice %dot_general3A_40 {offsets = [0, 0], sizes = [1000, 1], strides = [1, 1]} : vector<1000x4xf32> to vector<1000x1xf32>
    %swap3A_47 = arith.constant 0 : index
    %swap3A_48 = arith.constant 0 : index
    %swap3A_49 = arith.constant 0 : index
    %swap3A_50 = vector.load %arg6[%swap3A_47, %swap3A_48, %swap3A_49] : memref<4x1000x1xf32, #tpu.memory_space<vmem>>, vector<1x1000x1xf32>
    %swap3A_51 = vector.shape_cast %swap3A_50 : vector<1x1000x1xf32> to vector<1000x1xf32>
    %swap3A_52 = vector.shape_cast %slice3A_46 : vector<1000x1xf32> to vector<1x1000x1xf32>
    tpu.vector_store %arg6[%swap3A_47, %swap3A_48, %swap3A_49], %swap3A_52 {strides = array<i32>} : memref<4x1000x1xf32, #tpu.memory_space<vmem>>, vector<1x1000x1xf32>,
    %slice3A_53 = vector.extract_strided_slice %dot_general3A_45 {offsets = [0, 0], sizes = [1000, 1], strides = [1, 1]} : vector<1000x4xf32> to vector<1000x1xf32>
    %swap3A_54 = arith.constant 0 : index
    %swap3A_55 = arith.constant 0 : index
    %swap3A_56 = arith.constant 0 : index
    %swap3A_57 = vector.load %arg7[%swap3A_54, %swap3A_55, %swap3A_56] : memref<4x1000x1xf32, #tpu.memory_space<vmem>>, vector<1x1000x1xf32>
    %swap3A_58 = vector.shape_cast %swap3A_57 : vector<1x1000x1xf32> to vector<1000x1xf32>
    %swap3A_59 = vector.shape_cast %slice3A_53 : vector<1000x1xf32> to vector<1x1000x1xf32>
    tpu.vector_store %arg7[%swap3A_54, %swap3A_55, %swap3A_56], %swap3A_59 {strides = array<i32>} : memref<4x1000x1xf32, #tpu.memory_space<vmem>>, vector<1x1000x1xf32>,
    %slice3A_60 = vector.extract_strided_slice %dot_general3A_40 {offsets = [0, 1], sizes = [1000, 1], strides = [1, 1]} : vector<1000x4xf32> to vector<1000x1xf32>
    %swap3A_61 = arith.constant 1 : index
    %swap3A_62 = arith.constant 0 : index
    %swap3A_63 = arith.constant 0 : index
    %swap3A_64 = vector.load %arg6[%swap3A_61, %swap3A_62, %swap3A_63] : memref<4x1000x1xf32, #tpu.memory_space<vmem>>, vector<1x1000x1xf32>
    %swap3A_65 = vector.shape_cast %swap3A_64 : vector<1x1000x1xf32> to vector<1000x1xf32>
    %swap3A_66 = vector.shape_cast %slice3A_60 : vector<1000x1xf32> to vector<1x1000x1xf32>
    tpu.vector_store %arg6[%swap3A_61, %swap3A_62, %swap3A_63], %swap3A_66 {strides = array<i32>} : memref<4x1000x1xf32, #tpu.memory_space<vmem>>, vector<1x1000x1xf32>,
    %slice3A_67 = vector.extract_strided_slice %dot_general3A_45 {offsets = [0, 1], sizes = [1000, 1], strides = [1, 1]} : vector<1000x4xf32> to vector<1000x1xf32>
    %swap3A_68 = arith.constant 1 : index
    %swap3A_69 = arith.constant 0 : index
    %swap3A_70 = arith.constant 0 : index
    %swap3A_71 = vector.load %arg7[%swap3A_68, %swap3A_69, %swap3A_70] : memref<4x1000x1xf32, #tpu.memory_space<vmem>>, vector<1x1000x1xf32>
    %swap3A_72 = vector.shape_cast %swap3A_71 : vector<1x1000x1xf32> to vector<1000x1xf32>
    %swap3A_73 = vector.shape_cast %slice3A_67 : vector<1000x1xf32> to vector<1x1000x1xf32>
    tpu.vector_store %arg7[%swap3A_68, %swap3A_69, %swap3A_70], %swap3A_73 {strides = array<i32>} : memref<4x1000x1xf32, #tpu.memory_space<vmem>>, vector<1x1000x1xf32>,
    %slice3A_74 = vector.extract_strided_slice %dot_general3A_40 {offsets = [0, 2], sizes = [1000, 1], strides = [1, 1]} : vector<1000x4xf32> to vector<1000x1xf32>
    %swap3A_75 = arith.constant 2 : index
    %swap3A_76 = arith.constant 0 : index
    %swap3A_77 = arith.constant 0 : index
    %swap3A_78 = vector.load %arg6[%swap3A_75, %swap3A_76, %swap3A_77] : memref<4x1000x1xf32, #tpu.memory_space<vmem>>, vector<1x1000x1xf32>
    %swap3A_79 = vector.shape_cast %swap3A_78 : vector<1x1000x1xf32> to vector<1000x1xf32>
    %swap3A_80 = vector.shape_cast %slice3A_74 : vector<1000x1xf32> to vector<1x1000x1xf32>
    tpu.vector_store %arg6[%swap3A_75, %swap3A_76, %swap3A_77], %swap3A_80 {strides = array<i32>} : memref<4x1000x1xf32, #tpu.memory_space<vmem>>, vector<1x1000x1xf32>,
    %slice3A_81 = vector.extract_strided_slice %dot_general3A_45 {offsets = [0, 2], sizes = [1000, 1], strides = [1, 1]} : vector<1000x4xf32> to vector<1000x1xf32>
    %swap3A_82 = arith.constant 2 : index
    %swap3A_83 = arith.constant 0 : index
    %swap3A_84 = arith.constant 0 : index
    %swap3A_85 = vector.load %arg7[%swap3A_82, %swap3A_83, %swap3A_84] : memref<4x1000x1xf32, #tpu.memory_space<vmem>>, vector<1x1000x1xf32>
    %swap3A_86 = vector.shape_cast %swap3A_85 : vector<1x1000x1xf32> to vector<1000x1xf32>
    %swap3A_87 = vector.shape_cast %slice3A_81 : vector<1000x1xf32> to vector<1x1000x1xf32>
    tpu.vector_store %arg7[%swap3A_82, %swap3A_83, %swap3A_84], %swap3A_87 {strides = array<i32>} : memref<4x1000x1xf32, #tpu.memory_space<vmem>>, vector<1x1000x1xf32>,
    %slice3A_88 = vector.extract_strided_slice %dot_general3A_40 {offsets = [0, 3], sizes = [1000, 1], strides = [1, 1]} : vector<1000x4xf32> to vector<1000x1xf32>
    %swap3A_89 = arith.constant 3 : index
    %swap3A_90 = arith.constant 0 : index
    %swap3A_91 = arith.constant 0 : index
    %swap3A_92 = vector.load %arg6[%swap3A_89, %swap3A_90, %swap3A_91] : memref<4x1000x1xf32, #tpu.memory_space<vmem>>, vector<1x1000x1xf32>
    %swap3A_93 = vector.shape_cast %swap3A_92 : vector<1x1000x1xf32> to vector<1000x1xf32>
    %swap3A_94 = vector.shape_cast %slice3A_88 : vector<1000x1xf32> to vector<1x1000x1xf32>
    tpu.vector_store %arg6[%swap3A_89, %swap3A_90, %swap3A_91], %swap3A_94 {strides = array<i32>} : memref<4x1000x1xf32, #tpu.memory_space<vmem>>, vector<1x1000x1xf32>,
    %slice3A_95 = vector.extract_strided_slice %dot_general3A_45 {offsets = [0, 3], sizes = [1000, 1], strides = [1, 1]} : vector<1000x4xf32> to vector<1000x1xf32>
    %swap3A_96 = arith.constant 3 : index
    %swap3A_97 = arith.constant 0 : index
    %swap3A_98 = arith.constant 0 : index
    %swap3A_99 = vector.load %arg7[%swap3A_96, %swap3A_97, %swap3A_98] : memref<4x1000x1xf32, #tpu.memory_space<vmem>>, vector<1x1000x1xf32>
    %swap3A_100 = vector.shape_cast %swap3A_99 : vector<1x1000x1xf32> to vector<1000x1xf32>
    %swap3A_101 = vector.shape_cast %slice3A_95 : vector<1000x1xf32> to vector<1x1000x1xf32>
    tpu.vector_store %arg7[%swap3A_96, %swap3A_97, %swap3A_98], %swap3A_101 {strides = array<i32>} : memref<4x1000x1xf32, #tpu.memory_space<vmem>>, vector<1x1000x1xf32>,
    return
  }
  func.func @transform_0(%arg0: i32) -> (i32, i32) {
    %c0_i32 = arith.constant 0 : i32
    %c0_i32_0 = arith.constant 0 : i32
    return %arg0, %c0_i32 : i32, i32
  }
  func.func @transform_1(%arg0: i32) -> (i32, i32) {
    %c0_i32 = arith.constant 0 : i32
    %c0_i32_0 = arith.constant 0 : i32
    %c0_i32_1 = arith.constant 0 : i32
    return %c0_i32, %c0_i32_0 : i32, i32
  }
  func.func @transform_2(%arg0: i32) -> (i32, i32) {
    %c0_i32 = arith.constant 0 : i32
    %c0_i32_0 = arith.constant 0 : i32
    %c0_i32_1 = arith.constant 0 : i32
    return %c0_i32, %c0_i32_0 : i32, i32
  }
  func.func @transform_3(%arg0: i32) -> (i32, i32) {
    %c0_i32 = arith.constant 0 : i32
    %c0_i32_0 = arith.constant 0 : i32
    %c0_i32_1 = arith.constant 0 : i32
    return %c0_i32, %c0_i32_0 : i32, i32
  }
  func.func @transform_4(%arg0: i32) -> (i32, i32, i32) {
    %c0_i32 = arith.constant 0 : i32
    %c0_i32_0 = arith.constant 0 : i32
    %c0_i32_1 = arith.constant 0 : i32
    return %c0_i32, %arg0, %c0_i32_0 : i32, i32, i32
  }
  func.func @transform_5(%arg0: i32) -> (i32, i32, i32) {
    %c0_i32 = arith.constant 0 : i32
    %c0_i32_0 = arith.constant 0 : i32
    %c0_i32_1 = arith.constant 0 : i32
    return %c0_i32, %arg0, %c0_i32_0 : i32, i32, i32
  }
  func.func @transform_6(%arg0: i32) -> (i32, i32, i32) {
    %c0_i32 = arith.constant 0 : i32
    %c0_i32_0 = arith.constant 0 : i32
    %c0_i32_1 = arith.constant 0 : i32
    return %c0_i32, %arg0, %c0_i32_0 : i32, i32, i32
  }
}

module attributes {stable_mosaic.version = 14 : i64} {
  func.func @_tcd_body(%arg0: i32, %arg1: memref<2x4x16x10000xf32, #tpu.memory_space<vmem>>, %arg2: memref<10000x4xf32, #tpu.memory_space<vmem>>) attributes {dimension_semantics = [#tpu.dimension_semantics<arbitrary>], iteration_bounds = array<i64: 1>, scalar_prefetch = 0 : i64, scratch_operands = 0 : i64, tpu.core_type = #tpu.core_type<tc>, window_params = [{pipeline_mode = #tpu.pipeline_mode<synchronous>, transform_indices = @transform_0, window_bounds = array<i64: 2, 4, 16, 10000>}, {pipeline_mode = #tpu.pipeline_mode<synchronous>, transform_indices = @transform_1, window_bounds = array<i64: 10000, 4>}]} {
    %get3A = arith.constant 0 : index
    %get3A_0 = arith.constant 0 : index
    %get3A_1 = arith.constant 0 : index
    %get3A_2 = arith.constant 0 : index
    %get3A_3 = vector.load %arg1[%get3A, %get3A_0, %get3A_1, %get3A_2] : memref<2x4x16x10000xf32, #tpu.memory_space<vmem>>, vector<2x4x16x10000xf32>
    %reduce_sum3A = arith.constant dense<0.000000e+00> : vector<4x10000xf32>
    %reduce_sum3A_4 = vector.multi_reduction <add>, %get3A_3, %reduce_sum3A [0, 2] : vector<2x4x16x10000xf32> to vector<4x10000xf32>
    %transpose3A = tpu.transpose %reduce_sum3A_4, [1, 0] : vector<4x10000xf32> -> vector<10000x4xf32>
    %swap3A = arith.constant 0 : index
    %swap3A_5 = arith.constant 0 : index
    %swap3A_6 = vector.load %arg2[%swap3A, %swap3A_5] : memref<10000x4xf32, #tpu.memory_space<vmem>>, vector<10000x4xf32>
    tpu.vector_store %arg2[%swap3A, %swap3A_5], %transpose3A {strides = array<i32>} : memref<10000x4xf32, #tpu.memory_space<vmem>>, vector<10000x4xf32>,
    return
  }
  func.func @transform_0(%arg0: i32) -> (i32, i32, i32, i32) {
    %c0_i32 = arith.constant 0 : i32
    %c0_i32_0 = arith.constant 0 : i32
    %c0_i32_1 = arith.constant 0 : i32
    %c0_i32_2 = arith.constant 0 : i32
    %c0_i32_3 = arith.constant 0 : i32
    return %c0_i32, %c0_i32_0, %c0_i32_1, %c0_i32_2 : i32, i32, i32, i32
  }
  func.func @transform_1(%arg0: i32) -> (i32, i32) {
    %c0_i32 = arith.constant 0 : i32
    %c0_i32_0 = arith.constant 0 : i32
    %c0_i32_1 = arith.constant 0 : i32
    return %c0_i32, %c0_i32_0 : i32, i32
  }
}

module attributes {stable_mosaic.version = 14 : i64} {
  func.func @_tc2_body(%arg0: i32, %arg1: memref<2x4x1000x128xf32, #tpu.memory_space<vmem>>, %arg2: memref<1000x4xf32, #tpu.memory_space<vmem>>, %arg3: memref<1x256xf32, #tpu.memory_space<vmem>>, %arg4: memref<256x64xf32, #tpu.memory_space<vmem>>, %arg5: memref<64x2xf32, #tpu.memory_space<vmem>>, %arg6: memref<1000x128xf32, #tpu.memory_space<vmem>>, %arg7: memref<2x1000x1xf32, #tpu.memory_space<vmem>>) attributes {dimension_semantics = [#tpu.dimension_semantics<arbitrary>], iteration_bounds = array<i64: 10>, scalar_prefetch = 0 : i64, scratch_operands = 0 : i64, tpu.core_type = #tpu.core_type<tc>, window_params = [{transform_indices = @transform_0, window_bounds = array<i64: 2, 4, 1000, 128>}, {transform_indices = @transform_1, window_bounds = array<i64: 1000, 4>}, {pipeline_mode = #tpu.pipeline_mode<synchronous>, transform_indices = @transform_2, window_bounds = array<i64: 1, 256>}, {pipeline_mode = #tpu.pipeline_mode<synchronous>, transform_indices = @transform_3, window_bounds = array<i64: 256, 64>}, {pipeline_mode = #tpu.pipeline_mode<synchronous>, transform_indices = @transform_4, window_bounds = array<i64: 64, 2>}, {transform_indices = @transform_5, window_bounds = array<i64: 1000, 128>}, {transform_indices = @transform_6, window_bounds = array<i64: 2, 1000, 1>}]} {
    %broadcast_in_dim3A = arith.constant 0.000000e+00 : f32
    %broadcast_in_dim3A_0 = vector.broadcast %broadcast_in_dim3A : f32 to vector<1000x64xf32>
    %get3A = arith.constant 0 : index
    %get3A_1 = arith.constant 0 : index
    %get3A_2 = arith.constant 0 : index
    %get3A_3 = arith.constant 0 : index
    %get3A_4 = vector.load %arg1[%get3A, %get3A_1, %get3A_2, %get3A_3] : memref<2x4x1000x128xf32, #tpu.memory_space<vmem>>, vector<1x1x1000x64xf32>
    %get3A_5 = vector.shape_cast %get3A_4 : vector<1x1x1000x64xf32> to vector<1000x64xf32>
    %get3A_6 = arith.constant 1 : index
    %get3A_7 = arith.constant 0 : index
    %get3A_8 = arith.constant 0 : index
    %get3A_9 = arith.constant 0 : index
    %get3A_10 = vector.load %arg1[%get3A_6, %get3A_7, %get3A_8, %get3A_9] : memref<2x4x1000x128xf32, #tpu.memory_space<vmem>>, vector<1x1x1000x64xf32>
    %get3A_11 = vector.shape_cast %get3A_10 : vector<1x1x1000x64xf32> to vector<1000x64xf32>
    %add3A = arith.addf %get3A_5, %get3A_11 : vector<1000x64xf32>
    %get3A_12 = arith.constant 0 : index
    %get3A_13 = arith.constant 0 : index
    %get3A_14 = vector.load %arg2[%get3A_12, %get3A_13] : memref<1000x4xf32, #tpu.memory_space<vmem>>, vector<1000x1xf32>
    %add3A_15 = arith.constant 1.000000e-16 : f32
    %add3A_16 = vector.broadcast %add3A_15 : f32 to vector<1000x1xf32>
    %add3A_17 = arith.addf %get3A_14, %add3A_16 : vector<1000x1xf32>
    %div3A = vector.broadcast %add3A_17 : vector<1000x1xf32> to vector<1000x64xf32>
    %div3A_18 = arith.divf %add3A, %div3A : vector<1000x64xf32>
    %get3A_19 = arith.constant 0 : index
    %get3A_20 = arith.constant 0 : index
    %get3A_21 = vector.load %arg3[%get3A_19, %get3A_20] : memref<1x256xf32, #tpu.memory_space<vmem>>, vector<1x64xf32>
    %get3A_22 = vector.shape_cast %get3A_21 : vector<1x64xf32> to vector<64xf32>
    %broadcast_in_dim3A_23 = vector.shape_cast %get3A_22 : vector<64xf32> to vector<1x64xf32>
    %add3A_24 = vector.broadcast %broadcast_in_dim3A_23 : vector<1x64xf32> to vector<1000x64xf32>
    %add3A_25 = arith.addf %div3A_18, %add3A_24 : vector<1000x64xf32>
    %max3A = arith.constant 0.000000e+00 : f32
    %max3A_26 = vector.broadcast %max3A : f32 to vector<1000x64xf32>
    %max3A_27 = arith.maximumf %add3A_25, %max3A_26 : vector<1000x64xf32>
    %get3A_28 = arith.constant 0 : index
    %get3A_29 = arith.constant 0 : index
    %get3A_30 = vector.load %arg4[%get3A_28, %get3A_29] : memref<256x64xf32, #tpu.memory_space<vmem>>, vector<64x64xf32>
    %dot_general3A = arith.constant dense<0.000000e+00> : vector<1000x64xf32>
    %dot_general3A_31 = tpu.matmul %max3A_27, %get3A_30, %dot_general3A {dimension_numbers = #tpu.dot_dimension_numbers<[1], [0], [0], [1], [0, 0, 1, 1], [], []>, transpose_lhs_hint = false} : vector<1000x64xf32>, vector<64x64xf32>, vector<1000x64xf32> -> vector<1000x64xf32>
    %add3A_32 = arith.addf %broadcast_in_dim3A_0, %dot_general3A_31 : vector<1000x64xf32>
    %get3A_33 = arith.constant 0 : index
    %get3A_34 = arith.constant 1 : index
    %get3A_35 = arith.constant 0 : index
    %get3A_36 = arith.constant 0 : index
    %get3A_37 = vector.load %arg1[%get3A_33, %get3A_34, %get3A_35, %get3A_36] : memref<2x4x1000x128xf32, #tpu.memory_space<vmem>>, vector<1x1x1000x64xf32>
    %get3A_38 = vector.shape_cast %get3A_37 : vector<1x1x1000x64xf32> to vector<1000x64xf32>
    %get3A_39 = arith.constant 1 : index
    %get3A_40 = arith.constant 1 : index
    %get3A_41 = arith.constant 0 : index
    %get3A_42 = arith.constant 0 : index
    %get3A_43 = vector.load %arg1[%get3A_39, %get3A_40, %get3A_41, %get3A_42] : memref<2x4x1000x128xf32, #tpu.memory_space<vmem>>, vector<1x1x1000x64xf32>
    %get3A_44 = vector.shape_cast %get3A_43 : vector<1x1x1000x64xf32> to vector<1000x64xf32>
    %add3A_45 = arith.addf %get3A_38, %get3A_44 : vector<1000x64xf32>
    %get3A_46 = arith.constant 0 : index
    %get3A_47 = arith.constant 1 : index
    %get3A_48 = vector.load %arg2[%get3A_46, %get3A_47] : memref<1000x4xf32, #tpu.memory_space<vmem>>, vector<1000x1xf32>
    %add3A_49 = arith.constant 1.000000e-16 : f32
    %add3A_50 = vector.broadcast %add3A_49 : f32 to vector<1000x1xf32>
    %add3A_51 = arith.addf %get3A_48, %add3A_50 : vector<1000x1xf32>
    %div3A_52 = vector.broadcast %add3A_51 : vector<1000x1xf32> to vector<1000x64xf32>
    %div3A_53 = arith.divf %add3A_45, %div3A_52 : vector<1000x64xf32>
    %get3A_54 = arith.constant 0 : index
    %get3A_55 = arith.constant 64 : index
    %get3A_56 = vector.load %arg3[%get3A_54, %get3A_55] : memref<1x256xf32, #tpu.memory_space<vmem>>, vector<1x64xf32>
    %get3A_57 = vector.shape_cast %get3A_56 : vector<1x64xf32> to vector<64xf32>
    %broadcast_in_dim3A_58 = vector.shape_cast %get3A_57 : vector<64xf32> to vector<1x64xf32>
    %add3A_59 = vector.broadcast %broadcast_in_dim3A_58 : vector<1x64xf32> to vector<1000x64xf32>
    %add3A_60 = arith.addf %div3A_53, %add3A_59 : vector<1000x64xf32>
    %max3A_61 = arith.constant 0.000000e+00 : f32
    %max3A_62 = vector.broadcast %max3A_61 : f32 to vector<1000x64xf32>
    %max3A_63 = arith.maximumf %add3A_60, %max3A_62 : vector<1000x64xf32>
    %get3A_64 = arith.constant 64 : index
    %get3A_65 = arith.constant 0 : index
    %get3A_66 = vector.load %arg4[%get3A_64, %get3A_65] : memref<256x64xf32, #tpu.memory_space<vmem>>, vector<64x64xf32>
    %dot_general3A_67 = arith.constant dense<0.000000e+00> : vector<1000x64xf32>
    %dot_general3A_68 = tpu.matmul %max3A_63, %get3A_66, %dot_general3A_67 {dimension_numbers = #tpu.dot_dimension_numbers<[1], [0], [0], [1], [0, 0, 1, 1], [], []>, transpose_lhs_hint = false} : vector<1000x64xf32>, vector<64x64xf32>, vector<1000x64xf32> -> vector<1000x64xf32>
    %add3A_69 = arith.addf %add3A_32, %dot_general3A_68 : vector<1000x64xf32>
    %get3A_70 = arith.constant 0 : index
    %get3A_71 = arith.constant 2 : index
    %get3A_72 = arith.constant 0 : index
    %get3A_73 = arith.constant 0 : index
    %get3A_74 = vector.load %arg1[%get3A_70, %get3A_71, %get3A_72, %get3A_73] : memref<2x4x1000x128xf32, #tpu.memory_space<vmem>>, vector<1x1x1000x64xf32>
    %get3A_75 = vector.shape_cast %get3A_74 : vector<1x1x1000x64xf32> to vector<1000x64xf32>
    %get3A_76 = arith.constant 1 : index
    %get3A_77 = arith.constant 2 : index
    %get3A_78 = arith.constant 0 : index
    %get3A_79 = arith.constant 0 : index
    %get3A_80 = vector.load %arg1[%get3A_76, %get3A_77, %get3A_78, %get3A_79] : memref<2x4x1000x128xf32, #tpu.memory_space<vmem>>, vector<1x1x1000x64xf32>
    %get3A_81 = vector.shape_cast %get3A_80 : vector<1x1x1000x64xf32> to vector<1000x64xf32>
    %add3A_82 = arith.addf %get3A_75, %get3A_81 : vector<1000x64xf32>
    %get3A_83 = arith.constant 0 : index
    %get3A_84 = arith.constant 2 : index
    %get3A_85 = vector.load %arg2[%get3A_83, %get3A_84] : memref<1000x4xf32, #tpu.memory_space<vmem>>, vector<1000x1xf32>
    %add3A_86 = arith.constant 1.000000e-16 : f32
    %add3A_87 = vector.broadcast %add3A_86 : f32 to vector<1000x1xf32>
    %add3A_88 = arith.addf %get3A_85, %add3A_87 : vector<1000x1xf32>
    %div3A_89 = vector.broadcast %add3A_88 : vector<1000x1xf32> to vector<1000x64xf32>
    %div3A_90 = arith.divf %add3A_82, %div3A_89 : vector<1000x64xf32>
    %get3A_91 = arith.constant 0 : index
    %get3A_92 = arith.constant 128 : index
    %get3A_93 = vector.load %arg3[%get3A_91, %get3A_92] : memref<1x256xf32, #tpu.memory_space<vmem>>, vector<1x64xf32>
    %get3A_94 = vector.shape_cast %get3A_93 : vector<1x64xf32> to vector<64xf32>
    %broadcast_in_dim3A_95 = vector.shape_cast %get3A_94 : vector<64xf32> to vector<1x64xf32>
    %add3A_96 = vector.broadcast %broadcast_in_dim3A_95 : vector<1x64xf32> to vector<1000x64xf32>
    %add3A_97 = arith.addf %div3A_90, %add3A_96 : vector<1000x64xf32>
    %max3A_98 = arith.constant 0.000000e+00 : f32
    %max3A_99 = vector.broadcast %max3A_98 : f32 to vector<1000x64xf32>
    %max3A_100 = arith.maximumf %add3A_97, %max3A_99 : vector<1000x64xf32>
    %get3A_101 = arith.constant 128 : index
    %get3A_102 = arith.constant 0 : index
    %get3A_103 = vector.load %arg4[%get3A_101, %get3A_102] : memref<256x64xf32, #tpu.memory_space<vmem>>, vector<64x64xf32>
    %dot_general3A_104 = arith.constant dense<0.000000e+00> : vector<1000x64xf32>
    %dot_general3A_105 = tpu.matmul %max3A_100, %get3A_103, %dot_general3A_104 {dimension_numbers = #tpu.dot_dimension_numbers<[1], [0], [0], [1], [0, 0, 1, 1], [], []>, transpose_lhs_hint = false} : vector<1000x64xf32>, vector<64x64xf32>, vector<1000x64xf32> -> vector<1000x64xf32>
    %add3A_106 = arith.addf %add3A_69, %dot_general3A_105 : vector<1000x64xf32>
    %get3A_107 = arith.constant 0 : index
    %get3A_108 = arith.constant 3 : index
    %get3A_109 = arith.constant 0 : index
    %get3A_110 = arith.constant 0 : index
    %get3A_111 = vector.load %arg1[%get3A_107, %get3A_108, %get3A_109, %get3A_110] : memref<2x4x1000x128xf32, #tpu.memory_space<vmem>>, vector<1x1x1000x64xf32>
    %get3A_112 = vector.shape_cast %get3A_111 : vector<1x1x1000x64xf32> to vector<1000x64xf32>
    %get3A_113 = arith.constant 1 : index
    %get3A_114 = arith.constant 3 : index
    %get3A_115 = arith.constant 0 : index
    %get3A_116 = arith.constant 0 : index
    %get3A_117 = vector.load %arg1[%get3A_113, %get3A_114, %get3A_115, %get3A_116] : memref<2x4x1000x128xf32, #tpu.memory_space<vmem>>, vector<1x1x1000x64xf32>
    %get3A_118 = vector.shape_cast %get3A_117 : vector<1x1x1000x64xf32> to vector<1000x64xf32>
    %add3A_119 = arith.addf %get3A_112, %get3A_118 : vector<1000x64xf32>
    %get3A_120 = arith.constant 0 : index
    %get3A_121 = arith.constant 3 : index
    %get3A_122 = vector.load %arg2[%get3A_120, %get3A_121] : memref<1000x4xf32, #tpu.memory_space<vmem>>, vector<1000x1xf32>
    %add3A_123 = arith.constant 1.000000e-16 : f32
    %add3A_124 = vector.broadcast %add3A_123 : f32 to vector<1000x1xf32>
    %add3A_125 = arith.addf %get3A_122, %add3A_124 : vector<1000x1xf32>
    %div3A_126 = vector.broadcast %add3A_125 : vector<1000x1xf32> to vector<1000x64xf32>
    %div3A_127 = arith.divf %add3A_119, %div3A_126 : vector<1000x64xf32>
    %get3A_128 = arith.constant 0 : index
    %get3A_129 = arith.constant 192 : index
    %get3A_130 = vector.load %arg3[%get3A_128, %get3A_129] : memref<1x256xf32, #tpu.memory_space<vmem>>, vector<1x64xf32>
    %get3A_131 = vector.shape_cast %get3A_130 : vector<1x64xf32> to vector<64xf32>
    %broadcast_in_dim3A_132 = vector.shape_cast %get3A_131 : vector<64xf32> to vector<1x64xf32>
    %add3A_133 = vector.broadcast %broadcast_in_dim3A_132 : vector<1x64xf32> to vector<1000x64xf32>
    %add3A_134 = arith.addf %div3A_127, %add3A_133 : vector<1000x64xf32>
    %max3A_135 = arith.constant 0.000000e+00 : f32
    %max3A_136 = vector.broadcast %max3A_135 : f32 to vector<1000x64xf32>
    %max3A_137 = arith.maximumf %add3A_134, %max3A_136 : vector<1000x64xf32>
    %get3A_138 = arith.constant 192 : index
    %get3A_139 = arith.constant 0 : index
    %get3A_140 = vector.load %arg4[%get3A_138, %get3A_139] : memref<256x64xf32, #tpu.memory_space<vmem>>, vector<64x64xf32>
    %dot_general3A_141 = arith.constant dense<0.000000e+00> : vector<1000x64xf32>
    %dot_general3A_142 = tpu.matmul %max3A_137, %get3A_140, %dot_general3A_141 {dimension_numbers = #tpu.dot_dimension_numbers<[1], [0], [0], [1], [0, 0, 1, 1], [], []>, transpose_lhs_hint = false} : vector<1000x64xf32>, vector<64x64xf32>, vector<1000x64xf32> -> vector<1000x64xf32>
    %add3A_143 = arith.addf %add3A_106, %dot_general3A_142 : vector<1000x64xf32>
    %get3A_144 = arith.constant 0 : index
    %get3A_145 = arith.constant 0 : index
    %get3A_146 = vector.load %arg5[%get3A_144, %get3A_145] : memref<64x2xf32, #tpu.memory_space<vmem>>, vector<64x2xf32>
    %dot_general3A_147 = arith.constant dense<0.000000e+00> : vector<1000x2xf32>
    %dot_general3A_148 = tpu.matmul %add3A_143, %get3A_146, %dot_general3A_147 {dimension_numbers = #tpu.dot_dimension_numbers<[1], [0], [0], [1], [0, 0, 1, 1], [], []>, transpose_lhs_hint = false} : vector<1000x64xf32>, vector<64x2xf32>, vector<1000x2xf32> -> vector<1000x2xf32>
    %slice3A = vector.extract_strided_slice %dot_general3A_148 {offsets = [0, 0], sizes = [1000, 1], strides = [1, 1]} : vector<1000x2xf32> to vector<1000x1xf32>
    %swap3A = arith.constant 0 : index
    %swap3A_149 = arith.constant 0 : index
    %swap3A_150 = arith.constant 0 : index
    %swap3A_151 = vector.load %arg7[%swap3A, %swap3A_149, %swap3A_150] : memref<2x1000x1xf32, #tpu.memory_space<vmem>>, vector<1x1000x1xf32>
    %swap3A_152 = vector.shape_cast %swap3A_151 : vector<1x1000x1xf32> to vector<1000x1xf32>
    %swap3A_153 = vector.shape_cast %slice3A : vector<1000x1xf32> to vector<1x1000x1xf32>
    tpu.vector_store %arg7[%swap3A, %swap3A_149, %swap3A_150], %swap3A_153 {strides = array<i32>} : memref<2x1000x1xf32, #tpu.memory_space<vmem>>, vector<1x1000x1xf32>,
    %slice3A_154 = vector.extract_strided_slice %dot_general3A_148 {offsets = [0, 1], sizes = [1000, 1], strides = [1, 1]} : vector<1000x2xf32> to vector<1000x1xf32>
    %swap3A_155 = arith.constant 1 : index
    %swap3A_156 = arith.constant 0 : index
    %swap3A_157 = arith.constant 0 : index
    %swap3A_158 = vector.load %arg7[%swap3A_155, %swap3A_156, %swap3A_157] : memref<2x1000x1xf32, #tpu.memory_space<vmem>>, vector<1x1000x1xf32>
    %swap3A_159 = vector.shape_cast %swap3A_158 : vector<1x1000x1xf32> to vector<1000x1xf32>
    %swap3A_160 = vector.shape_cast %slice3A_154 : vector<1000x1xf32> to vector<1x1000x1xf32>
    tpu.vector_store %arg7[%swap3A_155, %swap3A_156, %swap3A_157], %swap3A_160 {strides = array<i32>} : memref<2x1000x1xf32, #tpu.memory_space<vmem>>, vector<1x1000x1xf32>,
    %broadcast_in_dim3A_161 = arith.constant 0.000000e+00 : f32
    %broadcast_in_dim3A_162 = vector.broadcast %broadcast_in_dim3A_161 : f32 to vector<1000x64xf32>
    %concatenate3A = tpu.concatenate %add3A_143, %broadcast_in_dim3A_162 in 1 : vector<1000x64xf32>, vector<1000x64xf32> -> vector<1000x128xf32>
    %swap3A_163 = arith.constant 0 : index
    %swap3A_164 = arith.constant 0 : index
    %swap3A_165 = vector.load %arg6[%swap3A_163, %swap3A_164] : memref<1000x128xf32, #tpu.memory_space<vmem>>, vector<1000x128xf32>
    tpu.vector_store %arg6[%swap3A_163, %swap3A_164], %concatenate3A {strides = array<i32>} : memref<1000x128xf32, #tpu.memory_space<vmem>>, vector<1000x128xf32>,
    return
  }
  func.func @transform_0(%arg0: i32) -> (i32, i32, i32, i32) {
    %c0_i32 = arith.constant 0 : i32
    %c0_i32_0 = arith.constant 0 : i32
    %c0_i32_1 = arith.constant 0 : i32
    %c0_i32_2 = arith.constant 0 : i32
    return %c0_i32, %c0_i32_0, %arg0, %c0_i32_1 : i32, i32, i32, i32
  }
  func.func @transform_1(%arg0: i32) -> (i32, i32) {
    %c0_i32 = arith.constant 0 : i32
    %c0_i32_0 = arith.constant 0 : i32
    return %arg0, %c0_i32 : i32, i32
  }
  func.func @transform_2(%arg0: i32) -> (i32, i32) {
    %c0_i32 = arith.constant 0 : i32
    %c0_i32_0 = arith.constant 0 : i32
    %c0_i32_1 = arith.constant 0 : i32
    return %c0_i32, %c0_i32_0 : i32, i32
  }
  func.func @transform_3(%arg0: i32) -> (i32, i32) {
    %c0_i32 = arith.constant 0 : i32
    %c0_i32_0 = arith.constant 0 : i32
    %c0_i32_1 = arith.constant 0 : i32
    return %c0_i32, %c0_i32_0 : i32, i32
  }
  func.func @transform_4(%arg0: i32) -> (i32, i32) {
    %c0_i32 = arith.constant 0 : i32
    %c0_i32_0 = arith.constant 0 : i32
    %c0_i32_1 = arith.constant 0 : i32
    return %c0_i32, %c0_i32_0 : i32, i32
  }
  func.func @transform_5(%arg0: i32) -> (i32, i32) {
    %c0_i32 = arith.constant 0 : i32
    %c0_i32_0 = arith.constant 0 : i32
    return %arg0, %c0_i32 : i32, i32
  }
  func.func @transform_6(%arg0: i32) -> (i32, i32, i32) {
    %c0_i32 = arith.constant 0 : i32
    %c0_i32_0 = arith.constant 0 : i32
    %c0_i32_1 = arith.constant 0 : i32
    return %c0_i32, %arg0, %c0_i32_0 : i32, i32, i32
  }
}

module attributes {stable_mosaic.version = 14 : i64} {
  func.func @_tcd_body(%arg0: i32, %arg1: memref<2x1x16x10000xf32, #tpu.memory_space<vmem>>, %arg2: memref<10000x1xf32, #tpu.memory_space<vmem>>) attributes {dimension_semantics = [#tpu.dimension_semantics<arbitrary>], iteration_bounds = array<i64: 1>, scalar_prefetch = 0 : i64, scratch_operands = 0 : i64, tpu.core_type = #tpu.core_type<tc>, window_params = [{pipeline_mode = #tpu.pipeline_mode<synchronous>, transform_indices = @transform_0, window_bounds = array<i64: 2, 1, 16, 10000>}, {pipeline_mode = #tpu.pipeline_mode<synchronous>, transform_indices = @transform_1, window_bounds = array<i64: 10000, 1>}]} {
    %get3A = arith.constant 0 : index
    %get3A_0 = arith.constant 0 : index
    %get3A_1 = arith.constant 0 : index
    %get3A_2 = arith.constant 0 : index
    %get3A_3 = vector.load %arg1[%get3A, %get3A_0, %get3A_1, %get3A_2] : memref<2x1x16x10000xf32, #tpu.memory_space<vmem>>, vector<2x1x16x10000xf32>
    %reduce_sum3A = arith.constant dense<0.000000e+00> : vector<1x10000xf32>
    %reduce_sum3A_4 = vector.multi_reduction <add>, %get3A_3, %reduce_sum3A [0, 2] : vector<2x1x16x10000xf32> to vector<1x10000xf32>
    %transpose3A = tpu.transpose %reduce_sum3A_4, [1, 0] : vector<1x10000xf32> -> vector<10000x1xf32>
    %swap3A = arith.constant 0 : index
    %swap3A_5 = arith.constant 0 : index
    %swap3A_6 = vector.load %arg2[%swap3A, %swap3A_5] : memref<10000x1xf32, #tpu.memory_space<vmem>>, vector<10000x1xf32>
    tpu.vector_store %arg2[%swap3A, %swap3A_5], %transpose3A {strides = array<i32>} : memref<10000x1xf32, #tpu.memory_space<vmem>>, vector<10000x1xf32>,
    return
  }
  func.func @transform_0(%arg0: i32) -> (i32, i32, i32, i32) {
    %c0_i32 = arith.constant 0 : i32
    %c0_i32_0 = arith.constant 0 : i32
    %c0_i32_1 = arith.constant 0 : i32
    %c0_i32_2 = arith.constant 0 : i32
    %c0_i32_3 = arith.constant 0 : i32
    return %c0_i32, %c0_i32_0, %c0_i32_1, %c0_i32_2 : i32, i32, i32, i32
  }
  func.func @transform_1(%arg0: i32) -> (i32, i32) {
    %c0_i32 = arith.constant 0 : i32
    %c0_i32_0 = arith.constant 0 : i32
    %c0_i32_1 = arith.constant 0 : i32
    return %c0_i32, %c0_i32_0 : i32, i32
  }
}

module attributes {stable_mosaic.version = 14 : i64} {
  func.func @_tc3_body(%arg0: i32, %arg1: memref<2x1x1000x128xf32, #tpu.memory_space<vmem>>, %arg2: memref<1000x1xf32, #tpu.memory_space<vmem>>, %arg3: memref<1x64xf32, #tpu.memory_space<vmem>>, %arg4: memref<1000x64xf32, #tpu.memory_space<vmem>>) attributes {dimension_semantics = [#tpu.dimension_semantics<arbitrary>], iteration_bounds = array<i64: 10>, scalar_prefetch = 0 : i64, scratch_operands = 0 : i64, tpu.core_type = #tpu.core_type<tc>, window_params = [{transform_indices = @transform_0, window_bounds = array<i64: 2, 1, 1000, 128>}, {transform_indices = @transform_1, window_bounds = array<i64: 1000, 1>}, {pipeline_mode = #tpu.pipeline_mode<synchronous>, transform_indices = @transform_2, window_bounds = array<i64: 1, 64>}, {transform_indices = @transform_3, window_bounds = array<i64: 1000, 64>}]} {
    %get3A = arith.constant 0 : index
    %get3A_0 = arith.constant 0 : index
    %get3A_1 = arith.constant 0 : index
    %get3A_2 = arith.constant 0 : index
    %get3A_3 = vector.load %arg1[%get3A, %get3A_0, %get3A_1, %get3A_2] : memref<2x1x1000x128xf32, #tpu.memory_space<vmem>>, vector<1x1x1000x64xf32>
    %get3A_4 = vector.shape_cast %get3A_3 : vector<1x1x1000x64xf32> to vector<1000x64xf32>
    %get3A_5 = arith.constant 1 : index
    %get3A_6 = arith.constant 0 : index
    %get3A_7 = arith.constant 0 : index
    %get3A_8 = arith.constant 0 : index
    %get3A_9 = vector.load %arg1[%get3A_5, %get3A_6, %get3A_7, %get3A_8] : memref<2x1x1000x128xf32, #tpu.memory_space<vmem>>, vector<1x1x1000x64xf32>
    %get3A_10 = vector.shape_cast %get3A_9 : vector<1x1x1000x64xf32> to vector<1000x64xf32>
    %add3A = arith.addf %get3A_4, %get3A_10 : vector<1000x64xf32>
    %get3A_11 = arith.constant 0 : index
    %get3A_12 = arith.constant 0 : index
    %get3A_13 = vector.load %arg2[%get3A_11, %get3A_12] : memref<1000x1xf32, #tpu.memory_space<vmem>>, vector<1000x1xf32>
    %add3A_14 = arith.constant 1.000000e-16 : f32
    %add3A_15 = vector.broadcast %add3A_14 : f32 to vector<1000x1xf32>
    %add3A_16 = arith.addf %get3A_13, %add3A_15 : vector<1000x1xf32>
    %div3A = vector.broadcast %add3A_16 : vector<1000x1xf32> to vector<1000x64xf32>
    %div3A_17 = arith.divf %add3A, %div3A : vector<1000x64xf32>
    %get3A_18 = arith.constant 0 : index
    %get3A_19 = arith.constant 0 : index
    %get3A_20 = vector.load %arg3[%get3A_18, %get3A_19] : memref<1x64xf32, #tpu.memory_space<vmem>>, vector<1x64xf32>
    %get3A_21 = vector.shape_cast %get3A_20 : vector<1x64xf32> to vector<64xf32>
    %broadcast_in_dim3A = vector.shape_cast %get3A_21 : vector<64xf32> to vector<1x64xf32>
    %add3A_22 = vector.broadcast %broadcast_in_dim3A : vector<1x64xf32> to vector<1000x64xf32>
    %add3A_23 = arith.addf %div3A_17, %add3A_22 : vector<1000x64xf32>
    %swap3A = arith.constant 0 : index
    %swap3A_24 = arith.constant 0 : index
    %swap3A_25 = vector.load %arg4[%swap3A, %swap3A_24] : memref<1000x64xf32, #tpu.memory_space<vmem>>, vector<1000x64xf32>
    tpu.vector_store %arg4[%swap3A, %swap3A_24], %add3A_23 {strides = array<i32>} : memref<1000x64xf32, #tpu.memory_space<vmem>>, vector<1000x64xf32>,
    return
  }
  func.func @transform_0(%arg0: i32) -> (i32, i32, i32, i32) {
    %c0_i32 = arith.constant 0 : i32
    %c0_i32_0 = arith.constant 0 : i32
    %c0_i32_1 = arith.constant 0 : i32
    %c0_i32_2 = arith.constant 0 : i32
    return %c0_i32, %c0_i32_0, %arg0, %c0_i32_1 : i32, i32, i32, i32
  }
  func.func @transform_1(%arg0: i32) -> (i32, i32) {
    %c0_i32 = arith.constant 0 : i32
    %c0_i32_0 = arith.constant 0 : i32
    return %arg0, %c0_i32 : i32, i32
  }
  func.func @transform_2(%arg0: i32) -> (i32, i32) {
    %c0_i32 = arith.constant 0 : i32
    %c0_i32_0 = arith.constant 0 : i32
    %c0_i32_1 = arith.constant 0 : i32
    return %c0_i32, %c0_i32_0 : i32, i32
  }
  func.func @transform_3(%arg0: i32) -> (i32, i32) {
    %c0_i32 = arith.constant 0 : i32
    %c0_i32_0 = arith.constant 0 : i32
    return %arg0, %c0_i32 : i32, i32
  }
}

</mosaic_0001>

<sc_bundles>
// kernel: kernel.12.cloned.1.call-start
scs
__scs_entry_jumppad:
0x0: {  	(pc) =	sbr.rel $0x88, $3  }
0x1: {  	(tag) =	ssettag $0x0;
	lr =	simm.s32 $0x1  }
0x2: {  	[smem:$0x3F97] =	sst lr;
	_ =	strace $0xD0000000  }
0x3: {  	_ = 	snop  }
0x4: {  	_ = 	snop  }
0x5: {  	_ = 	snop  }
0x6: {  	_ = 	snop  }
0x7: {  	_ = 	snop  }
__scs_overlays_trampoline_lowered:
0x8: {  	[smem:$0x3FA6] =	sst s0  }
0x9: {  	[smem:$0x3FA7] =	sst s1  }
0xa: {  	[smem:$0x3FA8] =	sst s2  }
0xb: {  	[smem:$0x3FA9] =	sst s3  }
0xc: {  	[smem:$0x3FAA] =	sst s4  }
0xd: {  	[smem:$0x3FAB] =	sst s5  }
0xe: {  	[smem:$0x3FAC] =	sst s6  }
0xf: {  	[smem:$0x3FAD] =	sst s7  }
0x10: {  	[smem:$0x3FAE] =	sst s8  }
0x11: {  	[smem:$0x3FAF] =	sst s9;
	s0 =	simm.s32 @!p0 $0x0  }
0x12: {  	s1 =	sld [smem:$0x3F95];
	s0 =	simm.s32 @p0 $0x1  }
0x13: {  	[smem:$0x3FB0] =	sst s0;
	s0 =	simm.s32 @!p1 $0x0  }
0x14: {  	s2 =	sld [smem:$0x3F94];
	s0 =	simm.s32 @p1 $0x1  }
0x15: {  	[smem:$0x3FB1] =	sst s0;
	s0 =	simm.s32 @!p2 $0x0  }
0x16: {  	s3 =	sld [smem:$0x3FDB];
	s0 =	simm.s32 @p2 $0x1  }
0x17: {  	s4 =	simm.s32 $0x1BF5;
	[smem:$0x3FB3] =	sst s0  }
0x18: {  	s0 =	sld [smem:$0x3F96];
	_ =	swait.ge [sflag:s4], $0x0  }
0x19: {  	s7 =	sld [smem:$0x3F97]  }
0x1a: {  	s8 =	sadd.s32 $0xFFFFE003, lr  }
0x1b: {  	s9 =	sadd.s32 $0xFFFFFEF7, lr;
	s5 =	simm.s32 $0xFFFFFFFF;
	p2 =	slt.u32 s8, $0xFFFFF086  }
0x1c: {  	p1 =	slt.u32 s9, $0xF7A;
	s5 =	simm.s32 @!p2 $0x0  }
0x1d: {  	s5 =	simm.s32 @p1 $0x1;
	p0 =	seq.s32 s7, s2  }
0x1e: {  	s7 =	smul.u32 @!p0 $0xF7A, s2;
	p2 =	seq.s32 @!p0 s5, $0x0  }
0x1f: {  	s9 =	smul.u32 $0xF7A, s1;
	s8 =	simm.s32 @!p0 $0x1BF5;
	p2 =	por !p2, p0  }
0x20: {  	[sflag:s8] =	ssyncset.s32 @!p0 $0xFFFFF086;
	s6 =	sadd.s32 @!p0 s3, s7;
	s7 =	simm.s32 @!p0 $0x108  }
0x21: {  	s3 =	sadd.s32 s3, s9;
	s6 =	sadd.s32 @!p0 $0x88, s6;
	s7 =	simm.s32 @p2 $0x1082  }
0x22: {  	[simem:s7], [sflag:s8] =	dma.local @!p0 [hbm:s6], $0xF7A  }
0x23: {  	s9 =	sor.u32 $0xD0000000, s2;
	s6 =	simm.s32 $0x108;
	_ =	swait.ge @!p0 [sflag:s8], $0x0  }
0x24: {  	s3 =	sadd.s32 $0x88, s3;
	s6 =	simm.s32 @!p1 $0x1082;
	[sflag:s4] =	ssyncset.s32 $0xFFFFF086  }
0x25: {  	[simem:s6], [sflag:s4] =	dma.local [hbm:s3], $0xF7A  }
0x26: {  	[smem:$0x3F97] =	sst s1;
	(tag) =	ssettag s2;
	_ =	strace s9  }
0x27: {  	s1 =	sld [smem:$0x3FA7]  }
0x28: {  	s2 =	sld [smem:$0x3FA8]  }
0x29: {  	s4 =	sld [smem:$0x3FAA]  }
0x2a: {  	p0 =	seq.s32 s5, $0x0;
	s5 =	sld [smem:$0x3FAB]  }
0x2b: {  	s6 =	sld [smem:$0x3FAC]  }
0x2c: {  	s7 =	sld [smem:$0x3FAD]  }
0x2d: {  	s3 =	simm.s32 $0x108;
	s8 =	sld [smem:$0x3FAE]  }
0x2e: {  	s3 =	simm.s32 @!p0 $0x1082;
	s9 =	sld [smem:$0x3FAF]  }
0x2f: {  	lr =	sadd.s32 s0, s3;
	s0 =	sld [smem:$0x3FA6]  }
0x30: {  	s3 =	sld [smem:$0x3FA9]  }
0x31: {  	[smem:$0x3FB2] =	sst s10  }
0x32: {  	s10 =	sld [smem:$0x3FB0];
	_ =	sdelay $0x3  }
0x33: {  	p0 =	seq.s32 s10, $0x1;
	s10 =	sld [smem:$0x3FB2];
	_ =	sdelay $0x3  }
0x34: {  	[smem:$0x3FB2] =	sst s10  }
0x35: {  	s10 =	sld [smem:$0x3FB1];
	_ =	sdelay $0x3  }
0x36: {  	p1 =	seq.s32 s10, $0x1;
	s10 =	sld [smem:$0x3FB2];
	_ =	sdelay $0x3  }
0x37: {  	[smem:$0x3FB2] =	sst s10  }
0x38: {  	s10 =	sld [smem:$0x3FB3]  }
0x39: {  	_ = 	snop;
	(pc) =	sbr.ind lr, $3  }
0x3a: {  	_ = 	snop  }
0x3b: {  	_ = 	snop  }
0x3c: {  	p2 =	seq.s32 s10, $0x1;
	s10 =	sld [smem:$0x3FB2]  }
0x3d: {  	_ =	shalt  }
0x3e: {  	_ =	shalt  }
0x3f: {  	_ =	shalt  }
0x40: {  	_ =	shalt  }
0x41: {  	_ =	shalt  }
0x42: {  	_ =	shalt  }
0x43: {  	_ =	shalt  }
0x44: {  	_ =	shalt  }
0x45: {  	_ =	shalt  }
0x46: {  	_ =	shalt  }
0x47: {  	_ =	shalt  }
0x48: {  	_ =	shalt  }
0x49: {  	_ =	shalt  }
0x4a: {  	_ =	shalt  }
0x4b: {  	_ =	shalt  }
0x4c: {  	_ =	shalt  }
0x4d: {  	_ =	shalt  }
0x4e: {  	_ =	shalt  }
0x4f: {  	_ =	shalt  }
0x50: {  	_ =	shalt  }
0x51: {  	_ =	shalt  }
0x52: {  	_ =	shalt  }
0x53: {  	_ =	shalt  }
0x54: {  	_ =	shalt  }
0x55: {  	_ =	shalt  }
0x56: {  	_ =	shalt  }
0x57: {  	_ =	shalt  }
0x58: {  	_ =	shalt  }
0x59: {  	_ =	shalt  }
0x5a: {  	_ =	shalt  }
0x5b: {  	_ =	shalt  }
0x5c: {  	_ =	shalt  }
0x5d: {  	_ =	shalt  }
0x5e: {  	_ =	shalt  }
0x5f: {  	_ =	shalt  }
0x60: {  	_ =	shalt  }
0x61: {  	_ =	shalt  }
0x62: {  	_ =	shalt  }
0x63: {  	_ =	shalt  }
0x64: {  	_ =	shalt  }
0x65: {  	_ =	shalt  }
0x66: {  	_ =	shalt  }
0x67: {  	_ =	shalt  }
0x68: {  	_ =	shalt  }
0x69: {  	_ =	shalt  }
0x6a: {  	_ =	shalt  }
0x6b: {  	_ =	shalt  }
0x6c: {  	_ =	shalt  }
0x6d: {  	_ =	shalt  }
0x6e: {  	_ =	shalt  }
0x6f: {  	_ =	shalt  }
0x70: {  	_ =	shalt  }
0x71: {  	_ =	shalt  }
0x72: {  	_ =	shalt  }
0x73: {  	_ =	shalt  }
0x74: {  	_ =	shalt  }
0x75: {  	_ =	shalt  }
0x76: {  	_ =	shalt  }
0x77: {  	_ =	shalt  }
0x78: {  	_ =	shalt  }
0x79: {  	_ =	shalt  }
0x7a: {  	_ =	shalt  }
0x7b: {  	_ =	shalt  }
0x7c: {  	_ =	shalt  }
0x7d: {  	_ =	shalt  }
0x7e: {  	_ =	shalt  }
0x7f: {  	_ =	shalt  }
0x80: {  	_ =	shalt  }
0x81: {  	_ =	shalt  }
0x82: {  	_ =	shalt  }
0x83: {  	_ =	shalt  }
0x84: {  	_ =	shalt  }
0x85: {  	_ =	shalt  }
0x86: {  	_ =	shalt  }
0x87: {  	_ =	shalt  }
.Lfunc_end0:
.L_simem_size_0:
called_computation.1_lowered:
.L_overlay_start_0:
0x88: {  	s2 =	sld [smem:$0x3FD9]  }
0x89: {  	s3 =	sld [smem:$0x3FFE];
	_ =	sdelay $0x1  }
0x8a: {  	s1 =	srdreg.scid  }
0x8b: {  	s0 =	sand.u32 $0x1, s1  }
0x8c: {  	s17 =	sshll.u32 s0, $0xA;
	s2 =	sadd.s32 s3, s2  }
0x8d: {  	s2 =	sadd.s32 s2, s17  }
0x8e: {  	[smem:$0x3FBE] =	sst s2  }
0x8f: {  	_ = 	snop  }
0x90: {  	s2 =	sld [smem:$0x3FD0];
	(tm) =	ssettm $0x1  }
0x91: {  	s18 =	sld [smem:$0x3FFB];
	_ =	sdelay $0x3  }
0x92: {  	_ =	strace s18  }
0x93: {  	s3 =	sld [smem:$0x3FFC];
	_ =	sdelay $0x3  }
0x94: {  	_ =	strace s3  }
0x95: {  	s3 =	sld [smem:$0x3FFD];
	_ =	sdelay $0x3  }
0x96: {  	_ =	strace s3  }
0x97: {  	_ =	strace $0x8FFFFFFF  }
0x98: {  	s19 =	sld [smem:$0x3FDB];
	_ =	sdelay $0x1  }
0x99: {  	s4 =	simm.s32 $_scs_section_size  }
0x9a: {  	s5 =	simm.s32 $_size__tile_overlayer_lowered;
	s6 =	simm.s32 $_tile_overlayer_lowered  }
0x9b: {  	s22 =	simm.s32 $0x1BFF;
	s21 =	sshll.u32 s6, $0x1;
	s3 =	sadd.s32 s4, s19  }
0x9c: {  	s7 =	simm.s32 $0x0;
	s20 =	sshll.u32 s5, $0x1;
	s5 =	sadd.s32 s21, s3  }
0x9d: {  	[timem:s7], [sflag:s22] =	dma.local [hbm:s5], s20  }
0x9e: {  	_ =	swait.ge [sflag:s22], s20  }
0x9f: {  	s4 =	ssub.s32 $0x0, s20;
	[sflag:s22] =	ssyncset.done $0x0  }
0xa0: {  	[sflag:s22] =	ssyncadd.s32 s4;
	_ =	sdelay $0x1  }
0xa1: {  	s23 =	simm.s32 $0x1B8B  }
0xa2: {  	_ =	swait.ge [sflag:s23], $0x1  }
0xa3: {  	[sflag:s23] =	ssyncset.done $0x0  }
0xa4: {  	s25 =	simm.s32 $0x1B8E;
	s24 =	sld [smem:$0x3FFE];
	[sflag:s23] =	ssyncadd.s32 $0xFFFFFFFF  }
0xa5: {  	s26 =	simm.s32 $execute0_lowered;
	[smem:$0x3FD2] =	sst s25  }
0xa6: {  	s5 =	sshll.u32 s26, $0x1;
	_ =	strace $0x80000049;
	[dreg:$0x1] =	wrdreg $0xFFFFFFFF  }
0xa7: {  	s28 =	simm.s32 $_size_execute0_lowered;
	s3 =	sadd.s32 s3, s5;
	[dreg:$0x0] =	wrdreg $0x0  }
0xa8: {  	s5 =	sshll.u32 s28, $0x1;
	[dreg:$0x2] =	wrdreg s3  }
0xa9: {  	[dreg:$0x3] =	wrdreg s5  }
0xaa: {  	[dreg:$0x4] =	wrdreg $0xC0  }
0xab: {  	_ =	task [dreg:s7], $0x5FFFF  }
0xac: {  	[dreg:$0x1] =	wrdreg $0xFFFFFFFF  }
0xad: {  	[dreg:$0x0] =	wrdreg $0x60  }
0xae: {  	[dreg:$0x2] =	wrdreg s24  }
0xaf: {  	[dreg:$0x3] =	wrdreg s2  }
0xb0: {  	[dreg:$0x4] =	wrdreg $0xB9000  }
0xb1: {  	[dreg:$0x5] =	wrdreg $0x9  }
0xb2: {  	_ =	task.clear_ibuf [dreg:s7], $0x6FFFF;
	_ =	strace $0x90000049  }
0xb3: {  	s29 =	simm.s32 $0x9;
	_ =	strace $0x8000004B  }
0xb4: {  	_ =	swait.ge [sflag:s29], $0x1  }
0xb5: {  	[sflag:s29] =	ssyncadd.s32 $0xFFFFFFFF  }
0xb6: {  	_ =	strace $0x9000004B  }
0xb7: {  	_ =	sfence  }
0xb8: {  	s30 =	sld [smem:$0x0];
	_ =	sdelay $0x2  }
0xb9: {  	s31 =	sshll.u32 s1, $0xD;
	s1 =	sshrl.u32 s1, $0x2  }
0xba: {  	s3 =	sand.u32 $0x4000, s31;
	s1 =	sadd.s32 s1, s30  }
0xbb: {  	s0 =	sor.u32 s3, s0;
	s1 =	sshll.u32 s1, $0x11  }
0xbc: {  	s0 =	sor.u32 s1, s0  }
0xbd: {  	s0 =	sadd.s32 $0x8F2B, s0  }
0xbe: {  	[sflag:s0] =	ssyncadd.remote.s32 $0x1  }
0xbf: {  	_ =	sfence.sel $0xFFFF  }
0xc0: {  	[dreg:$0x0] =	wrdreg $0xFFFFFFFF;
	(pc) =	sbr.abs _section_cstart, $3  }
0xc1: {  	[dreg:$0x1] =	wrdreg $0xFFFFFFFF  }
0xc2: {  	_ =	task.clear_ibuf [dreg:s7], $0x2FFFF;
	_ =	strace $0x9FFFFFFF  }
0xc3: {  	(tm) =	ssettm $0x7FFFFFFF  }
tec
execute0_lowered:
.L_overlay_start_1:
0x0: {  	(tag) =	ssettag $0x1  }
0x1: {  	s0 =	rddreg [dreg:$0x0]  }
0x2: {  	s12 =	rddreg [dreg:$0x1]  }
0x3: {  	s2 =	rddreg [dreg:$0x2]  }
0x4: {  	s1 =	stileid.u32;
	s4 =	srdreg.scid;
	s3 =	simm.s32 $0x0  }
0x5: {  	s18 =	simm.s32 $0x7680;
	s19 =	simm.s32 $0x80;
	s20 =	simm.s32 $0x7800  }
0x6: {  	s21 =	simm.s32 $0x7900;
	s22 =	simm.s32 $0x4F00;
	s23 =	simm.s32 $0x1  }
0x7: {  	s24 =	simm.s32 $0x7780;
	s28 =	simm.s32 $0x0;
	s8 =	smul.u32 $0x14000, s1  }
0x8: {  	s9 =	sand.u32 $0x1, s4;
	[smem:$0x7FF] =	sst s3;
	s4 =	sadd.s32 $0x3EC00, s0  }
0x9: {  	s5 =	sadd.s32 $0x1A00, s0;
	s6 =	sadd.s32 $0x1400, s0;
	s25 =	smul.u32 $0x50000, s1  }
0xa: {  	s14 =	sshrl.u32 s1, $0x3;
	s30 =	sshll.u32 s1, $0x7;
	s7 =	smul.u32 $0x140000, s9  }
0xb: {  	s31 =	sshll.u32 s1, $0x6;
	_ =	strace $0x8000004A;
	s13 =	smul.u32 $0x27800, s9  }
0xc: {  	s26 =	ssub.s32 $0x2, s9;
	s9 =	sshll.u32 s9, $0x4;
	s14 =	smul.u32 $0x13C00, s14  }
0xd: {  	s16 =	sor.u32 $0x1C03, s31;
	s15 =	sshrl.u32 s26, $0x1;
	s29 =	sor.u32 s1, s9  }
0xe: {  	s9 =	sand.u32 $0x380, s30;
	s10 =	sadd.s32 s8, s7;
	s7 =	sadd.s32 $0x2800, s0  }
0xf: {  	s8 =	sshrl.u32 s8, $0x3;
	s15 =	ssub.s32 s26, s15;
	s13 =	sadd.s32 s13, s14  }
0x10: {  	s14 =	simm.s32 $0x3;
	s26 =	simm.s32 $0x400;
	s10 =	sshrl.u32 s10, $0x3  }
0x11: {  	s11 =	sadd.s32 s8, s0;
	s8 =	sshrl.u32 s25, $0x2;
	s13 =	sor.u32 s9, s13  }
0x12: {  	s25 =	simm.s32 $0x2;
	s0 =	sadd.s32 s10, s0;
	s17 =	sadd.s32 s8, s2  }
0x13: {  	s8 =	smul.u32 $0x2880, s29;
	s9 =	sadd.s32 $0x16C00, s11;
	s13 =	sshrl.u32 s13, $0x3  }
0x14: {  	s10 =	smul.u32 $0x51, s29;
	s11 =	sadd.s32 $0x65E00, s0;
	s12 =	sadd.s32 s12, s13  }
0x15: {  	v0 =	vimm.f32 $0.0e+00;
	s13 =	smax.u32 s15, $0x1;
	s15 =	simm.s32 $0x2780;
	s17 =	sshrl.u32 s17, $0x3  }
.LBB2_1:
0x16: {  	[tilespmem:s3], [sflag:$0x3] =	stream.linear.gather [hbm4b:s5+s3], $0x2780, $0x38;
	[tilespmem:$0x1F900] =	vst v63  }
0x17: {  	_ =	swait.ge [sflag:s14], $0x2780  }
0x18: {  	[sflag:s14] =	ssyncset.done $0x0  }
0x19: {  	[sflag:s14] =	ssyncadd.s32 $0xFFFFD880  }
0x1a: {  	[tilespmem:s15], [sflag:$0x3] =	stream.linear.gather [hbm4b:s6+s3], $0x2780, $0x38;
	[tilespmem:$0x1F900] =	vst v63  }
0x1b: {  	_ =	swait.ge [sflag:s14], $0x2780  }
0x1c: {  	[sflag:s14] =	ssyncset.done $0x0  }
0x1d: {  	[sflag:s14] =	ssyncadd.s32 $0xFFFFD880  }
0x1e: {  	[spmem:s17], [sflag:s16] =	dma.local [hbm:s9], $0x2800  }
0x1f: {  	_ =	swait.ge [sflag:s14], $0x2800  }
0x20: {  	[sflag:s14] =	ssyncset.done $0x0  }
0x21: {  	s0 =	simm.s32 $0x40;
	s29 =	simm.s32 $0x0;
	[sflag:s14] =	ssyncadd.s32 $0xFFFFD800  }
.LBB2_2:
0x22: {  	p0 =	sne.s32 s0, $0x9C00;
	[tilespmem:s29+$0x4F00] =	vst v0;
	s29 =	smov.u32 s0;
	s0 =	sadd.s32 $0x40, s0  }
.Ltmp0:
0x23: {  	(pc) =	sbr.rel @p0 .LBB2_2-.Ltmp0, $2  }
0x24: {  	_ =	sdelay $0x2  }
0x25: {  	s29 =	sshra.s32 s29, $0x2  }
0x26: {  	[tilespmem:s29+$0x4F00] =	vst v0  }
0x27: {  	s29 =	simm.s32 $0x0;
	s30 =	simm.s32 $0x0;
	[bflag:$0x0] =	sbarrier.arrive $0xFFFF  }
.LBB2_4:
0x28: {  	s0 =	sadd.s32 s10, s30  }
0x29: {  	s0 =	sshll.u32 s0, $0x5  }
0x2a: {  	s0 =	sadd.s32 s7, s0  }
0x2b: {  	[tilespmem:s18], [sflag:$0x3] =	stream.linear.gather [hbm4b:s0+s3], $0x100, $0x38;
	[tilespmem:$0x1F900] =	vst v63  }
0x2c: {  	_ =	swait.ge [sflag:s14], $0x100  }
0x2d: {  	[sflag:s14] =	ssyncset.done $0x0  }
0x2e: {  	[sflag:s14] =	ssyncadd.s32 $0xFFFFFF00  }
0x2f: {  	v1 =	vld [tilespmem:$0x7680]  }
0x30: {  	v2 =	vld [tilespmem:$0x7690]  }
0x31: {  	v3 =	vld [tilespmem:$0x76A0]  }
0x32: {  	v4 =	vld [tilespmem:$0x76B0]  }
0x33: {  	v5 =	vld [tilespmem:$0x76C0]  }
0x34: {  	[tilespmem:$0x7800] =	vst v1;
	v1 =	vld [tilespmem:$0x76D0]  }
0x35: {  	[tilespmem:$0x7810] =	vst v2;
	v2 =	vld [tilespmem:$0x76E0]  }
0x36: {  	[tilespmem:$0x7820] =	vst v3;
	v3 =	vld [tilespmem:$0x76F0]  }
0x37: {  	[tilespmem:$0x7830] =	vst v4  }
0x38: {  	[tilespmem:$0x7840] =	vst v5  }
0x39: {  	[tilespmem:$0x7850] =	vst v1  }
0x3a: {  	p0 =	seq.s32 s30, $0x0;
	[tilespmem:$0x7860] =	vst v2  }
0x3b: {  	s0 =	simm.s32 @!p0 $0x2;
	[tilespmem:$0x7870] =	vst v3  }
0x3c: {  	_ =	swait.ge @!p0 [sflag:s0], $0x4000  }
0x3d: {  	[sflag:s0] =	ssyncset.done @!p0 $0x0  }
0x3e: {  	[sflag:s0] =	ssyncadd.s32 @!p0 $0xFFFFC000  }
0x3f: {  	[tilespmem:s21], [sflag:$0x1] =	stream.indirect.gather [hbm4b:s4+s19], $0x80, s20, s19, $0xb8;
	[tilespmem:$0x1F900] =	vst v63  }
0x40: {  	v1 =	vld [tilespmem:$0x7710]  }
0x41: {  	v2 =	vld [tilespmem:$0x7720]  }
0x42: {  	v3 =	vld [tilespmem:$0x7730]  }
0x43: {  	v62 =	vld [tilespmem:$0x7740]  }
0x44: {  	v63 =	vld [tilespmem:$0x7750]  }
0x45: {  	v6 =	vld [tilespmem:$0x7760]  }
0x46: {  	[tilespmem:$0x7790] =	vst v1;
	v1 =	vld [tilespmem:$0x7680]  }
0x47: {  	[tilespmem:$0x77A0] =	vst v2;
	v2 =	vld [tilespmem:$0x7700]  }
0x48: {  	[tilespmem:$0x77B0] =	vst v3;
	v3 =	vld [tilespmem:$0x7770]  }
0x49: {  	[tilespmem:$0x77C0] =	vst v62  }
0x4a: {  	[tilespmem:$0x77D0] =	vst v63  }
0x4b: {  	[tilespmem:$0x77E0] =	vst v6  }
0x4c: {  	[tilespmem:$0x7780] =	vst v2  }
0x4d: {  	[tilespmem:$0x77F0] =	vst v3  }
0x4e: {  	v1 =	vld.idx.msk [tilespmem:v1+s29+$0x0], $0xffff  }
0x4f: {  	v3 =	vld.idx.msk [tilespmem:v2+s15+$0x0], $0xffff;
	_ =	sdelay $0x4  }
0x50: {  	v1 =	vadd.f32 v3, v1;
	_ =	sdelay $0x1  }
0x51: {  	v3 =	vmul.f32 $2.000000030e-01, v1  }
0x52: {  	vm0 =	vge.f32 v1, $0.0e+00  }
0x53: {  	v1 =	vsel vm0, v1, v3  }
0x54: {  	v1 =	vmul.f32 $1.442695020e+00, v1;
	_ =	sdelay $0x1  }
0x55: {  	(erf) = vpow2.f32 v1;
	_ =	sdelay $0x6  }
0x56: {  	s1 =	sshll.u32 s30, $0x7  }
0x57: {  	s0 =	sadd.s32 s8, s1  }
0x58: {  	p5 =	slt.u32 s0, $0x50910;
	v1 =	vpop (erf)  }
0x59: {  	v1 =	vpsel !p5, $0x0, v1  }
0x5a: {  	[tilespmem:$0x7880] =	vst v1  }
0x5b: {  	[tilespmem:v2+s22+$0x0] =	vst.idx.add.f32.msk $0xffff, v1  }
0x5c: {  	v1 =	vld [tilespmem:$0x7690]  }
0x5d: {  	v2 =	vld [tilespmem:$0x7790];
	_ =	sdelay $0x6  }
0x5e: {  	v1 =	vld.idx.msk [tilespmem:v1+s29+$0x0], $0xffff  }
0x5f: {  	v3 =	vld.idx.msk [tilespmem:v2+s15+$0x0], $0xffff;
	_ =	sdelay $0x4  }
0x60: {  	v1 =	vadd.f32 v3, v1;
	_ =	sdelay $0x1  }
0x61: {  	v3 =	vmul.f32 $2.000000030e-01, v1  }
0x62: {  	vm9 =	vge.f32 v1, $0.0e+00  }
0x63: {  	v1 =	vsel vm9, v1, v3  }
0x64: {  	v1 =	vmul.f32 $1.442695020e+00, v1;
	_ =	sdelay $0x1  }
0x65: {  	(erf) = vpow2.f32 v1;
	_ =	sdelay $0x7  }
0x66: {  	s31 =	sor.u32 $0x10, s0  }
0x67: {  	p6 =	slt.u32 s31, $0x50910;
	v1 =	vpop (erf)  }
0x68: {  	v1 =	vpsel !p6, $0x0, v1  }
0x69: {  	[tilespmem:$0x7890] =	vst v1  }
0x6a: {  	[tilespmem:v2+s22+$0x0] =	vst.idx.add.f32.msk $0xffff, v1  }
0x6b: {  	v1 =	vld [tilespmem:$0x76A0]  }
0x6c: {  	v2 =	vld [tilespmem:$0x77A0];
	_ =	sdelay $0x6  }
0x6d: {  	v1 =	vld.idx.msk [tilespmem:v1+s29+$0x0], $0xffff  }
0x6e: {  	v3 =	vld.idx.msk [tilespmem:v2+s15+$0x0], $0xffff;
	_ =	sdelay $0x4  }
0x6f: {  	v1 =	vadd.f32 v3, v1;
	_ =	sdelay $0x1  }
0x70: {  	v3 =	vmul.f32 $2.000000030e-01, v1  }
0x71: {  	vm10 =	vge.f32 v1, $0.0e+00  }
0x72: {  	v1 =	vsel vm10, v1, v3  }
0x73: {  	v1 =	vmul.f32 $1.442695020e+00, v1;
	_ =	sdelay $0x1  }
0x74: {  	(erf) = vpow2.f32 v1;
	_ =	sdelay $0x7  }
0x75: {  	s31 =	sor.u32 $0x20, s0  }
0x76: {  	p1 =	slt.u32 s31, $0x50910;
	v1 =	vpop (erf)  }
0x77: {  	v1 =	vpsel !p1, $0x0, v1  }
0x78: {  	[tilespmem:$0x78A0] =	vst v1  }
0x79: {  	[tilespmem:v2+s22+$0x0] =	vst.idx.add.f32.msk $0xffff, v1  }
0x7a: {  	v1 =	vld [tilespmem:$0x76B0]  }
0x7b: {  	v2 =	vld [tilespmem:$0x77B0];
	_ =	sdelay $0x6  }
0x7c: {  	v1 =	vld.idx.msk [tilespmem:v1+s29+$0x0], $0xffff  }
0x7d: {  	v3 =	vld.idx.msk [tilespmem:v2+s15+$0x0], $0xffff;
	_ =	sdelay $0x4  }
0x7e: {  	v1 =	vadd.f32 v3, v1;
	_ =	sdelay $0x1  }
0x7f: {  	v3 =	vmul.f32 $2.000000030e-01, v1  }
0x80: {  	vm11 =	vge.f32 v1, $0.0e+00  }
0x81: {  	v1 =	vsel vm11, v1, v3  }
0x82: {  	v1 =	vmul.f32 $1.442695020e+00, v1;
	_ =	sdelay $0x1  }
0x83: {  	(erf) = vpow2.f32 v1;
	_ =	sdelay $0x7  }
0x84: {  	s31 =	sor.u32 $0x30, s0  }
0x85: {  	p2 =	slt.u32 s31, $0x50910;
	v1 =	vpop (erf)  }
0x86: {  	v1 =	vpsel !p2, $0x0, v1  }
0x87: {  	[tilespmem:$0x78B0] =	vst v1  }
0x88: {  	[tilespmem:v2+s22+$0x0] =	vst.idx.add.f32.msk $0xffff, v1  }
0x89: {  	v1 =	vld [tilespmem:$0x76C0]  }
0x8a: {  	v2 =	vld [tilespmem:$0x77C0];
	_ =	sdelay $0x6  }
0x8b: {  	v1 =	vld.idx.msk [tilespmem:v1+s29+$0x0], $0xffff  }
0x8c: {  	v3 =	vld.idx.msk [tilespmem:v2+s15+$0x0], $0xffff;
	_ =	sdelay $0x4  }
0x8d: {  	v1 =	vadd.f32 v3, v1;
	_ =	sdelay $0x1  }
0x8e: {  	v3 =	vmul.f32 $2.000000030e-01, v1  }
0x8f: {  	vm12 =	vge.f32 v1, $0.0e+00  }
0x90: {  	v1 =	vsel vm12, v1, v3  }
0x91: {  	v1 =	vmul.f32 $1.442695020e+00, v1;
	_ =	sdelay $0x1  }
0x92: {  	(erf) = vpow2.f32 v1;
	_ =	sdelay $0x7  }
0x93: {  	s31 =	sor.u32 $0x40, s0  }
0x94: {  	p3 =	slt.u32 s31, $0x50910;
	v1 =	vpop (erf)  }
0x95: {  	v1 =	vpsel !p3, $0x0, v1  }
0x96: {  	[tilespmem:$0x78C0] =	vst v1  }
0x97: {  	[tilespmem:v2+s22+$0x0] =	vst.idx.add.f32.msk $0xffff, v1  }
0x98: {  	v1 =	vld [tilespmem:$0x76D0]  }
0x99: {  	v2 =	vld [tilespmem:$0x77D0];
	_ =	sdelay $0x6  }
0x9a: {  	v1 =	vld.idx.msk [tilespmem:v1+s29+$0x0], $0xffff  }
0x9b: {  	v3 =	vld.idx.msk [tilespmem:v2+s15+$0x0], $0xffff;
	_ =	sdelay $0x4  }
0x9c: {  	v1 =	vadd.f32 v3, v1;
	_ =	sdelay $0x1  }
0x9d: {  	v3 =	vmul.f32 $2.000000030e-01, v1  }
0x9e: {  	vm13 =	vge.f32 v1, $0.0e+00  }
0x9f: {  	v1 =	vsel vm13, v1, v3  }
0xa0: {  	v1 =	vmul.f32 $1.442695020e+00, v1;
	_ =	sdelay $0x1  }
0xa1: {  	(erf) = vpow2.f32 v1;
	_ =	sdelay $0x7  }
0xa2: {  	s31 =	sor.u32 $0x50, s0  }
0xa3: {  	p4 =	slt.u32 s31, $0x50910;
	v1 =	vpop (erf)  }
0xa4: {  	v1 =	vpsel !p4, $0x0, v1  }
0xa5: {  	[tilespmem:$0x78D0] =	vst v1  }
0xa6: {  	[tilespmem:v2+s22+$0x0] =	vst.idx.add.f32.msk $0xffff, v1  }
0xa7: {  	v1 =	vld [tilespmem:$0x76E0]  }
0xa8: {  	v2 =	vld [tilespmem:$0x77E0];
	_ =	sdelay $0x6  }
0xa9: {  	v1 =	vld.idx.msk [tilespmem:v1+s29+$0x0], $0xffff  }
0xaa: {  	v3 =	vld.idx.msk [tilespmem:v2+s15+$0x0], $0xffff;
	_ =	sdelay $0x4  }
0xab: {  	v1 =	vadd.f32 v3, v1;
	_ =	sdelay $0x1  }
0xac: {  	v3 =	vmul.f32 $2.000000030e-01, v1  }
0xad: {  	vm14 =	vge.f32 v1, $0.0e+00  }
0xae: {  	v1 =	vsel vm14, v1, v3  }
0xaf: {  	v1 =	vmul.f32 $1.442695020e+00, v1;
	_ =	sdelay $0x1  }
0xb0: {  	(erf) = vpow2.f32 v1;
	_ =	sdelay $0x7  }
0xb1: {  	s31 =	sor.u32 $0x60, s0  }
0xb2: {  	p5 =	slt.u32 s31, $0x50910;
	v1 =	vpop (erf)  }
0xb3: {  	v1 =	vpsel !p5, $0x0, v1  }
0xb4: {  	[tilespmem:$0x78E0] =	vst v1  }
0xb5: {  	[tilespmem:v2+s22+$0x0] =	vst.idx.add.f32.msk $0xffff, v1  }
0xb6: {  	v1 =	vld [tilespmem:$0x76F0]  }
0xb7: {  	v2 =	vld [tilespmem:$0x77F0];
	_ =	sdelay $0x6  }
0xb8: {  	v1 =	vld.idx.msk [tilespmem:v1+s29+$0x0], $0xffff  }
0xb9: {  	v3 =	vld.idx.msk [tilespmem:v2+s15+$0x0], $0xffff;
	_ =	sdelay $0x4  }
0xba: {  	v1 =	vadd.f32 v3, v1;
	_ =	sdelay $0x1  }
0xbb: {  	v3 =	vmul.f32 $2.000000030e-01, v1  }
0xbc: {  	vm15 =	vge.f32 v1, $0.0e+00  }
0xbd: {  	v1 =	vsel vm15, v1, v3  }
0xbe: {  	v1 =	vmul.f32 $1.442695020e+00, v1;
	_ =	sdelay $0x1  }
0xbf: {  	(erf) = vpow2.f32 v1;
	_ =	sdelay $0x7  }
0xc0: {  	s0 =	sor.u32 $0x70, s0  }
0xc1: {  	p6 =	slt.u32 s0, $0x50910;
	v1 =	vpop (erf)  }
0xc2: {  	v1 =	vpsel !p6, $0x0, v1  }
0xc3: {  	[tilespmem:$0x78F0] =	vst v1  }
0xc4: {  	[tilespmem:v2+s22+$0x0] =	vst.idx.add.f32.msk $0xffff, v1  }
0xc5: {  	_ =	swait.ge [sflag:s23], $0x4000  }
0xc6: {  	[sflag:s23] =	ssyncset.done $0x0  }
0xc7: {  	s31 =	simm.s32 $0x7D00;
	s0 =	simm.s32 $0x0;
	[sflag:s23] =	ssyncadd.s32 $0xFFFFC000  }
.LBB2_5:
0xc8: {  	s1 =	sshra.s32 s0, $0x2  }
0xc9: {  	v1 =	vld [tilespmem:s1+$0x7880];
	_ =	sdelay $0x1  }
0xca: {  	v2 =	vld [tilespmem:s31+$0xFFFFFC00]  }
0xcb: {  	v3 =	vld [tilespmem:s31+$0xFFFFFC80]  }
0xcc: {  	v12 =	vld [tilespmem:s31+$0xFFFFFF00]  }
0xcd: {  	v4 =	vld [tilespmem:s31+$0xFFFFFD00];
	v5 =	vbroadcast v1, $0x0  }
0xce: {  	v6 =	vld [tilespmem:s31+$0xFFFFFD80];
	v7 =	vbroadcast v1, $0x1  }
0xcf: {  	v8 =	vld [tilespmem:s31+$0xFFFFFE00];
	v57 =	vbroadcast v1, $0x6;
	v2 =	vmul.f32 v5, v2  }
0xd0: {  	v10 =	vld [tilespmem:s31+$0xFFFFFE80];
	v9 =	vbroadcast v1, $0x2;
	v3 =	vmul.f32 v3, v7  }
0xd1: {  	v13 =	vld [tilespmem:s31+$0xFFFFFF80];
	v11 =	vbroadcast v1, $0x3;
	v12 =	vmul.f32 v12, v57;
	[tilespmem:s31+$0xFFFFFC00] =	vst v2  }
0xd2: {  	v14 =	vld [tilespmem:s31+$0xFFFFFC10];
	v55 =	vbroadcast v1, $0x4;
	v2 =	vmul.f32 v4, v9;
	[tilespmem:s31+$0xFFFFFC80] =	vst v3  }
0xd3: {  	v15 =	vld [tilespmem:s31+$0xFFFFFC90];
	v56 =	vbroadcast v1, $0x5;
	v3 =	vmul.f32 v6, v11;
	[tilespmem:s31+$0xFFFFFF00] =	vst v12  }
0xd4: {  	v16 =	vld [tilespmem:s31+$0xFFFFFD10];
	v58 =	vbroadcast v1, $0x7;
	[tilespmem:s31+$0xFFFFFD00] =	vst v2;
	v2 =	vmul.f32 v8, v55  }
0xd5: {  	v62 =	vld [tilespmem:s31+$0xFFFFFF90];
	[tilespmem:s31+$0xFFFFFD80] =	vst v3;
	v3 =	vmul.f32 v10, v56  }
0xd6: {  	v13 =	vmul.f32 v13, v58;
	[tilespmem:s31+$0xFFFFFE00] =	vst v2;
	v2 =	vld [tilespmem:s31+$0xFFFFFD90]  }
0xd7: {  	v14 =	vmul.f32 v14, v5;
	[tilespmem:s31+$0xFFFFFE80] =	vst v3;
	v3 =	vld [tilespmem:s31+$0xFFFFFE10]  }
0xd8: {  	v59 =	vld [tilespmem:s31+$0xFFFFFE90];
	v15 =	vmul.f32 v15, v7;
	[tilespmem:s31+$0xFFFFFF80] =	vst v13  }
0xd9: {  	v60 =	vld [tilespmem:s31+$0xFFFFFF10];
	v61 =	vmul.f32 v16, v9;
	[tilespmem:s31+$0xFFFFFC10] =	vst v14  }
0xda: {  	v63 =	vld [tilespmem:s31+$0xFFFFFC20];
	v16 =	vmul.f32 v62, v58;
	[tilespmem:s31+$0xFFFFFC90] =	vst v15  }
0xdb: {  	v20 =	vld [tilespmem:s31+$0xFFFFFCA0];
	[tilespmem:s31+$0xFFFFFD10] =	vst v61;
	v2 =	vmul.f32 v2, v11  }
0xdc: {  	v23 =	vld [tilespmem:s31+$0xFFFFFF20];
	[tilespmem:s31+$0xFFFFFF90] =	vst v16;
	v3 =	vmul.f32 v3, v55  }
0xdd: {  	v12 =	vmul.f32 v59, v56;
	[tilespmem:s31+$0xFFFFFD90] =	vst v2;
	v2 =	vld [tilespmem:s31+$0xFFFFFD20]  }
0xde: {  	v13 =	vmul.f32 v60, v57;
	[tilespmem:s31+$0xFFFFFE10] =	vst v3;
	v3 =	vld [tilespmem:s31+$0xFFFFFDA0]  }
0xdf: {  	v25 =	vld [tilespmem:s31+$0xFFFFFC30];
	v15 =	vmul.f32 v63, v5;
	[tilespmem:s31+$0xFFFFFE90] =	vst v12  }
0xe0: {  	v21 =	vld [tilespmem:s31+$0xFFFFFE20];
	v14 =	vmul.f32 v20, v7;
	[tilespmem:s31+$0xFFFFFF10] =	vst v13  }
0xe1: {  	v22 =	vld [tilespmem:s31+$0xFFFFFEA0];
	v16 =	vmul.f32 v23, v57;
	[tilespmem:s31+$0xFFFFFC20] =	vst v15  }
0xe2: {  	v24 =	vld [tilespmem:s31+$0xFFFFFFA0];
	[tilespmem:s31+$0xFFFFFCA0] =	vst v14;
	v2 =	vmul.f32 v2, v9  }
0xe3: {  	v44 =	vld [tilespmem:s31+$0x10];
	[tilespmem:s31+$0xFFFFFF20] =	vst v16;
	v3 =	vmul.f32 v3, v11  }
0xe4: {  	v5 =	vmul.f32 v25, v5;
	[tilespmem:s31+$0xFFFFFD20] =	vst v2;
	v2 =	vld [tilespmem:s31+$0xFFFFFCB0]  }
0xe5: {  	v12 =	vmul.f32 v21, v55;
	[tilespmem:s31+$0xFFFFFDA0] =	vst v3;
	v3 =	vld [tilespmem:s31+$0xFFFFFD30]  }
0xe6: {  	v26 =	vld [tilespmem:s31+$0xFFFFFDB0];
	v34 =	vbroadcast v1, $0x8;
	v13 =	vmul.f32 v22, v56;
	[tilespmem:s31+$0xFFFFFC30] =	vst v5  }
0xe7: {  	v27 =	vld [tilespmem:s31+$0xFFFFFE30];
	v15 =	vmul.f32 v24, v58;
	[tilespmem:s31+$0xFFFFFE20] =	vst v12  }
0xe8: {  	v28 =	vld [tilespmem:s31+$0xFFFFFEB0];
	v14 =	vmul.f32 v44, v34;
	[tilespmem:s31+$0xFFFFFEA0] =	vst v13  }
0xe9: {  	v29 =	vld [tilespmem:s31+$0xFFFFFF30];
	[tilespmem:s31+$0xFFFFFFA0] =	vst v15;
	v2 =	vmul.f32 v2, v7  }
0xea: {  	v30 =	vld [tilespmem:s31+$0xFFFFFFB0];
	[tilespmem:s31+$0x10] =	vst v14;
	v3 =	vmul.f32 v3, v9  }
0xeb: {  	v31 =	vld [tilespmem:s31+$0x0];
	[tilespmem:s31+$0xFFFFFCB0] =	vst v2;
	v2 =	vmul.f32 v26, v11  }
0xec: {  	v32 =	vld [tilespmem:s31+$0x80];
	[tilespmem:s31+$0xFFFFFD30] =	vst v3;
	v3 =	vmul.f32 v27, v55  }
0xed: {  	v33 =	vld [tilespmem:s31+$0x100];
	[tilespmem:s31+$0xFFFFFDB0] =	vst v2;
	v2 =	vmul.f32 v28, v56  }
0xee: {  	v35 =	vld [tilespmem:s31+$0x180];
	v36 =	vbroadcast v1, $0x9;
	[tilespmem:s31+$0xFFFFFE30] =	vst v3;
	v3 =	vmul.f32 v29, v57  }
0xef: {  	v37 =	vld [tilespmem:s31+$0x200];
	v38 =	vbroadcast v1, $0xA;
	[tilespmem:s31+$0xFFFFFEB0] =	vst v2;
	v2 =	vmul.f32 v30, v58  }
0xf0: {  	v41 =	vld [tilespmem:s31+$0x300];
	v40 =	vbroadcast v1, $0xB;
	[tilespmem:s31+$0xFFFFFF30] =	vst v3;
	v3 =	vmul.f32 v31, v34  }
0xf1: {  	v43 =	vld [tilespmem:s31+$0x380];
	v42 =	vbroadcast v1, $0xC;
	[tilespmem:s31+$0xFFFFFFB0] =	vst v2;
	v2 =	vmul.f32 v32, v36  }
0xf2: {  	v46 =	vld [tilespmem:s31+$0x90];
	v45 =	vbroadcast v1, $0xD;
	[tilespmem:s31+$0x0] =	vst v3;
	v3 =	vmul.f32 v33, v38  }
0xf3: {  	v51 =	vld [tilespmem:s31+$0x390];
	v47 =	vbroadcast v1, $0xE;
	[tilespmem:s31+$0x80] =	vst v2;
	v2 =	vmul.f32 v35, v40  }
0xf4: {  	v49 =	vld [tilespmem:s31+$0x290];
	v1 =	vbroadcast v1, $0xF;
	[tilespmem:s31+$0x100] =	vst v3;
	v3 =	vmul.f32 v37, v42  }
0xf5: {  	v12 =	vmul.f32 v41, v47;
	[tilespmem:s31+$0x180] =	vst v2;
	v2 =	vld [tilespmem:s31+$0x110]  }
0xf6: {  	v13 =	vmul.f32 v43, v1;
	[tilespmem:s31+$0x200] =	vst v3;
	v3 =	vld [tilespmem:s31+$0x190]  }
0xf7: {  	v50 =	vld [tilespmem:s31+$0x310];
	v15 =	vmul.f32 v46, v36;
	[tilespmem:s31+$0x300] =	vst v12  }
0xf8: {  	v52 =	vld [tilespmem:s31+$0x20];
	v14 =	vmul.f32 v51, v1;
	[tilespmem:s31+$0x380] =	vst v13  }
0xf9: {  	v39 =	vld [tilespmem:s31+$0x280];
	[tilespmem:s31+$0x90] =	vst v15;
	v12 =	vmul.f32 v49, v45  }
0xfa: {  	v54 =	vld [tilespmem:s31+$0x220];
	[tilespmem:s31+$0x390] =	vst v14;
	v2 =	vmul.f32 v2, v38  }
0xfb: {  	v48 =	vld [tilespmem:s31+$0x210];
	[tilespmem:s31+$0x290] =	vst v12;
	v3 =	vmul.f32 v3, v40  }
0xfc: {  	v13 =	vmul.f32 v50, v47;
	[tilespmem:s31+$0x110] =	vst v2;
	v2 =	vld [tilespmem:s31+$0xA0]  }
0xfd: {  	v15 =	vmul.f32 v52, v34;
	[tilespmem:s31+$0x190] =	vst v3;
	v3 =	vld [tilespmem:s31+$0x120]  }
0xfe: {  	v53 =	vld [tilespmem:s31+$0x1A0];
	[tilespmem:s31+$0x310] =	vst v13;
	v11 =	vmul.f32 v39, v45  }
0xff: {  	[tilespmem:s31+$0x20] =	vst v15;
	v12 =	vmul.f32 v54, v42;
	v55 =	vld [tilespmem:s31+$0x2A0]  }
0x100: {  	[tilespmem:s31+$0x280] =	vst v11;
	v11 =	vmul.f32 v48, v42;
	v56 =	vld [tilespmem:s31+$0x320]  }
0x101: {  	[tilespmem:s31+$0x220] =	vst v12;
	v57 =	vld [tilespmem:s31+$0x3A0];
	v2 =	vmul.f32 v2, v36  }
0x102: {  	v63 =	vld [tilespmem:s31+$0x3B0];
	[tilespmem:s31+$0x210] =	vst v11;
	v3 =	vmul.f32 v3, v38  }
0x103: {  	v11 =	vmul.f32 v53, v40;
	[tilespmem:s31+$0xA0] =	vst v2;
	v2 =	vld [tilespmem:s31+$0x30]  }
0x104: {  	v13 =	vmul.f32 v55, v45;
	[tilespmem:s31+$0x120] =	vst v3;
	v3 =	vld [tilespmem:s31+$0xB0]  }
0x105: {  	v58 =	vld [tilespmem:s31+$0x130];
	[tilespmem:s31+$0x1A0] =	vst v11;
	v14 =	vmul.f32 v56, v47  }
0x106: {  	v59 =	vld [tilespmem:s31+$0x1B0];
	[tilespmem:s31+$0x2A0] =	vst v13;
	v15 =	vmul.f32 v57, v1  }
0x107: {  	v60 =	vld [tilespmem:s31+$0x230];
	v1 =	vmul.f32 v63, v1;
	[tilespmem:s31+$0x320] =	vst v14  }
0x108: {  	v61 =	vld [tilespmem:s31+$0x2B0];
	[tilespmem:s31+$0x3A0] =	vst v15;
	v2 =	vmul.f32 v2, v34  }
0x109: {  	v62 =	vld [tilespmem:s31+$0x330];
	[tilespmem:s31+$0x3B0] =	vst v1;
	v3 =	vmul.f32 v3, v36  }
0x10a: {  	[tilespmem:s31+$0x30] =	vst v2;
	v2 =	vmul.f32 v58, v38  }
0x10b: {  	p0 =	sne.s32 s0, $0x1C0;
	[tilespmem:s31+$0xB0] =	vst v3;
	v3 =	vmul.f32 v59, v40  }
.Ltmp1:
0x10c: {  	[tilespmem:s31+$0x130] =	vst v2;
	v2 =	vmul.f32 v60, v42;
	(pc) =	sbr.rel @p0 .LBB2_5-.Ltmp1, $4  }
0x10d: {  	[tilespmem:s31+$0x1B0] =	vst v3;
	v3 =	vmul.f32 v61, v45  }
0x10e: {  	[tilespmem:s31+$0x230] =	vst v2;
	v2 =	vmul.f32 v62, v47  }
0x10f: {  	[tilespmem:s31+$0x2B0] =	vst v3  }
0x110: {  	s0 =	sadd.s32 $0x40, s0;
	[tilespmem:s31+$0x330] =	vst v2;
	s31 =	sadd.s32 $0x800, s31  }
0x111: {  	s30 =	sadd.s32 $0x1, s30  }
0x112: {  	p0 =	sne.s32 s30, $0x51  }
.Ltmp2:
0x113: {  	_ = 	snop;
	(pc) =	sbr.rel @p0 .LBB2_4-.Ltmp2, $2  }
0x114: {  	_ =	sdelay $0x2  }
0x115: {  	[spmem:s2] =	stream.indirect.scatter.add.f32 [tilespmem:s21], [sflag:$0x2], $0x80, s24, s19, $0xb8;
	[tilespmem:$0x1F900] =	vst v63  }
0x116: {  	_ =	swait.ge [sflag:s25], $0x4000  }
0x117: {  	[sflag:s25] =	ssyncset.done $0x0  }
0x118: {  	[sflag:s25] =	ssyncadd.s32 $0xFFFFC000  }
0x119: {  	[bflag:$0x0] =	sbarrier.arrive $0xFFFF  }
0x11a: {  	[hbm:s11], [sflag:s16] =	dma.local [spmem:s17], $0x2800  }
0x11b: {  	s28 =	sadd.s32 $0x1, s28;
	_ =	swait.ge [sflag:s14], $0x2800  }
0x11c: {  	p0 =	sne.s32 s28, s13;
	[sflag:s14] =	ssyncset.done $0x0  }
.Ltmp3:
0x11d: {  	[sflag:s14] =	ssyncadd.s32 $0xFFFFD800;
	(pc) =	sbr.rel @p0 .LBB2_1-.Ltmp3, $4  }
0x11e: {  	[hbm4b:s12+s19] =	stream.strided.scatter [tilespmem:s22], [sflag:$0x3], $0x2780, s26, s19, $0x38;
	[tilespmem:$0x1F900] =	vst v63  }
0x11f: {  	_ =	swait.ge [sflag:s14], $0x2780  }
0x120: {  	[sflag:s14] =	ssyncset.done $0x0  }
0x121: {  	[sflag:s14] =	ssyncadd.s32 $0xFFFFD880  }
0x122: {  	_ =	sfence.sel $0x180000  }
0x123: {  	[bflag:$0x0] =	sbarrier.arrive $0xFFFF  }
0x124: {  	_ =	strace $0x9000004A  }
0x125: {  	s0 =	stileid.u32;
	[bflag:$0x2] =	sbarrier.arrive $0xFFFF  }
0x126: {  	p0 =	sne.s32 s0, $0x0;
	s0 =	rddreg [dreg:$0x3]  }
0x127: {  	s0 =	sadd.s32 @!p0 $0x100000, s0  }
0x128: {  	[sflag:s0] =	ssyncadd.tile.s32 @!p0 $0x1;
	_ =	shalt  }
.Lfunc_end2:
_tile_overlayer_lowered:
.L_overlay_start_2:
0x129: {  	(tag) =	ssettag $0x2  }
0x12a: {  	s0 =	rddreg [dreg:$0x0];
	s2 =	stileid.u32  }
0x12b: {  	s1 =	rddreg [dreg:$0x1];
	p0 =	sne.s32 s2, $0x0  }
0x12c: {  	s3 =	rddreg [dreg:$0x2];
	[bflag:$0x3] =	sbarrier.arrive $0xFFFF;
	s2 =	simm.s32 @!p0 $0x1C03  }
0x12d: {  	[timem:s3], [sflag:s2] =	dma.local @!p0 [hbm:s0], s1  }
0x12e: {  	s0 =	simm.s32 @!p0 $0x3  }
0x12f: {  	_ =	swait.ge @!p0 [sflag:s0], s1  }
0x130: {  	s1 =	ssub.s32 @!p0 $0x0, s1;
	[sflag:s0] =	ssyncset.done @!p0 $0x0  }
0x131: {  	[sflag:s0] =	ssyncadd.s32 @!p0 s1  }
0x132: {  	[bflag:$0x3] =	sbarrier.arrive $0xFFFF  }
0x133: {  	_ =	shalt  }

// kernel: kernel.9.cloned.1.call-start
scs
__scs_entry_jumppad:
0x0: {  	(pc) =	sbr.rel $0x88, $3  }
0x1: {  	(tag) =	ssettag $0x0;
	lr =	simm.s32 $0x1  }
0x2: {  	[smem:$0x3F97] =	sst lr;
	_ =	strace $0xD0000000  }
0x3: {  	_ = 	snop  }
0x4: {  	_ = 	snop  }
0x5: {  	_ = 	snop  }
0x6: {  	_ = 	snop  }
0x7: {  	_ = 	snop  }
__scs_overlays_trampoline_lowered:
0x8: {  	[smem:$0x3FA6] =	sst s0  }
0x9: {  	[smem:$0x3FA7] =	sst s1  }
0xa: {  	[smem:$0x3FA8] =	sst s2  }
0xb: {  	[smem:$0x3FA9] =	sst s3  }
0xc: {  	[smem:$0x3FAA] =	sst s4  }
0xd: {  	[smem:$0x3FAB] =	sst s5  }
0xe: {  	[smem:$0x3FAC] =	sst s6  }
0xf: {  	[smem:$0x3FAD] =	sst s7  }
0x10: {  	[smem:$0x3FAE] =	sst s8  }
0x11: {  	[smem:$0x3FAF] =	sst s9;
	s0 =	simm.s32 @!p0 $0x0  }
0x12: {  	s1 =	sld [smem:$0x3F95];
	s0 =	simm.s32 @p0 $0x1  }
0x13: {  	[smem:$0x3FB0] =	sst s0;
	s0 =	simm.s32 @!p1 $0x0  }
0x14: {  	s2 =	sld [smem:$0x3F94];
	s0 =	simm.s32 @p1 $0x1  }
0x15: {  	[smem:$0x3FB1] =	sst s0;
	s0 =	simm.s32 @!p2 $0x0  }
0x16: {  	s3 =	sld [smem:$0x3FDB];
	s0 =	simm.s32 @p2 $0x1  }
0x17: {  	s4 =	simm.s32 $0x1BF5;
	[smem:$0x3FB3] =	sst s0  }
0x18: {  	s0 =	sld [smem:$0x3F96];
	_ =	swait.ge [sflag:s4], $0x0  }
0x19: {  	s7 =	sld [smem:$0x3F97]  }
0x1a: {  	s8 =	sadd.s32 $0xFFFFE003, lr  }
0x1b: {  	s9 =	sadd.s32 $0xFFFFFEF7, lr;
	s5 =	simm.s32 $0xFFFFFFFF;
	p2 =	slt.u32 s8, $0xFFFFF086  }
0x1c: {  	p1 =	slt.u32 s9, $0xF7A;
	s5 =	simm.s32 @!p2 $0x0  }
0x1d: {  	s5 =	simm.s32 @p1 $0x1;
	p0 =	seq.s32 s7, s2  }
0x1e: {  	s7 =	smul.u32 @!p0 $0xF7A, s2;
	p2 =	seq.s32 @!p0 s5, $0x0  }
0x1f: {  	s9 =	smul.u32 $0xF7A, s1;
	s8 =	simm.s32 @!p0 $0x1BF5;
	p2 =	por !p2, p0  }
0x20: {  	[sflag:s8] =	ssyncset.s32 @!p0 $0xFFFFF086;
	s6 =	sadd.s32 @!p0 s3, s7;
	s7 =	simm.s32 @!p0 $0x108  }
0x21: {  	s3 =	sadd.s32 s3, s9;
	s6 =	sadd.s32 @!p0 $0x88, s6;
	s7 =	simm.s32 @p2 $0x1082  }
0x22: {  	[simem:s7], [sflag:s8] =	dma.local @!p0 [hbm:s6], $0xF7A  }
0x23: {  	s9 =	sor.u32 $0xD0000000, s2;
	s6 =	simm.s32 $0x108;
	_ =	swait.ge @!p0 [sflag:s8], $0x0  }
0x24: {  	s3 =	sadd.s32 $0x88, s3;
	s6 =	simm.s32 @!p1 $0x1082;
	[sflag:s4] =	ssyncset.s32 $0xFFFFF086  }
0x25: {  	[simem:s6], [sflag:s4] =	dma.local [hbm:s3], $0xF7A  }
0x26: {  	[smem:$0x3F97] =	sst s1;
	(tag) =	ssettag s2;
	_ =	strace s9  }
0x27: {  	s1 =	sld [smem:$0x3FA7]  }
0x28: {  	s2 =	sld [smem:$0x3FA8]  }
0x29: {  	s4 =	sld [smem:$0x3FAA]  }
0x2a: {  	p0 =	seq.s32 s5, $0x0;
	s5 =	sld [smem:$0x3FAB]  }
0x2b: {  	s6 =	sld [smem:$0x3FAC]  }
0x2c: {  	s7 =	sld [smem:$0x3FAD]  }
0x2d: {  	s3 =	simm.s32 $0x108;
	s8 =	sld [smem:$0x3FAE]  }
0x2e: {  	s3 =	simm.s32 @!p0 $0x1082;
	s9 =	sld [smem:$0x3FAF]  }
0x2f: {  	lr =	sadd.s32 s0, s3;
	s0 =	sld [smem:$0x3FA6]  }
0x30: {  	s3 =	sld [smem:$0x3FA9]  }
0x31: {  	[smem:$0x3FB2] =	sst s10  }
0x32: {  	s10 =	sld [smem:$0x3FB0];
	_ =	sdelay $0x3  }
0x33: {  	p0 =	seq.s32 s10, $0x1;
	s10 =	sld [smem:$0x3FB2];
	_ =	sdelay $0x3  }
0x34: {  	[smem:$0x3FB2] =	sst s10  }
0x35: {  	s10 =	sld [smem:$0x3FB1];
	_ =	sdelay $0x3  }
0x36: {  	p1 =	seq.s32 s10, $0x1;
	s10 =	sld [smem:$0x3FB2];
	_ =	sdelay $0x3  }
0x37: {  	[smem:$0x3FB2] =	sst s10  }
0x38: {  	s10 =	sld [smem:$0x3FB3]  }
0x39: {  	_ = 	snop;
	(pc) =	sbr.ind lr, $3  }
0x3a: {  	_ = 	snop  }
0x3b: {  	_ = 	snop  }
0x3c: {  	p2 =	seq.s32 s10, $0x1;
	s10 =	sld [smem:$0x3FB2]  }
0x3d: {  	_ =	shalt  }
0x3e: {  	_ =	shalt  }
0x3f: {  	_ =	shalt  }
0x40: {  	_ =	shalt  }
0x41: {  	_ =	shalt  }
0x42: {  	_ =	shalt  }
0x43: {  	_ =	shalt  }
0x44: {  	_ =	shalt  }
0x45: {  	_ =	shalt  }
0x46: {  	_ =	shalt  }
0x47: {  	_ =	shalt  }
0x48: {  	_ =	shalt  }
0x49: {  	_ =	shalt  }
0x4a: {  	_ =	shalt  }
0x4b: {  	_ =	shalt  }
0x4c: {  	_ =	shalt  }
0x4d: {  	_ =	shalt  }
0x4e: {  	_ =	shalt  }
0x4f: {  	_ =	shalt  }
0x50: {  	_ =	shalt  }
0x51: {  	_ =	shalt  }
0x52: {  	_ =	shalt  }
0x53: {  	_ =	shalt  }
0x54: {  	_ =	shalt  }
0x55: {  	_ =	shalt  }
0x56: {  	_ =	shalt  }
0x57: {  	_ =	shalt  }
0x58: {  	_ =	shalt  }
0x59: {  	_ =	shalt  }
0x5a: {  	_ =	shalt  }
0x5b: {  	_ =	shalt  }
0x5c: {  	_ =	shalt  }
0x5d: {  	_ =	shalt  }
0x5e: {  	_ =	shalt  }
0x5f: {  	_ =	shalt  }
0x60: {  	_ =	shalt  }
0x61: {  	_ =	shalt  }
0x62: {  	_ =	shalt  }
0x63: {  	_ =	shalt  }
0x64: {  	_ =	shalt  }
0x65: {  	_ =	shalt  }
0x66: {  	_ =	shalt  }
0x67: {  	_ =	shalt  }
0x68: {  	_ =	shalt  }
0x69: {  	_ =	shalt  }
0x6a: {  	_ =	shalt  }
0x6b: {  	_ =	shalt  }
0x6c: {  	_ =	shalt  }
0x6d: {  	_ =	shalt  }
0x6e: {  	_ =	shalt  }
0x6f: {  	_ =	shalt  }
0x70: {  	_ =	shalt  }
0x71: {  	_ =	shalt  }
0x72: {  	_ =	shalt  }
0x73: {  	_ =	shalt  }
0x74: {  	_ =	shalt  }
0x75: {  	_ =	shalt  }
0x76: {  	_ =	shalt  }
0x77: {  	_ =	shalt  }
0x78: {  	_ =	shalt  }
0x79: {  	_ =	shalt  }
0x7a: {  	_ =	shalt  }
0x7b: {  	_ =	shalt  }
0x7c: {  	_ =	shalt  }
0x7d: {  	_ =	shalt  }
0x7e: {  	_ =	shalt  }
0x7f: {  	_ =	shalt  }
0x80: {  	_ =	shalt  }
0x81: {  	_ =	shalt  }
0x82: {  	_ =	shalt  }
0x83: {  	_ =	shalt  }
0x84: {  	_ =	shalt  }
0x85: {  	_ =	shalt  }
0x86: {  	_ =	shalt  }
0x87: {  	_ =	shalt  }
.Lfunc_end0:
.L_simem_size_0:
called_computation_lowered:
.L_overlay_start_0:
0x88: {  	s2 =	sld [smem:$0x3FD9]  }
0x89: {  	s3 =	sld [smem:$0x3FFE];
	_ =	sdelay $0x1  }
0x8a: {  	s1 =	srdreg.scid  }
0x8b: {  	s0 =	sand.u32 $0x1, s1  }
0x8c: {  	s17 =	sshll.u32 s0, $0xA;
	s2 =	sadd.s32 s3, s2  }
0x8d: {  	s2 =	sadd.s32 s2, s17  }
0x8e: {  	[smem:$0x3FBE] =	sst s2  }
0x8f: {  	_ = 	snop  }
0x90: {  	s2 =	sld [smem:$0x3FD0];
	(tm) =	ssettm $0x1  }
0x91: {  	s18 =	sld [smem:$0x3FFB];
	_ =	sdelay $0x3  }
0x92: {  	_ =	strace s18  }
0x93: {  	s3 =	sld [smem:$0x3FFC];
	_ =	sdelay $0x3  }
0x94: {  	_ =	strace s3  }
0x95: {  	s3 =	sld [smem:$0x3FFD];
	_ =	sdelay $0x3  }
0x96: {  	_ =	strace s3  }
0x97: {  	_ =	strace $0x8FFFFFFF  }
0x98: {  	s19 =	sld [smem:$0x3FDB];
	_ =	sdelay $0x1  }
0x99: {  	s4 =	simm.s32 $_scs_section_size  }
0x9a: {  	s5 =	simm.s32 $_size__tile_overlayer_lowered;
	s6 =	simm.s32 $_tile_overlayer_lowered  }
0x9b: {  	s22 =	simm.s32 $0x1BFF;
	s21 =	sshll.u32 s6, $0x1;
	s3 =	sadd.s32 s4, s19  }
0x9c: {  	s7 =	simm.s32 $0x0;
	s20 =	sshll.u32 s5, $0x1;
	s5 =	sadd.s32 s21, s3  }
0x9d: {  	[timem:s7], [sflag:s22] =	dma.local [hbm:s5], s20  }
0x9e: {  	_ =	swait.ge [sflag:s22], s20  }
0x9f: {  	s4 =	ssub.s32 $0x0, s20;
	[sflag:s22] =	ssyncset.done $0x0  }
0xa0: {  	[sflag:s22] =	ssyncadd.s32 s4;
	_ =	sdelay $0x1  }
0xa1: {  	s23 =	simm.s32 $0x1B8B  }
0xa2: {  	_ =	swait.ge [sflag:s23], $0x1  }
0xa3: {  	[sflag:s23] =	ssyncset.done $0x0  }
0xa4: {  	s25 =	simm.s32 $0x1B8E;
	s24 =	sld [smem:$0x3FFE];
	[sflag:s23] =	ssyncadd.s32 $0xFFFFFFFF  }
0xa5: {  	s26 =	simm.s32 $execute0_lowered;
	[smem:$0x3FD2] =	sst s25  }
0xa6: {  	s5 =	sshll.u32 s26, $0x1;
	_ =	strace $0x80000046;
	[dreg:$0x1] =	wrdreg $0xFFFFFFFF  }
0xa7: {  	s28 =	simm.s32 $_size_execute0_lowered;
	s3 =	sadd.s32 s3, s5;
	[dreg:$0x0] =	wrdreg $0x0  }
0xa8: {  	s5 =	sshll.u32 s28, $0x1;
	[dreg:$0x2] =	wrdreg s3  }
0xa9: {  	[dreg:$0x3] =	wrdreg s5  }
0xaa: {  	[dreg:$0x4] =	wrdreg $0xC0  }
0xab: {  	_ =	task [dreg:s7], $0x5FFFF  }
0xac: {  	[dreg:$0x1] =	wrdreg $0xFFFFFFFF  }
0xad: {  	[dreg:$0x0] =	wrdreg $0x60  }
0xae: {  	[dreg:$0x2] =	wrdreg s24  }
0xaf: {  	[dreg:$0x3] =	wrdreg s2  }
0xb0: {  	[dreg:$0x4] =	wrdreg $0xB9000  }
0xb1: {  	[dreg:$0x5] =	wrdreg $0x9  }
0xb2: {  	_ =	task.clear_ibuf [dreg:s7], $0x6FFFF;
	_ =	strace $0x90000046  }
0xb3: {  	s29 =	simm.s32 $0x9;
	_ =	strace $0x80000048  }
0xb4: {  	_ =	swait.ge [sflag:s29], $0x1  }
0xb5: {  	[sflag:s29] =	ssyncadd.s32 $0xFFFFFFFF  }
0xb6: {  	_ =	strace $0x90000048  }
0xb7: {  	_ =	sfence  }
0xb8: {  	s30 =	sld [smem:$0x0];
	_ =	sdelay $0x2  }
0xb9: {  	s31 =	sshll.u32 s1, $0xD;
	s1 =	sshrl.u32 s1, $0x2  }
0xba: {  	s3 =	sand.u32 $0x4000, s31;
	s1 =	sadd.s32 s1, s30  }
0xbb: {  	s0 =	sor.u32 s3, s0;
	s1 =	sshll.u32 s1, $0x11  }
0xbc: {  	s0 =	sor.u32 s1, s0  }
0xbd: {  	s0 =	sadd.s32 $0x8F2B, s0  }
0xbe: {  	[sflag:s0] =	ssyncadd.remote.s32 $0x1  }
0xbf: {  	_ =	sfence.sel $0xFFFF  }
0xc0: {  	[dreg:$0x0] =	wrdreg $0xFFFFFFFF;
	(pc) =	sbr.abs _section_cstart, $3  }
0xc1: {  	[dreg:$0x1] =	wrdreg $0xFFFFFFFF  }
0xc2: {  	_ =	task.clear_ibuf [dreg:s7], $0x2FFFF;
	_ =	strace $0x9FFFFFFF  }
0xc3: {  	(tm) =	ssettm $0x7FFFFFFF  }
tec
execute0_lowered:
.L_overlay_start_1:
0x0: {  	(tag) =	ssettag $0x1  }
0x1: {  	s0 =	rddreg [dreg:$0x0]  }
0x2: {  	s3 =	rddreg [dreg:$0x2]  }
0x3: {  	s4 =	simm.s32 $0x0;
	s1 =	stileid.u32;
	s8 =	srdreg.scid  }
0x4: {  	s20 =	simm.s32 $0x7680;
	s21 =	simm.s32 $0x80;
	s28 =	simm.s32 $0x2  }
0x5: {  	s29 =	simm.s32 $0x400;
	[smem:$0x7FF] =	sst s4;
	s2 =	smul.u32 $0x14000, s1  }
0x6: {  	s5 =	sadd.s32 $0x139C00, s0;
	s6 =	sadd.s32 $0x1400, s0;
	s7 =	sadd.s32 $0x2800, s0  }
0x7: {  	s12 =	sand.u32 $0x1, s8;
	s8 =	sadd.s32 $0x1D6000, s0;
	s15 =	smul.u32 $0x50000, s1  }
0x8: {  	s17 =	sshrl.u32 s1, $0x3;
	s18 =	sshll.u32 s1, $0x7;
	s16 =	smul.u32 $0x9E000, s12  }
0x9: {  	s31 =	sshll.u32 s1, $0x6;
	_ =	strace $0x80000047;
	s24 =	smul.u32 $0x13C00, s17  }
0xa: {  	s22 =	sshll.u32 s12, $0x4;
	s13 =	ssub.s32 $0x2, s12;
	s25 =	smul.u32 $0x500000, s12  }
0xb: {  	s30 =	sand.u32 $0x380, s18;
	s17 =	simm.s32 $0x2780;
	s18 =	sor.u32 $0x1C03, s31  }
0xc: {  	s9 =	sshrl.u32 s2, $0x3;
	s14 =	sor.u32 s1, s22;
	s23 =	sshrl.u32 s13, $0x1  }
0xd: {  	s15 =	sshrl.u32 s15, $0x2;
	s22 =	simm.s32 $0x7800;
	s1 =	simm.s32 $0x0  }
0xe: {  	s11 =	sadd.s32 s9, s0;
	s9 =	sadd.s32 $0x3EC00, s0;
	s10 =	smul.u32 $0x2880, s14  }
0xf: {  	s0 =	ssub.s32 s13, s23;
	s15 =	sadd.s32 s15, s3;
	s12 =	smul.u32 $0x51, s14  }
0x10: {  	s26 =	sadd.s32 s16, s24;
	s13 =	sadd.s32 s25, s2;
	s16 =	simm.s32 $0x3  }
0x11: {  	s23 =	simm.s32 $0x7900;
	s24 =	simm.s32 $0x4F00;
	s25 =	simm.s32 $0x1  }
0x12: {  	s11 =	sadd.s32 $0x16C00, s11;
	s14 =	sor.u32 s30, s26;
	s0 =	smax.u32 s0, $0x1  }
0x13: {  	v0 =	vimm.f32 $0.0e+00;
	s19 =	sshrl.u32 s15, $0x3;
	s26 =	simm.s32 $0x7780;
	[dreg:$0x4] =	wrdreg s0  }
.LBB2_1:
0x14: {  	[dreg:$0x5] =	wrdreg s1;
	s31 =	simm.s32 $0x0  }
.LBB2_2:
0x15: {  	s0 =	smul.u32 $0x2710, s31;
	_ =	sdelay $0x1  }
0x16: {  	s1 =	rddreg [dreg:$0x1];
	s2 =	sshrl.u32 s0, $0x3  }
0x17: {  	s30 =	simm.s32 $0x0;
	s15 =	sadd.s32 s1, s2  }
0x18: {  	[tilespmem:s30], [sflag:$0x3] =	stream.linear.gather [hbm4b:s15+s30], $0x2710, $0x38;
	[tilespmem:$0x1F900] =	vst v63  }
0x19: {  	_ =	swait.ge [sflag:s16], $0x2710  }
0x1a: {  	[sflag:s16] =	ssyncset.done $0x0  }
0x1b: {  	s2 =	sadd.s32 s6, s2;
	[sflag:s16] =	ssyncadd.s32 $0xFFFFD8F0  }
0x1c: {  	[tilespmem:s17], [sflag:$0x3] =	stream.linear.gather [hbm4b:s2+s30], $0x2710, $0x38;
	[tilespmem:$0x1F900] =	vst v63  }
0x1d: {  	_ =	swait.ge [sflag:s16], $0x2710  }
0x1e: {  	[sflag:s16] =	ssyncset.done $0x0  }
0x1f: {  	[sflag:s16] =	ssyncadd.s32 $0xFFFFD8F0  }
0x20: {  	[spmem:s19], [sflag:s18] =	dma.local [hbm:s11], $0x2800  }
0x21: {  	_ =	swait.ge [sflag:s16], $0x2800  }
0x22: {  	[sflag:s16] =	ssyncset.done $0x0  }
0x23: {  	s15 =	simm.s32 $0x0;
	s2 =	simm.s32 $0x40;
	[sflag:s16] =	ssyncadd.s32 $0xFFFFD800  }
.LBB2_3:
0x24: {  	p0 =	sne.s32 s2, $0x9C00;
	[tilespmem:s15+$0x4F00] =	vst v0;
	s15 =	smov.u32 s2;
	s2 =	sadd.s32 $0x40, s2  }
.Ltmp0:
0x25: {  	(pc) =	sbr.rel @p0 .LBB2_3-.Ltmp0, $2  }
0x26: {  	_ =	sdelay $0x2  }
0x27: {  	s15 =	sshra.s32 s15, $0x2  }
0x28: {  	[tilespmem:s15+$0x4F00] =	vst v0  }
0x29: {  	v1 =	vmov s0;
	s0 =	simm.s32 $0x0;
	s2 =	simm.s32 $0x0;
	[bflag:$0x0] =	sbarrier.arrive $0xFFFF  }
.LBB2_5:
0x2a: {  	s15 =	sadd.s32 s12, s2  }
0x2b: {  	s15 =	sshll.u32 s15, $0x5  }
0x2c: {  	s15 =	sadd.s32 s7, s15  }
0x2d: {  	[tilespmem:s20], [sflag:$0x3] =	stream.linear.gather [hbm4b:s15+s4], $0x100, $0x38;
	[tilespmem:$0x1F900] =	vst v63  }
0x2e: {  	_ =	swait.ge [sflag:s16], $0x100  }
0x2f: {  	[sflag:s16] =	ssyncset.done $0x0  }
0x30: {  	[sflag:s16] =	ssyncadd.s32 $0xFFFFFF00  }
0x31: {  	v2 =	vld [tilespmem:$0x7680]  }
0x32: {  	v3 =	vld [tilespmem:$0x7690]  }
0x33: {  	v4 =	vld [tilespmem:$0x76A0]  }
0x34: {  	v5 =	vld [tilespmem:$0x76B0]  }
0x35: {  	v6 =	vld [tilespmem:$0x76C0]  }
0x36: {  	v7 =	vld [tilespmem:$0x76D0];
	v2 =	vadd.s32 v1, v2  }
0x37: {  	[tilespmem:$0x7800] =	vst v2;
	v2 =	vadd.s32 v1, v3;
	v3 =	vld [tilespmem:$0x76E0]  }
0x38: {  	v51 =	vld [tilespmem:$0x76F0];
	[tilespmem:$0x7810] =	vst v2;
	v2 =	vadd.s32 v1, v4  }
0x39: {  	[tilespmem:$0x7820] =	vst v2;
	v2 =	vadd.s32 v1, v5  }
0x3a: {  	[tilespmem:$0x7830] =	vst v2;
	v2 =	vadd.s32 v1, v6  }
0x3b: {  	[tilespmem:$0x7840] =	vst v2;
	v2 =	vadd.s32 v1, v7  }
0x3c: {  	[tilespmem:$0x7850] =	vst v2;
	v2 =	vadd.s32 v1, v3  }
0x3d: {  	p0 =	seq.s32 s2, $0x0;
	[tilespmem:$0x7860] =	vst v2;
	v2 =	vadd.s32 v1, v51  }
0x3e: {  	s15 =	simm.s32 @!p0 $0x2;
	[tilespmem:$0x7870] =	vst v2  }
0x3f: {  	_ =	swait.ge @!p0 [sflag:s15], $0x4000  }
0x40: {  	[sflag:s15] =	ssyncset.done @!p0 $0x0  }
0x41: {  	[sflag:s15] =	ssyncadd.s32 @!p0 $0xFFFFC000  }
0x42: {  	[tilespmem:s23], [sflag:$0x1] =	stream.indirect.gather [hbm4b:s5+s21], $0x80, s22, s21, $0xb8;
	[tilespmem:$0x1F900] =	vst v63  }
0x43: {  	v2 =	vld [tilespmem:$0x7710]  }
0x44: {  	v3 =	vld [tilespmem:$0x7720]  }
0x45: {  	v52 =	vld [tilespmem:$0x7730]  }
0x46: {  	v53 =	vld [tilespmem:$0x7740]  }
0x47: {  	v54 =	vld [tilespmem:$0x7750]  }
0x48: {  	v55 =	vld [tilespmem:$0x7760]  }
0x49: {  	v56 =	vld [tilespmem:$0x7770]  }
0x4a: {  	[tilespmem:$0x7790] =	vst v2;
	v2 =	vld [tilespmem:$0x7680]  }
0x4b: {  	[tilespmem:$0x77A0] =	vst v3;
	v3 =	vld [tilespmem:$0x7700]  }
0x4c: {  	[tilespmem:$0x77B0] =	vst v52  }
0x4d: {  	[tilespmem:$0x77C0] =	vst v53  }
0x4e: {  	[tilespmem:$0x77D0] =	vst v54  }
0x4f: {  	[tilespmem:$0x77E0] =	vst v55  }
0x50: {  	[tilespmem:$0x77F0] =	vst v56  }
0x51: {  	[tilespmem:$0x7780] =	vst v3  }
0x52: {  	v2 =	vld.idx.msk [tilespmem:v2+s0+$0x0], $0xffff  }
0x53: {  	v4 =	vld.idx.msk [tilespmem:v3+s17+$0x0], $0xffff;
	_ =	sdelay $0x4  }
0x54: {  	v2 =	vadd.f32 v4, v2;
	_ =	sdelay $0x1  }
0x55: {  	v4 =	vmul.f32 $2.000000030e-01, v2  }
0x56: {  	vm0 =	vge.f32 v2, $0.0e+00  }
0x57: {  	v2 =	vsel vm0, v2, v4  }
0x58: {  	v2 =	vmul.f32 $1.442695020e+00, v2;
	_ =	sdelay $0x1  }
0x59: {  	(erf) = vpow2.f32 v2;
	_ =	sdelay $0x6  }
0x5a: {  	s1 =	sshll.u32 s2, $0x7  }
0x5b: {  	s15 =	sadd.s32 s10, s1  }
0x5c: {  	p5 =	slt.u32 s15, $0x50910;
	v2 =	vpop (erf)  }
0x5d: {  	v2 =	vpsel !p5, $0x0, v2  }
0x5e: {  	[tilespmem:$0x7880] =	vst v2  }
0x5f: {  	[tilespmem:v3+s24+$0x0] =	vst.idx.add.f32.msk $0xffff, v2  }
0x60: {  	v2 =	vld [tilespmem:$0x7690]  }
0x61: {  	v3 =	vld [tilespmem:$0x7790];
	_ =	sdelay $0x6  }
0x62: {  	v2 =	vld.idx.msk [tilespmem:v2+s0+$0x0], $0xffff  }
0x63: {  	v57 =	vld.idx.msk [tilespmem:v3+s17+$0x0], $0xffff;
	_ =	sdelay $0x4  }
0x64: {  	v2 =	vadd.f32 v57, v2;
	_ =	sdelay $0x1  }
0x65: {  	v4 =	vmul.f32 $2.000000030e-01, v2  }
0x66: {  	vm9 =	vge.f32 v2, $0.0e+00  }
0x67: {  	v2 =	vsel vm9, v2, v4  }
0x68: {  	v2 =	vmul.f32 $1.442695020e+00, v2;
	_ =	sdelay $0x1  }
0x69: {  	(erf) = vpow2.f32 v2;
	_ =	sdelay $0x7  }
0x6a: {  	s30 =	sor.u32 $0x10, s15  }
0x6b: {  	p6 =	slt.u32 s30, $0x50910;
	v2 =	vpop (erf)  }
0x6c: {  	v2 =	vpsel !p6, $0x0, v2  }
0x6d: {  	[tilespmem:$0x7890] =	vst v2  }
0x6e: {  	[tilespmem:v3+s24+$0x0] =	vst.idx.add.f32.msk $0xffff, v2  }
0x6f: {  	v2 =	vld [tilespmem:$0x76A0]  }
0x70: {  	v3 =	vld [tilespmem:$0x77A0];
	_ =	sdelay $0x6  }
0x71: {  	v2 =	vld.idx.msk [tilespmem:v2+s0+$0x0], $0xffff  }
0x72: {  	v58 =	vld.idx.msk [tilespmem:v3+s17+$0x0], $0xffff;
	_ =	sdelay $0x4  }
0x73: {  	v2 =	vadd.f32 v58, v2;
	_ =	sdelay $0x1  }
0x74: {  	v4 =	vmul.f32 $2.000000030e-01, v2  }
0x75: {  	vm10 =	vge.f32 v2, $0.0e+00  }
0x76: {  	v2 =	vsel vm10, v2, v4  }
0x77: {  	v2 =	vmul.f32 $1.442695020e+00, v2;
	_ =	sdelay $0x1  }
0x78: {  	(erf) = vpow2.f32 v2;
	_ =	sdelay $0x7  }
0x79: {  	s30 =	sor.u32 $0x20, s15  }
0x7a: {  	p1 =	slt.u32 s30, $0x50910;
	v2 =	vpop (erf)  }
0x7b: {  	v2 =	vpsel !p1, $0x0, v2  }
0x7c: {  	[tilespmem:$0x78A0] =	vst v2  }
0x7d: {  	[tilespmem:v3+s24+$0x0] =	vst.idx.add.f32.msk $0xffff, v2  }
0x7e: {  	v2 =	vld [tilespmem:$0x76B0]  }
0x7f: {  	v3 =	vld [tilespmem:$0x77B0];
	_ =	sdelay $0x6  }
0x80: {  	v2 =	vld.idx.msk [tilespmem:v2+s0+$0x0], $0xffff  }
0x81: {  	v59 =	vld.idx.msk [tilespmem:v3+s17+$0x0], $0xffff;
	_ =	sdelay $0x4  }
0x82: {  	v2 =	vadd.f32 v59, v2;
	_ =	sdelay $0x1  }
0x83: {  	v4 =	vmul.f32 $2.000000030e-01, v2  }
0x84: {  	vm11 =	vge.f32 v2, $0.0e+00  }
0x85: {  	v2 =	vsel vm11, v2, v4  }
0x86: {  	v2 =	vmul.f32 $1.442695020e+00, v2;
	_ =	sdelay $0x1  }
0x87: {  	(erf) = vpow2.f32 v2;
	_ =	sdelay $0x7  }
0x88: {  	s30 =	sor.u32 $0x30, s15  }
0x89: {  	p2 =	slt.u32 s30, $0x50910;
	v2 =	vpop (erf)  }
0x8a: {  	v2 =	vpsel !p2, $0x0, v2  }
0x8b: {  	[tilespmem:$0x78B0] =	vst v2  }
0x8c: {  	[tilespmem:v3+s24+$0x0] =	vst.idx.add.f32.msk $0xffff, v2  }
0x8d: {  	v2 =	vld [tilespmem:$0x76C0]  }
0x8e: {  	v3 =	vld [tilespmem:$0x77C0];
	_ =	sdelay $0x6  }
0x8f: {  	v2 =	vld.idx.msk [tilespmem:v2+s0+$0x0], $0xffff  }
0x90: {  	v60 =	vld.idx.msk [tilespmem:v3+s17+$0x0], $0xffff;
	_ =	sdelay $0x4  }
0x91: {  	v2 =	vadd.f32 v60, v2;
	_ =	sdelay $0x1  }
0x92: {  	v4 =	vmul.f32 $2.000000030e-01, v2  }
0x93: {  	vm12 =	vge.f32 v2, $0.0e+00  }
0x94: {  	v2 =	vsel vm12, v2, v4  }
0x95: {  	v2 =	vmul.f32 $1.442695020e+00, v2;
	_ =	sdelay $0x1  }
0x96: {  	(erf) = vpow2.f32 v2;
	_ =	sdelay $0x7  }
0x97: {  	s30 =	sor.u32 $0x40, s15  }
0x98: {  	p3 =	slt.u32 s30, $0x50910;
	v2 =	vpop (erf)  }
0x99: {  	v2 =	vpsel !p3, $0x0, v2  }
0x9a: {  	[tilespmem:$0x78C0] =	vst v2  }
0x9b: {  	[tilespmem:v3+s24+$0x0] =	vst.idx.add.f32.msk $0xffff, v2  }
0x9c: {  	v2 =	vld [tilespmem:$0x76D0]  }
0x9d: {  	v3 =	vld [tilespmem:$0x77D0];
	_ =	sdelay $0x6  }
0x9e: {  	v2 =	vld.idx.msk [tilespmem:v2+s0+$0x0], $0xffff  }
0x9f: {  	v61 =	vld.idx.msk [tilespmem:v3+s17+$0x0], $0xffff;
	_ =	sdelay $0x4  }
0xa0: {  	v2 =	vadd.f32 v61, v2;
	_ =	sdelay $0x1  }
0xa1: {  	v4 =	vmul.f32 $2.000000030e-01, v2  }
0xa2: {  	vm13 =	vge.f32 v2, $0.0e+00  }
0xa3: {  	v2 =	vsel vm13, v2, v4  }
0xa4: {  	v2 =	vmul.f32 $1.442695020e+00, v2;
	_ =	sdelay $0x1  }
0xa5: {  	(erf) = vpow2.f32 v2;
	_ =	sdelay $0x7  }
0xa6: {  	s30 =	sor.u32 $0x50, s15  }
0xa7: {  	p4 =	slt.u32 s30, $0x50910;
	v2 =	vpop (erf)  }
0xa8: {  	v2 =	vpsel !p4, $0x0, v2  }
0xa9: {  	[tilespmem:$0x78D0] =	vst v2  }
0xaa: {  	[tilespmem:v3+s24+$0x0] =	vst.idx.add.f32.msk $0xffff, v2  }
0xab: {  	v2 =	vld [tilespmem:$0x76E0]  }
0xac: {  	v3 =	vld [tilespmem:$0x77E0];
	_ =	sdelay $0x6  }
0xad: {  	v2 =	vld.idx.msk [tilespmem:v2+s0+$0x0], $0xffff  }
0xae: {  	v62 =	vld.idx.msk [tilespmem:v3+s17+$0x0], $0xffff;
	_ =	sdelay $0x4  }
0xaf: {  	v2 =	vadd.f32 v62, v2;
	_ =	sdelay $0x1  }
0xb0: {  	v4 =	vmul.f32 $2.000000030e-01, v2  }
0xb1: {  	vm14 =	vge.f32 v2, $0.0e+00  }
0xb2: {  	v2 =	vsel vm14, v2, v4  }
0xb3: {  	v2 =	vmul.f32 $1.442695020e+00, v2;
	_ =	sdelay $0x1  }
0xb4: {  	(erf) = vpow2.f32 v2;
	_ =	sdelay $0x7  }
0xb5: {  	s30 =	sor.u32 $0x60, s15  }
0xb6: {  	p5 =	slt.u32 s30, $0x50910;
	v2 =	vpop (erf)  }
0xb7: {  	v2 =	vpsel !p5, $0x0, v2  }
0xb8: {  	[tilespmem:$0x78E0] =	vst v2  }
0xb9: {  	[tilespmem:v3+s24+$0x0] =	vst.idx.add.f32.msk $0xffff, v2  }
0xba: {  	v2 =	vld [tilespmem:$0x76F0]  }
0xbb: {  	v3 =	vld [tilespmem:$0x77F0];
	_ =	sdelay $0x6  }
0xbc: {  	v2 =	vld.idx.msk [tilespmem:v2+s0+$0x0], $0xffff  }
0xbd: {  	v63 =	vld.idx.msk [tilespmem:v3+s17+$0x0], $0xffff;
	_ =	sdelay $0x4  }
0xbe: {  	v2 =	vadd.f32 v63, v2;
	_ =	sdelay $0x1  }
0xbf: {  	v4 =	vmul.f32 $2.000000030e-01, v2  }
0xc0: {  	vm15 =	vge.f32 v2, $0.0e+00  }
0xc1: {  	v2 =	vsel vm15, v2, v4  }
0xc2: {  	v2 =	vmul.f32 $1.442695020e+00, v2;
	_ =	sdelay $0x1  }
0xc3: {  	(erf) = vpow2.f32 v2;
	_ =	sdelay $0x7  }
0xc4: {  	s15 =	sor.u32 $0x70, s15  }
0xc5: {  	p6 =	slt.u32 s15, $0x50910;
	v2 =	vpop (erf)  }
0xc6: {  	v2 =	vpsel !p6, $0x0, v2  }
0xc7: {  	[tilespmem:$0x78F0] =	vst v2  }
0xc8: {  	[tilespmem:v3+s24+$0x0] =	vst.idx.add.f32.msk $0xffff, v2  }
0xc9: {  	_ =	swait.ge [sflag:s25], $0x4000  }
0xca: {  	[sflag:s25] =	ssyncset.done $0x0  }
0xcb: {  	s30 =	simm.s32 $0x0;
	s15 =	simm.s32 $0x7D00;
	[sflag:s25] =	ssyncadd.s32 $0xFFFFC000  }
.LBB2_6:
0xcc: {  	s1 =	sshra.s32 s30, $0x2  }
0xcd: {  	v2 =	vld [tilespmem:s1+$0x7880];
	_ =	sdelay $0x1  }
0xce: {  	v3 =	vld [tilespmem:s15+$0xFFFFFC00]  }
0xcf: {  	v4 =	vld [tilespmem:s15+$0xFFFFFC80]  }
0xd0: {  	v7 =	vld [tilespmem:s15+$0xFFFFFD80]  }
0xd1: {  	v5 =	vld [tilespmem:s15+$0xFFFFFD00];
	v6 =	vbroadcast v2, $0x0  }
0xd2: {  	v11 =	vld [tilespmem:s15+$0xFFFFFE80];
	v8 =	vbroadcast v2, $0x1  }
0xd3: {  	v9 =	vld [tilespmem:s15+$0xFFFFFE00];
	v12 =	vbroadcast v2, $0x3;
	v3 =	vmul.f32 v6, v3  }
0xd4: {  	v13 =	vld [tilespmem:s15+$0xFFFFFF00];
	v10 =	vbroadcast v2, $0x2;
	v4 =	vmul.f32 v4, v8  }
0xd5: {  	v14 =	vld [tilespmem:s15+$0xFFFFFF80];
	v44 =	vbroadcast v2, $0x5;
	v43 =	vmul.f32 v7, v12;
	[tilespmem:s15+$0xFFFFFC00] =	vst v3  }
0xd6: {  	v15 =	vld [tilespmem:s15+$0xFFFFFC10];
	v42 =	vbroadcast v2, $0x4;
	v3 =	vmul.f32 v5, v10;
	[tilespmem:s15+$0xFFFFFC80] =	vst v4  }
0xd7: {  	v16 =	vld [tilespmem:s15+$0xFFFFFC90];
	v45 =	vbroadcast v2, $0x6;
	v46 =	vmul.f32 v11, v44;
	[tilespmem:s15+$0xFFFFFD80] =	vst v43  }
0xd8: {  	v17 =	vld [tilespmem:s15+$0xFFFFFD10];
	v47 =	vbroadcast v2, $0x7;
	[tilespmem:s15+$0xFFFFFD00] =	vst v3;
	v3 =	vmul.f32 v9, v42  }
0xd9: {  	v52 =	vld [tilespmem:s15+$0xFFFFFF90];
	v13 =	vmul.f32 v13, v45;
	[tilespmem:s15+$0xFFFFFE80] =	vst v46  }
0xda: {  	v14 =	vmul.f32 v14, v47;
	[tilespmem:s15+$0xFFFFFE00] =	vst v3;
	v3 =	vld [tilespmem:s15+$0xFFFFFD90]  }
0xdb: {  	v63 =	vld [tilespmem:s15+$0xFFFFFE30];
	v15 =	vmul.f32 v15, v6;
	[tilespmem:s15+$0xFFFFFF00] =	vst v13  }
0xdc: {  	v19 =	vld [tilespmem:s15+$0xFFFFFF30];
	v16 =	vmul.f32 v16, v8;
	[tilespmem:s15+$0xFFFFFF80] =	vst v14  }
0xdd: {  	v21 =	vld [tilespmem:s15+$0x0];
	v51 =	vmul.f32 v17, v10;
	[tilespmem:s15+$0xFFFFFC10] =	vst v15  }
0xde: {  	v24 =	vld [tilespmem:s15+$0x100];
	v17 =	vmul.f32 v52, v47;
	[tilespmem:s15+$0xFFFFFC90] =	vst v16  }
0xdf: {  	v29 =	vld [tilespmem:s15+$0x200];
	[tilespmem:s15+$0xFFFFFD10] =	vst v51;
	v3 =	vmul.f32 v3, v12  }
0xe0: {  	v48 =	vld [tilespmem:s15+$0xFFFFFE10];
	v26 =	vbroadcast v2, $0x8;
	v22 =	vmul.f32 v63, v42;
	[tilespmem:s15+$0xFFFFFF90] =	vst v17  }
0xe1: {  	v31 =	vbroadcast v2, $0xA;
	v25 =	vmul.f32 v19, v45;
	[tilespmem:s15+$0xFFFFFD90] =	vst v3;
	v3 =	vld [tilespmem:s15+$0xFFFFFD20]  }
0xe2: {  	v49 =	vld [tilespmem:s15+$0xFFFFFE90];
	v36 =	vbroadcast v2, $0xC;
	v30 =	vmul.f32 v21, v26;
	[tilespmem:s15+$0xFFFFFE30] =	vst v22  }
0xe3: {  	v50 =	vld [tilespmem:s15+$0xFFFFFF10];
	v35 =	vmul.f32 v24, v31;
	[tilespmem:s15+$0xFFFFFF30] =	vst v25  }
0xe4: {  	v53 =	vld [tilespmem:s15+$0xFFFFFC20];
	v41 =	vmul.f32 v29, v36;
	[tilespmem:s15+$0x0] =	vst v30  }
0xe5: {  	v54 =	vld [tilespmem:s15+$0xFFFFFCA0];
	v4 =	vmul.f32 v48, v42;
	[tilespmem:s15+$0x100] =	vst v35  }
0xe6: {  	v58 =	vld [tilespmem:s15+$0xFFFFFF20];
	[tilespmem:s15+$0x200] =	vst v41;
	v3 =	vmul.f32 v3, v10  }
0xe7: {  	v60 =	vld [tilespmem:s15+$0xFFFFFC30];
	v13 =	vmul.f32 v49, v44;
	[tilespmem:s15+$0xFFFFFE10] =	vst v4  }
0xe8: {  	v14 =	vmul.f32 v50, v45;
	[tilespmem:s15+$0xFFFFFD20] =	vst v3;
	v3 =	vld [tilespmem:s15+$0xFFFFFCB0]  }
0xe9: {  	v55 =	vld [tilespmem:s15+$0xFFFFFDA0];
	v16 =	vmul.f32 v53, v6;
	[tilespmem:s15+$0xFFFFFE90] =	vst v13  }
0xea: {  	v62 =	vld [tilespmem:s15+$0xFFFFFDB0];
	v15 =	vmul.f32 v54, v8;
	[tilespmem:s15+$0xFFFFFF10] =	vst v14  }
0xeb: {  	v56 =	vld [tilespmem:s15+$0xFFFFFE20];
	v17 =	vmul.f32 v58, v45;
	[tilespmem:s15+$0xFFFFFC20] =	vst v16  }
0xec: {  	v18 =	vld [tilespmem:s15+$0xFFFFFEB0];
	v6 =	vmul.f32 v60, v6;
	[tilespmem:s15+$0xFFFFFCA0] =	vst v15  }
0xed: {  	v57 =	vld [tilespmem:s15+$0xFFFFFEA0];
	[tilespmem:s15+$0xFFFFFF20] =	vst v17;
	v3 =	vmul.f32 v3, v8  }
0xee: {  	v20 =	vld [tilespmem:s15+$0xFFFFFFB0];
	v4 =	vmul.f32 v55, v12;
	[tilespmem:s15+$0xFFFFFC30] =	vst v6  }
0xef: {  	v59 =	vld [tilespmem:s15+$0xFFFFFFA0];
	[tilespmem:s15+$0xFFFFFCB0] =	vst v3;
	v3 =	vmul.f32 v62, v12  }
0xf0: {  	v23 =	vld [tilespmem:s15+$0x80];
	v13 =	vmul.f32 v56, v42;
	[tilespmem:s15+$0xFFFFFDA0] =	vst v4  }
0xf1: {  	v38 =	vld [tilespmem:s15+$0x10];
	[tilespmem:s15+$0xFFFFFDB0] =	vst v3;
	v3 =	vmul.f32 v18, v44  }
0xf2: {  	v27 =	vld [tilespmem:s15+$0x180];
	v14 =	vmul.f32 v57, v44;
	[tilespmem:s15+$0xFFFFFE20] =	vst v13  }
0xf3: {  	v61 =	vld [tilespmem:s15+$0xFFFFFD30];
	v28 =	vbroadcast v2, $0x9;
	[tilespmem:s15+$0xFFFFFEB0] =	vst v3;
	v3 =	vmul.f32 v20, v47  }
0xf4: {  	v34 =	vld [tilespmem:s15+$0x300];
	v16 =	vmul.f32 v59, v47;
	[tilespmem:s15+$0xFFFFFEA0] =	vst v14  }
0xf5: {  	v37 =	vld [tilespmem:s15+$0x380];
	v33 =	vbroadcast v2, $0xB;
	[tilespmem:s15+$0xFFFFFFB0] =	vst v3;
	v3 =	vmul.f32 v23, v28  }
0xf6: {  	v40 =	vld [tilespmem:s15+$0x90];
	v39 =	vbroadcast v2, $0xD;
	v15 =	vmul.f32 v38, v26;
	[tilespmem:s15+$0xFFFFFFA0] =	vst v16  }
0xf7: {  	v43 =	vld [tilespmem:s15+$0x190];
	v42 =	vbroadcast v2, $0xE;
	[tilespmem:s15+$0x80] =	vst v3;
	v3 =	vmul.f32 v27, v33  }
0xf8: {  	v45 =	vld [tilespmem:s15+$0x290];
	v2 =	vbroadcast v2, $0xF;
	v4 =	vmul.f32 v61, v10;
	[tilespmem:s15+$0x10] =	vst v15  }
0xf9: {  	v13 =	vmul.f32 v34, v42;
	[tilespmem:s15+$0x180] =	vst v3;
	v3 =	vld [tilespmem:s15+$0x110]  }
0xfa: {  	v46 =	vld [tilespmem:s15+$0x310];
	v14 =	vmul.f32 v37, v2;
	[tilespmem:s15+$0xFFFFFD30] =	vst v4  }
0xfb: {  	v48 =	vld [tilespmem:s15+$0x20];
	v16 =	vmul.f32 v40, v28;
	[tilespmem:s15+$0x300] =	vst v13  }
0xfc: {  	v59 =	vld [tilespmem:s15+$0x2B0];
	[tilespmem:s15+$0x380] =	vst v14;
	v4 =	vmul.f32 v43, v33  }
0xfd: {  	v49 =	vld [tilespmem:s15+$0x120];
	[tilespmem:s15+$0x90] =	vst v16;
	v13 =	vmul.f32 v45, v39  }
0xfe: {  	v51 =	vld [tilespmem:s15+$0x220];
	[tilespmem:s15+$0x190] =	vst v4;
	v3 =	vmul.f32 v3, v31  }
0xff: {  	v52 =	vld [tilespmem:s15+$0x2A0];
	v14 =	vmul.f32 v46, v42;
	[tilespmem:s15+$0x290] =	vst v13  }
0x100: {  	v16 =	vmul.f32 v48, v26;
	[tilespmem:s15+$0x110] =	vst v3;
	v3 =	vld [tilespmem:s15+$0xA0]  }
0x101: {  	v54 =	vld [tilespmem:s15+$0x3A0];
	v63 =	vmul.f32 v59, v39;
	[tilespmem:s15+$0x310] =	vst v14  }
0x102: {  	v55 =	vld [tilespmem:s15+$0xB0];
	[tilespmem:s15+$0x20] =	vst v16;
	v4 =	vmul.f32 v49, v31  }
0x103: {  	v32 =	vld [tilespmem:s15+$0x280];
	v13 =	vmul.f32 v51, v36;
	[tilespmem:s15+$0x2B0] =	vst v63  }
0x104: {  	v57 =	vld [tilespmem:s15+$0x1B0];
	v14 =	vmul.f32 v52, v39;
	[tilespmem:s15+$0x120] =	vst v4  }
0x105: {  	[tilespmem:s15+$0x220] =	vst v13;
	v44 =	vld [tilespmem:s15+$0x210];
	v3 =	vmul.f32 v3, v28  }
0x106: {  	v16 =	vmul.f32 v54, v2;
	[tilespmem:s15+$0x2A0] =	vst v14;
	v47 =	vld [tilespmem:s15+$0x390]  }
0x107: {  	v4 =	vmul.f32 v55, v28;
	[tilespmem:s15+$0xA0] =	vst v3;
	v3 =	vld [tilespmem:s15+$0x30]  }
0x108: {  	v50 =	vld [tilespmem:s15+$0x1A0];
	[tilespmem:s15+$0x3A0] =	vst v16;
	v12 =	vmul.f32 v32, v39  }
0x109: {  	v56 =	vld [tilespmem:s15+$0x130];
	[tilespmem:s15+$0xB0] =	vst v4;
	v62 =	vmul.f32 v57, v33  }
0x10a: {  	v61 =	vld [tilespmem:s15+$0x3B0];
	[tilespmem:s15+$0x280] =	vst v12;
	v12 =	vmul.f32 v44, v36  }
0x10b: {  	v58 =	vld [tilespmem:s15+$0x230];
	[tilespmem:s15+$0x1B0] =	vst v62;
	v15 =	vmul.f32 v47, v2  }
0x10c: {  	v53 =	vld [tilespmem:s15+$0x320];
	[tilespmem:s15+$0x210] =	vst v12;
	v3 =	vmul.f32 v3, v26  }
0x10d: {  	v60 =	vld [tilespmem:s15+$0x330];
	v12 =	vmul.f32 v50, v33;
	[tilespmem:s15+$0x390] =	vst v15  }
0x10e: {  	[tilespmem:s15+$0x30] =	vst v3;
	v3 =	vmul.f32 v56, v31  }
0x10f: {  	p0 =	sne.s32 s30, $0x1C0;
	v2 =	vmul.f32 v61, v2;
	[tilespmem:s15+$0x1A0] =	vst v12  }
.Ltmp1:
0x110: {  	[tilespmem:s15+$0x130] =	vst v3;
	v3 =	vmul.f32 v58, v36;
	(pc) =	sbr.rel @p0 .LBB2_6-.Ltmp1, $4  }
0x111: {  	v15 =	vmul.f32 v53, v42;
	[tilespmem:s15+$0x3B0] =	vst v2  }
0x112: {  	[tilespmem:s15+$0x230] =	vst v3;
	v3 =	vmul.f32 v60, v42  }
0x113: {  	[tilespmem:s15+$0x320] =	vst v15  }
0x114: {  	s30 =	sadd.s32 $0x40, s30;
	[tilespmem:s15+$0x330] =	vst v3;
	s15 =	sadd.s32 $0x800, s15  }
0x115: {  	s2 =	sadd.s32 $0x1, s2  }
0x116: {  	p0 =	sne.s32 s2, $0x51  }
.Ltmp2:
0x117: {  	_ = 	snop;
	(pc) =	sbr.rel @p0 .LBB2_5-.Ltmp2, $2  }
0x118: {  	_ =	sdelay $0x2  }
0x119: {  	[spmem:s3] =	stream.indirect.scatter.add.f32 [tilespmem:s23], [sflag:$0x2], $0x80, s26, s21, $0xb8;
	[tilespmem:$0x1F900] =	vst v63  }
0x11a: {  	s0 =	smul.u32 $0x140000, s31  }
0x11b: {  	_ =	swait.ge [sflag:s28], $0x4000  }
0x11c: {  	[sflag:s28] =	ssyncset.done $0x0;
	s0 =	sadd.s32 s0, s13  }
0x11d: {  	[sflag:s28] =	ssyncadd.s32 $0xFFFFC000;
	s0 =	sshrl.u32 s0, $0x3  }
0x11e: {  	s1 =	smul.u32 $0x27800, s31;
	[bflag:$0x0] =	sbarrier.arrive $0xFFFF;
	s0 =	sadd.s32 s8, s0  }
0x11f: {  	[hbm:s0], [sflag:s18] =	dma.local [spmem:s19], $0x2800  }
0x120: {  	s31 =	sadd.s32 $0x1, s31;
	s30 =	sadd.s32 s1, s14;
	_ =	swait.ge [sflag:s16], $0x2800  }
0x121: {  	p0 =	sne.s32 s31, $0x4;
	s0 =	sshrl.u32 s30, $0x3;
	[sflag:s16] =	ssyncset.done $0x0  }
.Ltmp3:
0x122: {  	s0 =	sadd.s32 s9, s0;
	[sflag:s16] =	ssyncadd.s32 $0xFFFFD800;
	(pc) =	sbr.rel @p0 .LBB2_2-.Ltmp3, $4  }
0x123: {  	[hbm4b:s0+s21] =	stream.strided.scatter [tilespmem:s24], [sflag:$0x3], $0x2780, s29, s21, $0x38;
	[tilespmem:$0x1F900] =	vst v63  }
0x124: {  	_ =	swait.ge [sflag:s16], $0x2780  }
0x125: {  	[sflag:s16] =	ssyncset.done $0x0  }
0x126: {  	[sflag:s16] =	ssyncadd.s32 $0xFFFFD880  }
0x127: {  	s1 =	rddreg [dreg:$0x5]  }
0x128: {  	s0 =	rddreg [dreg:$0x4];
	s1 =	sadd.s32 $0x1, s1  }
0x129: {  	p0 =	sne.s32 s1, s0  }
.Ltmp4:
0x12a: {  	_ = 	snop;
	(pc) =	sbr.rel @p0 .LBB2_1-.Ltmp4, $1  }
0x12b: {  	_ =	sdelay $0x3  }
0x12c: {  	_ =	sfence.sel $0x180000  }
0x12d: {  	[bflag:$0x0] =	sbarrier.arrive $0xFFFF  }
0x12e: {  	_ =	strace $0x90000047  }
0x12f: {  	s0 =	stileid.u32;
	[bflag:$0x2] =	sbarrier.arrive $0xFFFF  }
0x130: {  	p0 =	sne.s32 s0, $0x0;
	s0 =	rddreg [dreg:$0x3]  }
0x131: {  	s0 =	sadd.s32 @!p0 $0x100000, s0  }
0x132: {  	[sflag:s0] =	ssyncadd.tile.s32 @!p0 $0x1;
	_ =	shalt  }
.Lfunc_end2:
_tile_overlayer_lowered:
.L_overlay_start_2:
0x133: {  	(tag) =	ssettag $0x2  }
0x134: {  	s0 =	rddreg [dreg:$0x0];
	s2 =	stileid.u32  }
0x135: {  	s1 =	rddreg [dreg:$0x1];
	p0 =	sne.s32 s2, $0x0  }
0x136: {  	s3 =	rddreg [dreg:$0x2];
	[bflag:$0x3] =	sbarrier.arrive $0xFFFF;
	s2 =	simm.s32 @!p0 $0x1C03  }
0x137: {  	[timem:s3], [sflag:s2] =	dma.local @!p0 [hbm:s0], s1  }
0x138: {  	s0 =	simm.s32 @!p0 $0x3  }
0x139: {  	_ =	swait.ge @!p0 [sflag:s0], s1  }
0x13a: {  	s1 =	ssub.s32 @!p0 $0x0, s1;
	[sflag:s0] =	ssyncset.done @!p0 $0x0  }
0x13b: {  	[sflag:s0] =	ssyncadd.s32 @!p0 s1  }
0x13c: {  	[bflag:$0x3] =	sbarrier.arrive $0xFFFF  }
0x13d: {  	_ =	shalt  }

</sc_bundles>
